<compile_context>
chip_gen: v7x
topology: tpu7x:2x2x1
jax: 0.10.2.dev20260603
libtpu: 0.0.44.dev20260713+nightly
codegen_flags: <defaults>
</compile_context>

<pallas_src>
import functools

import jax
import jax.numpy as jnp
from jax import lax
from jax.experimental import pallas as pl
from jax.experimental.pallas import tpu as pltpu
from jax.experimental.pallas import tpu_sc as plsc

K_SEL = 5
NC = 2
NS = 16
NW = NC * NS
LANES = 16
IDX_ROWS = 8


def _tree_top5(vals, c_dim, neg_inf, emit):
    for j in range(K_SEL):
        nodes = []
        for c in range(0, c_dim - 1, 2):
            take = vals[c + 1] > vals[c]
            nodes.append((jnp.where(take, vals[c + 1], vals[c]),
                          jnp.where(take, jnp.int32(c + 1), jnp.int32(c))))
        if c_dim % 2:
            nodes.append((vals[c_dim - 1],
                          jnp.broadcast_to(jnp.int32(c_dim - 1), (LANES,))))
        while len(nodes) > 1:
            nxt = []
            for i in range(0, len(nodes) - 1, 2):
                (va, ia), (vb, ib) = nodes[i], nodes[i + 1]
                take = vb > va
                nxt.append((jnp.where(take, vb, va),
                            jnp.where(take, ib, ia)))
            if len(nodes) % 2:
                nxt.append(nodes[-1])
            nodes = nxt
        _, idx = nodes[0]
        emit(j, idx)
        if j < K_SEL - 1:
            vals = [jnp.where(idx == c, neg_inf, vals[c])
                    for c in range(c_dim)]


def _make_sc_topk_edge(n, c_dim, r_sub, npad_idx):
    n_full = n // r_sub
    rem = n - n_full * r_sub
    rem_al = (rem // 128) * 128
    tail_g = (-(-rem // LANES) * LANES - rem_al) // LANES
    tail_off = 128 - (rem - rem_al)
    rem_cnt = -(-rem // 128) * 128

    mesh = plsc.VectorSubcoreMesh(core_axis_name="c", subcore_axis_name="s")

    @functools.partial(
        pl.kernel,
        out_type=jax.ShapeDtypeStruct((IDX_ROWS, npad_idx), jnp.int32),
        mesh=mesh,
        scratch_types=[
            pltpu.VMEM((c_dim, r_sub), jnp.float32),
            pltpu.VMEM((IDX_ROWS, r_sub), jnp.int32),
        ],
        compiler_params=pltpu.CompilerParams(
            needs_layout_passes=False, use_tc_tiling_on_sc=True),
    )
    def sc_topk(logits_t_hbm, tail_t_hbm, idx_hbm, buf_v, idx_v):
        wid = lax.axis_index("s") * NC + lax.axis_index("c")
        iota = lax.iota(jnp.int32, LANES)
        neg_inf = jnp.full((LANES,), -jnp.inf, dtype=jnp.float32)

        def group_at(buf_col, idx_col):
            cols = buf_col + iota
            vals = [plsc.load_gather(
                        buf_v, [jnp.broadcast_to(jnp.int32(c), (LANES,)),
                                cols])
                    for c in range(c_dim)]

            def emit(j, idx):
                idx_v[j, pl.ds(idx_col, LANES)] = idx

            _tree_top5(vals, c_dim, neg_inf, emit)

        @pl.when(wid < n_full)
        def _full_chunk():
            base = wid * r_sub
            pltpu.sync_copy(logits_t_hbm.at[:, pl.ds(base, r_sub)], buf_v)

            def group_body(g, carry):
                group_at(g * LANES, g * LANES)
                return carry

            lax.fori_loop(0, r_sub // LANES, group_body, 0)
            pltpu.sync_copy(idx_v, idx_hbm.at[:, pl.ds(base, r_sub)])

        if rem > 0:
            @pl.when(wid == n_full)
            def _tail_chunk():
                base = n_full * r_sub
                if rem_al:
                    pltpu.sync_copy(
                        logits_t_hbm.at[:, pl.ds(base, rem_al)],
                        buf_v.at[:, pl.ds(0, rem_al)])

                    def group_body(g, carry):
                        group_at(g * LANES, g * LANES)
                        return carry

                    lax.fori_loop(0, rem_al // LANES, group_body, 0)
                pltpu.sync_copy(tail_t_hbm,
                                buf_v.at[:, pl.ds(rem_al, 128)])

                def tail_body(g, carry):
                    group_at(rem_al + tail_off + g * LANES,
                             rem_al + g * LANES)
                    return carry

                lax.fori_loop(0, tail_g, tail_body, 0)
                pltpu.sync_copy(
                    idx_v.at[:, pl.ds(0, rem_cnt)],
                    idx_hbm.at[:, pl.ds(base, rem_cnt)])

    return sc_topk


def _make_sc_topk_node(n, c_dim, r_sub, npad_idx):
    n_full = n // r_sub
    rem = n - n_full * r_sub
    rem_g = rem // LANES
    tail = rem - rem_g * LANES
    tail_groups = rem_g + (1 if tail else 0)
    rem_cnt = tail_groups * LANES

    mesh = plsc.VectorSubcoreMesh(core_axis_name="c", subcore_axis_name="s")

    @functools.partial(
        pl.kernel,
        out_type=jax.ShapeDtypeStruct((IDX_ROWS, npad_idx), jnp.int32),
        mesh=mesh,
        scratch_types=[
            pltpu.VMEM((r_sub, c_dim), jnp.float32),
            pltpu.VMEM((K_SEL, r_sub), jnp.int32),
        ],
        compiler_params=pltpu.CompilerParams(
            needs_layout_passes=False, use_tc_tiling_on_sc=False),
    )
    def sc_topk(logits_hbm, idx_hbm, buf_v, idx_v):
        wid = lax.axis_index("s") * NC + lax.axis_index("c")
        iota = lax.iota(jnp.int32, LANES)
        neg_inf = jnp.full((LANES,), -jnp.inf, dtype=jnp.float32)
        zeros_i = jnp.zeros((LANES,), jnp.int32)

        def group_body(g, carry):
            rows = g * LANES + iota
            for j in range(K_SEL):
                def c_body(ci, mi):
                    m, idx = mi
                    v = plsc.load_gather(
                        buf_v, [rows, jnp.broadcast_to(ci, (LANES,))])
                    take = v > m
                    return (jnp.where(take, v, m),
                            jnp.where(take, jnp.broadcast_to(ci, (LANES,)),
                                      idx))

                m, idx = lax.fori_loop(0, c_dim, c_body, (neg_inf, zeros_i))
                plsc.store_scatter(buf_v, [rows, idx], neg_inf)
                idx_v[j, pl.ds(g * LANES, LANES)] = idx
            return carry

        @pl.when(wid < n_full)
        def _full_chunk():
            base = wid * r_sub
            pltpu.sync_copy(logits_hbm.at[pl.ds(base, r_sub)], buf_v)
            lax.fori_loop(0, r_sub // LANES, group_body, 0)
            for j in range(K_SEL):
                pltpu.sync_copy(idx_v.at[pl.ds(j, 1)],
                                idx_hbm.at[pl.ds(j, 1), pl.ds(base, r_sub)])

        if rem > 0:
            @pl.when(wid == n_full)
            def _tail_chunk():
                base = n_full * r_sub
                if rem_g:
                    pltpu.sync_copy(
                        logits_hbm.at[pl.ds(base, rem_g * LANES)],
                        buf_v.at[pl.ds(0, rem_g * LANES)])
                if tail:
                    pltpu.sync_copy(
                        logits_hbm.at[pl.ds(base + rem_g * LANES, tail)],
                        buf_v.at[pl.ds(rem_g * LANES, tail)])
                lax.fori_loop(0, tail_groups, group_body, 0)
                for j in range(K_SEL):
                    pltpu.sync_copy(
                        idx_v.at[pl.ds(j, 1), pl.ds(0, rem_cnt)],
                        idx_hbm.at[pl.ds(j, 1), pl.ds(base, rem_cnt)])

    return sc_topk


def _make_tc_onehot_mm(n_out, c_dim, rb, nb):

    def body(idx_ref, tab_ref, out_ref):
        iota_ct = lax.broadcasted_iota(jnp.int32, (c_dim, rb), 0)
        hit = iota_ct == idx_ref[0:1, :]
        for j in range(1, K_SEL):
            hit = jnp.logical_or(hit, iota_ct == idx_ref[j:j + 1, :])
        mask_t = jnp.where(hit, jnp.float32(1.0), jnp.float32(0.0))
        out_ref[...] = lax.dot_general(
            mask_t, tab_ref[...],
            dimension_numbers=(((0,), (0,)), ((), ())),
            preferred_element_type=jnp.float32)

    return pl.pallas_call(
        body,
        grid=(nb,),
        in_specs=[
            pl.BlockSpec((IDX_ROWS, rb), lambda i: (0, i)),
            pl.BlockSpec((c_dim, 512), lambda i: (0, 0)),
        ],
        out_specs=pl.BlockSpec((rb, 512), lambda i: (i, 0)),
        out_shape=jax.ShapeDtypeStruct((n_out, 512), jnp.float32),
    )


def kernel(node_logits, edge_logits, knode, kedge):
    nn, nc = node_logits.shape
    node_idx = _make_sc_topk_node(nn, nc, r_sub=16, npad_idx=304)(node_logits)
    knode_out = _make_tc_onehot_mm(nn, nc, rb=304, nb=1)(node_idx, knode)

    ne, ce = edge_logits.shape
    logits_t = edge_logits.T
    tail_t = lax.slice(logits_t, (0, ne - 128), (ce, ne))
    edge_idx = _make_sc_topk_edge(ne, ce, r_sub=2816, npad_idx=90112)(
        logits_t, tail_t)
    kedge_out = _make_tc_onehot_mm(ne, ce, rb=512, nb=176)(edge_idx, kedge)
    return (knode_out, kedge_out)

# --- scband reference (transcript-rebuilt; emitter-appended) ---
"""Pipeline reference for scband-get-model-84610855731463 (READ-ONLY COPY).

The authoritative reference and input builder live on the scoring server;
editing this copy changes nothing except your own understanding.
"""

import jax, jax.numpy as jnp
import numpy as np

K_SELECT = 5

def setup_inputs(seed: int = 0) -> dict:
    key = jax.random.key(seed)
    k1, k2, k3, k4 = jax.random.split(key, 4)
    return {
        "node_logits": jax.random.normal(k1, (300, 160), dtype=jnp.float32),
        "edge_logits": jax.random.normal(k2, (89700, 27), dtype=jnp.float32),
        "knode": jax.random.normal(k3, (160, 512), dtype=jnp.float32),
        "kedge": jax.random.normal(k4, (27, 512), dtype=jnp.float32),
    }

def _select_knowledge(weight, table, k=K_SELECT):
    # weight: [R, C] softmax probabilities; table: [C, 512]
    # torch: topk indices -> one-hot mask (scatter-set) -> mm with knowledge table
    _, topk_inds = jax.lax.top_k(weight, k)              # [R, k]
    rows = jnp.arange(weight.shape[0])[:, None]          # [R, 1]
    mask = jnp.zeros_like(weight).at[rows, topk_inds].set(1.0)  # one-hot top-k mask
    return mask @ table                                  # [R, 512]

def reference(node_logits, edge_logits, knode, kedge):
    # Faithful to get_model.select_knowledge: classifier outputs are softmaxed,
    # then top-5 one-hot masking selects rows of the knowledge embedding tables.
    node_weight = jax.nn.softmax(node_logits, axis=1)    # [300, 160]
    edge_weight = jax.nn.softmax(edge_logits, axis=1)    # [89700, 27]
    knode_out = _select_knowledge(node_weight, knode)    # [300, 512]
    kedge_out = _select_knowledge(edge_weight, kedge)    # [89700, 512]
    return (knode_out, kedge_out)

if __name__ == "__main__":
    import jax
    _d = setup_inputs()
    print(jax.jit(kernel)(*tuple(_d.values())))

</pallas_src>

<mosaic_0001>
#map = affine_map<(d0, d1) -> (0, 0)>
module attributes {stable_mosaic.version = 14 : i64} {
  func.func @sc_topk(%arg0: i32, %arg1: i32, %arg2: memref<27x89700xf32, #tpu.memory_space<hbm>>, %arg3: memref<27x128xf32, #tpu.memory_space<hbm>>, %arg4: memref<8x90112xi32, #tpu.memory_space<hbm>>, %arg5: memref<27x2816xf32, #tpu.memory_space<vmem>>, %arg6: memref<8x2816xi32, #tpu.memory_space<vmem>>) attributes {dimension_semantics = [#tpu.dimension_semantics<core_parallel>, #tpu.dimension_semantics<subcore_parallel>], iteration_bounds = array<i64: 2, 16>, scalar_prefetch = 0 : i64, scratch_operands = 2 : i64, tpu.core_type = #tpu.core_type<sc_vector_subcore>, window_params = [{transform_indices = #map}, {transform_indices = #map}, {transform_indices = #map}]} {
    %mul3A = arith.constant 2 : i32
    %mul3A_0 = arith.muli %arg1, %mul3A : i32
    %add3A = arith.addi %mul3A_0, %arg0 : i32
    %iota3A = tpu.iota {dimensions = array<i32: 0>} : vector<16xi32>
    %broadcast_in_dim3A = arith.constant 0xFF800000 : f32
    %broadcast_in_dim3A_1 = vector.broadcast %broadcast_in_dim3A : f32 to vector<16xf32>
    %lt3A = arith.constant 31 : i32
    %lt3A_2 = arith.cmpi slt, %add3A, %lt3A : i32
    %convert_element_type3A = arith.extui %lt3A_2 : i1 to i32
    %cond3A = arith.constant 0 : i32
    %cond3A_3 = arith.cmpi ne, %convert_element_type3A, %cond3A : i32
    scf.if %cond3A_3 {
      %mul3A_8 = arith.constant 2816 : i32
      %mul3A_9 = arith.muli %add3A, %mul3A_8 : i32
      "tpu.region"() ({
        %run_scoped3A = tpu.sem_alloc : memref<!tpu.dma_semaphore, #tpu.memory_space<semaphore_mem>>
        %dma_start3A = arith.constant 0 : i32
        %dma_start3A_15 = tpu.memref_slice %arg2[%dma_start3A, %mul3A_9] : memref<27x89700xf32, #tpu.memory_space<hbm>> -> memref<27x2816xf32, #tpu.memory_space<hbm>>
        %dma_start3A_16 = arith.constant 0 : i32
        %dma_start3A_17 = tpu.memref_slice %arg2[%dma_start3A_16, %mul3A_9] : memref<27x89700xf32, #tpu.memory_space<hbm>> -> memref<27x2816xf32, #tpu.memory_space<hbm>>
        tpu.enqueue_dma source(%dma_start3A_17 : memref<27x2816xf32, #tpu.memory_space<hbm>>) target(%arg5 : memref<27x2816xf32, #tpu.memory_space<vmem>>) target_semaphore(%run_scoped3A : memref<!tpu.dma_semaphore, #tpu.memory_space<semaphore_mem>>)
        %dma_wait3A = arith.constant 0 : i32
        %dma_wait3A_18 = tpu.memref_slice %arg2[%dma_wait3A, %mul3A_9] : memref<27x89700xf32, #tpu.memory_space<hbm>> -> memref<27x2816xf32, #tpu.memory_space<hbm>>
        %dma_wait3A_19 = arith.constant 0 : i32
        %dma_wait3A_20 = tpu.memref_slice %arg2[%dma_wait3A_19, %mul3A_9] : memref<27x89700xf32, #tpu.memory_space<hbm>> -> memref<27x2816xf32, #tpu.memory_space<hbm>>
        tpu.wait_dma2 semaphore(%run_scoped3A : memref<!tpu.dma_semaphore, #tpu.memory_space<semaphore_mem>>) src(%dma_wait3A_20 : memref<27x2816xf32, #tpu.memory_space<hbm>>) dst(%arg5 : memref<27x2816xf32, #tpu.memory_space<vmem>>)
        tpu.yield
      }) : () -> ()
      %scan3A = arith.constant 0 : i32
      %scan3A_10 = arith.constant 0 : i32
      %scan3A_11 = arith.constant 176 : i32
      %scan3A_12 = arith.addi %scan3A_10, %scan3A_11 : i32
      %scan3A_13 = arith.constant 1 : i32
      scf.for %scan3A_15 = %scan3A_10 to %scan3A_12 step %scan3A_13  : i32 {
        %mul3A_16 = arith.constant 16 : i32
        %mul3A_17 = arith.muli %scan3A_15, %mul3A_16 : i32
        %mul3A_18 = arith.constant 16 : i32
        %mul3A_19 = arith.muli %scan3A_15, %mul3A_18 : i32
        %add3A_20 = vector.broadcast %mul3A_17 : i32 to vector<16xi32>
        %add3A_21 = arith.addi %add3A_20, %iota3A : vector<16xi32>
        %broadcast_in_dim3A_22 = arith.constant 0 : i32
        %broadcast_in_dim3A_23 = vector.broadcast %broadcast_in_dim3A_22 : i32 to vector<16xi32>
        %gather3A = tpu.vector_load_idx %arg5[%broadcast_in_dim3A_23, %add3A_21] : memref<27x2816xf32, #tpu.memory_space<vmem>>[vector<16xi32>, vector<16xi32>], vector<16xf32>,
        %broadcast_in_dim3A_24 = arith.constant 1 : i32
        %broadcast_in_dim3A_25 = vector.broadcast %broadcast_in_dim3A_24 : i32 to vector<16xi32>
        %gather3A_26 = tpu.vector_load_idx %arg5[%broadcast_in_dim3A_25, %add3A_21] : memref<27x2816xf32, #tpu.memory_space<vmem>>[vector<16xi32>, vector<16xi32>], vector<16xf32>,
        %broadcast_in_dim3A_27 = arith.constant 2 : i32
        %broadcast_in_dim3A_28 = vector.broadcast %broadcast_in_dim3A_27 : i32 to vector<16xi32>
        %gather3A_29 = tpu.vector_load_idx %arg5[%broadcast_in_dim3A_28, %add3A_21] : memref<27x2816xf32, #tpu.memory_space<vmem>>[vector<16xi32>, vector<16xi32>], vector<16xf32>,
        %broadcast_in_dim3A_30 = arith.constant 3 : i32
        %broadcast_in_dim3A_31 = vector.broadcast %broadcast_in_dim3A_30 : i32 to vector<16xi32>
        %gather3A_32 = tpu.vector_load_idx %arg5[%broadcast_in_dim3A_31, %add3A_21] : memref<27x2816xf32, #tpu.memory_space<vmem>>[vector<16xi32>, vector<16xi32>], vector<16xf32>,
        %broadcast_in_dim3A_33 = arith.constant 4 : i32
        %broadcast_in_dim3A_34 = vector.broadcast %broadcast_in_dim3A_33 : i32 to vector<16xi32>
        %gather3A_35 = tpu.vector_load_idx %arg5[%broadcast_in_dim3A_34, %add3A_21] : memref<27x2816xf32, #tpu.memory_space<vmem>>[vector<16xi32>, vector<16xi32>], vector<16xf32>,
        %broadcast_in_dim3A_36 = arith.constant 5 : i32
        %broadcast_in_dim3A_37 = vector.broadcast %broadcast_in_dim3A_36 : i32 to vector<16xi32>
        %gather3A_38 = tpu.vector_load_idx %arg5[%broadcast_in_dim3A_37, %add3A_21] : memref<27x2816xf32, #tpu.memory_space<vmem>>[vector<16xi32>, vector<16xi32>], vector<16xf32>,
        %broadcast_in_dim3A_39 = arith.constant 6 : i32
        %broadcast_in_dim3A_40 = vector.broadcast %broadcast_in_dim3A_39 : i32 to vector<16xi32>
        %gather3A_41 = tpu.vector_load_idx %arg5[%broadcast_in_dim3A_40, %add3A_21] : memref<27x2816xf32, #tpu.memory_space<vmem>>[vector<16xi32>, vector<16xi32>], vector<16xf32>,
        %broadcast_in_dim3A_42 = arith.constant 7 : i32
        %broadcast_in_dim3A_43 = vector.broadcast %broadcast_in_dim3A_42 : i32 to vector<16xi32>
        %gather3A_44 = tpu.vector_load_idx %arg5[%broadcast_in_dim3A_43, %add3A_21] : memref<27x2816xf32, #tpu.memory_space<vmem>>[vector<16xi32>, vector<16xi32>], vector<16xf32>,
        %broadcast_in_dim3A_45 = arith.constant 8 : i32
        %broadcast_in_dim3A_46 = vector.broadcast %broadcast_in_dim3A_45 : i32 to vector<16xi32>
        %gather3A_47 = tpu.vector_load_idx %arg5[%broadcast_in_dim3A_46, %add3A_21] : memref<27x2816xf32, #tpu.memory_space<vmem>>[vector<16xi32>, vector<16xi32>], vector<16xf32>,
        %broadcast_in_dim3A_48 = arith.constant 9 : i32
        %broadcast_in_dim3A_49 = vector.broadcast %broadcast_in_dim3A_48 : i32 to vector<16xi32>
        %gather3A_50 = tpu.vector_load_idx %arg5[%broadcast_in_dim3A_49, %add3A_21] : memref<27x2816xf32, #tpu.memory_space<vmem>>[vector<16xi32>, vector<16xi32>], vector<16xf32>,
        %broadcast_in_dim3A_51 = arith.constant 10 : i32
        %broadcast_in_dim3A_52 = vector.broadcast %broadcast_in_dim3A_51 : i32 to vector<16xi32>
        %gather3A_53 = tpu.vector_load_idx %arg5[%broadcast_in_dim3A_52, %add3A_21] : memref<27x2816xf32, #tpu.memory_space<vmem>>[vector<16xi32>, vector<16xi32>], vector<16xf32>,
        %broadcast_in_dim3A_54 = arith.constant 11 : i32
        %broadcast_in_dim3A_55 = vector.broadcast %broadcast_in_dim3A_54 : i32 to vector<16xi32>
        %gather3A_56 = tpu.vector_load_idx %arg5[%broadcast_in_dim3A_55, %add3A_21] : memref<27x2816xf32, #tpu.memory_space<vmem>>[vector<16xi32>, vector<16xi32>], vector<16xf32>,
        %broadcast_in_dim3A_57 = arith.constant 12 : i32
        %broadcast_in_dim3A_58 = vector.broadcast %broadcast_in_dim3A_57 : i32 to vector<16xi32>
        %gather3A_59 = tpu.vector_load_idx %arg5[%broadcast_in_dim3A_58, %add3A_21] : memref<27x2816xf32, #tpu.memory_space<vmem>>[vector<16xi32>, vector<16xi32>], vector<16xf32>,
        %broadcast_in_dim3A_60 = arith.constant 13 : i32
        %broadcast_in_dim3A_61 = vector.broadcast %broadcast_in_dim3A_60 : i32 to vector<16xi32>
        %gather3A_62 = tpu.vector_load_idx %arg5[%broadcast_in_dim3A_61, %add3A_21] : memref<27x2816xf32, #tpu.memory_space<vmem>>[vector<16xi32>, vector<16xi32>], vector<16xf32>,
        %broadcast_in_dim3A_63 = arith.constant 14 : i32
        %broadcast_in_dim3A_64 = vector.broadcast %broadcast_in_dim3A_63 : i32 to vector<16xi32>
        %gather3A_65 = tpu.vector_load_idx %arg5[%broadcast_in_dim3A_64, %add3A_21] : memref<27x2816xf32, #tpu.memory_space<vmem>>[vector<16xi32>, vector<16xi32>], vector<16xf32>,
        %broadcast_in_dim3A_66 = arith.constant 15 : i32
        %broadcast_in_dim3A_67 = vector.broadcast %broadcast_in_dim3A_66 : i32 to vector<16xi32>
        %gather3A_68 = tpu.vector_load_idx %arg5[%broadcast_in_dim3A_67, %add3A_21] : memref<27x2816xf32, #tpu.memory_space<vmem>>[vector<16xi32>, vector<16xi32>], vector<16xf32>,
        %broadcast_in_dim3A_69 = arith.constant 16 : i32
        %broadcast_in_dim3A_70 = vector.broadcast %broadcast_in_dim3A_69 : i32 to vector<16xi32>
        %gather3A_71 = tpu.vector_load_idx %arg5[%broadcast_in_dim3A_70, %add3A_21] : memref<27x2816xf32, #tpu.memory_space<vmem>>[vector<16xi32>, vector<16xi32>], vector<16xf32>,
        %broadcast_in_dim3A_72 = arith.constant 17 : i32
        %broadcast_in_dim3A_73 = vector.broadcast %broadcast_in_dim3A_72 : i32 to vector<16xi32>
        %gather3A_74 = tpu.vector_load_idx %arg5[%broadcast_in_dim3A_73, %add3A_21] : memref<27x2816xf32, #tpu.memory_space<vmem>>[vector<16xi32>, vector<16xi32>], vector<16xf32>,
        %broadcast_in_dim3A_75 = arith.constant 18 : i32
        %broadcast_in_dim3A_76 = vector.broadcast %broadcast_in_dim3A_75 : i32 to vector<16xi32>
        %gather3A_77 = tpu.vector_load_idx %arg5[%broadcast_in_dim3A_76, %add3A_21] : memref<27x2816xf32, #tpu.memory_space<vmem>>[vector<16xi32>, vector<16xi32>], vector<16xf32>,
        %broadcast_in_dim3A_78 = arith.constant 19 : i32
        %broadcast_in_dim3A_79 = vector.broadcast %broadcast_in_dim3A_78 : i32 to vector<16xi32>
        %gather3A_80 = tpu.vector_load_idx %arg5[%broadcast_in_dim3A_79, %add3A_21] : memref<27x2816xf32, #tpu.memory_space<vmem>>[vector<16xi32>, vector<16xi32>], vector<16xf32>,
        %broadcast_in_dim3A_81 = arith.constant 20 : i32
        %broadcast_in_dim3A_82 = vector.broadcast %broadcast_in_dim3A_81 : i32 to vector<16xi32>
        %gather3A_83 = tpu.vector_load_idx %arg5[%broadcast_in_dim3A_82, %add3A_21] : memref<27x2816xf32, #tpu.memory_space<vmem>>[vector<16xi32>, vector<16xi32>], vector<16xf32>,
        %broadcast_in_dim3A_84 = arith.constant 21 : i32
        %broadcast_in_dim3A_85 = vector.broadcast %broadcast_in_dim3A_84 : i32 to vector<16xi32>
        %gather3A_86 = tpu.vector_load_idx %arg5[%broadcast_in_dim3A_85, %add3A_21] : memref<27x2816xf32, #tpu.memory_space<vmem>>[vector<16xi32>, vector<16xi32>], vector<16xf32>,
        %broadcast_in_dim3A_87 = arith.constant 22 : i32
        %broadcast_in_dim3A_88 = vector.broadcast %broadcast_in_dim3A_87 : i32 to vector<16xi32>
        %gather3A_89 = tpu.vector_load_idx %arg5[%broadcast_in_dim3A_88, %add3A_21] : memref<27x2816xf32, #tpu.memory_space<vmem>>[vector<16xi32>, vector<16xi32>], vector<16xf32>,
        %broadcast_in_dim3A_90 = arith.constant 23 : i32
        %broadcast_in_dim3A_91 = vector.broadcast %broadcast_in_dim3A_90 : i32 to vector<16xi32>
        %gather3A_92 = tpu.vector_load_idx %arg5[%broadcast_in_dim3A_91, %add3A_21] : memref<27x2816xf32, #tpu.memory_space<vmem>>[vector<16xi32>, vector<16xi32>], vector<16xf32>,
        %broadcast_in_dim3A_93 = arith.constant 24 : i32
        %broadcast_in_dim3A_94 = vector.broadcast %broadcast_in_dim3A_93 : i32 to vector<16xi32>
        %gather3A_95 = tpu.vector_load_idx %arg5[%broadcast_in_dim3A_94, %add3A_21] : memref<27x2816xf32, #tpu.memory_space<vmem>>[vector<16xi32>, vector<16xi32>], vector<16xf32>,
        %broadcast_in_dim3A_96 = arith.constant 25 : i32
        %broadcast_in_dim3A_97 = vector.broadcast %broadcast_in_dim3A_96 : i32 to vector<16xi32>
        %gather3A_98 = tpu.vector_load_idx %arg5[%broadcast_in_dim3A_97, %add3A_21] : memref<27x2816xf32, #tpu.memory_space<vmem>>[vector<16xi32>, vector<16xi32>], vector<16xf32>,
        %broadcast_in_dim3A_99 = arith.constant 26 : i32
        %broadcast_in_dim3A_100 = vector.broadcast %broadcast_in_dim3A_99 : i32 to vector<16xi32>
        %gather3A_101 = tpu.vector_load_idx %arg5[%broadcast_in_dim3A_100, %add3A_21] : memref<27x2816xf32, #tpu.memory_space<vmem>>[vector<16xi32>, vector<16xi32>], vector<16xf32>,
        %gt3A = arith.cmpf ogt, %gather3A_26, %gather3A : vector<16xf32>
        %select_n3A = arith.select %gt3A, %gather3A_26, %gather3A : vector<16xi1>, vector<16xf32>
        %jit3A = arith.constant 1 : i32
        %jit3A_102 = arith.constant 0 : i32
        %broadcast_in_dim3A_103 = vector.broadcast %jit3A : i32 to vector<16xi32>
        %broadcast_in_dim3A_104 = vector.broadcast %jit3A_102 : i32 to vector<16xi32>
        %select_n3A_105 = arith.select %gt3A, %broadcast_in_dim3A_103, %broadcast_in_dim3A_104 : vector<16xi1>, vector<16xi32>
        %gt3A_106 = arith.cmpf ogt, %gather3A_32, %gather3A_29 : vector<16xf32>
        %select_n3A_107 = arith.select %gt3A_106, %gather3A_32, %gather3A_29 : vector<16xi1>, vector<16xf32>
        %jit3A_108 = arith.constant 3 : i32
        %jit3A_109 = arith.constant 2 : i32
        %broadcast_in_dim3A_110 = vector.broadcast %jit3A_108 : i32 to vector<16xi32>
        %broadcast_in_dim3A_111 = vector.broadcast %jit3A_109 : i32 to vector<16xi32>
        %select_n3A_112 = arith.select %gt3A_106, %broadcast_in_dim3A_110, %broadcast_in_dim3A_111 : vector<16xi1>, vector<16xi32>
        %gt3A_113 = arith.cmpf ogt, %gather3A_38, %gather3A_35 : vector<16xf32>
        %select_n3A_114 = arith.select %gt3A_113, %gather3A_38, %gather3A_35 : vector<16xi1>, vector<16xf32>
        %jit3A_115 = arith.constant 5 : i32
        %jit3A_116 = arith.constant 4 : i32
        %broadcast_in_dim3A_117 = vector.broadcast %jit3A_115 : i32 to vector<16xi32>
        %broadcast_in_dim3A_118 = vector.broadcast %jit3A_116 : i32 to vector<16xi32>
        %select_n3A_119 = arith.select %gt3A_113, %broadcast_in_dim3A_117, %broadcast_in_dim3A_118 : vector<16xi1>, vector<16xi32>
        %gt3A_120 = arith.cmpf ogt, %gather3A_44, %gather3A_41 : vector<16xf32>
        %select_n3A_121 = arith.select %gt3A_120, %gather3A_44, %gather3A_41 : vector<16xi1>, vector<16xf32>
        %jit3A_122 = arith.constant 7 : i32
        %jit3A_123 = arith.constant 6 : i32
        %broadcast_in_dim3A_124 = vector.broadcast %jit3A_122 : i32 to vector<16xi32>
        %broadcast_in_dim3A_125 = vector.broadcast %jit3A_123 : i32 to vector<16xi32>
        %select_n3A_126 = arith.select %gt3A_120, %broadcast_in_dim3A_124, %broadcast_in_dim3A_125 : vector<16xi1>, vector<16xi32>
        %gt3A_127 = arith.cmpf ogt, %gather3A_50, %gather3A_47 : vector<16xf32>
        %select_n3A_128 = arith.select %gt3A_127, %gather3A_50, %gather3A_47 : vector<16xi1>, vector<16xf32>
        %jit3A_129 = arith.constant 9 : i32
        %jit3A_130 = arith.constant 8 : i32
        %broadcast_in_dim3A_131 = vector.broadcast %jit3A_129 : i32 to vector<16xi32>
        %broadcast_in_dim3A_132 = vector.broadcast %jit3A_130 : i32 to vector<16xi32>
        %select_n3A_133 = arith.select %gt3A_127, %broadcast_in_dim3A_131, %broadcast_in_dim3A_132 : vector<16xi1>, vector<16xi32>
        %gt3A_134 = arith.cmpf ogt, %gather3A_56, %gather3A_53 : vector<16xf32>
        %select_n3A_135 = arith.select %gt3A_134, %gather3A_56, %gather3A_53 : vector<16xi1>, vector<16xf32>
        %jit3A_136 = arith.constant 11 : i32
        %jit3A_137 = arith.constant 10 : i32
        %broadcast_in_dim3A_138 = vector.broadcast %jit3A_136 : i32 to vector<16xi32>
        %broadcast_in_dim3A_139 = vector.broadcast %jit3A_137 : i32 to vector<16xi32>
        %select_n3A_140 = arith.select %gt3A_134, %broadcast_in_dim3A_138, %broadcast_in_dim3A_139 : vector<16xi1>, vector<16xi32>
        %gt3A_141 = arith.cmpf ogt, %gather3A_62, %gather3A_59 : vector<16xf32>
        %select_n3A_142 = arith.select %gt3A_141, %gather3A_62, %gather3A_59 : vector<16xi1>, vector<16xf32>
        %jit3A_143 = arith.constant 13 : i32
        %jit3A_144 = arith.constant 12 : i32
        %broadcast_in_dim3A_145 = vector.broadcast %jit3A_143 : i32 to vector<16xi32>
        %broadcast_in_dim3A_146 = vector.broadcast %jit3A_144 : i32 to vector<16xi32>
        %select_n3A_147 = arith.select %gt3A_141, %broadcast_in_dim3A_145, %broadcast_in_dim3A_146 : vector<16xi1>, vector<16xi32>
        %gt3A_148 = arith.cmpf ogt, %gather3A_68, %gather3A_65 : vector<16xf32>
        %select_n3A_149 = arith.select %gt3A_148, %gather3A_68, %gather3A_65 : vector<16xi1>, vector<16xf32>
        %jit3A_150 = arith.constant 15 : i32
        %jit3A_151 = arith.constant 14 : i32
        %broadcast_in_dim3A_152 = vector.broadcast %jit3A_150 : i32 to vector<16xi32>
        %broadcast_in_dim3A_153 = vector.broadcast %jit3A_151 : i32 to vector<16xi32>
        %select_n3A_154 = arith.select %gt3A_148, %broadcast_in_dim3A_152, %broadcast_in_dim3A_153 : vector<16xi1>, vector<16xi32>
        %gt3A_155 = arith.cmpf ogt, %gather3A_74, %gather3A_71 : vector<16xf32>
        %select_n3A_156 = arith.select %gt3A_155, %gather3A_74, %gather3A_71 : vector<16xi1>, vector<16xf32>
        %jit3A_157 = arith.constant 17 : i32
        %jit3A_158 = arith.constant 16 : i32
        %broadcast_in_dim3A_159 = vector.broadcast %jit3A_157 : i32 to vector<16xi32>
        %broadcast_in_dim3A_160 = vector.broadcast %jit3A_158 : i32 to vector<16xi32>
        %select_n3A_161 = arith.select %gt3A_155, %broadcast_in_dim3A_159, %broadcast_in_dim3A_160 : vector<16xi1>, vector<16xi32>
        %gt3A_162 = arith.cmpf ogt, %gather3A_80, %gather3A_77 : vector<16xf32>
        %select_n3A_163 = arith.select %gt3A_162, %gather3A_80, %gather3A_77 : vector<16xi1>, vector<16xf32>
        %jit3A_164 = arith.constant 19 : i32
        %jit3A_165 = arith.constant 18 : i32
        %broadcast_in_dim3A_166 = vector.broadcast %jit3A_164 : i32 to vector<16xi32>
        %broadcast_in_dim3A_167 = vector.broadcast %jit3A_165 : i32 to vector<16xi32>
        %select_n3A_168 = arith.select %gt3A_162, %broadcast_in_dim3A_166, %broadcast_in_dim3A_167 : vector<16xi1>, vector<16xi32>
        %gt3A_169 = arith.cmpf ogt, %gather3A_86, %gather3A_83 : vector<16xf32>
        %select_n3A_170 = arith.select %gt3A_169, %gather3A_86, %gather3A_83 : vector<16xi1>, vector<16xf32>
        %jit3A_171 = arith.constant 21 : i32
        %jit3A_172 = arith.constant 20 : i32
        %broadcast_in_dim3A_173 = vector.broadcast %jit3A_171 : i32 to vector<16xi32>
        %broadcast_in_dim3A_174 = vector.broadcast %jit3A_172 : i32 to vector<16xi32>
        %select_n3A_175 = arith.select %gt3A_169, %broadcast_in_dim3A_173, %broadcast_in_dim3A_174 : vector<16xi1>, vector<16xi32>
        %gt3A_176 = arith.cmpf ogt, %gather3A_92, %gather3A_89 : vector<16xf32>
        %select_n3A_177 = arith.select %gt3A_176, %gather3A_92, %gather3A_89 : vector<16xi1>, vector<16xf32>
        %jit3A_178 = arith.constant 23 : i32
        %jit3A_179 = arith.constant 22 : i32
        %broadcast_in_dim3A_180 = vector.broadcast %jit3A_178 : i32 to vector<16xi32>
        %broadcast_in_dim3A_181 = vector.broadcast %jit3A_179 : i32 to vector<16xi32>
        %select_n3A_182 = arith.select %gt3A_176, %broadcast_in_dim3A_180, %broadcast_in_dim3A_181 : vector<16xi1>, vector<16xi32>
        %gt3A_183 = arith.cmpf ogt, %gather3A_98, %gather3A_95 : vector<16xf32>
        %select_n3A_184 = arith.select %gt3A_183, %gather3A_98, %gather3A_95 : vector<16xi1>, vector<16xf32>
        %jit3A_185 = arith.constant 25 : i32
        %jit3A_186 = arith.constant 24 : i32
        %broadcast_in_dim3A_187 = vector.broadcast %jit3A_185 : i32 to vector<16xi32>
        %broadcast_in_dim3A_188 = vector.broadcast %jit3A_186 : i32 to vector<16xi32>
        %select_n3A_189 = arith.select %gt3A_183, %broadcast_in_dim3A_187, %broadcast_in_dim3A_188 : vector<16xi1>, vector<16xi32>
        %broadcast_in_dim3A_190 = arith.constant 26 : i32
        %broadcast_in_dim3A_191 = vector.broadcast %broadcast_in_dim3A_190 : i32 to vector<16xi32>
        %gt3A_192 = arith.cmpf ogt, %select_n3A_107, %select_n3A : vector<16xf32>
        %select_n3A_193 = arith.select %gt3A_192, %select_n3A_107, %select_n3A : vector<16xi1>, vector<16xf32>
        %select_n3A_194 = arith.select %gt3A_192, %select_n3A_112, %select_n3A_105 : vector<16xi1>, vector<16xi32>
        %gt3A_195 = arith.cmpf ogt, %select_n3A_121, %select_n3A_114 : vector<16xf32>
        %select_n3A_196 = arith.select %gt3A_195, %select_n3A_121, %select_n3A_114 : vector<16xi1>, vector<16xf32>
        %select_n3A_197 = arith.select %gt3A_195, %select_n3A_126, %select_n3A_119 : vector<16xi1>, vector<16xi32>
        %gt3A_198 = arith.cmpf ogt, %select_n3A_135, %select_n3A_128 : vector<16xf32>
        %select_n3A_199 = arith.select %gt3A_198, %select_n3A_135, %select_n3A_128 : vector<16xi1>, vector<16xf32>
        %select_n3A_200 = arith.select %gt3A_198, %select_n3A_140, %select_n3A_133 : vector<16xi1>, vector<16xi32>
        %gt3A_201 = arith.cmpf ogt, %select_n3A_149, %select_n3A_142 : vector<16xf32>
        %select_n3A_202 = arith.select %gt3A_201, %select_n3A_149, %select_n3A_142 : vector<16xi1>, vector<16xf32>
        %select_n3A_203 = arith.select %gt3A_201, %select_n3A_154, %select_n3A_147 : vector<16xi1>, vector<16xi32>
        %gt3A_204 = arith.cmpf ogt, %select_n3A_163, %select_n3A_156 : vector<16xf32>
        %select_n3A_205 = arith.select %gt3A_204, %select_n3A_163, %select_n3A_156 : vector<16xi1>, vector<16xf32>
        %select_n3A_206 = arith.select %gt3A_204, %select_n3A_168, %select_n3A_161 : vector<16xi1>, vector<16xi32>
        %gt3A_207 = arith.cmpf ogt, %select_n3A_177, %select_n3A_170 : vector<16xf32>
        %select_n3A_208 = arith.select %gt3A_207, %select_n3A_177, %select_n3A_170 : vector<16xi1>, vector<16xf32>
        %select_n3A_209 = arith.select %gt3A_207, %select_n3A_182, %select_n3A_175 : vector<16xi1>, vector<16xi32>
        %gt3A_210 = arith.cmpf ogt, %gather3A_101, %select_n3A_184 : vector<16xf32>
        %select_n3A_211 = arith.select %gt3A_210, %gather3A_101, %select_n3A_184 : vector<16xi1>, vector<16xf32>
        %select_n3A_212 = arith.select %gt3A_210, %broadcast_in_dim3A_191, %select_n3A_189 : vector<16xi1>, vector<16xi32>
        %gt3A_213 = arith.cmpf ogt, %select_n3A_196, %select_n3A_193 : vector<16xf32>
        %select_n3A_214 = arith.select %gt3A_213, %select_n3A_196, %select_n3A_193 : vector<16xi1>, vector<16xf32>
        %select_n3A_215 = arith.select %gt3A_213, %select_n3A_197, %select_n3A_194 : vector<16xi1>, vector<16xi32>
        %gt3A_216 = arith.cmpf ogt, %select_n3A_202, %select_n3A_199 : vector<16xf32>
        %select_n3A_217 = arith.select %gt3A_216, %select_n3A_202, %select_n3A_199 : vector<16xi1>, vector<16xf32>
        %select_n3A_218 = arith.select %gt3A_216, %select_n3A_203, %select_n3A_200 : vector<16xi1>, vector<16xi32>
        %gt3A_219 = arith.cmpf ogt, %select_n3A_208, %select_n3A_205 : vector<16xf32>
        %select_n3A_220 = arith.select %gt3A_219, %select_n3A_208, %select_n3A_205 : vector<16xi1>, vector<16xf32>
        %select_n3A_221 = arith.select %gt3A_219, %select_n3A_209, %select_n3A_206 : vector<16xi1>, vector<16xi32>
        %gt3A_222 = arith.cmpf ogt, %select_n3A_217, %select_n3A_214 : vector<16xf32>
        %select_n3A_223 = arith.select %gt3A_222, %select_n3A_217, %select_n3A_214 : vector<16xi1>, vector<16xf32>
        %select_n3A_224 = arith.select %gt3A_222, %select_n3A_218, %select_n3A_215 : vector<16xi1>, vector<16xi32>
        %gt3A_225 = arith.cmpf ogt, %select_n3A_211, %select_n3A_220 : vector<16xf32>
        %select_n3A_226 = arith.select %gt3A_225, %select_n3A_211, %select_n3A_220 : vector<16xi1>, vector<16xf32>
        %select_n3A_227 = arith.select %gt3A_225, %select_n3A_212, %select_n3A_221 : vector<16xi1>, vector<16xi32>
        %gt3A_228 = arith.cmpf ogt, %select_n3A_226, %select_n3A_223 : vector<16xf32>
        %select_n3A_229 = arith.select %gt3A_228, %select_n3A_226, %select_n3A_223 : vector<16xi1>, vector<16xf32>
        %select_n3A_230 = arith.select %gt3A_228, %select_n3A_227, %select_n3A_224 : vector<16xi1>, vector<16xi32>
        %swap3A = arith.constant 0 : i32
        %swap3A_231 = arith.index_cast %swap3A : i32 to index
        %swap3A_232 = arith.index_cast %mul3A_19 : i32 to index
        %swap3A_233 = tpu.vector_load %arg6[%swap3A_231, %swap3A_232] {strides = array<i32>} : memref<8x2816xi32, #tpu.memory_space<vmem>>, vector<16xi32>,
        tpu.vector_store %arg6[%swap3A_231, %swap3A_232], %select_n3A_230 {strides = array<i32>} : memref<8x2816xi32, #tpu.memory_space<vmem>>, vector<16xi32>,
        %eq3A_234 = arith.constant 0 : i32
        %eq3A_235 = vector.broadcast %eq3A_234 : i32 to vector<16xi32>
        %eq3A_236 = arith.cmpi eq, %select_n3A_230, %eq3A_235 : vector<16xi32>
        %select_n3A_237 = arith.select %eq3A_236, %broadcast_in_dim3A_1, %gather3A : vector<16xi1>, vector<16xf32>
        %eq3A_238 = arith.constant 1 : i32
        %eq3A_239 = vector.broadcast %eq3A_238 : i32 to vector<16xi32>
        %eq3A_240 = arith.cmpi eq, %select_n3A_230, %eq3A_239 : vector<16xi32>
        %select_n3A_241 = arith.select %eq3A_240, %broadcast_in_dim3A_1, %gather3A_26 : vector<16xi1>, vector<16xf32>
        %eq3A_242 = arith.constant 2 : i32
        %eq3A_243 = vector.broadcast %eq3A_242 : i32 to vector<16xi32>
        %eq3A_244 = arith.cmpi eq, %select_n3A_230, %eq3A_243 : vector<16xi32>
        %select_n3A_245 = arith.select %eq3A_244, %broadcast_in_dim3A_1, %gather3A_29 : vector<16xi1>, vector<16xf32>
        %eq3A_246 = arith.constant 3 : i32
        %eq3A_247 = vector.broadcast %eq3A_246 : i32 to vector<16xi32>
        %eq3A_248 = arith.cmpi eq, %select_n3A_230, %eq3A_247 : vector<16xi32>
        %select_n3A_249 = arith.select %eq3A_248, %broadcast_in_dim3A_1, %gather3A_32 : vector<16xi1>, vector<16xf32>
        %eq3A_250 = arith.constant 4 : i32
        %eq3A_251 = vector.broadcast %eq3A_250 : i32 to vector<16xi32>
        %eq3A_252 = arith.cmpi eq, %select_n3A_230, %eq3A_251 : vector<16xi32>
        %select_n3A_253 = arith.select %eq3A_252, %broadcast_in_dim3A_1, %gather3A_35 : vector<16xi1>, vector<16xf32>
        %eq3A_254 = arith.constant 5 : i32
        %eq3A_255 = vector.broadcast %eq3A_254 : i32 to vector<16xi32>
        %eq3A_256 = arith.cmpi eq, %select_n3A_230, %eq3A_255 : vector<16xi32>
        %select_n3A_257 = arith.select %eq3A_256, %broadcast_in_dim3A_1, %gather3A_38 : vector<16xi1>, vector<16xf32>
        %eq3A_258 = arith.constant 6 : i32
        %eq3A_259 = vector.broadcast %eq3A_258 : i32 to vector<16xi32>
        %eq3A_260 = arith.cmpi eq, %select_n3A_230, %eq3A_259 : vector<16xi32>
        %select_n3A_261 = arith.select %eq3A_260, %broadcast_in_dim3A_1, %gather3A_41 : vector<16xi1>, vector<16xf32>
        %eq3A_262 = arith.constant 7 : i32
        %eq3A_263 = vector.broadcast %eq3A_262 : i32 to vector<16xi32>
        %eq3A_264 = arith.cmpi eq, %select_n3A_230, %eq3A_263 : vector<16xi32>
        %select_n3A_265 = arith.select %eq3A_264, %broadcast_in_dim3A_1, %gather3A_44 : vector<16xi1>, vector<16xf32>
        %eq3A_266 = arith.constant 8 : i32
        %eq3A_267 = vector.broadcast %eq3A_266 : i32 to vector<16xi32>
        %eq3A_268 = arith.cmpi eq, %select_n3A_230, %eq3A_267 : vector<16xi32>
        %select_n3A_269 = arith.select %eq3A_268, %broadcast_in_dim3A_1, %gather3A_47 : vector<16xi1>, vector<16xf32>
        %eq3A_270 = arith.constant 9 : i32
        %eq3A_271 = vector.broadcast %eq3A_270 : i32 to vector<16xi32>
        %eq3A_272 = arith.cmpi eq, %select_n3A_230, %eq3A_271 : vector<16xi32>
        %select_n3A_273 = arith.select %eq3A_272, %broadcast_in_dim3A_1, %gather3A_50 : vector<16xi1>, vector<16xf32>
        %eq3A_274 = arith.constant 10 : i32
        %eq3A_275 = vector.broadcast %eq3A_274 : i32 to vector<16xi32>
        %eq3A_276 = arith.cmpi eq, %select_n3A_230, %eq3A_275 : vector<16xi32>
        %select_n3A_277 = arith.select %eq3A_276, %broadcast_in_dim3A_1, %gather3A_53 : vector<16xi1>, vector<16xf32>
        %eq3A_278 = arith.constant 11 : i32
        %eq3A_279 = vector.broadcast %eq3A_278 : i32 to vector<16xi32>
        %eq3A_280 = arith.cmpi eq, %select_n3A_230, %eq3A_279 : vector<16xi32>
        %select_n3A_281 = arith.select %eq3A_280, %broadcast_in_dim3A_1, %gather3A_56 : vector<16xi1>, vector<16xf32>
        %eq3A_282 = arith.constant 12 : i32
        %eq3A_283 = vector.broadcast %eq3A_282 : i32 to vector<16xi32>
        %eq3A_284 = arith.cmpi eq, %select_n3A_230, %eq3A_283 : vector<16xi32>
        %select_n3A_285 = arith.select %eq3A_284, %broadcast_in_dim3A_1, %gather3A_59 : vector<16xi1>, vector<16xf32>
        %eq3A_286 = arith.constant 13 : i32
        %eq3A_287 = vector.broadcast %eq3A_286 : i32 to vector<16xi32>
        %eq3A_288 = arith.cmpi eq, %select_n3A_230, %eq3A_287 : vector<16xi32>
        %select_n3A_289 = arith.select %eq3A_288, %broadcast_in_dim3A_1, %gather3A_62 : vector<16xi1>, vector<16xf32>
        %eq3A_290 = arith.constant 14 : i32
        %eq3A_291 = vector.broadcast %eq3A_290 : i32 to vector<16xi32>
        %eq3A_292 = arith.cmpi eq, %select_n3A_230, %eq3A_291 : vector<16xi32>
        %select_n3A_293 = arith.select %eq3A_292, %broadcast_in_dim3A_1, %gather3A_65 : vector<16xi1>, vector<16xf32>
        %eq3A_294 = arith.constant 15 : i32
        %eq3A_295 = vector.broadcast %eq3A_294 : i32 to vector<16xi32>
        %eq3A_296 = arith.cmpi eq, %select_n3A_230, %eq3A_295 : vector<16xi32>
        %select_n3A_297 = arith.select %eq3A_296, %broadcast_in_dim3A_1, %gather3A_68 : vector<16xi1>, vector<16xf32>
        %eq3A_298 = arith.constant 16 : i32
        %eq3A_299 = vector.broadcast %eq3A_298 : i32 to vector<16xi32>
        %eq3A_300 = arith.cmpi eq, %select_n3A_230, %eq3A_299 : vector<16xi32>
        %select_n3A_301 = arith.select %eq3A_300, %broadcast_in_dim3A_1, %gather3A_71 : vector<16xi1>, vector<16xf32>
        %eq3A_302 = arith.constant 17 : i32
        %eq3A_303 = vector.broadcast %eq3A_302 : i32 to vector<16xi32>
        %eq3A_304 = arith.cmpi eq, %select_n3A_230, %eq3A_303 : vector<16xi32>
        %select_n3A_305 = arith.select %eq3A_304, %broadcast_in_dim3A_1, %gather3A_74 : vector<16xi1>, vector<16xf32>
        %eq3A_306 = arith.constant 18 : i32
        %eq3A_307 = vector.broadcast %eq3A_306 : i32 to vector<16xi32>
        %eq3A_308 = arith.cmpi eq, %select_n3A_230, %eq3A_307 : vector<16xi32>
        %select_n3A_309 = arith.select %eq3A_308, %broadcast_in_dim3A_1, %gather3A_77 : vector<16xi1>, vector<16xf32>
        %eq3A_310 = arith.constant 19 : i32
        %eq3A_311 = vector.broadcast %eq3A_310 : i32 to vector<16xi32>
        %eq3A_312 = arith.cmpi eq, %select_n3A_230, %eq3A_311 : vector<16xi32>
        %select_n3A_313 = arith.select %eq3A_312, %broadcast_in_dim3A_1, %gather3A_80 : vector<16xi1>, vector<16xf32>
        %eq3A_314 = arith.constant 20 : i32
        %eq3A_315 = vector.broadcast %eq3A_314 : i32 to vector<16xi32>
        %eq3A_316 = arith.cmpi eq, %select_n3A_230, %eq3A_315 : vector<16xi32>
        %select_n3A_317 = arith.select %eq3A_316, %broadcast_in_dim3A_1, %gather3A_83 : vector<16xi1>, vector<16xf32>
        %eq3A_318 = arith.constant 21 : i32
        %eq3A_319 = vector.broadcast %eq3A_318 : i32 to vector<16xi32>
        %eq3A_320 = arith.cmpi eq, %select_n3A_230, %eq3A_319 : vector<16xi32>
        %select_n3A_321 = arith.select %eq3A_320, %broadcast_in_dim3A_1, %gather3A_86 : vector<16xi1>, vector<16xf32>
        %eq3A_322 = arith.constant 22 : i32
        %eq3A_323 = vector.broadcast %eq3A_322 : i32 to vector<16xi32>
        %eq3A_324 = arith.cmpi eq, %select_n3A_230, %eq3A_323 : vector<16xi32>
        %select_n3A_325 = arith.select %eq3A_324, %broadcast_in_dim3A_1, %gather3A_89 : vector<16xi1>, vector<16xf32>
        %eq3A_326 = arith.constant 23 : i32
        %eq3A_327 = vector.broadcast %eq3A_326 : i32 to vector<16xi32>
        %eq3A_328 = arith.cmpi eq, %select_n3A_230, %eq3A_327 : vector<16xi32>
        %select_n3A_329 = arith.select %eq3A_328, %broadcast_in_dim3A_1, %gather3A_92 : vector<16xi1>, vector<16xf32>
        %eq3A_330 = arith.constant 24 : i32
        %eq3A_331 = vector.broadcast %eq3A_330 : i32 to vector<16xi32>
        %eq3A_332 = arith.cmpi eq, %select_n3A_230, %eq3A_331 : vector<16xi32>
        %select_n3A_333 = arith.select %eq3A_332, %broadcast_in_dim3A_1, %gather3A_95 : vector<16xi1>, vector<16xf32>
        %eq3A_334 = arith.constant 25 : i32
        %eq3A_335 = vector.broadcast %eq3A_334 : i32 to vector<16xi32>
        %eq3A_336 = arith.cmpi eq, %select_n3A_230, %eq3A_335 : vector<16xi32>
        %select_n3A_337 = arith.select %eq3A_336, %broadcast_in_dim3A_1, %gather3A_98 : vector<16xi1>, vector<16xf32>
        %eq3A_338 = arith.constant 26 : i32
        %eq3A_339 = vector.broadcast %eq3A_338 : i32 to vector<16xi32>
        %eq3A_340 = arith.cmpi eq, %select_n3A_230, %eq3A_339 : vector<16xi32>
        %select_n3A_341 = arith.select %eq3A_340, %broadcast_in_dim3A_1, %gather3A_101 : vector<16xi1>, vector<16xf32>
        %gt3A_342 = arith.cmpf ogt, %select_n3A_241, %select_n3A_237 : vector<16xf32>
        %select_n3A_343 = arith.select %gt3A_342, %select_n3A_241, %select_n3A_237 : vector<16xi1>, vector<16xf32>
        %jit3A_344 = arith.constant 1 : i32
        %jit3A_345 = arith.constant 0 : i32
        %broadcast_in_dim3A_346 = vector.broadcast %jit3A_344 : i32 to vector<16xi32>
        %broadcast_in_dim3A_347 = vector.broadcast %jit3A_345 : i32 to vector<16xi32>
        %select_n3A_348 = arith.select %gt3A_342, %broadcast_in_dim3A_346, %broadcast_in_dim3A_347 : vector<16xi1>, vector<16xi32>
        %gt3A_349 = arith.cmpf ogt, %select_n3A_249, %select_n3A_245 : vector<16xf32>
        %select_n3A_350 = arith.select %gt3A_349, %select_n3A_249, %select_n3A_245 : vector<16xi1>, vector<16xf32>
        %jit3A_351 = arith.constant 3 : i32
        %jit3A_352 = arith.constant 2 : i32
        %broadcast_in_dim3A_353 = vector.broadcast %jit3A_351 : i32 to vector<16xi32>
        %broadcast_in_dim3A_354 = vector.broadcast %jit3A_352 : i32 to vector<16xi32>
        %select_n3A_355 = arith.select %gt3A_349, %broadcast_in_dim3A_353, %broadcast_in_dim3A_354 : vector<16xi1>, vector<16xi32>
        %gt3A_356 = arith.cmpf ogt, %select_n3A_257, %select_n3A_253 : vector<16xf32>
        %select_n3A_357 = arith.select %gt3A_356, %select_n3A_257, %select_n3A_253 : vector<16xi1>, vector<16xf32>
        %jit3A_358 = arith.constant 5 : i32
        %jit3A_359 = arith.constant 4 : i32
        %broadcast_in_dim3A_360 = vector.broadcast %jit3A_358 : i32 to vector<16xi32>
        %broadcast_in_dim3A_361 = vector.broadcast %jit3A_359 : i32 to vector<16xi32>
        %select_n3A_362 = arith.select %gt3A_356, %broadcast_in_dim3A_360, %broadcast_in_dim3A_361 : vector<16xi1>, vector<16xi32>
        %gt3A_363 = arith.cmpf ogt, %select_n3A_265, %select_n3A_261 : vector<16xf32>
        %select_n3A_364 = arith.select %gt3A_363, %select_n3A_265, %select_n3A_261 : vector<16xi1>, vector<16xf32>
        %jit3A_365 = arith.constant 7 : i32
        %jit3A_366 = arith.constant 6 : i32
        %broadcast_in_dim3A_367 = vector.broadcast %jit3A_365 : i32 to vector<16xi32>
        %broadcast_in_dim3A_368 = vector.broadcast %jit3A_366 : i32 to vector<16xi32>
        %select_n3A_369 = arith.select %gt3A_363, %broadcast_in_dim3A_367, %broadcast_in_dim3A_368 : vector<16xi1>, vector<16xi32>
        %gt3A_370 = arith.cmpf ogt, %select_n3A_273, %select_n3A_269 : vector<16xf32>
        %select_n3A_371 = arith.select %gt3A_370, %select_n3A_273, %select_n3A_269 : vector<16xi1>, vector<16xf32>
        %jit3A_372 = arith.constant 9 : i32
        %jit3A_373 = arith.constant 8 : i32
        %broadcast_in_dim3A_374 = vector.broadcast %jit3A_372 : i32 to vector<16xi32>
        %broadcast_in_dim3A_375 = vector.broadcast %jit3A_373 : i32 to vector<16xi32>
        %select_n3A_376 = arith.select %gt3A_370, %broadcast_in_dim3A_374, %broadcast_in_dim3A_375 : vector<16xi1>, vector<16xi32>
        %gt3A_377 = arith.cmpf ogt, %select_n3A_281, %select_n3A_277 : vector<16xf32>
        %select_n3A_378 = arith.select %gt3A_377, %select_n3A_281, %select_n3A_277 : vector<16xi1>, vector<16xf32>
        %jit3A_379 = arith.constant 11 : i32
        %jit3A_380 = arith.constant 10 : i32
        %broadcast_in_dim3A_381 = vector.broadcast %jit3A_379 : i32 to vector<16xi32>
        %broadcast_in_dim3A_382 = vector.broadcast %jit3A_380 : i32 to vector<16xi32>
        %select_n3A_383 = arith.select %gt3A_377, %broadcast_in_dim3A_381, %broadcast_in_dim3A_382 : vector<16xi1>, vector<16xi32>
        %gt3A_384 = arith.cmpf ogt, %select_n3A_289, %select_n3A_285 : vector<16xf32>
        %select_n3A_385 = arith.select %gt3A_384, %select_n3A_289, %select_n3A_285 : vector<16xi1>, vector<16xf32>
        %jit3A_386 = arith.constant 13 : i32
        %jit3A_387 = arith.constant 12 : i32
        %broadcast_in_dim3A_388 = vector.broadcast %jit3A_386 : i32 to vector<16xi32>
        %broadcast_in_dim3A_389 = vector.broadcast %jit3A_387 : i32 to vector<16xi32>
        %select_n3A_390 = arith.select %gt3A_384, %broadcast_in_dim3A_388, %broadcast_in_dim3A_389 : vector<16xi1>, vector<16xi32>
        %gt3A_391 = arith.cmpf ogt, %select_n3A_297, %select_n3A_293 : vector<16xf32>
        %select_n3A_392 = arith.select %gt3A_391, %select_n3A_297, %select_n3A_293 : vector<16xi1>, vector<16xf32>
        %jit3A_393 = arith.constant 15 : i32
        %jit3A_394 = arith.constant 14 : i32
        %broadcast_in_dim3A_395 = vector.broadcast %jit3A_393 : i32 to vector<16xi32>
        %broadcast_in_dim3A_396 = vector.broadcast %jit3A_394 : i32 to vector<16xi32>
        %select_n3A_397 = arith.select %gt3A_391, %broadcast_in_dim3A_395, %broadcast_in_dim3A_396 : vector<16xi1>, vector<16xi32>
        %gt3A_398 = arith.cmpf ogt, %select_n3A_305, %select_n3A_301 : vector<16xf32>
        %select_n3A_399 = arith.select %gt3A_398, %select_n3A_305, %select_n3A_301 : vector<16xi1>, vector<16xf32>
        %jit3A_400 = arith.constant 17 : i32
        %jit3A_401 = arith.constant 16 : i32
        %broadcast_in_dim3A_402 = vector.broadcast %jit3A_400 : i32 to vector<16xi32>
        %broadcast_in_dim3A_403 = vector.broadcast %jit3A_401 : i32 to vector<16xi32>
        %select_n3A_404 = arith.select %gt3A_398, %broadcast_in_dim3A_402, %broadcast_in_dim3A_403 : vector<16xi1>, vector<16xi32>
        %gt3A_405 = arith.cmpf ogt, %select_n3A_313, %select_n3A_309 : vector<16xf32>
        %select_n3A_406 = arith.select %gt3A_405, %select_n3A_313, %select_n3A_309 : vector<16xi1>, vector<16xf32>
        %jit3A_407 = arith.constant 19 : i32
        %jit3A_408 = arith.constant 18 : i32
        %broadcast_in_dim3A_409 = vector.broadcast %jit3A_407 : i32 to vector<16xi32>
        %broadcast_in_dim3A_410 = vector.broadcast %jit3A_408 : i32 to vector<16xi32>
        %select_n3A_411 = arith.select %gt3A_405, %broadcast_in_dim3A_409, %broadcast_in_dim3A_410 : vector<16xi1>, vector<16xi32>
        %gt3A_412 = arith.cmpf ogt, %select_n3A_321, %select_n3A_317 : vector<16xf32>
        %select_n3A_413 = arith.select %gt3A_412, %select_n3A_321, %select_n3A_317 : vector<16xi1>, vector<16xf32>
        %jit3A_414 = arith.constant 21 : i32
        %jit3A_415 = arith.constant 20 : i32
        %broadcast_in_dim3A_416 = vector.broadcast %jit3A_414 : i32 to vector<16xi32>
        %broadcast_in_dim3A_417 = vector.broadcast %jit3A_415 : i32 to vector<16xi32>
        %select_n3A_418 = arith.select %gt3A_412, %broadcast_in_dim3A_416, %broadcast_in_dim3A_417 : vector<16xi1>, vector<16xi32>
        %gt3A_419 = arith.cmpf ogt, %select_n3A_329, %select_n3A_325 : vector<16xf32>
        %select_n3A_420 = arith.select %gt3A_419, %select_n3A_329, %select_n3A_325 : vector<16xi1>, vector<16xf32>
        %jit3A_421 = arith.constant 23 : i32
        %jit3A_422 = arith.constant 22 : i32
        %broadcast_in_dim3A_423 = vector.broadcast %jit3A_421 : i32 to vector<16xi32>
        %broadcast_in_dim3A_424 = vector.broadcast %jit3A_422 : i32 to vector<16xi32>
        %select_n3A_425 = arith.select %gt3A_419, %broadcast_in_dim3A_423, %broadcast_in_dim3A_424 : vector<16xi1>, vector<16xi32>
        %gt3A_426 = arith.cmpf ogt, %select_n3A_337, %select_n3A_333 : vector<16xf32>
        %select_n3A_427 = arith.select %gt3A_426, %select_n3A_337, %select_n3A_333 : vector<16xi1>, vector<16xf32>
        %jit3A_428 = arith.constant 25 : i32
        %jit3A_429 = arith.constant 24 : i32
        %broadcast_in_dim3A_430 = vector.broadcast %jit3A_428 : i32 to vector<16xi32>
        %broadcast_in_dim3A_431 = vector.broadcast %jit3A_429 : i32 to vector<16xi32>
        %select_n3A_432 = arith.select %gt3A_426, %broadcast_in_dim3A_430, %broadcast_in_dim3A_431 : vector<16xi1>, vector<16xi32>
        %broadcast_in_dim3A_433 = arith.constant 26 : i32
        %broadcast_in_dim3A_434 = vector.broadcast %broadcast_in_dim3A_433 : i32 to vector<16xi32>
        %gt3A_435 = arith.cmpf ogt, %select_n3A_350, %select_n3A_343 : vector<16xf32>
        %select_n3A_436 = arith.select %gt3A_435, %select_n3A_350, %select_n3A_343 : vector<16xi1>, vector<16xf32>
        %select_n3A_437 = arith.select %gt3A_435, %select_n3A_355, %select_n3A_348 : vector<16xi1>, vector<16xi32>
        %gt3A_438 = arith.cmpf ogt, %select_n3A_364, %select_n3A_357 : vector<16xf32>
        %select_n3A_439 = arith.select %gt3A_438, %select_n3A_364, %select_n3A_357 : vector<16xi1>, vector<16xf32>
        %select_n3A_440 = arith.select %gt3A_438, %select_n3A_369, %select_n3A_362 : vector<16xi1>, vector<16xi32>
        %gt3A_441 = arith.cmpf ogt, %select_n3A_378, %select_n3A_371 : vector<16xf32>
        %select_n3A_442 = arith.select %gt3A_441, %select_n3A_378, %select_n3A_371 : vector<16xi1>, vector<16xf32>
        %select_n3A_443 = arith.select %gt3A_441, %select_n3A_383, %select_n3A_376 : vector<16xi1>, vector<16xi32>
        %gt3A_444 = arith.cmpf ogt, %select_n3A_392, %select_n3A_385 : vector<16xf32>
        %select_n3A_445 = arith.select %gt3A_444, %select_n3A_392, %select_n3A_385 : vector<16xi1>, vector<16xf32>
        %select_n3A_446 = arith.select %gt3A_444, %select_n3A_397, %select_n3A_390 : vector<16xi1>, vector<16xi32>
        %gt3A_447 = arith.cmpf ogt, %select_n3A_406, %select_n3A_399 : vector<16xf32>
        %select_n3A_448 = arith.select %gt3A_447, %select_n3A_406, %select_n3A_399 : vector<16xi1>, vector<16xf32>
        %select_n3A_449 = arith.select %gt3A_447, %select_n3A_411, %select_n3A_404 : vector<16xi1>, vector<16xi32>
        %gt3A_450 = arith.cmpf ogt, %select_n3A_420, %select_n3A_413 : vector<16xf32>
        %select_n3A_451 = arith.select %gt3A_450, %select_n3A_420, %select_n3A_413 : vector<16xi1>, vector<16xf32>
        %select_n3A_452 = arith.select %gt3A_450, %select_n3A_425, %select_n3A_418 : vector<16xi1>, vector<16xi32>
        %gt3A_453 = arith.cmpf ogt, %select_n3A_341, %select_n3A_427 : vector<16xf32>
        %select_n3A_454 = arith.select %gt3A_453, %select_n3A_341, %select_n3A_427 : vector<16xi1>, vector<16xf32>
        %select_n3A_455 = arith.select %gt3A_453, %broadcast_in_dim3A_434, %select_n3A_432 : vector<16xi1>, vector<16xi32>
        %gt3A_456 = arith.cmpf ogt, %select_n3A_439, %select_n3A_436 : vector<16xf32>
        %select_n3A_457 = arith.select %gt3A_456, %select_n3A_439, %select_n3A_436 : vector<16xi1>, vector<16xf32>
        %select_n3A_458 = arith.select %gt3A_456, %select_n3A_440, %select_n3A_437 : vector<16xi1>, vector<16xi32>
        %gt3A_459 = arith.cmpf ogt, %select_n3A_445, %select_n3A_442 : vector<16xf32>
        %select_n3A_460 = arith.select %gt3A_459, %select_n3A_445, %select_n3A_442 : vector<16xi1>, vector<16xf32>
        %select_n3A_461 = arith.select %gt3A_459, %select_n3A_446, %select_n3A_443 : vector<16xi1>, vector<16xi32>
        %gt3A_462 = arith.cmpf ogt, %select_n3A_451, %select_n3A_448 : vector<16xf32>
        %select_n3A_463 = arith.select %gt3A_462, %select_n3A_451, %select_n3A_448 : vector<16xi1>, vector<16xf32>
        %select_n3A_464 = arith.select %gt3A_462, %select_n3A_452, %select_n3A_449 : vector<16xi1>, vector<16xi32>
        %gt3A_465 = arith.cmpf ogt, %select_n3A_460, %select_n3A_457 : vector<16xf32>
        %select_n3A_466 = arith.select %gt3A_465, %select_n3A_460, %select_n3A_457 : vector<16xi1>, vector<16xf32>
        %select_n3A_467 = arith.select %gt3A_465, %select_n3A_461, %select_n3A_458 : vector<16xi1>, vector<16xi32>
        %gt3A_468 = arith.cmpf ogt, %select_n3A_454, %select_n3A_463 : vector<16xf32>
        %select_n3A_469 = arith.select %gt3A_468, %select_n3A_454, %select_n3A_463 : vector<16xi1>, vector<16xf32>
        %select_n3A_470 = arith.select %gt3A_468, %select_n3A_455, %select_n3A_464 : vector<16xi1>, vector<16xi32>
        %gt3A_471 = arith.cmpf ogt, %select_n3A_469, %select_n3A_466 : vector<16xf32>
        %select_n3A_472 = arith.select %gt3A_471, %select_n3A_469, %select_n3A_466 : vector<16xi1>, vector<16xf32>
        %select_n3A_473 = arith.select %gt3A_471, %select_n3A_470, %select_n3A_467 : vector<16xi1>, vector<16xi32>
        %swap3A_474 = arith.constant 1 : i32
        %swap3A_475 = arith.index_cast %swap3A_474 : i32 to index
        %swap3A_476 = arith.index_cast %mul3A_19 : i32 to index
        %swap3A_477 = tpu.vector_load %arg6[%swap3A_475, %swap3A_476] {strides = array<i32>} : memref<8x2816xi32, #tpu.memory_space<vmem>>, vector<16xi32>,
        tpu.vector_store %arg6[%swap3A_475, %swap3A_476], %select_n3A_473 {strides = array<i32>} : memref<8x2816xi32, #tpu.memory_space<vmem>>, vector<16xi32>,
        %eq3A_478 = arith.constant 0 : i32
        %eq3A_479 = vector.broadcast %eq3A_478 : i32 to vector<16xi32>
        %eq3A_480 = arith.cmpi eq, %select_n3A_473, %eq3A_479 : vector<16xi32>
        %select_n3A_481 = arith.select %eq3A_480, %broadcast_in_dim3A_1, %select_n3A_237 : vector<16xi1>, vector<16xf32>
        %eq3A_482 = arith.constant 1 : i32
        %eq3A_483 = vector.broadcast %eq3A_482 : i32 to vector<16xi32>
        %eq3A_484 = arith.cmpi eq, %select_n3A_473, %eq3A_483 : vector<16xi32>
        %select_n3A_485 = arith.select %eq3A_484, %broadcast_in_dim3A_1, %select_n3A_241 : vector<16xi1>, vector<16xf32>
        %eq3A_486 = arith.constant 2 : i32
        %eq3A_487 = vector.broadcast %eq3A_486 : i32 to vector<16xi32>
        %eq3A_488 = arith.cmpi eq, %select_n3A_473, %eq3A_487 : vector<16xi32>
        %select_n3A_489 = arith.select %eq3A_488, %broadcast_in_dim3A_1, %select_n3A_245 : vector<16xi1>, vector<16xf32>
        %eq3A_490 = arith.constant 3 : i32
        %eq3A_491 = vector.broadcast %eq3A_490 : i32 to vector<16xi32>
        %eq3A_492 = arith.cmpi eq, %select_n3A_473, %eq3A_491 : vector<16xi32>
        %select_n3A_493 = arith.select %eq3A_492, %broadcast_in_dim3A_1, %select_n3A_249 : vector<16xi1>, vector<16xf32>
        %eq3A_494 = arith.constant 4 : i32
        %eq3A_495 = vector.broadcast %eq3A_494 : i32 to vector<16xi32>
        %eq3A_496 = arith.cmpi eq, %select_n3A_473, %eq3A_495 : vector<16xi32>
        %select_n3A_497 = arith.select %eq3A_496, %broadcast_in_dim3A_1, %select_n3A_253 : vector<16xi1>, vector<16xf32>
        %eq3A_498 = arith.constant 5 : i32
        %eq3A_499 = vector.broadcast %eq3A_498 : i32 to vector<16xi32>
        %eq3A_500 = arith.cmpi eq, %select_n3A_473, %eq3A_499 : vector<16xi32>
        %select_n3A_501 = arith.select %eq3A_500, %broadcast_in_dim3A_1, %select_n3A_257 : vector<16xi1>, vector<16xf32>
        %eq3A_502 = arith.constant 6 : i32
        %eq3A_503 = vector.broadcast %eq3A_502 : i32 to vector<16xi32>
        %eq3A_504 = arith.cmpi eq, %select_n3A_473, %eq3A_503 : vector<16xi32>
        %select_n3A_505 = arith.select %eq3A_504, %broadcast_in_dim3A_1, %select_n3A_261 : vector<16xi1>, vector<16xf32>
        %eq3A_506 = arith.constant 7 : i32
        %eq3A_507 = vector.broadcast %eq3A_506 : i32 to vector<16xi32>
        %eq3A_508 = arith.cmpi eq, %select_n3A_473, %eq3A_507 : vector<16xi32>
        %select_n3A_509 = arith.select %eq3A_508, %broadcast_in_dim3A_1, %select_n3A_265 : vector<16xi1>, vector<16xf32>
        %eq3A_510 = arith.constant 8 : i32
        %eq3A_511 = vector.broadcast %eq3A_510 : i32 to vector<16xi32>
        %eq3A_512 = arith.cmpi eq, %select_n3A_473, %eq3A_511 : vector<16xi32>
        %select_n3A_513 = arith.select %eq3A_512, %broadcast_in_dim3A_1, %select_n3A_269 : vector<16xi1>, vector<16xf32>
        %eq3A_514 = arith.constant 9 : i32
        %eq3A_515 = vector.broadcast %eq3A_514 : i32 to vector<16xi32>
        %eq3A_516 = arith.cmpi eq, %select_n3A_473, %eq3A_515 : vector<16xi32>
        %select_n3A_517 = arith.select %eq3A_516, %broadcast_in_dim3A_1, %select_n3A_273 : vector<16xi1>, vector<16xf32>
        %eq3A_518 = arith.constant 10 : i32
        %eq3A_519 = vector.broadcast %eq3A_518 : i32 to vector<16xi32>
        %eq3A_520 = arith.cmpi eq, %select_n3A_473, %eq3A_519 : vector<16xi32>
        %select_n3A_521 = arith.select %eq3A_520, %broadcast_in_dim3A_1, %select_n3A_277 : vector<16xi1>, vector<16xf32>
        %eq3A_522 = arith.constant 11 : i32
        %eq3A_523 = vector.broadcast %eq3A_522 : i32 to vector<16xi32>
        %eq3A_524 = arith.cmpi eq, %select_n3A_473, %eq3A_523 : vector<16xi32>
        %select_n3A_525 = arith.select %eq3A_524, %broadcast_in_dim3A_1, %select_n3A_281 : vector<16xi1>, vector<16xf32>
        %eq3A_526 = arith.constant 12 : i32
        %eq3A_527 = vector.broadcast %eq3A_526 : i32 to vector<16xi32>
        %eq3A_528 = arith.cmpi eq, %select_n3A_473, %eq3A_527 : vector<16xi32>
        %select_n3A_529 = arith.select %eq3A_528, %broadcast_in_dim3A_1, %select_n3A_285 : vector<16xi1>, vector<16xf32>
        %eq3A_530 = arith.constant 13 : i32
        %eq3A_531 = vector.broadcast %eq3A_530 : i32 to vector<16xi32>
        %eq3A_532 = arith.cmpi eq, %select_n3A_473, %eq3A_531 : vector<16xi32>
        %select_n3A_533 = arith.select %eq3A_532, %broadcast_in_dim3A_1, %select_n3A_289 : vector<16xi1>, vector<16xf32>
        %eq3A_534 = arith.constant 14 : i32
        %eq3A_535 = vector.broadcast %eq3A_534 : i32 to vector<16xi32>
        %eq3A_536 = arith.cmpi eq, %select_n3A_473, %eq3A_535 : vector<16xi32>
        %select_n3A_537 = arith.select %eq3A_536, %broadcast_in_dim3A_1, %select_n3A_293 : vector<16xi1>, vector<16xf32>
        %eq3A_538 = arith.constant 15 : i32
        %eq3A_539 = vector.broadcast %eq3A_538 : i32 to vector<16xi32>
        %eq3A_540 = arith.cmpi eq, %select_n3A_473, %eq3A_539 : vector<16xi32>
        %select_n3A_541 = arith.select %eq3A_540, %broadcast_in_dim3A_1, %select_n3A_297 : vector<16xi1>, vector<16xf32>
        %eq3A_542 = arith.constant 16 : i32
        %eq3A_543 = vector.broadcast %eq3A_542 : i32 to vector<16xi32>
        %eq3A_544 = arith.cmpi eq, %select_n3A_473, %eq3A_543 : vector<16xi32>
        %select_n3A_545 = arith.select %eq3A_544, %broadcast_in_dim3A_1, %select_n3A_301 : vector<16xi1>, vector<16xf32>
        %eq3A_546 = arith.constant 17 : i32
        %eq3A_547 = vector.broadcast %eq3A_546 : i32 to vector<16xi32>
        %eq3A_548 = arith.cmpi eq, %select_n3A_473, %eq3A_547 : vector<16xi32>
        %select_n3A_549 = arith.select %eq3A_548, %broadcast_in_dim3A_1, %select_n3A_305 : vector<16xi1>, vector<16xf32>
        %eq3A_550 = arith.constant 18 : i32
        %eq3A_551 = vector.broadcast %eq3A_550 : i32 to vector<16xi32>
        %eq3A_552 = arith.cmpi eq, %select_n3A_473, %eq3A_551 : vector<16xi32>
        %select_n3A_553 = arith.select %eq3A_552, %broadcast_in_dim3A_1, %select_n3A_309 : vector<16xi1>, vector<16xf32>
        %eq3A_554 = arith.constant 19 : i32
        %eq3A_555 = vector.broadcast %eq3A_554 : i32 to vector<16xi32>
        %eq3A_556 = arith.cmpi eq, %select_n3A_473, %eq3A_555 : vector<16xi32>
        %select_n3A_557 = arith.select %eq3A_556, %broadcast_in_dim3A_1, %select_n3A_313 : vector<16xi1>, vector<16xf32>
        %eq3A_558 = arith.constant 20 : i32
        %eq3A_559 = vector.broadcast %eq3A_558 : i32 to vector<16xi32>
        %eq3A_560 = arith.cmpi eq, %select_n3A_473, %eq3A_559 : vector<16xi32>
        %select_n3A_561 = arith.select %eq3A_560, %broadcast_in_dim3A_1, %select_n3A_317 : vector<16xi1>, vector<16xf32>
        %eq3A_562 = arith.constant 21 : i32
        %eq3A_563 = vector.broadcast %eq3A_562 : i32 to vector<16xi32>
        %eq3A_564 = arith.cmpi eq, %select_n3A_473, %eq3A_563 : vector<16xi32>
        %select_n3A_565 = arith.select %eq3A_564, %broadcast_in_dim3A_1, %select_n3A_321 : vector<16xi1>, vector<16xf32>
        %eq3A_566 = arith.constant 22 : i32
        %eq3A_567 = vector.broadcast %eq3A_566 : i32 to vector<16xi32>
        %eq3A_568 = arith.cmpi eq, %select_n3A_473, %eq3A_567 : vector<16xi32>
        %select_n3A_569 = arith.select %eq3A_568, %broadcast_in_dim3A_1, %select_n3A_325 : vector<16xi1>, vector<16xf32>
        %eq3A_570 = arith.constant 23 : i32
        %eq3A_571 = vector.broadcast %eq3A_570 : i32 to vector<16xi32>
        %eq3A_572 = arith.cmpi eq, %select_n3A_473, %eq3A_571 : vector<16xi32>
        %select_n3A_573 = arith.select %eq3A_572, %broadcast_in_dim3A_1, %select_n3A_329 : vector<16xi1>, vector<16xf32>
        %eq3A_574 = arith.constant 24 : i32
        %eq3A_575 = vector.broadcast %eq3A_574 : i32 to vector<16xi32>
        %eq3A_576 = arith.cmpi eq, %select_n3A_473, %eq3A_575 : vector<16xi32>
        %select_n3A_577 = arith.select %eq3A_576, %broadcast_in_dim3A_1, %select_n3A_333 : vector<16xi1>, vector<16xf32>
        %eq3A_578 = arith.constant 25 : i32
        %eq3A_579 = vector.broadcast %eq3A_578 : i32 to vector<16xi32>
        %eq3A_580 = arith.cmpi eq, %select_n3A_473, %eq3A_579 : vector<16xi32>
        %select_n3A_581 = arith.select %eq3A_580, %broadcast_in_dim3A_1, %select_n3A_337 : vector<16xi1>, vector<16xf32>
        %eq3A_582 = arith.constant 26 : i32
        %eq3A_583 = vector.broadcast %eq3A_582 : i32 to vector<16xi32>
        %eq3A_584 = arith.cmpi eq, %select_n3A_473, %eq3A_583 : vector<16xi32>
        %select_n3A_585 = arith.select %eq3A_584, %broadcast_in_dim3A_1, %select_n3A_341 : vector<16xi1>, vector<16xf32>
        %gt3A_586 = arith.cmpf ogt, %select_n3A_485, %select_n3A_481 : vector<16xf32>
        %select_n3A_587 = arith.select %gt3A_586, %select_n3A_485, %select_n3A_481 : vector<16xi1>, vector<16xf32>
        %jit3A_588 = arith.constant 1 : i32
        %jit3A_589 = arith.constant 0 : i32
        %broadcast_in_dim3A_590 = vector.broadcast %jit3A_588 : i32 to vector<16xi32>
        %broadcast_in_dim3A_591 = vector.broadcast %jit3A_589 : i32 to vector<16xi32>
        %select_n3A_592 = arith.select %gt3A_586, %broadcast_in_dim3A_590, %broadcast_in_dim3A_591 : vector<16xi1>, vector<16xi32>
        %gt3A_593 = arith.cmpf ogt, %select_n3A_493, %select_n3A_489 : vector<16xf32>
        %select_n3A_594 = arith.select %gt3A_593, %select_n3A_493, %select_n3A_489 : vector<16xi1>, vector<16xf32>
        %jit3A_595 = arith.constant 3 : i32
        %jit3A_596 = arith.constant 2 : i32
        %broadcast_in_dim3A_597 = vector.broadcast %jit3A_595 : i32 to vector<16xi32>
        %broadcast_in_dim3A_598 = vector.broadcast %jit3A_596 : i32 to vector<16xi32>
        %select_n3A_599 = arith.select %gt3A_593, %broadcast_in_dim3A_597, %broadcast_in_dim3A_598 : vector<16xi1>, vector<16xi32>
        %gt3A_600 = arith.cmpf ogt, %select_n3A_501, %select_n3A_497 : vector<16xf32>
        %select_n3A_601 = arith.select %gt3A_600, %select_n3A_501, %select_n3A_497 : vector<16xi1>, vector<16xf32>
        %jit3A_602 = arith.constant 5 : i32
        %jit3A_603 = arith.constant 4 : i32
        %broadcast_in_dim3A_604 = vector.broadcast %jit3A_602 : i32 to vector<16xi32>
        %broadcast_in_dim3A_605 = vector.broadcast %jit3A_603 : i32 to vector<16xi32>
        %select_n3A_606 = arith.select %gt3A_600, %broadcast_in_dim3A_604, %broadcast_in_dim3A_605 : vector<16xi1>, vector<16xi32>
        %gt3A_607 = arith.cmpf ogt, %select_n3A_509, %select_n3A_505 : vector<16xf32>
        %select_n3A_608 = arith.select %gt3A_607, %select_n3A_509, %select_n3A_505 : vector<16xi1>, vector<16xf32>
        %jit3A_609 = arith.constant 7 : i32
        %jit3A_610 = arith.constant 6 : i32
        %broadcast_in_dim3A_611 = vector.broadcast %jit3A_609 : i32 to vector<16xi32>
        %broadcast_in_dim3A_612 = vector.broadcast %jit3A_610 : i32 to vector<16xi32>
        %select_n3A_613 = arith.select %gt3A_607, %broadcast_in_dim3A_611, %broadcast_in_dim3A_612 : vector<16xi1>, vector<16xi32>
        %gt3A_614 = arith.cmpf ogt, %select_n3A_517, %select_n3A_513 : vector<16xf32>
        %select_n3A_615 = arith.select %gt3A_614, %select_n3A_517, %select_n3A_513 : vector<16xi1>, vector<16xf32>
        %jit3A_616 = arith.constant 9 : i32
        %jit3A_617 = arith.constant 8 : i32
        %broadcast_in_dim3A_618 = vector.broadcast %jit3A_616 : i32 to vector<16xi32>
        %broadcast_in_dim3A_619 = vector.broadcast %jit3A_617 : i32 to vector<16xi32>
        %select_n3A_620 = arith.select %gt3A_614, %broadcast_in_dim3A_618, %broadcast_in_dim3A_619 : vector<16xi1>, vector<16xi32>
        %gt3A_621 = arith.cmpf ogt, %select_n3A_525, %select_n3A_521 : vector<16xf32>
        %select_n3A_622 = arith.select %gt3A_621, %select_n3A_525, %select_n3A_521 : vector<16xi1>, vector<16xf32>
        %jit3A_623 = arith.constant 11 : i32
        %jit3A_624 = arith.constant 10 : i32
        %broadcast_in_dim3A_625 = vector.broadcast %jit3A_623 : i32 to vector<16xi32>
        %broadcast_in_dim3A_626 = vector.broadcast %jit3A_624 : i32 to vector<16xi32>
        %select_n3A_627 = arith.select %gt3A_621, %broadcast_in_dim3A_625, %broadcast_in_dim3A_626 : vector<16xi1>, vector<16xi32>
        %gt3A_628 = arith.cmpf ogt, %select_n3A_533, %select_n3A_529 : vector<16xf32>
        %select_n3A_629 = arith.select %gt3A_628, %select_n3A_533, %select_n3A_529 : vector<16xi1>, vector<16xf32>
        %jit3A_630 = arith.constant 13 : i32
        %jit3A_631 = arith.constant 12 : i32
        %broadcast_in_dim3A_632 = vector.broadcast %jit3A_630 : i32 to vector<16xi32>
        %broadcast_in_dim3A_633 = vector.broadcast %jit3A_631 : i32 to vector<16xi32>
        %select_n3A_634 = arith.select %gt3A_628, %broadcast_in_dim3A_632, %broadcast_in_dim3A_633 : vector<16xi1>, vector<16xi32>
        %gt3A_635 = arith.cmpf ogt, %select_n3A_541, %select_n3A_537 : vector<16xf32>
        %select_n3A_636 = arith.select %gt3A_635, %select_n3A_541, %select_n3A_537 : vector<16xi1>, vector<16xf32>
        %jit3A_637 = arith.constant 15 : i32
        %jit3A_638 = arith.constant 14 : i32
        %broadcast_in_dim3A_639 = vector.broadcast %jit3A_637 : i32 to vector<16xi32>
        %broadcast_in_dim3A_640 = vector.broadcast %jit3A_638 : i32 to vector<16xi32>
        %select_n3A_641 = arith.select %gt3A_635, %broadcast_in_dim3A_639, %broadcast_in_dim3A_640 : vector<16xi1>, vector<16xi32>
        %gt3A_642 = arith.cmpf ogt, %select_n3A_549, %select_n3A_545 : vector<16xf32>
        %select_n3A_643 = arith.select %gt3A_642, %select_n3A_549, %select_n3A_545 : vector<16xi1>, vector<16xf32>
        %jit3A_644 = arith.constant 17 : i32
        %jit3A_645 = arith.constant 16 : i32
        %broadcast_in_dim3A_646 = vector.broadcast %jit3A_644 : i32 to vector<16xi32>
        %broadcast_in_dim3A_647 = vector.broadcast %jit3A_645 : i32 to vector<16xi32>
        %select_n3A_648 = arith.select %gt3A_642, %broadcast_in_dim3A_646, %broadcast_in_dim3A_647 : vector<16xi1>, vector<16xi32>
        %gt3A_649 = arith.cmpf ogt, %select_n3A_557, %select_n3A_553 : vector<16xf32>
        %select_n3A_650 = arith.select %gt3A_649, %select_n3A_557, %select_n3A_553 : vector<16xi1>, vector<16xf32>
        %jit3A_651 = arith.constant 19 : i32
        %jit3A_652 = arith.constant 18 : i32
        %broadcast_in_dim3A_653 = vector.broadcast %jit3A_651 : i32 to vector<16xi32>
        %broadcast_in_dim3A_654 = vector.broadcast %jit3A_652 : i32 to vector<16xi32>
        %select_n3A_655 = arith.select %gt3A_649, %broadcast_in_dim3A_653, %broadcast_in_dim3A_654 : vector<16xi1>, vector<16xi32>
        %gt3A_656 = arith.cmpf ogt, %select_n3A_565, %select_n3A_561 : vector<16xf32>
        %select_n3A_657 = arith.select %gt3A_656, %select_n3A_565, %select_n3A_561 : vector<16xi1>, vector<16xf32>
        %jit3A_658 = arith.constant 21 : i32
        %jit3A_659 = arith.constant 20 : i32
        %broadcast_in_dim3A_660 = vector.broadcast %jit3A_658 : i32 to vector<16xi32>
        %broadcast_in_dim3A_661 = vector.broadcast %jit3A_659 : i32 to vector<16xi32>
        %select_n3A_662 = arith.select %gt3A_656, %broadcast_in_dim3A_660, %broadcast_in_dim3A_661 : vector<16xi1>, vector<16xi32>
        %gt3A_663 = arith.cmpf ogt, %select_n3A_573, %select_n3A_569 : vector<16xf32>
        %select_n3A_664 = arith.select %gt3A_663, %select_n3A_573, %select_n3A_569 : vector<16xi1>, vector<16xf32>
        %jit3A_665 = arith.constant 23 : i32
        %jit3A_666 = arith.constant 22 : i32
        %broadcast_in_dim3A_667 = vector.broadcast %jit3A_665 : i32 to vector<16xi32>
        %broadcast_in_dim3A_668 = vector.broadcast %jit3A_666 : i32 to vector<16xi32>
        %select_n3A_669 = arith.select %gt3A_663, %broadcast_in_dim3A_667, %broadcast_in_dim3A_668 : vector<16xi1>, vector<16xi32>
        %gt3A_670 = arith.cmpf ogt, %select_n3A_581, %select_n3A_577 : vector<16xf32>
        %select_n3A_671 = arith.select %gt3A_670, %select_n3A_581, %select_n3A_577 : vector<16xi1>, vector<16xf32>
        %jit3A_672 = arith.constant 25 : i32
        %jit3A_673 = arith.constant 24 : i32
        %broadcast_in_dim3A_674 = vector.broadcast %jit3A_672 : i32 to vector<16xi32>
        %broadcast_in_dim3A_675 = vector.broadcast %jit3A_673 : i32 to vector<16xi32>
        %select_n3A_676 = arith.select %gt3A_670, %broadcast_in_dim3A_674, %broadcast_in_dim3A_675 : vector<16xi1>, vector<16xi32>
        %broadcast_in_dim3A_677 = arith.constant 26 : i32
        %broadcast_in_dim3A_678 = vector.broadcast %broadcast_in_dim3A_677 : i32 to vector<16xi32>
        %gt3A_679 = arith.cmpf ogt, %select_n3A_594, %select_n3A_587 : vector<16xf32>
        %select_n3A_680 = arith.select %gt3A_679, %select_n3A_594, %select_n3A_587 : vector<16xi1>, vector<16xf32>
        %select_n3A_681 = arith.select %gt3A_679, %select_n3A_599, %select_n3A_592 : vector<16xi1>, vector<16xi32>
        %gt3A_682 = arith.cmpf ogt, %select_n3A_608, %select_n3A_601 : vector<16xf32>
        %select_n3A_683 = arith.select %gt3A_682, %select_n3A_608, %select_n3A_601 : vector<16xi1>, vector<16xf32>
        %select_n3A_684 = arith.select %gt3A_682, %select_n3A_613, %select_n3A_606 : vector<16xi1>, vector<16xi32>
        %gt3A_685 = arith.cmpf ogt, %select_n3A_622, %select_n3A_615 : vector<16xf32>
        %select_n3A_686 = arith.select %gt3A_685, %select_n3A_622, %select_n3A_615 : vector<16xi1>, vector<16xf32>
        %select_n3A_687 = arith.select %gt3A_685, %select_n3A_627, %select_n3A_620 : vector<16xi1>, vector<16xi32>
        %gt3A_688 = arith.cmpf ogt, %select_n3A_636, %select_n3A_629 : vector<16xf32>
        %select_n3A_689 = arith.select %gt3A_688, %select_n3A_636, %select_n3A_629 : vector<16xi1>, vector<16xf32>
        %select_n3A_690 = arith.select %gt3A_688, %select_n3A_641, %select_n3A_634 : vector<16xi1>, vector<16xi32>
        %gt3A_691 = arith.cmpf ogt, %select_n3A_650, %select_n3A_643 : vector<16xf32>
        %select_n3A_692 = arith.select %gt3A_691, %select_n3A_650, %select_n3A_643 : vector<16xi1>, vector<16xf32>
        %select_n3A_693 = arith.select %gt3A_691, %select_n3A_655, %select_n3A_648 : vector<16xi1>, vector<16xi32>
        %gt3A_694 = arith.cmpf ogt, %select_n3A_664, %select_n3A_657 : vector<16xf32>
        %select_n3A_695 = arith.select %gt3A_694, %select_n3A_664, %select_n3A_657 : vector<16xi1>, vector<16xf32>
        %select_n3A_696 = arith.select %gt3A_694, %select_n3A_669, %select_n3A_662 : vector<16xi1>, vector<16xi32>
        %gt3A_697 = arith.cmpf ogt, %select_n3A_585, %select_n3A_671 : vector<16xf32>
        %select_n3A_698 = arith.select %gt3A_697, %select_n3A_585, %select_n3A_671 : vector<16xi1>, vector<16xf32>
        %select_n3A_699 = arith.select %gt3A_697, %broadcast_in_dim3A_678, %select_n3A_676 : vector<16xi1>, vector<16xi32>
        %gt3A_700 = arith.cmpf ogt, %select_n3A_683, %select_n3A_680 : vector<16xf32>
        %select_n3A_701 = arith.select %gt3A_700, %select_n3A_683, %select_n3A_680 : vector<16xi1>, vector<16xf32>
        %select_n3A_702 = arith.select %gt3A_700, %select_n3A_684, %select_n3A_681 : vector<16xi1>, vector<16xi32>
        %gt3A_703 = arith.cmpf ogt, %select_n3A_689, %select_n3A_686 : vector<16xf32>
        %select_n3A_704 = arith.select %gt3A_703, %select_n3A_689, %select_n3A_686 : vector<16xi1>, vector<16xf32>
        %select_n3A_705 = arith.select %gt3A_703, %select_n3A_690, %select_n3A_687 : vector<16xi1>, vector<16xi32>
        %gt3A_706 = arith.cmpf ogt, %select_n3A_695, %select_n3A_692 : vector<16xf32>
        %select_n3A_707 = arith.select %gt3A_706, %select_n3A_695, %select_n3A_692 : vector<16xi1>, vector<16xf32>
        %select_n3A_708 = arith.select %gt3A_706, %select_n3A_696, %select_n3A_693 : vector<16xi1>, vector<16xi32>
        %gt3A_709 = arith.cmpf ogt, %select_n3A_704, %select_n3A_701 : vector<16xf32>
        %select_n3A_710 = arith.select %gt3A_709, %select_n3A_704, %select_n3A_701 : vector<16xi1>, vector<16xf32>
        %select_n3A_711 = arith.select %gt3A_709, %select_n3A_705, %select_n3A_702 : vector<16xi1>, vector<16xi32>
        %gt3A_712 = arith.cmpf ogt, %select_n3A_698, %select_n3A_707 : vector<16xf32>
        %select_n3A_713 = arith.select %gt3A_712, %select_n3A_698, %select_n3A_707 : vector<16xi1>, vector<16xf32>
        %select_n3A_714 = arith.select %gt3A_712, %select_n3A_699, %select_n3A_708 : vector<16xi1>, vector<16xi32>
        %gt3A_715 = arith.cmpf ogt, %select_n3A_713, %select_n3A_710 : vector<16xf32>
        %select_n3A_716 = arith.select %gt3A_715, %select_n3A_713, %select_n3A_710 : vector<16xi1>, vector<16xf32>
        %select_n3A_717 = arith.select %gt3A_715, %select_n3A_714, %select_n3A_711 : vector<16xi1>, vector<16xi32>
        %swap3A_718 = arith.constant 2 : i32
        %swap3A_719 = arith.index_cast %swap3A_718 : i32 to index
        %swap3A_720 = arith.index_cast %mul3A_19 : i32 to index
        %swap3A_721 = tpu.vector_load %arg6[%swap3A_719, %swap3A_720] {strides = array<i32>} : memref<8x2816xi32, #tpu.memory_space<vmem>>, vector<16xi32>,
        tpu.vector_store %arg6[%swap3A_719, %swap3A_720], %select_n3A_717 {strides = array<i32>} : memref<8x2816xi32, #tpu.memory_space<vmem>>, vector<16xi32>,
        %eq3A_722 = arith.constant 0 : i32
        %eq3A_723 = vector.broadcast %eq3A_722 : i32 to vector<16xi32>
        %eq3A_724 = arith.cmpi eq, %select_n3A_717, %eq3A_723 : vector<16xi32>
        %select_n3A_725 = arith.select %eq3A_724, %broadcast_in_dim3A_1, %select_n3A_481 : vector<16xi1>, vector<16xf32>
        %eq3A_726 = arith.constant 1 : i32
        %eq3A_727 = vector.broadcast %eq3A_726 : i32 to vector<16xi32>
        %eq3A_728 = arith.cmpi eq, %select_n3A_717, %eq3A_727 : vector<16xi32>
        %select_n3A_729 = arith.select %eq3A_728, %broadcast_in_dim3A_1, %select_n3A_485 : vector<16xi1>, vector<16xf32>
        %eq3A_730 = arith.constant 2 : i32
        %eq3A_731 = vector.broadcast %eq3A_730 : i32 to vector<16xi32>
        %eq3A_732 = arith.cmpi eq, %select_n3A_717, %eq3A_731 : vector<16xi32>
        %select_n3A_733 = arith.select %eq3A_732, %broadcast_in_dim3A_1, %select_n3A_489 : vector<16xi1>, vector<16xf32>
        %eq3A_734 = arith.constant 3 : i32
        %eq3A_735 = vector.broadcast %eq3A_734 : i32 to vector<16xi32>
        %eq3A_736 = arith.cmpi eq, %select_n3A_717, %eq3A_735 : vector<16xi32>
        %select_n3A_737 = arith.select %eq3A_736, %broadcast_in_dim3A_1, %select_n3A_493 : vector<16xi1>, vector<16xf32>
        %eq3A_738 = arith.constant 4 : i32
        %eq3A_739 = vector.broadcast %eq3A_738 : i32 to vector<16xi32>
        %eq3A_740 = arith.cmpi eq, %select_n3A_717, %eq3A_739 : vector<16xi32>
        %select_n3A_741 = arith.select %eq3A_740, %broadcast_in_dim3A_1, %select_n3A_497 : vector<16xi1>, vector<16xf32>
        %eq3A_742 = arith.constant 5 : i32
        %eq3A_743 = vector.broadcast %eq3A_742 : i32 to vector<16xi32>
        %eq3A_744 = arith.cmpi eq, %select_n3A_717, %eq3A_743 : vector<16xi32>
        %select_n3A_745 = arith.select %eq3A_744, %broadcast_in_dim3A_1, %select_n3A_501 : vector<16xi1>, vector<16xf32>
        %eq3A_746 = arith.constant 6 : i32
        %eq3A_747 = vector.broadcast %eq3A_746 : i32 to vector<16xi32>
        %eq3A_748 = arith.cmpi eq, %select_n3A_717, %eq3A_747 : vector<16xi32>
        %select_n3A_749 = arith.select %eq3A_748, %broadcast_in_dim3A_1, %select_n3A_505 : vector<16xi1>, vector<16xf32>
        %eq3A_750 = arith.constant 7 : i32
        %eq3A_751 = vector.broadcast %eq3A_750 : i32 to vector<16xi32>
        %eq3A_752 = arith.cmpi eq, %select_n3A_717, %eq3A_751 : vector<16xi32>
        %select_n3A_753 = arith.select %eq3A_752, %broadcast_in_dim3A_1, %select_n3A_509 : vector<16xi1>, vector<16xf32>
        %eq3A_754 = arith.constant 8 : i32
        %eq3A_755 = vector.broadcast %eq3A_754 : i32 to vector<16xi32>
        %eq3A_756 = arith.cmpi eq, %select_n3A_717, %eq3A_755 : vector<16xi32>
        %select_n3A_757 = arith.select %eq3A_756, %broadcast_in_dim3A_1, %select_n3A_513 : vector<16xi1>, vector<16xf32>
        %eq3A_758 = arith.constant 9 : i32
        %eq3A_759 = vector.broadcast %eq3A_758 : i32 to vector<16xi32>
        %eq3A_760 = arith.cmpi eq, %select_n3A_717, %eq3A_759 : vector<16xi32>
        %select_n3A_761 = arith.select %eq3A_760, %broadcast_in_dim3A_1, %select_n3A_517 : vector<16xi1>, vector<16xf32>
        %eq3A_762 = arith.constant 10 : i32
        %eq3A_763 = vector.broadcast %eq3A_762 : i32 to vector<16xi32>
        %eq3A_764 = arith.cmpi eq, %select_n3A_717, %eq3A_763 : vector<16xi32>
        %select_n3A_765 = arith.select %eq3A_764, %broadcast_in_dim3A_1, %select_n3A_521 : vector<16xi1>, vector<16xf32>
        %eq3A_766 = arith.constant 11 : i32
        %eq3A_767 = vector.broadcast %eq3A_766 : i32 to vector<16xi32>
        %eq3A_768 = arith.cmpi eq, %select_n3A_717, %eq3A_767 : vector<16xi32>
        %select_n3A_769 = arith.select %eq3A_768, %broadcast_in_dim3A_1, %select_n3A_525 : vector<16xi1>, vector<16xf32>
        %eq3A_770 = arith.constant 12 : i32
        %eq3A_771 = vector.broadcast %eq3A_770 : i32 to vector<16xi32>
        %eq3A_772 = arith.cmpi eq, %select_n3A_717, %eq3A_771 : vector<16xi32>
        %select_n3A_773 = arith.select %eq3A_772, %broadcast_in_dim3A_1, %select_n3A_529 : vector<16xi1>, vector<16xf32>
        %eq3A_774 = arith.constant 13 : i32
        %eq3A_775 = vector.broadcast %eq3A_774 : i32 to vector<16xi32>
        %eq3A_776 = arith.cmpi eq, %select_n3A_717, %eq3A_775 : vector<16xi32>
        %select_n3A_777 = arith.select %eq3A_776, %broadcast_in_dim3A_1, %select_n3A_533 : vector<16xi1>, vector<16xf32>
        %eq3A_778 = arith.constant 14 : i32
        %eq3A_779 = vector.broadcast %eq3A_778 : i32 to vector<16xi32>
        %eq3A_780 = arith.cmpi eq, %select_n3A_717, %eq3A_779 : vector<16xi32>
        %select_n3A_781 = arith.select %eq3A_780, %broadcast_in_dim3A_1, %select_n3A_537 : vector<16xi1>, vector<16xf32>
        %eq3A_782 = arith.constant 15 : i32
        %eq3A_783 = vector.broadcast %eq3A_782 : i32 to vector<16xi32>
        %eq3A_784 = arith.cmpi eq, %select_n3A_717, %eq3A_783 : vector<16xi32>
        %select_n3A_785 = arith.select %eq3A_784, %broadcast_in_dim3A_1, %select_n3A_541 : vector<16xi1>, vector<16xf32>
        %eq3A_786 = arith.constant 16 : i32
        %eq3A_787 = vector.broadcast %eq3A_786 : i32 to vector<16xi32>
        %eq3A_788 = arith.cmpi eq, %select_n3A_717, %eq3A_787 : vector<16xi32>
        %select_n3A_789 = arith.select %eq3A_788, %broadcast_in_dim3A_1, %select_n3A_545 : vector<16xi1>, vector<16xf32>
        %eq3A_790 = arith.constant 17 : i32
        %eq3A_791 = vector.broadcast %eq3A_790 : i32 to vector<16xi32>
        %eq3A_792 = arith.cmpi eq, %select_n3A_717, %eq3A_791 : vector<16xi32>
        %select_n3A_793 = arith.select %eq3A_792, %broadcast_in_dim3A_1, %select_n3A_549 : vector<16xi1>, vector<16xf32>
        %eq3A_794 = arith.constant 18 : i32
        %eq3A_795 = vector.broadcast %eq3A_794 : i32 to vector<16xi32>
        %eq3A_796 = arith.cmpi eq, %select_n3A_717, %eq3A_795 : vector<16xi32>
        %select_n3A_797 = arith.select %eq3A_796, %broadcast_in_dim3A_1, %select_n3A_553 : vector<16xi1>, vector<16xf32>
        %eq3A_798 = arith.constant 19 : i32
        %eq3A_799 = vector.broadcast %eq3A_798 : i32 to vector<16xi32>
        %eq3A_800 = arith.cmpi eq, %select_n3A_717, %eq3A_799 : vector<16xi32>
        %select_n3A_801 = arith.select %eq3A_800, %broadcast_in_dim3A_1, %select_n3A_557 : vector<16xi1>, vector<16xf32>
        %eq3A_802 = arith.constant 20 : i32
        %eq3A_803 = vector.broadcast %eq3A_802 : i32 to vector<16xi32>
        %eq3A_804 = arith.cmpi eq, %select_n3A_717, %eq3A_803 : vector<16xi32>
        %select_n3A_805 = arith.select %eq3A_804, %broadcast_in_dim3A_1, %select_n3A_561 : vector<16xi1>, vector<16xf32>
        %eq3A_806 = arith.constant 21 : i32
        %eq3A_807 = vector.broadcast %eq3A_806 : i32 to vector<16xi32>
        %eq3A_808 = arith.cmpi eq, %select_n3A_717, %eq3A_807 : vector<16xi32>
        %select_n3A_809 = arith.select %eq3A_808, %broadcast_in_dim3A_1, %select_n3A_565 : vector<16xi1>, vector<16xf32>
        %eq3A_810 = arith.constant 22 : i32
        %eq3A_811 = vector.broadcast %eq3A_810 : i32 to vector<16xi32>
        %eq3A_812 = arith.cmpi eq, %select_n3A_717, %eq3A_811 : vector<16xi32>
        %select_n3A_813 = arith.select %eq3A_812, %broadcast_in_dim3A_1, %select_n3A_569 : vector<16xi1>, vector<16xf32>
        %eq3A_814 = arith.constant 23 : i32
        %eq3A_815 = vector.broadcast %eq3A_814 : i32 to vector<16xi32>
        %eq3A_816 = arith.cmpi eq, %select_n3A_717, %eq3A_815 : vector<16xi32>
        %select_n3A_817 = arith.select %eq3A_816, %broadcast_in_dim3A_1, %select_n3A_573 : vector<16xi1>, vector<16xf32>
        %eq3A_818 = arith.constant 24 : i32
        %eq3A_819 = vector.broadcast %eq3A_818 : i32 to vector<16xi32>
        %eq3A_820 = arith.cmpi eq, %select_n3A_717, %eq3A_819 : vector<16xi32>
        %select_n3A_821 = arith.select %eq3A_820, %broadcast_in_dim3A_1, %select_n3A_577 : vector<16xi1>, vector<16xf32>
        %eq3A_822 = arith.constant 25 : i32
        %eq3A_823 = vector.broadcast %eq3A_822 : i32 to vector<16xi32>
        %eq3A_824 = arith.cmpi eq, %select_n3A_717, %eq3A_823 : vector<16xi32>
        %select_n3A_825 = arith.select %eq3A_824, %broadcast_in_dim3A_1, %select_n3A_581 : vector<16xi1>, vector<16xf32>
        %eq3A_826 = arith.constant 26 : i32
        %eq3A_827 = vector.broadcast %eq3A_826 : i32 to vector<16xi32>
        %eq3A_828 = arith.cmpi eq, %select_n3A_717, %eq3A_827 : vector<16xi32>
        %select_n3A_829 = arith.select %eq3A_828, %broadcast_in_dim3A_1, %select_n3A_585 : vector<16xi1>, vector<16xf32>
        %gt3A_830 = arith.cmpf ogt, %select_n3A_729, %select_n3A_725 : vector<16xf32>
        %select_n3A_831 = arith.select %gt3A_830, %select_n3A_729, %select_n3A_725 : vector<16xi1>, vector<16xf32>
        %jit3A_832 = arith.constant 1 : i32
        %jit3A_833 = arith.constant 0 : i32
        %broadcast_in_dim3A_834 = vector.broadcast %jit3A_832 : i32 to vector<16xi32>
        %broadcast_in_dim3A_835 = vector.broadcast %jit3A_833 : i32 to vector<16xi32>
        %select_n3A_836 = arith.select %gt3A_830, %broadcast_in_dim3A_834, %broadcast_in_dim3A_835 : vector<16xi1>, vector<16xi32>
        %gt3A_837 = arith.cmpf ogt, %select_n3A_737, %select_n3A_733 : vector<16xf32>
        %select_n3A_838 = arith.select %gt3A_837, %select_n3A_737, %select_n3A_733 : vector<16xi1>, vector<16xf32>
        %jit3A_839 = arith.constant 3 : i32
        %jit3A_840 = arith.constant 2 : i32
        %broadcast_in_dim3A_841 = vector.broadcast %jit3A_839 : i32 to vector<16xi32>
        %broadcast_in_dim3A_842 = vector.broadcast %jit3A_840 : i32 to vector<16xi32>
        %select_n3A_843 = arith.select %gt3A_837, %broadcast_in_dim3A_841, %broadcast_in_dim3A_842 : vector<16xi1>, vector<16xi32>
        %gt3A_844 = arith.cmpf ogt, %select_n3A_745, %select_n3A_741 : vector<16xf32>
        %select_n3A_845 = arith.select %gt3A_844, %select_n3A_745, %select_n3A_741 : vector<16xi1>, vector<16xf32>
        %jit3A_846 = arith.constant 5 : i32
        %jit3A_847 = arith.constant 4 : i32
        %broadcast_in_dim3A_848 = vector.broadcast %jit3A_846 : i32 to vector<16xi32>
        %broadcast_in_dim3A_849 = vector.broadcast %jit3A_847 : i32 to vector<16xi32>
        %select_n3A_850 = arith.select %gt3A_844, %broadcast_in_dim3A_848, %broadcast_in_dim3A_849 : vector<16xi1>, vector<16xi32>
        %gt3A_851 = arith.cmpf ogt, %select_n3A_753, %select_n3A_749 : vector<16xf32>
        %select_n3A_852 = arith.select %gt3A_851, %select_n3A_753, %select_n3A_749 : vector<16xi1>, vector<16xf32>
        %jit3A_853 = arith.constant 7 : i32
        %jit3A_854 = arith.constant 6 : i32
        %broadcast_in_dim3A_855 = vector.broadcast %jit3A_853 : i32 to vector<16xi32>
        %broadcast_in_dim3A_856 = vector.broadcast %jit3A_854 : i32 to vector<16xi32>
        %select_n3A_857 = arith.select %gt3A_851, %broadcast_in_dim3A_855, %broadcast_in_dim3A_856 : vector<16xi1>, vector<16xi32>
        %gt3A_858 = arith.cmpf ogt, %select_n3A_761, %select_n3A_757 : vector<16xf32>
        %select_n3A_859 = arith.select %gt3A_858, %select_n3A_761, %select_n3A_757 : vector<16xi1>, vector<16xf32>
        %jit3A_860 = arith.constant 9 : i32
        %jit3A_861 = arith.constant 8 : i32
        %broadcast_in_dim3A_862 = vector.broadcast %jit3A_860 : i32 to vector<16xi32>
        %broadcast_in_dim3A_863 = vector.broadcast %jit3A_861 : i32 to vector<16xi32>
        %select_n3A_864 = arith.select %gt3A_858, %broadcast_in_dim3A_862, %broadcast_in_dim3A_863 : vector<16xi1>, vector<16xi32>
        %gt3A_865 = arith.cmpf ogt, %select_n3A_769, %select_n3A_765 : vector<16xf32>
        %select_n3A_866 = arith.select %gt3A_865, %select_n3A_769, %select_n3A_765 : vector<16xi1>, vector<16xf32>
        %jit3A_867 = arith.constant 11 : i32
        %jit3A_868 = arith.constant 10 : i32
        %broadcast_in_dim3A_869 = vector.broadcast %jit3A_867 : i32 to vector<16xi32>
        %broadcast_in_dim3A_870 = vector.broadcast %jit3A_868 : i32 to vector<16xi32>
        %select_n3A_871 = arith.select %gt3A_865, %broadcast_in_dim3A_869, %broadcast_in_dim3A_870 : vector<16xi1>, vector<16xi32>
        %gt3A_872 = arith.cmpf ogt, %select_n3A_777, %select_n3A_773 : vector<16xf32>
        %select_n3A_873 = arith.select %gt3A_872, %select_n3A_777, %select_n3A_773 : vector<16xi1>, vector<16xf32>
        %jit3A_874 = arith.constant 13 : i32
        %jit3A_875 = arith.constant 12 : i32
        %broadcast_in_dim3A_876 = vector.broadcast %jit3A_874 : i32 to vector<16xi32>
        %broadcast_in_dim3A_877 = vector.broadcast %jit3A_875 : i32 to vector<16xi32>
        %select_n3A_878 = arith.select %gt3A_872, %broadcast_in_dim3A_876, %broadcast_in_dim3A_877 : vector<16xi1>, vector<16xi32>
        %gt3A_879 = arith.cmpf ogt, %select_n3A_785, %select_n3A_781 : vector<16xf32>
        %select_n3A_880 = arith.select %gt3A_879, %select_n3A_785, %select_n3A_781 : vector<16xi1>, vector<16xf32>
        %jit3A_881 = arith.constant 15 : i32
        %jit3A_882 = arith.constant 14 : i32
        %broadcast_in_dim3A_883 = vector.broadcast %jit3A_881 : i32 to vector<16xi32>
        %broadcast_in_dim3A_884 = vector.broadcast %jit3A_882 : i32 to vector<16xi32>
        %select_n3A_885 = arith.select %gt3A_879, %broadcast_in_dim3A_883, %broadcast_in_dim3A_884 : vector<16xi1>, vector<16xi32>
        %gt3A_886 = arith.cmpf ogt, %select_n3A_793, %select_n3A_789 : vector<16xf32>
        %select_n3A_887 = arith.select %gt3A_886, %select_n3A_793, %select_n3A_789 : vector<16xi1>, vector<16xf32>
        %jit3A_888 = arith.constant 17 : i32
        %jit3A_889 = arith.constant 16 : i32
        %broadcast_in_dim3A_890 = vector.broadcast %jit3A_888 : i32 to vector<16xi32>
        %broadcast_in_dim3A_891 = vector.broadcast %jit3A_889 : i32 to vector<16xi32>
        %select_n3A_892 = arith.select %gt3A_886, %broadcast_in_dim3A_890, %broadcast_in_dim3A_891 : vector<16xi1>, vector<16xi32>
        %gt3A_893 = arith.cmpf ogt, %select_n3A_801, %select_n3A_797 : vector<16xf32>
        %select_n3A_894 = arith.select %gt3A_893, %select_n3A_801, %select_n3A_797 : vector<16xi1>, vector<16xf32>
        %jit3A_895 = arith.constant 19 : i32
        %jit3A_896 = arith.constant 18 : i32
        %broadcast_in_dim3A_897 = vector.broadcast %jit3A_895 : i32 to vector<16xi32>
        %broadcast_in_dim3A_898 = vector.broadcast %jit3A_896 : i32 to vector<16xi32>
        %select_n3A_899 = arith.select %gt3A_893, %broadcast_in_dim3A_897, %broadcast_in_dim3A_898 : vector<16xi1>, vector<16xi32>
        %gt3A_900 = arith.cmpf ogt, %select_n3A_809, %select_n3A_805 : vector<16xf32>
        %select_n3A_901 = arith.select %gt3A_900, %select_n3A_809, %select_n3A_805 : vector<16xi1>, vector<16xf32>
        %jit3A_902 = arith.constant 21 : i32
        %jit3A_903 = arith.constant 20 : i32
        %broadcast_in_dim3A_904 = vector.broadcast %jit3A_902 : i32 to vector<16xi32>
        %broadcast_in_dim3A_905 = vector.broadcast %jit3A_903 : i32 to vector<16xi32>
        %select_n3A_906 = arith.select %gt3A_900, %broadcast_in_dim3A_904, %broadcast_in_dim3A_905 : vector<16xi1>, vector<16xi32>
        %gt3A_907 = arith.cmpf ogt, %select_n3A_817, %select_n3A_813 : vector<16xf32>
        %select_n3A_908 = arith.select %gt3A_907, %select_n3A_817, %select_n3A_813 : vector<16xi1>, vector<16xf32>
        %jit3A_909 = arith.constant 23 : i32
        %jit3A_910 = arith.constant 22 : i32
        %broadcast_in_dim3A_911 = vector.broadcast %jit3A_909 : i32 to vector<16xi32>
        %broadcast_in_dim3A_912 = vector.broadcast %jit3A_910 : i32 to vector<16xi32>
        %select_n3A_913 = arith.select %gt3A_907, %broadcast_in_dim3A_911, %broadcast_in_dim3A_912 : vector<16xi1>, vector<16xi32>
        %gt3A_914 = arith.cmpf ogt, %select_n3A_825, %select_n3A_821 : vector<16xf32>
        %select_n3A_915 = arith.select %gt3A_914, %select_n3A_825, %select_n3A_821 : vector<16xi1>, vector<16xf32>
        %jit3A_916 = arith.constant 25 : i32
        %jit3A_917 = arith.constant 24 : i32
        %broadcast_in_dim3A_918 = vector.broadcast %jit3A_916 : i32 to vector<16xi32>
        %broadcast_in_dim3A_919 = vector.broadcast %jit3A_917 : i32 to vector<16xi32>
        %select_n3A_920 = arith.select %gt3A_914, %broadcast_in_dim3A_918, %broadcast_in_dim3A_919 : vector<16xi1>, vector<16xi32>
        %broadcast_in_dim3A_921 = arith.constant 26 : i32
        %broadcast_in_dim3A_922 = vector.broadcast %broadcast_in_dim3A_921 : i32 to vector<16xi32>
        %gt3A_923 = arith.cmpf ogt, %select_n3A_838, %select_n3A_831 : vector<16xf32>
        %select_n3A_924 = arith.select %gt3A_923, %select_n3A_838, %select_n3A_831 : vector<16xi1>, vector<16xf32>
        %select_n3A_925 = arith.select %gt3A_923, %select_n3A_843, %select_n3A_836 : vector<16xi1>, vector<16xi32>
        %gt3A_926 = arith.cmpf ogt, %select_n3A_852, %select_n3A_845 : vector<16xf32>
        %select_n3A_927 = arith.select %gt3A_926, %select_n3A_852, %select_n3A_845 : vector<16xi1>, vector<16xf32>
        %select_n3A_928 = arith.select %gt3A_926, %select_n3A_857, %select_n3A_850 : vector<16xi1>, vector<16xi32>
        %gt3A_929 = arith.cmpf ogt, %select_n3A_866, %select_n3A_859 : vector<16xf32>
        %select_n3A_930 = arith.select %gt3A_929, %select_n3A_866, %select_n3A_859 : vector<16xi1>, vector<16xf32>
        %select_n3A_931 = arith.select %gt3A_929, %select_n3A_871, %select_n3A_864 : vector<16xi1>, vector<16xi32>
        %gt3A_932 = arith.cmpf ogt, %select_n3A_880, %select_n3A_873 : vector<16xf32>
        %select_n3A_933 = arith.select %gt3A_932, %select_n3A_880, %select_n3A_873 : vector<16xi1>, vector<16xf32>
        %select_n3A_934 = arith.select %gt3A_932, %select_n3A_885, %select_n3A_878 : vector<16xi1>, vector<16xi32>
        %gt3A_935 = arith.cmpf ogt, %select_n3A_894, %select_n3A_887 : vector<16xf32>
        %select_n3A_936 = arith.select %gt3A_935, %select_n3A_894, %select_n3A_887 : vector<16xi1>, vector<16xf32>
        %select_n3A_937 = arith.select %gt3A_935, %select_n3A_899, %select_n3A_892 : vector<16xi1>, vector<16xi32>
        %gt3A_938 = arith.cmpf ogt, %select_n3A_908, %select_n3A_901 : vector<16xf32>
        %select_n3A_939 = arith.select %gt3A_938, %select_n3A_908, %select_n3A_901 : vector<16xi1>, vector<16xf32>
        %select_n3A_940 = arith.select %gt3A_938, %select_n3A_913, %select_n3A_906 : vector<16xi1>, vector<16xi32>
        %gt3A_941 = arith.cmpf ogt, %select_n3A_829, %select_n3A_915 : vector<16xf32>
        %select_n3A_942 = arith.select %gt3A_941, %select_n3A_829, %select_n3A_915 : vector<16xi1>, vector<16xf32>
        %select_n3A_943 = arith.select %gt3A_941, %broadcast_in_dim3A_922, %select_n3A_920 : vector<16xi1>, vector<16xi32>
        %gt3A_944 = arith.cmpf ogt, %select_n3A_927, %select_n3A_924 : vector<16xf32>
        %select_n3A_945 = arith.select %gt3A_944, %select_n3A_927, %select_n3A_924 : vector<16xi1>, vector<16xf32>
        %select_n3A_946 = arith.select %gt3A_944, %select_n3A_928, %select_n3A_925 : vector<16xi1>, vector<16xi32>
        %gt3A_947 = arith.cmpf ogt, %select_n3A_933, %select_n3A_930 : vector<16xf32>
        %select_n3A_948 = arith.select %gt3A_947, %select_n3A_933, %select_n3A_930 : vector<16xi1>, vector<16xf32>
        %select_n3A_949 = arith.select %gt3A_947, %select_n3A_934, %select_n3A_931 : vector<16xi1>, vector<16xi32>
        %gt3A_950 = arith.cmpf ogt, %select_n3A_939, %select_n3A_936 : vector<16xf32>
        %select_n3A_951 = arith.select %gt3A_950, %select_n3A_939, %select_n3A_936 : vector<16xi1>, vector<16xf32>
        %select_n3A_952 = arith.select %gt3A_950, %select_n3A_940, %select_n3A_937 : vector<16xi1>, vector<16xi32>
        %gt3A_953 = arith.cmpf ogt, %select_n3A_948, %select_n3A_945 : vector<16xf32>
        %select_n3A_954 = arith.select %gt3A_953, %select_n3A_948, %select_n3A_945 : vector<16xi1>, vector<16xf32>
        %select_n3A_955 = arith.select %gt3A_953, %select_n3A_949, %select_n3A_946 : vector<16xi1>, vector<16xi32>
        %gt3A_956 = arith.cmpf ogt, %select_n3A_942, %select_n3A_951 : vector<16xf32>
        %select_n3A_957 = arith.select %gt3A_956, %select_n3A_942, %select_n3A_951 : vector<16xi1>, vector<16xf32>
        %select_n3A_958 = arith.select %gt3A_956, %select_n3A_943, %select_n3A_952 : vector<16xi1>, vector<16xi32>
        %gt3A_959 = arith.cmpf ogt, %select_n3A_957, %select_n3A_954 : vector<16xf32>
        %select_n3A_960 = arith.select %gt3A_959, %select_n3A_957, %select_n3A_954 : vector<16xi1>, vector<16xf32>
        %select_n3A_961 = arith.select %gt3A_959, %select_n3A_958, %select_n3A_955 : vector<16xi1>, vector<16xi32>
        %swap3A_962 = arith.constant 3 : i32
        %swap3A_963 = arith.index_cast %swap3A_962 : i32 to index
        %swap3A_964 = arith.index_cast %mul3A_19 : i32 to index
        %swap3A_965 = tpu.vector_load %arg6[%swap3A_963, %swap3A_964] {strides = array<i32>} : memref<8x2816xi32, #tpu.memory_space<vmem>>, vector<16xi32>,
        tpu.vector_store %arg6[%swap3A_963, %swap3A_964], %select_n3A_961 {strides = array<i32>} : memref<8x2816xi32, #tpu.memory_space<vmem>>, vector<16xi32>,
        %eq3A_966 = arith.constant 0 : i32
        %eq3A_967 = vector.broadcast %eq3A_966 : i32 to vector<16xi32>
        %eq3A_968 = arith.cmpi eq, %select_n3A_961, %eq3A_967 : vector<16xi32>
        %select_n3A_969 = arith.select %eq3A_968, %broadcast_in_dim3A_1, %select_n3A_725 : vector<16xi1>, vector<16xf32>
        %eq3A_970 = arith.constant 1 : i32
        %eq3A_971 = vector.broadcast %eq3A_970 : i32 to vector<16xi32>
        %eq3A_972 = arith.cmpi eq, %select_n3A_961, %eq3A_971 : vector<16xi32>
        %select_n3A_973 = arith.select %eq3A_972, %broadcast_in_dim3A_1, %select_n3A_729 : vector<16xi1>, vector<16xf32>
        %eq3A_974 = arith.constant 2 : i32
        %eq3A_975 = vector.broadcast %eq3A_974 : i32 to vector<16xi32>
        %eq3A_976 = arith.cmpi eq, %select_n3A_961, %eq3A_975 : vector<16xi32>
        %select_n3A_977 = arith.select %eq3A_976, %broadcast_in_dim3A_1, %select_n3A_733 : vector<16xi1>, vector<16xf32>
        %eq3A_978 = arith.constant 3 : i32
        %eq3A_979 = vector.broadcast %eq3A_978 : i32 to vector<16xi32>
        %eq3A_980 = arith.cmpi eq, %select_n3A_961, %eq3A_979 : vector<16xi32>
        %select_n3A_981 = arith.select %eq3A_980, %broadcast_in_dim3A_1, %select_n3A_737 : vector<16xi1>, vector<16xf32>
        %eq3A_982 = arith.constant 4 : i32
        %eq3A_983 = vector.broadcast %eq3A_982 : i32 to vector<16xi32>
        %eq3A_984 = arith.cmpi eq, %select_n3A_961, %eq3A_983 : vector<16xi32>
        %select_n3A_985 = arith.select %eq3A_984, %broadcast_in_dim3A_1, %select_n3A_741 : vector<16xi1>, vector<16xf32>
        %eq3A_986 = arith.constant 5 : i32
        %eq3A_987 = vector.broadcast %eq3A_986 : i32 to vector<16xi32>
        %eq3A_988 = arith.cmpi eq, %select_n3A_961, %eq3A_987 : vector<16xi32>
        %select_n3A_989 = arith.select %eq3A_988, %broadcast_in_dim3A_1, %select_n3A_745 : vector<16xi1>, vector<16xf32>
        %eq3A_990 = arith.constant 6 : i32
        %eq3A_991 = vector.broadcast %eq3A_990 : i32 to vector<16xi32>
        %eq3A_992 = arith.cmpi eq, %select_n3A_961, %eq3A_991 : vector<16xi32>
        %select_n3A_993 = arith.select %eq3A_992, %broadcast_in_dim3A_1, %select_n3A_749 : vector<16xi1>, vector<16xf32>
        %eq3A_994 = arith.constant 7 : i32
        %eq3A_995 = vector.broadcast %eq3A_994 : i32 to vector<16xi32>
        %eq3A_996 = arith.cmpi eq, %select_n3A_961, %eq3A_995 : vector<16xi32>
        %select_n3A_997 = arith.select %eq3A_996, %broadcast_in_dim3A_1, %select_n3A_753 : vector<16xi1>, vector<16xf32>
        %eq3A_998 = arith.constant 8 : i32
        %eq3A_999 = vector.broadcast %eq3A_998 : i32 to vector<16xi32>
        %eq3A_1000 = arith.cmpi eq, %select_n3A_961, %eq3A_999 : vector<16xi32>
        %select_n3A_1001 = arith.select %eq3A_1000, %broadcast_in_dim3A_1, %select_n3A_757 : vector<16xi1>, vector<16xf32>
        %eq3A_1002 = arith.constant 9 : i32
        %eq3A_1003 = vector.broadcast %eq3A_1002 : i32 to vector<16xi32>
        %eq3A_1004 = arith.cmpi eq, %select_n3A_961, %eq3A_1003 : vector<16xi32>
        %select_n3A_1005 = arith.select %eq3A_1004, %broadcast_in_dim3A_1, %select_n3A_761 : vector<16xi1>, vector<16xf32>
        %eq3A_1006 = arith.constant 10 : i32
        %eq3A_1007 = vector.broadcast %eq3A_1006 : i32 to vector<16xi32>
        %eq3A_1008 = arith.cmpi eq, %select_n3A_961, %eq3A_1007 : vector<16xi32>
        %select_n3A_1009 = arith.select %eq3A_1008, %broadcast_in_dim3A_1, %select_n3A_765 : vector<16xi1>, vector<16xf32>
        %eq3A_1010 = arith.constant 11 : i32
        %eq3A_1011 = vector.broadcast %eq3A_1010 : i32 to vector<16xi32>
        %eq3A_1012 = arith.cmpi eq, %select_n3A_961, %eq3A_1011 : vector<16xi32>
        %select_n3A_1013 = arith.select %eq3A_1012, %broadcast_in_dim3A_1, %select_n3A_769 : vector<16xi1>, vector<16xf32>
        %eq3A_1014 = arith.constant 12 : i32
        %eq3A_1015 = vector.broadcast %eq3A_1014 : i32 to vector<16xi32>
        %eq3A_1016 = arith.cmpi eq, %select_n3A_961, %eq3A_1015 : vector<16xi32>
        %select_n3A_1017 = arith.select %eq3A_1016, %broadcast_in_dim3A_1, %select_n3A_773 : vector<16xi1>, vector<16xf32>
        %eq3A_1018 = arith.constant 13 : i32
        %eq3A_1019 = vector.broadcast %eq3A_1018 : i32 to vector<16xi32>
        %eq3A_1020 = arith.cmpi eq, %select_n3A_961, %eq3A_1019 : vector<16xi32>
        %select_n3A_1021 = arith.select %eq3A_1020, %broadcast_in_dim3A_1, %select_n3A_777 : vector<16xi1>, vector<16xf32>
        %eq3A_1022 = arith.constant 14 : i32
        %eq3A_1023 = vector.broadcast %eq3A_1022 : i32 to vector<16xi32>
        %eq3A_1024 = arith.cmpi eq, %select_n3A_961, %eq3A_1023 : vector<16xi32>
        %select_n3A_1025 = arith.select %eq3A_1024, %broadcast_in_dim3A_1, %select_n3A_781 : vector<16xi1>, vector<16xf32>
        %eq3A_1026 = arith.constant 15 : i32
        %eq3A_1027 = vector.broadcast %eq3A_1026 : i32 to vector<16xi32>
        %eq3A_1028 = arith.cmpi eq, %select_n3A_961, %eq3A_1027 : vector<16xi32>
        %select_n3A_1029 = arith.select %eq3A_1028, %broadcast_in_dim3A_1, %select_n3A_785 : vector<16xi1>, vector<16xf32>
        %eq3A_1030 = arith.constant 16 : i32
        %eq3A_1031 = vector.broadcast %eq3A_1030 : i32 to vector<16xi32>
        %eq3A_1032 = arith.cmpi eq, %select_n3A_961, %eq3A_1031 : vector<16xi32>
        %select_n3A_1033 = arith.select %eq3A_1032, %broadcast_in_dim3A_1, %select_n3A_789 : vector<16xi1>, vector<16xf32>
        %eq3A_1034 = arith.constant 17 : i32
        %eq3A_1035 = vector.broadcast %eq3A_1034 : i32 to vector<16xi32>
        %eq3A_1036 = arith.cmpi eq, %select_n3A_961, %eq3A_1035 : vector<16xi32>
        %select_n3A_1037 = arith.select %eq3A_1036, %broadcast_in_dim3A_1, %select_n3A_793 : vector<16xi1>, vector<16xf32>
        %eq3A_1038 = arith.constant 18 : i32
        %eq3A_1039 = vector.broadcast %eq3A_1038 : i32 to vector<16xi32>
        %eq3A_1040 = arith.cmpi eq, %select_n3A_961, %eq3A_1039 : vector<16xi32>
        %select_n3A_1041 = arith.select %eq3A_1040, %broadcast_in_dim3A_1, %select_n3A_797 : vector<16xi1>, vector<16xf32>
        %eq3A_1042 = arith.constant 19 : i32
        %eq3A_1043 = vector.broadcast %eq3A_1042 : i32 to vector<16xi32>
        %eq3A_1044 = arith.cmpi eq, %select_n3A_961, %eq3A_1043 : vector<16xi32>
        %select_n3A_1045 = arith.select %eq3A_1044, %broadcast_in_dim3A_1, %select_n3A_801 : vector<16xi1>, vector<16xf32>
        %eq3A_1046 = arith.constant 20 : i32
        %eq3A_1047 = vector.broadcast %eq3A_1046 : i32 to vector<16xi32>
        %eq3A_1048 = arith.cmpi eq, %select_n3A_961, %eq3A_1047 : vector<16xi32>
        %select_n3A_1049 = arith.select %eq3A_1048, %broadcast_in_dim3A_1, %select_n3A_805 : vector<16xi1>, vector<16xf32>
        %eq3A_1050 = arith.constant 21 : i32
        %eq3A_1051 = vector.broadcast %eq3A_1050 : i32 to vector<16xi32>
        %eq3A_1052 = arith.cmpi eq, %select_n3A_961, %eq3A_1051 : vector<16xi32>
        %select_n3A_1053 = arith.select %eq3A_1052, %broadcast_in_dim3A_1, %select_n3A_809 : vector<16xi1>, vector<16xf32>
        %eq3A_1054 = arith.constant 22 : i32
        %eq3A_1055 = vector.broadcast %eq3A_1054 : i32 to vector<16xi32>
        %eq3A_1056 = arith.cmpi eq, %select_n3A_961, %eq3A_1055 : vector<16xi32>
        %select_n3A_1057 = arith.select %eq3A_1056, %broadcast_in_dim3A_1, %select_n3A_813 : vector<16xi1>, vector<16xf32>
        %eq3A_1058 = arith.constant 23 : i32
        %eq3A_1059 = vector.broadcast %eq3A_1058 : i32 to vector<16xi32>
        %eq3A_1060 = arith.cmpi eq, %select_n3A_961, %eq3A_1059 : vector<16xi32>
        %select_n3A_1061 = arith.select %eq3A_1060, %broadcast_in_dim3A_1, %select_n3A_817 : vector<16xi1>, vector<16xf32>
        %eq3A_1062 = arith.constant 24 : i32
        %eq3A_1063 = vector.broadcast %eq3A_1062 : i32 to vector<16xi32>
        %eq3A_1064 = arith.cmpi eq, %select_n3A_961, %eq3A_1063 : vector<16xi32>
        %select_n3A_1065 = arith.select %eq3A_1064, %broadcast_in_dim3A_1, %select_n3A_821 : vector<16xi1>, vector<16xf32>
        %eq3A_1066 = arith.constant 25 : i32
        %eq3A_1067 = vector.broadcast %eq3A_1066 : i32 to vector<16xi32>
        %eq3A_1068 = arith.cmpi eq, %select_n3A_961, %eq3A_1067 : vector<16xi32>
        %select_n3A_1069 = arith.select %eq3A_1068, %broadcast_in_dim3A_1, %select_n3A_825 : vector<16xi1>, vector<16xf32>
        %eq3A_1070 = arith.constant 26 : i32
        %eq3A_1071 = vector.broadcast %eq3A_1070 : i32 to vector<16xi32>
        %eq3A_1072 = arith.cmpi eq, %select_n3A_961, %eq3A_1071 : vector<16xi32>
        %select_n3A_1073 = arith.select %eq3A_1072, %broadcast_in_dim3A_1, %select_n3A_829 : vector<16xi1>, vector<16xf32>
        %gt3A_1074 = arith.cmpf ogt, %select_n3A_973, %select_n3A_969 : vector<16xf32>
        %select_n3A_1075 = arith.select %gt3A_1074, %select_n3A_973, %select_n3A_969 : vector<16xi1>, vector<16xf32>
        %jit3A_1076 = arith.constant 1 : i32
        %jit3A_1077 = arith.constant 0 : i32
        %broadcast_in_dim3A_1078 = vector.broadcast %jit3A_1076 : i32 to vector<16xi32>
        %broadcast_in_dim3A_1079 = vector.broadcast %jit3A_1077 : i32 to vector<16xi32>
        %select_n3A_1080 = arith.select %gt3A_1074, %broadcast_in_dim3A_1078, %broadcast_in_dim3A_1079 : vector<16xi1>, vector<16xi32>
        %gt3A_1081 = arith.cmpf ogt, %select_n3A_981, %select_n3A_977 : vector<16xf32>
        %select_n3A_1082 = arith.select %gt3A_1081, %select_n3A_981, %select_n3A_977 : vector<16xi1>, vector<16xf32>
        %jit3A_1083 = arith.constant 3 : i32
        %jit3A_1084 = arith.constant 2 : i32
        %broadcast_in_dim3A_1085 = vector.broadcast %jit3A_1083 : i32 to vector<16xi32>
        %broadcast_in_dim3A_1086 = vector.broadcast %jit3A_1084 : i32 to vector<16xi32>
        %select_n3A_1087 = arith.select %gt3A_1081, %broadcast_in_dim3A_1085, %broadcast_in_dim3A_1086 : vector<16xi1>, vector<16xi32>
        %gt3A_1088 = arith.cmpf ogt, %select_n3A_989, %select_n3A_985 : vector<16xf32>
        %select_n3A_1089 = arith.select %gt3A_1088, %select_n3A_989, %select_n3A_985 : vector<16xi1>, vector<16xf32>
        %jit3A_1090 = arith.constant 5 : i32
        %jit3A_1091 = arith.constant 4 : i32
        %broadcast_in_dim3A_1092 = vector.broadcast %jit3A_1090 : i32 to vector<16xi32>
        %broadcast_in_dim3A_1093 = vector.broadcast %jit3A_1091 : i32 to vector<16xi32>
        %select_n3A_1094 = arith.select %gt3A_1088, %broadcast_in_dim3A_1092, %broadcast_in_dim3A_1093 : vector<16xi1>, vector<16xi32>
        %gt3A_1095 = arith.cmpf ogt, %select_n3A_997, %select_n3A_993 : vector<16xf32>
        %select_n3A_1096 = arith.select %gt3A_1095, %select_n3A_997, %select_n3A_993 : vector<16xi1>, vector<16xf32>
        %jit3A_1097 = arith.constant 7 : i32
        %jit3A_1098 = arith.constant 6 : i32
        %broadcast_in_dim3A_1099 = vector.broadcast %jit3A_1097 : i32 to vector<16xi32>
        %broadcast_in_dim3A_1100 = vector.broadcast %jit3A_1098 : i32 to vector<16xi32>
        %select_n3A_1101 = arith.select %gt3A_1095, %broadcast_in_dim3A_1099, %broadcast_in_dim3A_1100 : vector<16xi1>, vector<16xi32>
        %gt3A_1102 = arith.cmpf ogt, %select_n3A_1005, %select_n3A_1001 : vector<16xf32>
        %select_n3A_1103 = arith.select %gt3A_1102, %select_n3A_1005, %select_n3A_1001 : vector<16xi1>, vector<16xf32>
        %jit3A_1104 = arith.constant 9 : i32
        %jit3A_1105 = arith.constant 8 : i32
        %broadcast_in_dim3A_1106 = vector.broadcast %jit3A_1104 : i32 to vector<16xi32>
        %broadcast_in_dim3A_1107 = vector.broadcast %jit3A_1105 : i32 to vector<16xi32>
        %select_n3A_1108 = arith.select %gt3A_1102, %broadcast_in_dim3A_1106, %broadcast_in_dim3A_1107 : vector<16xi1>, vector<16xi32>
        %gt3A_1109 = arith.cmpf ogt, %select_n3A_1013, %select_n3A_1009 : vector<16xf32>
        %select_n3A_1110 = arith.select %gt3A_1109, %select_n3A_1013, %select_n3A_1009 : vector<16xi1>, vector<16xf32>
        %jit3A_1111 = arith.constant 11 : i32
        %jit3A_1112 = arith.constant 10 : i32
        %broadcast_in_dim3A_1113 = vector.broadcast %jit3A_1111 : i32 to vector<16xi32>
        %broadcast_in_dim3A_1114 = vector.broadcast %jit3A_1112 : i32 to vector<16xi32>
        %select_n3A_1115 = arith.select %gt3A_1109, %broadcast_in_dim3A_1113, %broadcast_in_dim3A_1114 : vector<16xi1>, vector<16xi32>
        %gt3A_1116 = arith.cmpf ogt, %select_n3A_1021, %select_n3A_1017 : vector<16xf32>
        %select_n3A_1117 = arith.select %gt3A_1116, %select_n3A_1021, %select_n3A_1017 : vector<16xi1>, vector<16xf32>
        %jit3A_1118 = arith.constant 13 : i32
        %jit3A_1119 = arith.constant 12 : i32
        %broadcast_in_dim3A_1120 = vector.broadcast %jit3A_1118 : i32 to vector<16xi32>
        %broadcast_in_dim3A_1121 = vector.broadcast %jit3A_1119 : i32 to vector<16xi32>
        %select_n3A_1122 = arith.select %gt3A_1116, %broadcast_in_dim3A_1120, %broadcast_in_dim3A_1121 : vector<16xi1>, vector<16xi32>
        %gt3A_1123 = arith.cmpf ogt, %select_n3A_1029, %select_n3A_1025 : vector<16xf32>
        %select_n3A_1124 = arith.select %gt3A_1123, %select_n3A_1029, %select_n3A_1025 : vector<16xi1>, vector<16xf32>
        %jit3A_1125 = arith.constant 15 : i32
        %jit3A_1126 = arith.constant 14 : i32
        %broadcast_in_dim3A_1127 = vector.broadcast %jit3A_1125 : i32 to vector<16xi32>
        %broadcast_in_dim3A_1128 = vector.broadcast %jit3A_1126 : i32 to vector<16xi32>
        %select_n3A_1129 = arith.select %gt3A_1123, %broadcast_in_dim3A_1127, %broadcast_in_dim3A_1128 : vector<16xi1>, vector<16xi32>
        %gt3A_1130 = arith.cmpf ogt, %select_n3A_1037, %select_n3A_1033 : vector<16xf32>
        %select_n3A_1131 = arith.select %gt3A_1130, %select_n3A_1037, %select_n3A_1033 : vector<16xi1>, vector<16xf32>
        %jit3A_1132 = arith.constant 17 : i32
        %jit3A_1133 = arith.constant 16 : i32
        %broadcast_in_dim3A_1134 = vector.broadcast %jit3A_1132 : i32 to vector<16xi32>
        %broadcast_in_dim3A_1135 = vector.broadcast %jit3A_1133 : i32 to vector<16xi32>
        %select_n3A_1136 = arith.select %gt3A_1130, %broadcast_in_dim3A_1134, %broadcast_in_dim3A_1135 : vector<16xi1>, vector<16xi32>
        %gt3A_1137 = arith.cmpf ogt, %select_n3A_1045, %select_n3A_1041 : vector<16xf32>
        %select_n3A_1138 = arith.select %gt3A_1137, %select_n3A_1045, %select_n3A_1041 : vector<16xi1>, vector<16xf32>
        %jit3A_1139 = arith.constant 19 : i32
        %jit3A_1140 = arith.constant 18 : i32
        %broadcast_in_dim3A_1141 = vector.broadcast %jit3A_1139 : i32 to vector<16xi32>
        %broadcast_in_dim3A_1142 = vector.broadcast %jit3A_1140 : i32 to vector<16xi32>
        %select_n3A_1143 = arith.select %gt3A_1137, %broadcast_in_dim3A_1141, %broadcast_in_dim3A_1142 : vector<16xi1>, vector<16xi32>
        %gt3A_1144 = arith.cmpf ogt, %select_n3A_1053, %select_n3A_1049 : vector<16xf32>
        %select_n3A_1145 = arith.select %gt3A_1144, %select_n3A_1053, %select_n3A_1049 : vector<16xi1>, vector<16xf32>
        %jit3A_1146 = arith.constant 21 : i32
        %jit3A_1147 = arith.constant 20 : i32
        %broadcast_in_dim3A_1148 = vector.broadcast %jit3A_1146 : i32 to vector<16xi32>
        %broadcast_in_dim3A_1149 = vector.broadcast %jit3A_1147 : i32 to vector<16xi32>
        %select_n3A_1150 = arith.select %gt3A_1144, %broadcast_in_dim3A_1148, %broadcast_in_dim3A_1149 : vector<16xi1>, vector<16xi32>
        %gt3A_1151 = arith.cmpf ogt, %select_n3A_1061, %select_n3A_1057 : vector<16xf32>
        %select_n3A_1152 = arith.select %gt3A_1151, %select_n3A_1061, %select_n3A_1057 : vector<16xi1>, vector<16xf32>
        %jit3A_1153 = arith.constant 23 : i32
        %jit3A_1154 = arith.constant 22 : i32
        %broadcast_in_dim3A_1155 = vector.broadcast %jit3A_1153 : i32 to vector<16xi32>
        %broadcast_in_dim3A_1156 = vector.broadcast %jit3A_1154 : i32 to vector<16xi32>
        %select_n3A_1157 = arith.select %gt3A_1151, %broadcast_in_dim3A_1155, %broadcast_in_dim3A_1156 : vector<16xi1>, vector<16xi32>
        %gt3A_1158 = arith.cmpf ogt, %select_n3A_1069, %select_n3A_1065 : vector<16xf32>
        %select_n3A_1159 = arith.select %gt3A_1158, %select_n3A_1069, %select_n3A_1065 : vector<16xi1>, vector<16xf32>
        %jit3A_1160 = arith.constant 25 : i32
        %jit3A_1161 = arith.constant 24 : i32
        %broadcast_in_dim3A_1162 = vector.broadcast %jit3A_1160 : i32 to vector<16xi32>
        %broadcast_in_dim3A_1163 = vector.broadcast %jit3A_1161 : i32 to vector<16xi32>
        %select_n3A_1164 = arith.select %gt3A_1158, %broadcast_in_dim3A_1162, %broadcast_in_dim3A_1163 : vector<16xi1>, vector<16xi32>
        %broadcast_in_dim3A_1165 = arith.constant 26 : i32
        %broadcast_in_dim3A_1166 = vector.broadcast %broadcast_in_dim3A_1165 : i32 to vector<16xi32>
        %gt3A_1167 = arith.cmpf ogt, %select_n3A_1082, %select_n3A_1075 : vector<16xf32>
        %select_n3A_1168 = arith.select %gt3A_1167, %select_n3A_1082, %select_n3A_1075 : vector<16xi1>, vector<16xf32>
        %select_n3A_1169 = arith.select %gt3A_1167, %select_n3A_1087, %select_n3A_1080 : vector<16xi1>, vector<16xi32>
        %gt3A_1170 = arith.cmpf ogt, %select_n3A_1096, %select_n3A_1089 : vector<16xf32>
        %select_n3A_1171 = arith.select %gt3A_1170, %select_n3A_1096, %select_n3A_1089 : vector<16xi1>, vector<16xf32>
        %select_n3A_1172 = arith.select %gt3A_1170, %select_n3A_1101, %select_n3A_1094 : vector<16xi1>, vector<16xi32>
        %gt3A_1173 = arith.cmpf ogt, %select_n3A_1110, %select_n3A_1103 : vector<16xf32>
        %select_n3A_1174 = arith.select %gt3A_1173, %select_n3A_1110, %select_n3A_1103 : vector<16xi1>, vector<16xf32>
        %select_n3A_1175 = arith.select %gt3A_1173, %select_n3A_1115, %select_n3A_1108 : vector<16xi1>, vector<16xi32>
        %gt3A_1176 = arith.cmpf ogt, %select_n3A_1124, %select_n3A_1117 : vector<16xf32>
        %select_n3A_1177 = arith.select %gt3A_1176, %select_n3A_1124, %select_n3A_1117 : vector<16xi1>, vector<16xf32>
        %select_n3A_1178 = arith.select %gt3A_1176, %select_n3A_1129, %select_n3A_1122 : vector<16xi1>, vector<16xi32>
        %gt3A_1179 = arith.cmpf ogt, %select_n3A_1138, %select_n3A_1131 : vector<16xf32>
        %select_n3A_1180 = arith.select %gt3A_1179, %select_n3A_1138, %select_n3A_1131 : vector<16xi1>, vector<16xf32>
        %select_n3A_1181 = arith.select %gt3A_1179, %select_n3A_1143, %select_n3A_1136 : vector<16xi1>, vector<16xi32>
        %gt3A_1182 = arith.cmpf ogt, %select_n3A_1152, %select_n3A_1145 : vector<16xf32>
        %select_n3A_1183 = arith.select %gt3A_1182, %select_n3A_1152, %select_n3A_1145 : vector<16xi1>, vector<16xf32>
        %select_n3A_1184 = arith.select %gt3A_1182, %select_n3A_1157, %select_n3A_1150 : vector<16xi1>, vector<16xi32>
        %gt3A_1185 = arith.cmpf ogt, %select_n3A_1073, %select_n3A_1159 : vector<16xf32>
        %select_n3A_1186 = arith.select %gt3A_1185, %select_n3A_1073, %select_n3A_1159 : vector<16xi1>, vector<16xf32>
        %select_n3A_1187 = arith.select %gt3A_1185, %broadcast_in_dim3A_1166, %select_n3A_1164 : vector<16xi1>, vector<16xi32>
        %gt3A_1188 = arith.cmpf ogt, %select_n3A_1171, %select_n3A_1168 : vector<16xf32>
        %select_n3A_1189 = arith.select %gt3A_1188, %select_n3A_1171, %select_n3A_1168 : vector<16xi1>, vector<16xf32>
        %select_n3A_1190 = arith.select %gt3A_1188, %select_n3A_1172, %select_n3A_1169 : vector<16xi1>, vector<16xi32>
        %gt3A_1191 = arith.cmpf ogt, %select_n3A_1177, %select_n3A_1174 : vector<16xf32>
        %select_n3A_1192 = arith.select %gt3A_1191, %select_n3A_1177, %select_n3A_1174 : vector<16xi1>, vector<16xf32>
        %select_n3A_1193 = arith.select %gt3A_1191, %select_n3A_1178, %select_n3A_1175 : vector<16xi1>, vector<16xi32>
        %gt3A_1194 = arith.cmpf ogt, %select_n3A_1183, %select_n3A_1180 : vector<16xf32>
        %select_n3A_1195 = arith.select %gt3A_1194, %select_n3A_1183, %select_n3A_1180 : vector<16xi1>, vector<16xf32>
        %select_n3A_1196 = arith.select %gt3A_1194, %select_n3A_1184, %select_n3A_1181 : vector<16xi1>, vector<16xi32>
        %gt3A_1197 = arith.cmpf ogt, %select_n3A_1192, %select_n3A_1189 : vector<16xf32>
        %select_n3A_1198 = arith.select %gt3A_1197, %select_n3A_1192, %select_n3A_1189 : vector<16xi1>, vector<16xf32>
        %select_n3A_1199 = arith.select %gt3A_1197, %select_n3A_1193, %select_n3A_1190 : vector<16xi1>, vector<16xi32>
        %gt3A_1200 = arith.cmpf ogt, %select_n3A_1186, %select_n3A_1195 : vector<16xf32>
        %select_n3A_1201 = arith.select %gt3A_1200, %select_n3A_1186, %select_n3A_1195 : vector<16xi1>, vector<16xf32>
        %select_n3A_1202 = arith.select %gt3A_1200, %select_n3A_1187, %select_n3A_1196 : vector<16xi1>, vector<16xi32>
        %gt3A_1203 = arith.cmpf ogt, %select_n3A_1201, %select_n3A_1198 : vector<16xf32>
        %select_n3A_1204 = arith.select %gt3A_1203, %select_n3A_1201, %select_n3A_1198 : vector<16xi1>, vector<16xf32>
        %select_n3A_1205 = arith.select %gt3A_1203, %select_n3A_1202, %select_n3A_1199 : vector<16xi1>, vector<16xi32>
        %swap3A_1206 = arith.constant 4 : i32
        %swap3A_1207 = arith.index_cast %swap3A_1206 : i32 to index
        %swap3A_1208 = arith.index_cast %mul3A_19 : i32 to index
        %swap3A_1209 = tpu.vector_load %arg6[%swap3A_1207, %swap3A_1208] {strides = array<i32>} : memref<8x2816xi32, #tpu.memory_space<vmem>>, vector<16xi32>,
        tpu.vector_store %arg6[%swap3A_1207, %swap3A_1208], %select_n3A_1205 {strides = array<i32>} : memref<8x2816xi32, #tpu.memory_space<vmem>>, vector<16xi32>,
      }
      %scan3A_14 = arith.constant 176 : i32
      "tpu.region"() ({
        %run_scoped3A = tpu.sem_alloc : memref<!tpu.dma_semaphore, #tpu.memory_space<semaphore_mem>>
        %dma_start3A = arith.constant 0 : i32
        %dma_start3A_15 = tpu.memref_slice %arg4[%dma_start3A, %mul3A_9] : memref<8x90112xi32, #tpu.memory_space<hbm>> -> memref<8x2816xi32, #tpu.memory_space<hbm>>
        %dma_start3A_16 = arith.constant 0 : i32
        %dma_start3A_17 = tpu.memref_slice %arg4[%dma_start3A_16, %mul3A_9] : memref<8x90112xi32, #tpu.memory_space<hbm>> -> memref<8x2816xi32, #tpu.memory_space<hbm>>
        tpu.enqueue_dma source(%arg6 : memref<8x2816xi32, #tpu.memory_space<vmem>>) target(%dma_start3A_17 : memref<8x2816xi32, #tpu.memory_space<hbm>>) target_semaphore(%run_scoped3A : memref<!tpu.dma_semaphore, #tpu.memory_space<semaphore_mem>>)
        %dma_wait3A = arith.constant 0 : i32
        %dma_wait3A_18 = tpu.memref_slice %arg4[%dma_wait3A, %mul3A_9] : memref<8x90112xi32, #tpu.memory_space<hbm>> -> memref<8x2816xi32, #tpu.memory_space<hbm>>
        %dma_wait3A_19 = arith.constant 0 : i32
        %dma_wait3A_20 = tpu.memref_slice %arg4[%dma_wait3A_19, %mul3A_9] : memref<8x90112xi32, #tpu.memory_space<hbm>> -> memref<8x2816xi32, #tpu.memory_space<hbm>>
        tpu.wait_dma2 semaphore(%run_scoped3A : memref<!tpu.dma_semaphore, #tpu.memory_space<semaphore_mem>>) src(%arg6 : memref<8x2816xi32, #tpu.memory_space<vmem>>) dst(%dma_wait3A_20 : memref<8x2816xi32, #tpu.memory_space<hbm>>)
        tpu.yield
      }) : () -> ()
    } else {
    }
    %eq3A = arith.constant 31 : i32
    %eq3A_4 = arith.cmpi eq, %add3A, %eq3A : i32
    %convert_element_type3A_5 = arith.extui %eq3A_4 : i1 to i32
    %cond3A_6 = arith.constant 0 : i32
    %cond3A_7 = arith.cmpi ne, %convert_element_type3A_5, %cond3A_6 : i32
    scf.if %cond3A_7 {
      "tpu.region"() ({
        %run_scoped3A = tpu.sem_alloc : memref<!tpu.dma_semaphore, #tpu.memory_space<semaphore_mem>>
        %dma_start3A = arith.constant 0 : i32
        %dma_start3A_19 = arith.constant 0 : i32
        %dma_start3A_20 = tpu.memref_slice %arg5[%dma_start3A, %dma_start3A_19] : memref<27x2816xf32, #tpu.memory_space<vmem>> -> memref<27x2304xf32, #tpu.memory_space<vmem>>
        %dma_start3A_21 = arith.constant 0 : i32
        %dma_start3A_22 = arith.constant 87296 : i32
        %dma_start3A_23 = tpu.memref_slice %arg2[%dma_start3A_21, %dma_start3A_22] : memref<27x89700xf32, #tpu.memory_space<hbm>> -> memref<27x2304xf32, #tpu.memory_space<hbm>>
        %dma_start3A_24 = arith.constant 0 : i32
        %dma_start3A_25 = arith.constant 0 : i32
        %dma_start3A_26 = tpu.memref_slice %arg5[%dma_start3A_24, %dma_start3A_25] : memref<27x2816xf32, #tpu.memory_space<vmem>> -> memref<27x2304xf32, #tpu.memory_space<vmem>>
        %dma_start3A_27 = arith.constant 0 : i32
        %dma_start3A_28 = arith.constant 87296 : i32
        %dma_start3A_29 = tpu.memref_slice %arg2[%dma_start3A_27, %dma_start3A_28] : memref<27x89700xf32, #tpu.memory_space<hbm>> -> memref<27x2304xf32, #tpu.memory_space<hbm>>
        tpu.enqueue_dma source(%dma_start3A_29 : memref<27x2304xf32, #tpu.memory_space<hbm>>) target(%dma_start3A_26 : memref<27x2304xf32, #tpu.memory_space<vmem>>) target_semaphore(%run_scoped3A : memref<!tpu.dma_semaphore, #tpu.memory_space<semaphore_mem>>)
        %dma_wait3A = arith.constant 0 : i32
        %dma_wait3A_30 = arith.constant 0 : i32
        %dma_wait3A_31 = tpu.memref_slice %arg5[%dma_wait3A, %dma_wait3A_30] : memref<27x2816xf32, #tpu.memory_space<vmem>> -> memref<27x2304xf32, #tpu.memory_space<vmem>>
        %dma_wait3A_32 = arith.constant 0 : i32
        %dma_wait3A_33 = arith.constant 87296 : i32
        %dma_wait3A_34 = tpu.memref_slice %arg2[%dma_wait3A_32, %dma_wait3A_33] : memref<27x89700xf32, #tpu.memory_space<hbm>> -> memref<27x2304xf32, #tpu.memory_space<hbm>>
        %dma_wait3A_35 = arith.constant 0 : i32
        %dma_wait3A_36 = arith.constant 0 : i32
        %dma_wait3A_37 = tpu.memref_slice %arg5[%dma_wait3A_35, %dma_wait3A_36] : memref<27x2816xf32, #tpu.memory_space<vmem>> -> memref<27x2304xf32, #tpu.memory_space<vmem>>
        %dma_wait3A_38 = arith.constant 0 : i32
        %dma_wait3A_39 = arith.constant 87296 : i32
        %dma_wait3A_40 = tpu.memref_slice %arg2[%dma_wait3A_38, %dma_wait3A_39] : memref<27x89700xf32, #tpu.memory_space<hbm>> -> memref<27x2304xf32, #tpu.memory_space<hbm>>
        tpu.wait_dma2 semaphore(%run_scoped3A : memref<!tpu.dma_semaphore, #tpu.memory_space<semaphore_mem>>) src(%dma_wait3A_40 : memref<27x2304xf32, #tpu.memory_space<hbm>>) dst(%dma_wait3A_37 : memref<27x2304xf32, #tpu.memory_space<vmem>>)
        tpu.yield
      }) : () -> ()
      %scan3A = arith.constant 0 : i32
      %scan3A_8 = arith.constant 0 : i32
      %scan3A_9 = arith.constant 144 : i32
      %scan3A_10 = arith.addi %scan3A_8, %scan3A_9 : i32
      %scan3A_11 = arith.constant 1 : i32
      scf.for %scan3A_19 = %scan3A_8 to %scan3A_10 step %scan3A_11  : i32 {
        %mul3A_20 = arith.constant 16 : i32
        %mul3A_21 = arith.muli %scan3A_19, %mul3A_20 : i32
        %mul3A_22 = arith.constant 16 : i32
        %mul3A_23 = arith.muli %scan3A_19, %mul3A_22 : i32
        %add3A_24 = vector.broadcast %mul3A_21 : i32 to vector<16xi32>
        %add3A_25 = arith.addi %add3A_24, %iota3A : vector<16xi32>
        %broadcast_in_dim3A_26 = arith.constant 0 : i32
        %broadcast_in_dim3A_27 = vector.broadcast %broadcast_in_dim3A_26 : i32 to vector<16xi32>
        %gather3A = tpu.vector_load_idx %arg5[%broadcast_in_dim3A_27, %add3A_25] : memref<27x2816xf32, #tpu.memory_space<vmem>>[vector<16xi32>, vector<16xi32>], vector<16xf32>,
        %broadcast_in_dim3A_28 = arith.constant 1 : i32
        %broadcast_in_dim3A_29 = vector.broadcast %broadcast_in_dim3A_28 : i32 to vector<16xi32>
        %gather3A_30 = tpu.vector_load_idx %arg5[%broadcast_in_dim3A_29, %add3A_25] : memref<27x2816xf32, #tpu.memory_space<vmem>>[vector<16xi32>, vector<16xi32>], vector<16xf32>,
        %broadcast_in_dim3A_31 = arith.constant 2 : i32
        %broadcast_in_dim3A_32 = vector.broadcast %broadcast_in_dim3A_31 : i32 to vector<16xi32>
        %gather3A_33 = tpu.vector_load_idx %arg5[%broadcast_in_dim3A_32, %add3A_25] : memref<27x2816xf32, #tpu.memory_space<vmem>>[vector<16xi32>, vector<16xi32>], vector<16xf32>,
        %broadcast_in_dim3A_34 = arith.constant 3 : i32
        %broadcast_in_dim3A_35 = vector.broadcast %broadcast_in_dim3A_34 : i32 to vector<16xi32>
        %gather3A_36 = tpu.vector_load_idx %arg5[%broadcast_in_dim3A_35, %add3A_25] : memref<27x2816xf32, #tpu.memory_space<vmem>>[vector<16xi32>, vector<16xi32>], vector<16xf32>,
        %broadcast_in_dim3A_37 = arith.constant 4 : i32
        %broadcast_in_dim3A_38 = vector.broadcast %broadcast_in_dim3A_37 : i32 to vector<16xi32>
        %gather3A_39 = tpu.vector_load_idx %arg5[%broadcast_in_dim3A_38, %add3A_25] : memref<27x2816xf32, #tpu.memory_space<vmem>>[vector<16xi32>, vector<16xi32>], vector<16xf32>,
        %broadcast_in_dim3A_40 = arith.constant 5 : i32
        %broadcast_in_dim3A_41 = vector.broadcast %broadcast_in_dim3A_40 : i32 to vector<16xi32>
        %gather3A_42 = tpu.vector_load_idx %arg5[%broadcast_in_dim3A_41, %add3A_25] : memref<27x2816xf32, #tpu.memory_space<vmem>>[vector<16xi32>, vector<16xi32>], vector<16xf32>,
        %broadcast_in_dim3A_43 = arith.constant 6 : i32
        %broadcast_in_dim3A_44 = vector.broadcast %broadcast_in_dim3A_43 : i32 to vector<16xi32>
        %gather3A_45 = tpu.vector_load_idx %arg5[%broadcast_in_dim3A_44, %add3A_25] : memref<27x2816xf32, #tpu.memory_space<vmem>>[vector<16xi32>, vector<16xi32>], vector<16xf32>,
        %broadcast_in_dim3A_46 = arith.constant 7 : i32
        %broadcast_in_dim3A_47 = vector.broadcast %broadcast_in_dim3A_46 : i32 to vector<16xi32>
        %gather3A_48 = tpu.vector_load_idx %arg5[%broadcast_in_dim3A_47, %add3A_25] : memref<27x2816xf32, #tpu.memory_space<vmem>>[vector<16xi32>, vector<16xi32>], vector<16xf32>,
        %broadcast_in_dim3A_49 = arith.constant 8 : i32
        %broadcast_in_dim3A_50 = vector.broadcast %broadcast_in_dim3A_49 : i32 to vector<16xi32>
        %gather3A_51 = tpu.vector_load_idx %arg5[%broadcast_in_dim3A_50, %add3A_25] : memref<27x2816xf32, #tpu.memory_space<vmem>>[vector<16xi32>, vector<16xi32>], vector<16xf32>,
        %broadcast_in_dim3A_52 = arith.constant 9 : i32
        %broadcast_in_dim3A_53 = vector.broadcast %broadcast_in_dim3A_52 : i32 to vector<16xi32>
        %gather3A_54 = tpu.vector_load_idx %arg5[%broadcast_in_dim3A_53, %add3A_25] : memref<27x2816xf32, #tpu.memory_space<vmem>>[vector<16xi32>, vector<16xi32>], vector<16xf32>,
        %broadcast_in_dim3A_55 = arith.constant 10 : i32
        %broadcast_in_dim3A_56 = vector.broadcast %broadcast_in_dim3A_55 : i32 to vector<16xi32>
        %gather3A_57 = tpu.vector_load_idx %arg5[%broadcast_in_dim3A_56, %add3A_25] : memref<27x2816xf32, #tpu.memory_space<vmem>>[vector<16xi32>, vector<16xi32>], vector<16xf32>,
        %broadcast_in_dim3A_58 = arith.constant 11 : i32
        %broadcast_in_dim3A_59 = vector.broadcast %broadcast_in_dim3A_58 : i32 to vector<16xi32>
        %gather3A_60 = tpu.vector_load_idx %arg5[%broadcast_in_dim3A_59, %add3A_25] : memref<27x2816xf32, #tpu.memory_space<vmem>>[vector<16xi32>, vector<16xi32>], vector<16xf32>,
        %broadcast_in_dim3A_61 = arith.constant 12 : i32
        %broadcast_in_dim3A_62 = vector.broadcast %broadcast_in_dim3A_61 : i32 to vector<16xi32>
        %gather3A_63 = tpu.vector_load_idx %arg5[%broadcast_in_dim3A_62, %add3A_25] : memref<27x2816xf32, #tpu.memory_space<vmem>>[vector<16xi32>, vector<16xi32>], vector<16xf32>,
        %broadcast_in_dim3A_64 = arith.constant 13 : i32
        %broadcast_in_dim3A_65 = vector.broadcast %broadcast_in_dim3A_64 : i32 to vector<16xi32>
        %gather3A_66 = tpu.vector_load_idx %arg5[%broadcast_in_dim3A_65, %add3A_25] : memref<27x2816xf32, #tpu.memory_space<vmem>>[vector<16xi32>, vector<16xi32>], vector<16xf32>,
        %broadcast_in_dim3A_67 = arith.constant 14 : i32
        %broadcast_in_dim3A_68 = vector.broadcast %broadcast_in_dim3A_67 : i32 to vector<16xi32>
        %gather3A_69 = tpu.vector_load_idx %arg5[%broadcast_in_dim3A_68, %add3A_25] : memref<27x2816xf32, #tpu.memory_space<vmem>>[vector<16xi32>, vector<16xi32>], vector<16xf32>,
        %broadcast_in_dim3A_70 = arith.constant 15 : i32
        %broadcast_in_dim3A_71 = vector.broadcast %broadcast_in_dim3A_70 : i32 to vector<16xi32>
        %gather3A_72 = tpu.vector_load_idx %arg5[%broadcast_in_dim3A_71, %add3A_25] : memref<27x2816xf32, #tpu.memory_space<vmem>>[vector<16xi32>, vector<16xi32>], vector<16xf32>,
        %broadcast_in_dim3A_73 = arith.constant 16 : i32
        %broadcast_in_dim3A_74 = vector.broadcast %broadcast_in_dim3A_73 : i32 to vector<16xi32>
        %gather3A_75 = tpu.vector_load_idx %arg5[%broadcast_in_dim3A_74, %add3A_25] : memref<27x2816xf32, #tpu.memory_space<vmem>>[vector<16xi32>, vector<16xi32>], vector<16xf32>,
        %broadcast_in_dim3A_76 = arith.constant 17 : i32
        %broadcast_in_dim3A_77 = vector.broadcast %broadcast_in_dim3A_76 : i32 to vector<16xi32>
        %gather3A_78 = tpu.vector_load_idx %arg5[%broadcast_in_dim3A_77, %add3A_25] : memref<27x2816xf32, #tpu.memory_space<vmem>>[vector<16xi32>, vector<16xi32>], vector<16xf32>,
        %broadcast_in_dim3A_79 = arith.constant 18 : i32
        %broadcast_in_dim3A_80 = vector.broadcast %broadcast_in_dim3A_79 : i32 to vector<16xi32>
        %gather3A_81 = tpu.vector_load_idx %arg5[%broadcast_in_dim3A_80, %add3A_25] : memref<27x2816xf32, #tpu.memory_space<vmem>>[vector<16xi32>, vector<16xi32>], vector<16xf32>,
        %broadcast_in_dim3A_82 = arith.constant 19 : i32
        %broadcast_in_dim3A_83 = vector.broadcast %broadcast_in_dim3A_82 : i32 to vector<16xi32>
        %gather3A_84 = tpu.vector_load_idx %arg5[%broadcast_in_dim3A_83, %add3A_25] : memref<27x2816xf32, #tpu.memory_space<vmem>>[vector<16xi32>, vector<16xi32>], vector<16xf32>,
        %broadcast_in_dim3A_85 = arith.constant 20 : i32
        %broadcast_in_dim3A_86 = vector.broadcast %broadcast_in_dim3A_85 : i32 to vector<16xi32>
        %gather3A_87 = tpu.vector_load_idx %arg5[%broadcast_in_dim3A_86, %add3A_25] : memref<27x2816xf32, #tpu.memory_space<vmem>>[vector<16xi32>, vector<16xi32>], vector<16xf32>,
        %broadcast_in_dim3A_88 = arith.constant 21 : i32
        %broadcast_in_dim3A_89 = vector.broadcast %broadcast_in_dim3A_88 : i32 to vector<16xi32>
        %gather3A_90 = tpu.vector_load_idx %arg5[%broadcast_in_dim3A_89, %add3A_25] : memref<27x2816xf32, #tpu.memory_space<vmem>>[vector<16xi32>, vector<16xi32>], vector<16xf32>,
        %broadcast_in_dim3A_91 = arith.constant 22 : i32
        %broadcast_in_dim3A_92 = vector.broadcast %broadcast_in_dim3A_91 : i32 to vector<16xi32>
        %gather3A_93 = tpu.vector_load_idx %arg5[%broadcast_in_dim3A_92, %add3A_25] : memref<27x2816xf32, #tpu.memory_space<vmem>>[vector<16xi32>, vector<16xi32>], vector<16xf32>,
        %broadcast_in_dim3A_94 = arith.constant 23 : i32
        %broadcast_in_dim3A_95 = vector.broadcast %broadcast_in_dim3A_94 : i32 to vector<16xi32>
        %gather3A_96 = tpu.vector_load_idx %arg5[%broadcast_in_dim3A_95, %add3A_25] : memref<27x2816xf32, #tpu.memory_space<vmem>>[vector<16xi32>, vector<16xi32>], vector<16xf32>,
        %broadcast_in_dim3A_97 = arith.constant 24 : i32
        %broadcast_in_dim3A_98 = vector.broadcast %broadcast_in_dim3A_97 : i32 to vector<16xi32>
        %gather3A_99 = tpu.vector_load_idx %arg5[%broadcast_in_dim3A_98, %add3A_25] : memref<27x2816xf32, #tpu.memory_space<vmem>>[vector<16xi32>, vector<16xi32>], vector<16xf32>,
        %broadcast_in_dim3A_100 = arith.constant 25 : i32
        %broadcast_in_dim3A_101 = vector.broadcast %broadcast_in_dim3A_100 : i32 to vector<16xi32>
        %gather3A_102 = tpu.vector_load_idx %arg5[%broadcast_in_dim3A_101, %add3A_25] : memref<27x2816xf32, #tpu.memory_space<vmem>>[vector<16xi32>, vector<16xi32>], vector<16xf32>,
        %broadcast_in_dim3A_103 = arith.constant 26 : i32
        %broadcast_in_dim3A_104 = vector.broadcast %broadcast_in_dim3A_103 : i32 to vector<16xi32>
        %gather3A_105 = tpu.vector_load_idx %arg5[%broadcast_in_dim3A_104, %add3A_25] : memref<27x2816xf32, #tpu.memory_space<vmem>>[vector<16xi32>, vector<16xi32>], vector<16xf32>,
        %gt3A = arith.cmpf ogt, %gather3A_30, %gather3A : vector<16xf32>
        %select_n3A = arith.select %gt3A, %gather3A_30, %gather3A : vector<16xi1>, vector<16xf32>
        %jit3A = arith.constant 1 : i32
        %jit3A_106 = arith.constant 0 : i32
        %broadcast_in_dim3A_107 = vector.broadcast %jit3A : i32 to vector<16xi32>
        %broadcast_in_dim3A_108 = vector.broadcast %jit3A_106 : i32 to vector<16xi32>
        %select_n3A_109 = arith.select %gt3A, %broadcast_in_dim3A_107, %broadcast_in_dim3A_108 : vector<16xi1>, vector<16xi32>
        %gt3A_110 = arith.cmpf ogt, %gather3A_36, %gather3A_33 : vector<16xf32>
        %select_n3A_111 = arith.select %gt3A_110, %gather3A_36, %gather3A_33 : vector<16xi1>, vector<16xf32>
        %jit3A_112 = arith.constant 3 : i32
        %jit3A_113 = arith.constant 2 : i32
        %broadcast_in_dim3A_114 = vector.broadcast %jit3A_112 : i32 to vector<16xi32>
        %broadcast_in_dim3A_115 = vector.broadcast %jit3A_113 : i32 to vector<16xi32>
        %select_n3A_116 = arith.select %gt3A_110, %broadcast_in_dim3A_114, %broadcast_in_dim3A_115 : vector<16xi1>, vector<16xi32>
        %gt3A_117 = arith.cmpf ogt, %gather3A_42, %gather3A_39 : vector<16xf32>
        %select_n3A_118 = arith.select %gt3A_117, %gather3A_42, %gather3A_39 : vector<16xi1>, vector<16xf32>
        %jit3A_119 = arith.constant 5 : i32
        %jit3A_120 = arith.constant 4 : i32
        %broadcast_in_dim3A_121 = vector.broadcast %jit3A_119 : i32 to vector<16xi32>
        %broadcast_in_dim3A_122 = vector.broadcast %jit3A_120 : i32 to vector<16xi32>
        %select_n3A_123 = arith.select %gt3A_117, %broadcast_in_dim3A_121, %broadcast_in_dim3A_122 : vector<16xi1>, vector<16xi32>
        %gt3A_124 = arith.cmpf ogt, %gather3A_48, %gather3A_45 : vector<16xf32>
        %select_n3A_125 = arith.select %gt3A_124, %gather3A_48, %gather3A_45 : vector<16xi1>, vector<16xf32>
        %jit3A_126 = arith.constant 7 : i32
        %jit3A_127 = arith.constant 6 : i32
        %broadcast_in_dim3A_128 = vector.broadcast %jit3A_126 : i32 to vector<16xi32>
        %broadcast_in_dim3A_129 = vector.broadcast %jit3A_127 : i32 to vector<16xi32>
        %select_n3A_130 = arith.select %gt3A_124, %broadcast_in_dim3A_128, %broadcast_in_dim3A_129 : vector<16xi1>, vector<16xi32>
        %gt3A_131 = arith.cmpf ogt, %gather3A_54, %gather3A_51 : vector<16xf32>
        %select_n3A_132 = arith.select %gt3A_131, %gather3A_54, %gather3A_51 : vector<16xi1>, vector<16xf32>
        %jit3A_133 = arith.constant 9 : i32
        %jit3A_134 = arith.constant 8 : i32
        %broadcast_in_dim3A_135 = vector.broadcast %jit3A_133 : i32 to vector<16xi32>
        %broadcast_in_dim3A_136 = vector.broadcast %jit3A_134 : i32 to vector<16xi32>
        %select_n3A_137 = arith.select %gt3A_131, %broadcast_in_dim3A_135, %broadcast_in_dim3A_136 : vector<16xi1>, vector<16xi32>
        %gt3A_138 = arith.cmpf ogt, %gather3A_60, %gather3A_57 : vector<16xf32>
        %select_n3A_139 = arith.select %gt3A_138, %gather3A_60, %gather3A_57 : vector<16xi1>, vector<16xf32>
        %jit3A_140 = arith.constant 11 : i32
        %jit3A_141 = arith.constant 10 : i32
        %broadcast_in_dim3A_142 = vector.broadcast %jit3A_140 : i32 to vector<16xi32>
        %broadcast_in_dim3A_143 = vector.broadcast %jit3A_141 : i32 to vector<16xi32>
        %select_n3A_144 = arith.select %gt3A_138, %broadcast_in_dim3A_142, %broadcast_in_dim3A_143 : vector<16xi1>, vector<16xi32>
        %gt3A_145 = arith.cmpf ogt, %gather3A_66, %gather3A_63 : vector<16xf32>
        %select_n3A_146 = arith.select %gt3A_145, %gather3A_66, %gather3A_63 : vector<16xi1>, vector<16xf32>
        %jit3A_147 = arith.constant 13 : i32
        %jit3A_148 = arith.constant 12 : i32
        %broadcast_in_dim3A_149 = vector.broadcast %jit3A_147 : i32 to vector<16xi32>
        %broadcast_in_dim3A_150 = vector.broadcast %jit3A_148 : i32 to vector<16xi32>
        %select_n3A_151 = arith.select %gt3A_145, %broadcast_in_dim3A_149, %broadcast_in_dim3A_150 : vector<16xi1>, vector<16xi32>
        %gt3A_152 = arith.cmpf ogt, %gather3A_72, %gather3A_69 : vector<16xf32>
        %select_n3A_153 = arith.select %gt3A_152, %gather3A_72, %gather3A_69 : vector<16xi1>, vector<16xf32>
        %jit3A_154 = arith.constant 15 : i32
        %jit3A_155 = arith.constant 14 : i32
        %broadcast_in_dim3A_156 = vector.broadcast %jit3A_154 : i32 to vector<16xi32>
        %broadcast_in_dim3A_157 = vector.broadcast %jit3A_155 : i32 to vector<16xi32>
        %select_n3A_158 = arith.select %gt3A_152, %broadcast_in_dim3A_156, %broadcast_in_dim3A_157 : vector<16xi1>, vector<16xi32>
        %gt3A_159 = arith.cmpf ogt, %gather3A_78, %gather3A_75 : vector<16xf32>
        %select_n3A_160 = arith.select %gt3A_159, %gather3A_78, %gather3A_75 : vector<16xi1>, vector<16xf32>
        %jit3A_161 = arith.constant 17 : i32
        %jit3A_162 = arith.constant 16 : i32
        %broadcast_in_dim3A_163 = vector.broadcast %jit3A_161 : i32 to vector<16xi32>
        %broadcast_in_dim3A_164 = vector.broadcast %jit3A_162 : i32 to vector<16xi32>
        %select_n3A_165 = arith.select %gt3A_159, %broadcast_in_dim3A_163, %broadcast_in_dim3A_164 : vector<16xi1>, vector<16xi32>
        %gt3A_166 = arith.cmpf ogt, %gather3A_84, %gather3A_81 : vector<16xf32>
        %select_n3A_167 = arith.select %gt3A_166, %gather3A_84, %gather3A_81 : vector<16xi1>, vector<16xf32>
        %jit3A_168 = arith.constant 19 : i32
        %jit3A_169 = arith.constant 18 : i32
        %broadcast_in_dim3A_170 = vector.broadcast %jit3A_168 : i32 to vector<16xi32>
        %broadcast_in_dim3A_171 = vector.broadcast %jit3A_169 : i32 to vector<16xi32>
        %select_n3A_172 = arith.select %gt3A_166, %broadcast_in_dim3A_170, %broadcast_in_dim3A_171 : vector<16xi1>, vector<16xi32>
        %gt3A_173 = arith.cmpf ogt, %gather3A_90, %gather3A_87 : vector<16xf32>
        %select_n3A_174 = arith.select %gt3A_173, %gather3A_90, %gather3A_87 : vector<16xi1>, vector<16xf32>
        %jit3A_175 = arith.constant 21 : i32
        %jit3A_176 = arith.constant 20 : i32
        %broadcast_in_dim3A_177 = vector.broadcast %jit3A_175 : i32 to vector<16xi32>
        %broadcast_in_dim3A_178 = vector.broadcast %jit3A_176 : i32 to vector<16xi32>
        %select_n3A_179 = arith.select %gt3A_173, %broadcast_in_dim3A_177, %broadcast_in_dim3A_178 : vector<16xi1>, vector<16xi32>
        %gt3A_180 = arith.cmpf ogt, %gather3A_96, %gather3A_93 : vector<16xf32>
        %select_n3A_181 = arith.select %gt3A_180, %gather3A_96, %gather3A_93 : vector<16xi1>, vector<16xf32>
        %jit3A_182 = arith.constant 23 : i32
        %jit3A_183 = arith.constant 22 : i32
        %broadcast_in_dim3A_184 = vector.broadcast %jit3A_182 : i32 to vector<16xi32>
        %broadcast_in_dim3A_185 = vector.broadcast %jit3A_183 : i32 to vector<16xi32>
        %select_n3A_186 = arith.select %gt3A_180, %broadcast_in_dim3A_184, %broadcast_in_dim3A_185 : vector<16xi1>, vector<16xi32>
        %gt3A_187 = arith.cmpf ogt, %gather3A_102, %gather3A_99 : vector<16xf32>
        %select_n3A_188 = arith.select %gt3A_187, %gather3A_102, %gather3A_99 : vector<16xi1>, vector<16xf32>
        %jit3A_189 = arith.constant 25 : i32
        %jit3A_190 = arith.constant 24 : i32
        %broadcast_in_dim3A_191 = vector.broadcast %jit3A_189 : i32 to vector<16xi32>
        %broadcast_in_dim3A_192 = vector.broadcast %jit3A_190 : i32 to vector<16xi32>
        %select_n3A_193 = arith.select %gt3A_187, %broadcast_in_dim3A_191, %broadcast_in_dim3A_192 : vector<16xi1>, vector<16xi32>
        %broadcast_in_dim3A_194 = arith.constant 26 : i32
        %broadcast_in_dim3A_195 = vector.broadcast %broadcast_in_dim3A_194 : i32 to vector<16xi32>
        %gt3A_196 = arith.cmpf ogt, %select_n3A_111, %select_n3A : vector<16xf32>
        %select_n3A_197 = arith.select %gt3A_196, %select_n3A_111, %select_n3A : vector<16xi1>, vector<16xf32>
        %select_n3A_198 = arith.select %gt3A_196, %select_n3A_116, %select_n3A_109 : vector<16xi1>, vector<16xi32>
        %gt3A_199 = arith.cmpf ogt, %select_n3A_125, %select_n3A_118 : vector<16xf32>
        %select_n3A_200 = arith.select %gt3A_199, %select_n3A_125, %select_n3A_118 : vector<16xi1>, vector<16xf32>
        %select_n3A_201 = arith.select %gt3A_199, %select_n3A_130, %select_n3A_123 : vector<16xi1>, vector<16xi32>
        %gt3A_202 = arith.cmpf ogt, %select_n3A_139, %select_n3A_132 : vector<16xf32>
        %select_n3A_203 = arith.select %gt3A_202, %select_n3A_139, %select_n3A_132 : vector<16xi1>, vector<16xf32>
        %select_n3A_204 = arith.select %gt3A_202, %select_n3A_144, %select_n3A_137 : vector<16xi1>, vector<16xi32>
        %gt3A_205 = arith.cmpf ogt, %select_n3A_153, %select_n3A_146 : vector<16xf32>
        %select_n3A_206 = arith.select %gt3A_205, %select_n3A_153, %select_n3A_146 : vector<16xi1>, vector<16xf32>
        %select_n3A_207 = arith.select %gt3A_205, %select_n3A_158, %select_n3A_151 : vector<16xi1>, vector<16xi32>
        %gt3A_208 = arith.cmpf ogt, %select_n3A_167, %select_n3A_160 : vector<16xf32>
        %select_n3A_209 = arith.select %gt3A_208, %select_n3A_167, %select_n3A_160 : vector<16xi1>, vector<16xf32>
        %select_n3A_210 = arith.select %gt3A_208, %select_n3A_172, %select_n3A_165 : vector<16xi1>, vector<16xi32>
        %gt3A_211 = arith.cmpf ogt, %select_n3A_181, %select_n3A_174 : vector<16xf32>
        %select_n3A_212 = arith.select %gt3A_211, %select_n3A_181, %select_n3A_174 : vector<16xi1>, vector<16xf32>
        %select_n3A_213 = arith.select %gt3A_211, %select_n3A_186, %select_n3A_179 : vector<16xi1>, vector<16xi32>
        %gt3A_214 = arith.cmpf ogt, %gather3A_105, %select_n3A_188 : vector<16xf32>
        %select_n3A_215 = arith.select %gt3A_214, %gather3A_105, %select_n3A_188 : vector<16xi1>, vector<16xf32>
        %select_n3A_216 = arith.select %gt3A_214, %broadcast_in_dim3A_195, %select_n3A_193 : vector<16xi1>, vector<16xi32>
        %gt3A_217 = arith.cmpf ogt, %select_n3A_200, %select_n3A_197 : vector<16xf32>
        %select_n3A_218 = arith.select %gt3A_217, %select_n3A_200, %select_n3A_197 : vector<16xi1>, vector<16xf32>
        %select_n3A_219 = arith.select %gt3A_217, %select_n3A_201, %select_n3A_198 : vector<16xi1>, vector<16xi32>
        %gt3A_220 = arith.cmpf ogt, %select_n3A_206, %select_n3A_203 : vector<16xf32>
        %select_n3A_221 = arith.select %gt3A_220, %select_n3A_206, %select_n3A_203 : vector<16xi1>, vector<16xf32>
        %select_n3A_222 = arith.select %gt3A_220, %select_n3A_207, %select_n3A_204 : vector<16xi1>, vector<16xi32>
        %gt3A_223 = arith.cmpf ogt, %select_n3A_212, %select_n3A_209 : vector<16xf32>
        %select_n3A_224 = arith.select %gt3A_223, %select_n3A_212, %select_n3A_209 : vector<16xi1>, vector<16xf32>
        %select_n3A_225 = arith.select %gt3A_223, %select_n3A_213, %select_n3A_210 : vector<16xi1>, vector<16xi32>
        %gt3A_226 = arith.cmpf ogt, %select_n3A_221, %select_n3A_218 : vector<16xf32>
        %select_n3A_227 = arith.select %gt3A_226, %select_n3A_221, %select_n3A_218 : vector<16xi1>, vector<16xf32>
        %select_n3A_228 = arith.select %gt3A_226, %select_n3A_222, %select_n3A_219 : vector<16xi1>, vector<16xi32>
        %gt3A_229 = arith.cmpf ogt, %select_n3A_215, %select_n3A_224 : vector<16xf32>
        %select_n3A_230 = arith.select %gt3A_229, %select_n3A_215, %select_n3A_224 : vector<16xi1>, vector<16xf32>
        %select_n3A_231 = arith.select %gt3A_229, %select_n3A_216, %select_n3A_225 : vector<16xi1>, vector<16xi32>
        %gt3A_232 = arith.cmpf ogt, %select_n3A_230, %select_n3A_227 : vector<16xf32>
        %select_n3A_233 = arith.select %gt3A_232, %select_n3A_230, %select_n3A_227 : vector<16xi1>, vector<16xf32>
        %select_n3A_234 = arith.select %gt3A_232, %select_n3A_231, %select_n3A_228 : vector<16xi1>, vector<16xi32>
        %swap3A = arith.constant 0 : i32
        %swap3A_235 = arith.index_cast %swap3A : i32 to index
        %swap3A_236 = arith.index_cast %mul3A_23 : i32 to index
        %swap3A_237 = tpu.vector_load %arg6[%swap3A_235, %swap3A_236] {strides = array<i32>} : memref<8x2816xi32, #tpu.memory_space<vmem>>, vector<16xi32>,
        tpu.vector_store %arg6[%swap3A_235, %swap3A_236], %select_n3A_234 {strides = array<i32>} : memref<8x2816xi32, #tpu.memory_space<vmem>>, vector<16xi32>,
        %eq3A_238 = arith.constant 0 : i32
        %eq3A_239 = vector.broadcast %eq3A_238 : i32 to vector<16xi32>
        %eq3A_240 = arith.cmpi eq, %select_n3A_234, %eq3A_239 : vector<16xi32>
        %select_n3A_241 = arith.select %eq3A_240, %broadcast_in_dim3A_1, %gather3A : vector<16xi1>, vector<16xf32>
        %eq3A_242 = arith.constant 1 : i32
        %eq3A_243 = vector.broadcast %eq3A_242 : i32 to vector<16xi32>
        %eq3A_244 = arith.cmpi eq, %select_n3A_234, %eq3A_243 : vector<16xi32>
        %select_n3A_245 = arith.select %eq3A_244, %broadcast_in_dim3A_1, %gather3A_30 : vector<16xi1>, vector<16xf32>
        %eq3A_246 = arith.constant 2 : i32
        %eq3A_247 = vector.broadcast %eq3A_246 : i32 to vector<16xi32>
        %eq3A_248 = arith.cmpi eq, %select_n3A_234, %eq3A_247 : vector<16xi32>
        %select_n3A_249 = arith.select %eq3A_248, %broadcast_in_dim3A_1, %gather3A_33 : vector<16xi1>, vector<16xf32>
        %eq3A_250 = arith.constant 3 : i32
        %eq3A_251 = vector.broadcast %eq3A_250 : i32 to vector<16xi32>
        %eq3A_252 = arith.cmpi eq, %select_n3A_234, %eq3A_251 : vector<16xi32>
        %select_n3A_253 = arith.select %eq3A_252, %broadcast_in_dim3A_1, %gather3A_36 : vector<16xi1>, vector<16xf32>
        %eq3A_254 = arith.constant 4 : i32
        %eq3A_255 = vector.broadcast %eq3A_254 : i32 to vector<16xi32>
        %eq3A_256 = arith.cmpi eq, %select_n3A_234, %eq3A_255 : vector<16xi32>
        %select_n3A_257 = arith.select %eq3A_256, %broadcast_in_dim3A_1, %gather3A_39 : vector<16xi1>, vector<16xf32>
        %eq3A_258 = arith.constant 5 : i32
        %eq3A_259 = vector.broadcast %eq3A_258 : i32 to vector<16xi32>
        %eq3A_260 = arith.cmpi eq, %select_n3A_234, %eq3A_259 : vector<16xi32>
        %select_n3A_261 = arith.select %eq3A_260, %broadcast_in_dim3A_1, %gather3A_42 : vector<16xi1>, vector<16xf32>
        %eq3A_262 = arith.constant 6 : i32
        %eq3A_263 = vector.broadcast %eq3A_262 : i32 to vector<16xi32>
        %eq3A_264 = arith.cmpi eq, %select_n3A_234, %eq3A_263 : vector<16xi32>
        %select_n3A_265 = arith.select %eq3A_264, %broadcast_in_dim3A_1, %gather3A_45 : vector<16xi1>, vector<16xf32>
        %eq3A_266 = arith.constant 7 : i32
        %eq3A_267 = vector.broadcast %eq3A_266 : i32 to vector<16xi32>
        %eq3A_268 = arith.cmpi eq, %select_n3A_234, %eq3A_267 : vector<16xi32>
        %select_n3A_269 = arith.select %eq3A_268, %broadcast_in_dim3A_1, %gather3A_48 : vector<16xi1>, vector<16xf32>
        %eq3A_270 = arith.constant 8 : i32
        %eq3A_271 = vector.broadcast %eq3A_270 : i32 to vector<16xi32>
        %eq3A_272 = arith.cmpi eq, %select_n3A_234, %eq3A_271 : vector<16xi32>
        %select_n3A_273 = arith.select %eq3A_272, %broadcast_in_dim3A_1, %gather3A_51 : vector<16xi1>, vector<16xf32>
        %eq3A_274 = arith.constant 9 : i32
        %eq3A_275 = vector.broadcast %eq3A_274 : i32 to vector<16xi32>
        %eq3A_276 = arith.cmpi eq, %select_n3A_234, %eq3A_275 : vector<16xi32>
        %select_n3A_277 = arith.select %eq3A_276, %broadcast_in_dim3A_1, %gather3A_54 : vector<16xi1>, vector<16xf32>
        %eq3A_278 = arith.constant 10 : i32
        %eq3A_279 = vector.broadcast %eq3A_278 : i32 to vector<16xi32>
        %eq3A_280 = arith.cmpi eq, %select_n3A_234, %eq3A_279 : vector<16xi32>
        %select_n3A_281 = arith.select %eq3A_280, %broadcast_in_dim3A_1, %gather3A_57 : vector<16xi1>, vector<16xf32>
        %eq3A_282 = arith.constant 11 : i32
        %eq3A_283 = vector.broadcast %eq3A_282 : i32 to vector<16xi32>
        %eq3A_284 = arith.cmpi eq, %select_n3A_234, %eq3A_283 : vector<16xi32>
        %select_n3A_285 = arith.select %eq3A_284, %broadcast_in_dim3A_1, %gather3A_60 : vector<16xi1>, vector<16xf32>
        %eq3A_286 = arith.constant 12 : i32
        %eq3A_287 = vector.broadcast %eq3A_286 : i32 to vector<16xi32>
        %eq3A_288 = arith.cmpi eq, %select_n3A_234, %eq3A_287 : vector<16xi32>
        %select_n3A_289 = arith.select %eq3A_288, %broadcast_in_dim3A_1, %gather3A_63 : vector<16xi1>, vector<16xf32>
        %eq3A_290 = arith.constant 13 : i32
        %eq3A_291 = vector.broadcast %eq3A_290 : i32 to vector<16xi32>
        %eq3A_292 = arith.cmpi eq, %select_n3A_234, %eq3A_291 : vector<16xi32>
        %select_n3A_293 = arith.select %eq3A_292, %broadcast_in_dim3A_1, %gather3A_66 : vector<16xi1>, vector<16xf32>
        %eq3A_294 = arith.constant 14 : i32
        %eq3A_295 = vector.broadcast %eq3A_294 : i32 to vector<16xi32>
        %eq3A_296 = arith.cmpi eq, %select_n3A_234, %eq3A_295 : vector<16xi32>
        %select_n3A_297 = arith.select %eq3A_296, %broadcast_in_dim3A_1, %gather3A_69 : vector<16xi1>, vector<16xf32>
        %eq3A_298 = arith.constant 15 : i32
        %eq3A_299 = vector.broadcast %eq3A_298 : i32 to vector<16xi32>
        %eq3A_300 = arith.cmpi eq, %select_n3A_234, %eq3A_299 : vector<16xi32>
        %select_n3A_301 = arith.select %eq3A_300, %broadcast_in_dim3A_1, %gather3A_72 : vector<16xi1>, vector<16xf32>
        %eq3A_302 = arith.constant 16 : i32
        %eq3A_303 = vector.broadcast %eq3A_302 : i32 to vector<16xi32>
        %eq3A_304 = arith.cmpi eq, %select_n3A_234, %eq3A_303 : vector<16xi32>
        %select_n3A_305 = arith.select %eq3A_304, %broadcast_in_dim3A_1, %gather3A_75 : vector<16xi1>, vector<16xf32>
        %eq3A_306 = arith.constant 17 : i32
        %eq3A_307 = vector.broadcast %eq3A_306 : i32 to vector<16xi32>
        %eq3A_308 = arith.cmpi eq, %select_n3A_234, %eq3A_307 : vector<16xi32>
        %select_n3A_309 = arith.select %eq3A_308, %broadcast_in_dim3A_1, %gather3A_78 : vector<16xi1>, vector<16xf32>
        %eq3A_310 = arith.constant 18 : i32
        %eq3A_311 = vector.broadcast %eq3A_310 : i32 to vector<16xi32>
        %eq3A_312 = arith.cmpi eq, %select_n3A_234, %eq3A_311 : vector<16xi32>
        %select_n3A_313 = arith.select %eq3A_312, %broadcast_in_dim3A_1, %gather3A_81 : vector<16xi1>, vector<16xf32>
        %eq3A_314 = arith.constant 19 : i32
        %eq3A_315 = vector.broadcast %eq3A_314 : i32 to vector<16xi32>
        %eq3A_316 = arith.cmpi eq, %select_n3A_234, %eq3A_315 : vector<16xi32>
        %select_n3A_317 = arith.select %eq3A_316, %broadcast_in_dim3A_1, %gather3A_84 : vector<16xi1>, vector<16xf32>
        %eq3A_318 = arith.constant 20 : i32
        %eq3A_319 = vector.broadcast %eq3A_318 : i32 to vector<16xi32>
        %eq3A_320 = arith.cmpi eq, %select_n3A_234, %eq3A_319 : vector<16xi32>
        %select_n3A_321 = arith.select %eq3A_320, %broadcast_in_dim3A_1, %gather3A_87 : vector<16xi1>, vector<16xf32>
        %eq3A_322 = arith.constant 21 : i32
        %eq3A_323 = vector.broadcast %eq3A_322 : i32 to vector<16xi32>
        %eq3A_324 = arith.cmpi eq, %select_n3A_234, %eq3A_323 : vector<16xi32>
        %select_n3A_325 = arith.select %eq3A_324, %broadcast_in_dim3A_1, %gather3A_90 : vector<16xi1>, vector<16xf32>
        %eq3A_326 = arith.constant 22 : i32
        %eq3A_327 = vector.broadcast %eq3A_326 : i32 to vector<16xi32>
        %eq3A_328 = arith.cmpi eq, %select_n3A_234, %eq3A_327 : vector<16xi32>
        %select_n3A_329 = arith.select %eq3A_328, %broadcast_in_dim3A_1, %gather3A_93 : vector<16xi1>, vector<16xf32>
        %eq3A_330 = arith.constant 23 : i32
        %eq3A_331 = vector.broadcast %eq3A_330 : i32 to vector<16xi32>
        %eq3A_332 = arith.cmpi eq, %select_n3A_234, %eq3A_331 : vector<16xi32>
        %select_n3A_333 = arith.select %eq3A_332, %broadcast_in_dim3A_1, %gather3A_96 : vector<16xi1>, vector<16xf32>
        %eq3A_334 = arith.constant 24 : i32
        %eq3A_335 = vector.broadcast %eq3A_334 : i32 to vector<16xi32>
        %eq3A_336 = arith.cmpi eq, %select_n3A_234, %eq3A_335 : vector<16xi32>
        %select_n3A_337 = arith.select %eq3A_336, %broadcast_in_dim3A_1, %gather3A_99 : vector<16xi1>, vector<16xf32>
        %eq3A_338 = arith.constant 25 : i32
        %eq3A_339 = vector.broadcast %eq3A_338 : i32 to vector<16xi32>
        %eq3A_340 = arith.cmpi eq, %select_n3A_234, %eq3A_339 : vector<16xi32>
        %select_n3A_341 = arith.select %eq3A_340, %broadcast_in_dim3A_1, %gather3A_102 : vector<16xi1>, vector<16xf32>
        %eq3A_342 = arith.constant 26 : i32
        %eq3A_343 = vector.broadcast %eq3A_342 : i32 to vector<16xi32>
        %eq3A_344 = arith.cmpi eq, %select_n3A_234, %eq3A_343 : vector<16xi32>
        %select_n3A_345 = arith.select %eq3A_344, %broadcast_in_dim3A_1, %gather3A_105 : vector<16xi1>, vector<16xf32>
        %gt3A_346 = arith.cmpf ogt, %select_n3A_245, %select_n3A_241 : vector<16xf32>
        %select_n3A_347 = arith.select %gt3A_346, %select_n3A_245, %select_n3A_241 : vector<16xi1>, vector<16xf32>
        %jit3A_348 = arith.constant 1 : i32
        %jit3A_349 = arith.constant 0 : i32
        %broadcast_in_dim3A_350 = vector.broadcast %jit3A_348 : i32 to vector<16xi32>
        %broadcast_in_dim3A_351 = vector.broadcast %jit3A_349 : i32 to vector<16xi32>
        %select_n3A_352 = arith.select %gt3A_346, %broadcast_in_dim3A_350, %broadcast_in_dim3A_351 : vector<16xi1>, vector<16xi32>
        %gt3A_353 = arith.cmpf ogt, %select_n3A_253, %select_n3A_249 : vector<16xf32>
        %select_n3A_354 = arith.select %gt3A_353, %select_n3A_253, %select_n3A_249 : vector<16xi1>, vector<16xf32>
        %jit3A_355 = arith.constant 3 : i32
        %jit3A_356 = arith.constant 2 : i32
        %broadcast_in_dim3A_357 = vector.broadcast %jit3A_355 : i32 to vector<16xi32>
        %broadcast_in_dim3A_358 = vector.broadcast %jit3A_356 : i32 to vector<16xi32>
        %select_n3A_359 = arith.select %gt3A_353, %broadcast_in_dim3A_357, %broadcast_in_dim3A_358 : vector<16xi1>, vector<16xi32>
        %gt3A_360 = arith.cmpf ogt, %select_n3A_261, %select_n3A_257 : vector<16xf32>
        %select_n3A_361 = arith.select %gt3A_360, %select_n3A_261, %select_n3A_257 : vector<16xi1>, vector<16xf32>
        %jit3A_362 = arith.constant 5 : i32
        %jit3A_363 = arith.constant 4 : i32
        %broadcast_in_dim3A_364 = vector.broadcast %jit3A_362 : i32 to vector<16xi32>
        %broadcast_in_dim3A_365 = vector.broadcast %jit3A_363 : i32 to vector<16xi32>
        %select_n3A_366 = arith.select %gt3A_360, %broadcast_in_dim3A_364, %broadcast_in_dim3A_365 : vector<16xi1>, vector<16xi32>
        %gt3A_367 = arith.cmpf ogt, %select_n3A_269, %select_n3A_265 : vector<16xf32>
        %select_n3A_368 = arith.select %gt3A_367, %select_n3A_269, %select_n3A_265 : vector<16xi1>, vector<16xf32>
        %jit3A_369 = arith.constant 7 : i32
        %jit3A_370 = arith.constant 6 : i32
        %broadcast_in_dim3A_371 = vector.broadcast %jit3A_369 : i32 to vector<16xi32>
        %broadcast_in_dim3A_372 = vector.broadcast %jit3A_370 : i32 to vector<16xi32>
        %select_n3A_373 = arith.select %gt3A_367, %broadcast_in_dim3A_371, %broadcast_in_dim3A_372 : vector<16xi1>, vector<16xi32>
        %gt3A_374 = arith.cmpf ogt, %select_n3A_277, %select_n3A_273 : vector<16xf32>
        %select_n3A_375 = arith.select %gt3A_374, %select_n3A_277, %select_n3A_273 : vector<16xi1>, vector<16xf32>
        %jit3A_376 = arith.constant 9 : i32
        %jit3A_377 = arith.constant 8 : i32
        %broadcast_in_dim3A_378 = vector.broadcast %jit3A_376 : i32 to vector<16xi32>
        %broadcast_in_dim3A_379 = vector.broadcast %jit3A_377 : i32 to vector<16xi32>
        %select_n3A_380 = arith.select %gt3A_374, %broadcast_in_dim3A_378, %broadcast_in_dim3A_379 : vector<16xi1>, vector<16xi32>
        %gt3A_381 = arith.cmpf ogt, %select_n3A_285, %select_n3A_281 : vector<16xf32>
        %select_n3A_382 = arith.select %gt3A_381, %select_n3A_285, %select_n3A_281 : vector<16xi1>, vector<16xf32>
        %jit3A_383 = arith.constant 11 : i32
        %jit3A_384 = arith.constant 10 : i32
        %broadcast_in_dim3A_385 = vector.broadcast %jit3A_383 : i32 to vector<16xi32>
        %broadcast_in_dim3A_386 = vector.broadcast %jit3A_384 : i32 to vector<16xi32>
        %select_n3A_387 = arith.select %gt3A_381, %broadcast_in_dim3A_385, %broadcast_in_dim3A_386 : vector<16xi1>, vector<16xi32>
        %gt3A_388 = arith.cmpf ogt, %select_n3A_293, %select_n3A_289 : vector<16xf32>
        %select_n3A_389 = arith.select %gt3A_388, %select_n3A_293, %select_n3A_289 : vector<16xi1>, vector<16xf32>
        %jit3A_390 = arith.constant 13 : i32
        %jit3A_391 = arith.constant 12 : i32
        %broadcast_in_dim3A_392 = vector.broadcast %jit3A_390 : i32 to vector<16xi32>
        %broadcast_in_dim3A_393 = vector.broadcast %jit3A_391 : i32 to vector<16xi32>
        %select_n3A_394 = arith.select %gt3A_388, %broadcast_in_dim3A_392, %broadcast_in_dim3A_393 : vector<16xi1>, vector<16xi32>
        %gt3A_395 = arith.cmpf ogt, %select_n3A_301, %select_n3A_297 : vector<16xf32>
        %select_n3A_396 = arith.select %gt3A_395, %select_n3A_301, %select_n3A_297 : vector<16xi1>, vector<16xf32>
        %jit3A_397 = arith.constant 15 : i32
        %jit3A_398 = arith.constant 14 : i32
        %broadcast_in_dim3A_399 = vector.broadcast %jit3A_397 : i32 to vector<16xi32>
        %broadcast_in_dim3A_400 = vector.broadcast %jit3A_398 : i32 to vector<16xi32>
        %select_n3A_401 = arith.select %gt3A_395, %broadcast_in_dim3A_399, %broadcast_in_dim3A_400 : vector<16xi1>, vector<16xi32>
        %gt3A_402 = arith.cmpf ogt, %select_n3A_309, %select_n3A_305 : vector<16xf32>
        %select_n3A_403 = arith.select %gt3A_402, %select_n3A_309, %select_n3A_305 : vector<16xi1>, vector<16xf32>
        %jit3A_404 = arith.constant 17 : i32
        %jit3A_405 = arith.constant 16 : i32
        %broadcast_in_dim3A_406 = vector.broadcast %jit3A_404 : i32 to vector<16xi32>
        %broadcast_in_dim3A_407 = vector.broadcast %jit3A_405 : i32 to vector<16xi32>
        %select_n3A_408 = arith.select %gt3A_402, %broadcast_in_dim3A_406, %broadcast_in_dim3A_407 : vector<16xi1>, vector<16xi32>
        %gt3A_409 = arith.cmpf ogt, %select_n3A_317, %select_n3A_313 : vector<16xf32>
        %select_n3A_410 = arith.select %gt3A_409, %select_n3A_317, %select_n3A_313 : vector<16xi1>, vector<16xf32>
        %jit3A_411 = arith.constant 19 : i32
        %jit3A_412 = arith.constant 18 : i32
        %broadcast_in_dim3A_413 = vector.broadcast %jit3A_411 : i32 to vector<16xi32>
        %broadcast_in_dim3A_414 = vector.broadcast %jit3A_412 : i32 to vector<16xi32>
        %select_n3A_415 = arith.select %gt3A_409, %broadcast_in_dim3A_413, %broadcast_in_dim3A_414 : vector<16xi1>, vector<16xi32>
        %gt3A_416 = arith.cmpf ogt, %select_n3A_325, %select_n3A_321 : vector<16xf32>
        %select_n3A_417 = arith.select %gt3A_416, %select_n3A_325, %select_n3A_321 : vector<16xi1>, vector<16xf32>
        %jit3A_418 = arith.constant 21 : i32
        %jit3A_419 = arith.constant 20 : i32
        %broadcast_in_dim3A_420 = vector.broadcast %jit3A_418 : i32 to vector<16xi32>
        %broadcast_in_dim3A_421 = vector.broadcast %jit3A_419 : i32 to vector<16xi32>
        %select_n3A_422 = arith.select %gt3A_416, %broadcast_in_dim3A_420, %broadcast_in_dim3A_421 : vector<16xi1>, vector<16xi32>
        %gt3A_423 = arith.cmpf ogt, %select_n3A_333, %select_n3A_329 : vector<16xf32>
        %select_n3A_424 = arith.select %gt3A_423, %select_n3A_333, %select_n3A_329 : vector<16xi1>, vector<16xf32>
        %jit3A_425 = arith.constant 23 : i32
        %jit3A_426 = arith.constant 22 : i32
        %broadcast_in_dim3A_427 = vector.broadcast %jit3A_425 : i32 to vector<16xi32>
        %broadcast_in_dim3A_428 = vector.broadcast %jit3A_426 : i32 to vector<16xi32>
        %select_n3A_429 = arith.select %gt3A_423, %broadcast_in_dim3A_427, %broadcast_in_dim3A_428 : vector<16xi1>, vector<16xi32>
        %gt3A_430 = arith.cmpf ogt, %select_n3A_341, %select_n3A_337 : vector<16xf32>
        %select_n3A_431 = arith.select %gt3A_430, %select_n3A_341, %select_n3A_337 : vector<16xi1>, vector<16xf32>
        %jit3A_432 = arith.constant 25 : i32
        %jit3A_433 = arith.constant 24 : i32
        %broadcast_in_dim3A_434 = vector.broadcast %jit3A_432 : i32 to vector<16xi32>
        %broadcast_in_dim3A_435 = vector.broadcast %jit3A_433 : i32 to vector<16xi32>
        %select_n3A_436 = arith.select %gt3A_430, %broadcast_in_dim3A_434, %broadcast_in_dim3A_435 : vector<16xi1>, vector<16xi32>
        %broadcast_in_dim3A_437 = arith.constant 26 : i32
        %broadcast_in_dim3A_438 = vector.broadcast %broadcast_in_dim3A_437 : i32 to vector<16xi32>
        %gt3A_439 = arith.cmpf ogt, %select_n3A_354, %select_n3A_347 : vector<16xf32>
        %select_n3A_440 = arith.select %gt3A_439, %select_n3A_354, %select_n3A_347 : vector<16xi1>, vector<16xf32>
        %select_n3A_441 = arith.select %gt3A_439, %select_n3A_359, %select_n3A_352 : vector<16xi1>, vector<16xi32>
        %gt3A_442 = arith.cmpf ogt, %select_n3A_368, %select_n3A_361 : vector<16xf32>
        %select_n3A_443 = arith.select %gt3A_442, %select_n3A_368, %select_n3A_361 : vector<16xi1>, vector<16xf32>
        %select_n3A_444 = arith.select %gt3A_442, %select_n3A_373, %select_n3A_366 : vector<16xi1>, vector<16xi32>
        %gt3A_445 = arith.cmpf ogt, %select_n3A_382, %select_n3A_375 : vector<16xf32>
        %select_n3A_446 = arith.select %gt3A_445, %select_n3A_382, %select_n3A_375 : vector<16xi1>, vector<16xf32>
        %select_n3A_447 = arith.select %gt3A_445, %select_n3A_387, %select_n3A_380 : vector<16xi1>, vector<16xi32>
        %gt3A_448 = arith.cmpf ogt, %select_n3A_396, %select_n3A_389 : vector<16xf32>
        %select_n3A_449 = arith.select %gt3A_448, %select_n3A_396, %select_n3A_389 : vector<16xi1>, vector<16xf32>
        %select_n3A_450 = arith.select %gt3A_448, %select_n3A_401, %select_n3A_394 : vector<16xi1>, vector<16xi32>
        %gt3A_451 = arith.cmpf ogt, %select_n3A_410, %select_n3A_403 : vector<16xf32>
        %select_n3A_452 = arith.select %gt3A_451, %select_n3A_410, %select_n3A_403 : vector<16xi1>, vector<16xf32>
        %select_n3A_453 = arith.select %gt3A_451, %select_n3A_415, %select_n3A_408 : vector<16xi1>, vector<16xi32>
        %gt3A_454 = arith.cmpf ogt, %select_n3A_424, %select_n3A_417 : vector<16xf32>
        %select_n3A_455 = arith.select %gt3A_454, %select_n3A_424, %select_n3A_417 : vector<16xi1>, vector<16xf32>
        %select_n3A_456 = arith.select %gt3A_454, %select_n3A_429, %select_n3A_422 : vector<16xi1>, vector<16xi32>
        %gt3A_457 = arith.cmpf ogt, %select_n3A_345, %select_n3A_431 : vector<16xf32>
        %select_n3A_458 = arith.select %gt3A_457, %select_n3A_345, %select_n3A_431 : vector<16xi1>, vector<16xf32>
        %select_n3A_459 = arith.select %gt3A_457, %broadcast_in_dim3A_438, %select_n3A_436 : vector<16xi1>, vector<16xi32>
        %gt3A_460 = arith.cmpf ogt, %select_n3A_443, %select_n3A_440 : vector<16xf32>
        %select_n3A_461 = arith.select %gt3A_460, %select_n3A_443, %select_n3A_440 : vector<16xi1>, vector<16xf32>
        %select_n3A_462 = arith.select %gt3A_460, %select_n3A_444, %select_n3A_441 : vector<16xi1>, vector<16xi32>
        %gt3A_463 = arith.cmpf ogt, %select_n3A_449, %select_n3A_446 : vector<16xf32>
        %select_n3A_464 = arith.select %gt3A_463, %select_n3A_449, %select_n3A_446 : vector<16xi1>, vector<16xf32>
        %select_n3A_465 = arith.select %gt3A_463, %select_n3A_450, %select_n3A_447 : vector<16xi1>, vector<16xi32>
        %gt3A_466 = arith.cmpf ogt, %select_n3A_455, %select_n3A_452 : vector<16xf32>
        %select_n3A_467 = arith.select %gt3A_466, %select_n3A_455, %select_n3A_452 : vector<16xi1>, vector<16xf32>
        %select_n3A_468 = arith.select %gt3A_466, %select_n3A_456, %select_n3A_453 : vector<16xi1>, vector<16xi32>
        %gt3A_469 = arith.cmpf ogt, %select_n3A_464, %select_n3A_461 : vector<16xf32>
        %select_n3A_470 = arith.select %gt3A_469, %select_n3A_464, %select_n3A_461 : vector<16xi1>, vector<16xf32>
        %select_n3A_471 = arith.select %gt3A_469, %select_n3A_465, %select_n3A_462 : vector<16xi1>, vector<16xi32>
        %gt3A_472 = arith.cmpf ogt, %select_n3A_458, %select_n3A_467 : vector<16xf32>
        %select_n3A_473 = arith.select %gt3A_472, %select_n3A_458, %select_n3A_467 : vector<16xi1>, vector<16xf32>
        %select_n3A_474 = arith.select %gt3A_472, %select_n3A_459, %select_n3A_468 : vector<16xi1>, vector<16xi32>
        %gt3A_475 = arith.cmpf ogt, %select_n3A_473, %select_n3A_470 : vector<16xf32>
        %select_n3A_476 = arith.select %gt3A_475, %select_n3A_473, %select_n3A_470 : vector<16xi1>, vector<16xf32>
        %select_n3A_477 = arith.select %gt3A_475, %select_n3A_474, %select_n3A_471 : vector<16xi1>, vector<16xi32>
        %swap3A_478 = arith.constant 1 : i32
        %swap3A_479 = arith.index_cast %swap3A_478 : i32 to index
        %swap3A_480 = arith.index_cast %mul3A_23 : i32 to index
        %swap3A_481 = tpu.vector_load %arg6[%swap3A_479, %swap3A_480] {strides = array<i32>} : memref<8x2816xi32, #tpu.memory_space<vmem>>, vector<16xi32>,
        tpu.vector_store %arg6[%swap3A_479, %swap3A_480], %select_n3A_477 {strides = array<i32>} : memref<8x2816xi32, #tpu.memory_space<vmem>>, vector<16xi32>,
        %eq3A_482 = arith.constant 0 : i32
        %eq3A_483 = vector.broadcast %eq3A_482 : i32 to vector<16xi32>
        %eq3A_484 = arith.cmpi eq, %select_n3A_477, %eq3A_483 : vector<16xi32>
        %select_n3A_485 = arith.select %eq3A_484, %broadcast_in_dim3A_1, %select_n3A_241 : vector<16xi1>, vector<16xf32>
        %eq3A_486 = arith.constant 1 : i32
        %eq3A_487 = vector.broadcast %eq3A_486 : i32 to vector<16xi32>
        %eq3A_488 = arith.cmpi eq, %select_n3A_477, %eq3A_487 : vector<16xi32>
        %select_n3A_489 = arith.select %eq3A_488, %broadcast_in_dim3A_1, %select_n3A_245 : vector<16xi1>, vector<16xf32>
        %eq3A_490 = arith.constant 2 : i32
        %eq3A_491 = vector.broadcast %eq3A_490 : i32 to vector<16xi32>
        %eq3A_492 = arith.cmpi eq, %select_n3A_477, %eq3A_491 : vector<16xi32>
        %select_n3A_493 = arith.select %eq3A_492, %broadcast_in_dim3A_1, %select_n3A_249 : vector<16xi1>, vector<16xf32>
        %eq3A_494 = arith.constant 3 : i32
        %eq3A_495 = vector.broadcast %eq3A_494 : i32 to vector<16xi32>
        %eq3A_496 = arith.cmpi eq, %select_n3A_477, %eq3A_495 : vector<16xi32>
        %select_n3A_497 = arith.select %eq3A_496, %broadcast_in_dim3A_1, %select_n3A_253 : vector<16xi1>, vector<16xf32>
        %eq3A_498 = arith.constant 4 : i32
        %eq3A_499 = vector.broadcast %eq3A_498 : i32 to vector<16xi32>
        %eq3A_500 = arith.cmpi eq, %select_n3A_477, %eq3A_499 : vector<16xi32>
        %select_n3A_501 = arith.select %eq3A_500, %broadcast_in_dim3A_1, %select_n3A_257 : vector<16xi1>, vector<16xf32>
        %eq3A_502 = arith.constant 5 : i32
        %eq3A_503 = vector.broadcast %eq3A_502 : i32 to vector<16xi32>
        %eq3A_504 = arith.cmpi eq, %select_n3A_477, %eq3A_503 : vector<16xi32>
        %select_n3A_505 = arith.select %eq3A_504, %broadcast_in_dim3A_1, %select_n3A_261 : vector<16xi1>, vector<16xf32>
        %eq3A_506 = arith.constant 6 : i32
        %eq3A_507 = vector.broadcast %eq3A_506 : i32 to vector<16xi32>
        %eq3A_508 = arith.cmpi eq, %select_n3A_477, %eq3A_507 : vector<16xi32>
        %select_n3A_509 = arith.select %eq3A_508, %broadcast_in_dim3A_1, %select_n3A_265 : vector<16xi1>, vector<16xf32>
        %eq3A_510 = arith.constant 7 : i32
        %eq3A_511 = vector.broadcast %eq3A_510 : i32 to vector<16xi32>
        %eq3A_512 = arith.cmpi eq, %select_n3A_477, %eq3A_511 : vector<16xi32>
        %select_n3A_513 = arith.select %eq3A_512, %broadcast_in_dim3A_1, %select_n3A_269 : vector<16xi1>, vector<16xf32>
        %eq3A_514 = arith.constant 8 : i32
        %eq3A_515 = vector.broadcast %eq3A_514 : i32 to vector<16xi32>
        %eq3A_516 = arith.cmpi eq, %select_n3A_477, %eq3A_515 : vector<16xi32>
        %select_n3A_517 = arith.select %eq3A_516, %broadcast_in_dim3A_1, %select_n3A_273 : vector<16xi1>, vector<16xf32>
        %eq3A_518 = arith.constant 9 : i32
        %eq3A_519 = vector.broadcast %eq3A_518 : i32 to vector<16xi32>
        %eq3A_520 = arith.cmpi eq, %select_n3A_477, %eq3A_519 : vector<16xi32>
        %select_n3A_521 = arith.select %eq3A_520, %broadcast_in_dim3A_1, %select_n3A_277 : vector<16xi1>, vector<16xf32>
        %eq3A_522 = arith.constant 10 : i32
        %eq3A_523 = vector.broadcast %eq3A_522 : i32 to vector<16xi32>
        %eq3A_524 = arith.cmpi eq, %select_n3A_477, %eq3A_523 : vector<16xi32>
        %select_n3A_525 = arith.select %eq3A_524, %broadcast_in_dim3A_1, %select_n3A_281 : vector<16xi1>, vector<16xf32>
        %eq3A_526 = arith.constant 11 : i32
        %eq3A_527 = vector.broadcast %eq3A_526 : i32 to vector<16xi32>
        %eq3A_528 = arith.cmpi eq, %select_n3A_477, %eq3A_527 : vector<16xi32>
        %select_n3A_529 = arith.select %eq3A_528, %broadcast_in_dim3A_1, %select_n3A_285 : vector<16xi1>, vector<16xf32>
        %eq3A_530 = arith.constant 12 : i32
        %eq3A_531 = vector.broadcast %eq3A_530 : i32 to vector<16xi32>
        %eq3A_532 = arith.cmpi eq, %select_n3A_477, %eq3A_531 : vector<16xi32>
        %select_n3A_533 = arith.select %eq3A_532, %broadcast_in_dim3A_1, %select_n3A_289 : vector<16xi1>, vector<16xf32>
        %eq3A_534 = arith.constant 13 : i32
        %eq3A_535 = vector.broadcast %eq3A_534 : i32 to vector<16xi32>
        %eq3A_536 = arith.cmpi eq, %select_n3A_477, %eq3A_535 : vector<16xi32>
        %select_n3A_537 = arith.select %eq3A_536, %broadcast_in_dim3A_1, %select_n3A_293 : vector<16xi1>, vector<16xf32>
        %eq3A_538 = arith.constant 14 : i32
        %eq3A_539 = vector.broadcast %eq3A_538 : i32 to vector<16xi32>
        %eq3A_540 = arith.cmpi eq, %select_n3A_477, %eq3A_539 : vector<16xi32>
        %select_n3A_541 = arith.select %eq3A_540, %broadcast_in_dim3A_1, %select_n3A_297 : vector<16xi1>, vector<16xf32>
        %eq3A_542 = arith.constant 15 : i32
        %eq3A_543 = vector.broadcast %eq3A_542 : i32 to vector<16xi32>
        %eq3A_544 = arith.cmpi eq, %select_n3A_477, %eq3A_543 : vector<16xi32>
        %select_n3A_545 = arith.select %eq3A_544, %broadcast_in_dim3A_1, %select_n3A_301 : vector<16xi1>, vector<16xf32>
        %eq3A_546 = arith.constant 16 : i32
        %eq3A_547 = vector.broadcast %eq3A_546 : i32 to vector<16xi32>
        %eq3A_548 = arith.cmpi eq, %select_n3A_477, %eq3A_547 : vector<16xi32>
        %select_n3A_549 = arith.select %eq3A_548, %broadcast_in_dim3A_1, %select_n3A_305 : vector<16xi1>, vector<16xf32>
        %eq3A_550 = arith.constant 17 : i32
        %eq3A_551 = vector.broadcast %eq3A_550 : i32 to vector<16xi32>
        %eq3A_552 = arith.cmpi eq, %select_n3A_477, %eq3A_551 : vector<16xi32>
        %select_n3A_553 = arith.select %eq3A_552, %broadcast_in_dim3A_1, %select_n3A_309 : vector<16xi1>, vector<16xf32>
        %eq3A_554 = arith.constant 18 : i32
        %eq3A_555 = vector.broadcast %eq3A_554 : i32 to vector<16xi32>
        %eq3A_556 = arith.cmpi eq, %select_n3A_477, %eq3A_555 : vector<16xi32>
        %select_n3A_557 = arith.select %eq3A_556, %broadcast_in_dim3A_1, %select_n3A_313 : vector<16xi1>, vector<16xf32>
        %eq3A_558 = arith.constant 19 : i32
        %eq3A_559 = vector.broadcast %eq3A_558 : i32 to vector<16xi32>
        %eq3A_560 = arith.cmpi eq, %select_n3A_477, %eq3A_559 : vector<16xi32>
        %select_n3A_561 = arith.select %eq3A_560, %broadcast_in_dim3A_1, %select_n3A_317 : vector<16xi1>, vector<16xf32>
        %eq3A_562 = arith.constant 20 : i32
        %eq3A_563 = vector.broadcast %eq3A_562 : i32 to vector<16xi32>
        %eq3A_564 = arith.cmpi eq, %select_n3A_477, %eq3A_563 : vector<16xi32>
        %select_n3A_565 = arith.select %eq3A_564, %broadcast_in_dim3A_1, %select_n3A_321 : vector<16xi1>, vector<16xf32>
        %eq3A_566 = arith.constant 21 : i32
        %eq3A_567 = vector.broadcast %eq3A_566 : i32 to vector<16xi32>
        %eq3A_568 = arith.cmpi eq, %select_n3A_477, %eq3A_567 : vector<16xi32>
        %select_n3A_569 = arith.select %eq3A_568, %broadcast_in_dim3A_1, %select_n3A_325 : vector<16xi1>, vector<16xf32>
        %eq3A_570 = arith.constant 22 : i32
        %eq3A_571 = vector.broadcast %eq3A_570 : i32 to vector<16xi32>
        %eq3A_572 = arith.cmpi eq, %select_n3A_477, %eq3A_571 : vector<16xi32>
        %select_n3A_573 = arith.select %eq3A_572, %broadcast_in_dim3A_1, %select_n3A_329 : vector<16xi1>, vector<16xf32>
        %eq3A_574 = arith.constant 23 : i32
        %eq3A_575 = vector.broadcast %eq3A_574 : i32 to vector<16xi32>
        %eq3A_576 = arith.cmpi eq, %select_n3A_477, %eq3A_575 : vector<16xi32>
        %select_n3A_577 = arith.select %eq3A_576, %broadcast_in_dim3A_1, %select_n3A_333 : vector<16xi1>, vector<16xf32>
        %eq3A_578 = arith.constant 24 : i32
        %eq3A_579 = vector.broadcast %eq3A_578 : i32 to vector<16xi32>
        %eq3A_580 = arith.cmpi eq, %select_n3A_477, %eq3A_579 : vector<16xi32>
        %select_n3A_581 = arith.select %eq3A_580, %broadcast_in_dim3A_1, %select_n3A_337 : vector<16xi1>, vector<16xf32>
        %eq3A_582 = arith.constant 25 : i32
        %eq3A_583 = vector.broadcast %eq3A_582 : i32 to vector<16xi32>
        %eq3A_584 = arith.cmpi eq, %select_n3A_477, %eq3A_583 : vector<16xi32>
        %select_n3A_585 = arith.select %eq3A_584, %broadcast_in_dim3A_1, %select_n3A_341 : vector<16xi1>, vector<16xf32>
        %eq3A_586 = arith.constant 26 : i32
        %eq3A_587 = vector.broadcast %eq3A_586 : i32 to vector<16xi32>
        %eq3A_588 = arith.cmpi eq, %select_n3A_477, %eq3A_587 : vector<16xi32>
        %select_n3A_589 = arith.select %eq3A_588, %broadcast_in_dim3A_1, %select_n3A_345 : vector<16xi1>, vector<16xf32>
        %gt3A_590 = arith.cmpf ogt, %select_n3A_489, %select_n3A_485 : vector<16xf32>
        %select_n3A_591 = arith.select %gt3A_590, %select_n3A_489, %select_n3A_485 : vector<16xi1>, vector<16xf32>
        %jit3A_592 = arith.constant 1 : i32
        %jit3A_593 = arith.constant 0 : i32
        %broadcast_in_dim3A_594 = vector.broadcast %jit3A_592 : i32 to vector<16xi32>
        %broadcast_in_dim3A_595 = vector.broadcast %jit3A_593 : i32 to vector<16xi32>
        %select_n3A_596 = arith.select %gt3A_590, %broadcast_in_dim3A_594, %broadcast_in_dim3A_595 : vector<16xi1>, vector<16xi32>
        %gt3A_597 = arith.cmpf ogt, %select_n3A_497, %select_n3A_493 : vector<16xf32>
        %select_n3A_598 = arith.select %gt3A_597, %select_n3A_497, %select_n3A_493 : vector<16xi1>, vector<16xf32>
        %jit3A_599 = arith.constant 3 : i32
        %jit3A_600 = arith.constant 2 : i32
        %broadcast_in_dim3A_601 = vector.broadcast %jit3A_599 : i32 to vector<16xi32>
        %broadcast_in_dim3A_602 = vector.broadcast %jit3A_600 : i32 to vector<16xi32>
        %select_n3A_603 = arith.select %gt3A_597, %broadcast_in_dim3A_601, %broadcast_in_dim3A_602 : vector<16xi1>, vector<16xi32>
        %gt3A_604 = arith.cmpf ogt, %select_n3A_505, %select_n3A_501 : vector<16xf32>
        %select_n3A_605 = arith.select %gt3A_604, %select_n3A_505, %select_n3A_501 : vector<16xi1>, vector<16xf32>
        %jit3A_606 = arith.constant 5 : i32
        %jit3A_607 = arith.constant 4 : i32
        %broadcast_in_dim3A_608 = vector.broadcast %jit3A_606 : i32 to vector<16xi32>
        %broadcast_in_dim3A_609 = vector.broadcast %jit3A_607 : i32 to vector<16xi32>
        %select_n3A_610 = arith.select %gt3A_604, %broadcast_in_dim3A_608, %broadcast_in_dim3A_609 : vector<16xi1>, vector<16xi32>
        %gt3A_611 = arith.cmpf ogt, %select_n3A_513, %select_n3A_509 : vector<16xf32>
        %select_n3A_612 = arith.select %gt3A_611, %select_n3A_513, %select_n3A_509 : vector<16xi1>, vector<16xf32>
        %jit3A_613 = arith.constant 7 : i32
        %jit3A_614 = arith.constant 6 : i32
        %broadcast_in_dim3A_615 = vector.broadcast %jit3A_613 : i32 to vector<16xi32>
        %broadcast_in_dim3A_616 = vector.broadcast %jit3A_614 : i32 to vector<16xi32>
        %select_n3A_617 = arith.select %gt3A_611, %broadcast_in_dim3A_615, %broadcast_in_dim3A_616 : vector<16xi1>, vector<16xi32>
        %gt3A_618 = arith.cmpf ogt, %select_n3A_521, %select_n3A_517 : vector<16xf32>
        %select_n3A_619 = arith.select %gt3A_618, %select_n3A_521, %select_n3A_517 : vector<16xi1>, vector<16xf32>
        %jit3A_620 = arith.constant 9 : i32
        %jit3A_621 = arith.constant 8 : i32
        %broadcast_in_dim3A_622 = vector.broadcast %jit3A_620 : i32 to vector<16xi32>
        %broadcast_in_dim3A_623 = vector.broadcast %jit3A_621 : i32 to vector<16xi32>
        %select_n3A_624 = arith.select %gt3A_618, %broadcast_in_dim3A_622, %broadcast_in_dim3A_623 : vector<16xi1>, vector<16xi32>
        %gt3A_625 = arith.cmpf ogt, %select_n3A_529, %select_n3A_525 : vector<16xf32>
        %select_n3A_626 = arith.select %gt3A_625, %select_n3A_529, %select_n3A_525 : vector<16xi1>, vector<16xf32>
        %jit3A_627 = arith.constant 11 : i32
        %jit3A_628 = arith.constant 10 : i32
        %broadcast_in_dim3A_629 = vector.broadcast %jit3A_627 : i32 to vector<16xi32>
        %broadcast_in_dim3A_630 = vector.broadcast %jit3A_628 : i32 to vector<16xi32>
        %select_n3A_631 = arith.select %gt3A_625, %broadcast_in_dim3A_629, %broadcast_in_dim3A_630 : vector<16xi1>, vector<16xi32>
        %gt3A_632 = arith.cmpf ogt, %select_n3A_537, %select_n3A_533 : vector<16xf32>
        %select_n3A_633 = arith.select %gt3A_632, %select_n3A_537, %select_n3A_533 : vector<16xi1>, vector<16xf32>
        %jit3A_634 = arith.constant 13 : i32
        %jit3A_635 = arith.constant 12 : i32
        %broadcast_in_dim3A_636 = vector.broadcast %jit3A_634 : i32 to vector<16xi32>
        %broadcast_in_dim3A_637 = vector.broadcast %jit3A_635 : i32 to vector<16xi32>
        %select_n3A_638 = arith.select %gt3A_632, %broadcast_in_dim3A_636, %broadcast_in_dim3A_637 : vector<16xi1>, vector<16xi32>
        %gt3A_639 = arith.cmpf ogt, %select_n3A_545, %select_n3A_541 : vector<16xf32>
        %select_n3A_640 = arith.select %gt3A_639, %select_n3A_545, %select_n3A_541 : vector<16xi1>, vector<16xf32>
        %jit3A_641 = arith.constant 15 : i32
        %jit3A_642 = arith.constant 14 : i32
        %broadcast_in_dim3A_643 = vector.broadcast %jit3A_641 : i32 to vector<16xi32>
        %broadcast_in_dim3A_644 = vector.broadcast %jit3A_642 : i32 to vector<16xi32>
        %select_n3A_645 = arith.select %gt3A_639, %broadcast_in_dim3A_643, %broadcast_in_dim3A_644 : vector<16xi1>, vector<16xi32>
        %gt3A_646 = arith.cmpf ogt, %select_n3A_553, %select_n3A_549 : vector<16xf32>
        %select_n3A_647 = arith.select %gt3A_646, %select_n3A_553, %select_n3A_549 : vector<16xi1>, vector<16xf32>
        %jit3A_648 = arith.constant 17 : i32
        %jit3A_649 = arith.constant 16 : i32
        %broadcast_in_dim3A_650 = vector.broadcast %jit3A_648 : i32 to vector<16xi32>
        %broadcast_in_dim3A_651 = vector.broadcast %jit3A_649 : i32 to vector<16xi32>
        %select_n3A_652 = arith.select %gt3A_646, %broadcast_in_dim3A_650, %broadcast_in_dim3A_651 : vector<16xi1>, vector<16xi32>
        %gt3A_653 = arith.cmpf ogt, %select_n3A_561, %select_n3A_557 : vector<16xf32>
        %select_n3A_654 = arith.select %gt3A_653, %select_n3A_561, %select_n3A_557 : vector<16xi1>, vector<16xf32>
        %jit3A_655 = arith.constant 19 : i32
        %jit3A_656 = arith.constant 18 : i32
        %broadcast_in_dim3A_657 = vector.broadcast %jit3A_655 : i32 to vector<16xi32>
        %broadcast_in_dim3A_658 = vector.broadcast %jit3A_656 : i32 to vector<16xi32>
        %select_n3A_659 = arith.select %gt3A_653, %broadcast_in_dim3A_657, %broadcast_in_dim3A_658 : vector<16xi1>, vector<16xi32>
        %gt3A_660 = arith.cmpf ogt, %select_n3A_569, %select_n3A_565 : vector<16xf32>
        %select_n3A_661 = arith.select %gt3A_660, %select_n3A_569, %select_n3A_565 : vector<16xi1>, vector<16xf32>
        %jit3A_662 = arith.constant 21 : i32
        %jit3A_663 = arith.constant 20 : i32
        %broadcast_in_dim3A_664 = vector.broadcast %jit3A_662 : i32 to vector<16xi32>
        %broadcast_in_dim3A_665 = vector.broadcast %jit3A_663 : i32 to vector<16xi32>
        %select_n3A_666 = arith.select %gt3A_660, %broadcast_in_dim3A_664, %broadcast_in_dim3A_665 : vector<16xi1>, vector<16xi32>
        %gt3A_667 = arith.cmpf ogt, %select_n3A_577, %select_n3A_573 : vector<16xf32>
        %select_n3A_668 = arith.select %gt3A_667, %select_n3A_577, %select_n3A_573 : vector<16xi1>, vector<16xf32>
        %jit3A_669 = arith.constant 23 : i32
        %jit3A_670 = arith.constant 22 : i32
        %broadcast_in_dim3A_671 = vector.broadcast %jit3A_669 : i32 to vector<16xi32>
        %broadcast_in_dim3A_672 = vector.broadcast %jit3A_670 : i32 to vector<16xi32>
        %select_n3A_673 = arith.select %gt3A_667, %broadcast_in_dim3A_671, %broadcast_in_dim3A_672 : vector<16xi1>, vector<16xi32>
        %gt3A_674 = arith.cmpf ogt, %select_n3A_585, %select_n3A_581 : vector<16xf32>
        %select_n3A_675 = arith.select %gt3A_674, %select_n3A_585, %select_n3A_581 : vector<16xi1>, vector<16xf32>
        %jit3A_676 = arith.constant 25 : i32
        %jit3A_677 = arith.constant 24 : i32
        %broadcast_in_dim3A_678 = vector.broadcast %jit3A_676 : i32 to vector<16xi32>
        %broadcast_in_dim3A_679 = vector.broadcast %jit3A_677 : i32 to vector<16xi32>
        %select_n3A_680 = arith.select %gt3A_674, %broadcast_in_dim3A_678, %broadcast_in_dim3A_679 : vector<16xi1>, vector<16xi32>
        %broadcast_in_dim3A_681 = arith.constant 26 : i32
        %broadcast_in_dim3A_682 = vector.broadcast %broadcast_in_dim3A_681 : i32 to vector<16xi32>
        %gt3A_683 = arith.cmpf ogt, %select_n3A_598, %select_n3A_591 : vector<16xf32>
        %select_n3A_684 = arith.select %gt3A_683, %select_n3A_598, %select_n3A_591 : vector<16xi1>, vector<16xf32>
        %select_n3A_685 = arith.select %gt3A_683, %select_n3A_603, %select_n3A_596 : vector<16xi1>, vector<16xi32>
        %gt3A_686 = arith.cmpf ogt, %select_n3A_612, %select_n3A_605 : vector<16xf32>
        %select_n3A_687 = arith.select %gt3A_686, %select_n3A_612, %select_n3A_605 : vector<16xi1>, vector<16xf32>
        %select_n3A_688 = arith.select %gt3A_686, %select_n3A_617, %select_n3A_610 : vector<16xi1>, vector<16xi32>
        %gt3A_689 = arith.cmpf ogt, %select_n3A_626, %select_n3A_619 : vector<16xf32>
        %select_n3A_690 = arith.select %gt3A_689, %select_n3A_626, %select_n3A_619 : vector<16xi1>, vector<16xf32>
        %select_n3A_691 = arith.select %gt3A_689, %select_n3A_631, %select_n3A_624 : vector<16xi1>, vector<16xi32>
        %gt3A_692 = arith.cmpf ogt, %select_n3A_640, %select_n3A_633 : vector<16xf32>
        %select_n3A_693 = arith.select %gt3A_692, %select_n3A_640, %select_n3A_633 : vector<16xi1>, vector<16xf32>
        %select_n3A_694 = arith.select %gt3A_692, %select_n3A_645, %select_n3A_638 : vector<16xi1>, vector<16xi32>
        %gt3A_695 = arith.cmpf ogt, %select_n3A_654, %select_n3A_647 : vector<16xf32>
        %select_n3A_696 = arith.select %gt3A_695, %select_n3A_654, %select_n3A_647 : vector<16xi1>, vector<16xf32>
        %select_n3A_697 = arith.select %gt3A_695, %select_n3A_659, %select_n3A_652 : vector<16xi1>, vector<16xi32>
        %gt3A_698 = arith.cmpf ogt, %select_n3A_668, %select_n3A_661 : vector<16xf32>
        %select_n3A_699 = arith.select %gt3A_698, %select_n3A_668, %select_n3A_661 : vector<16xi1>, vector<16xf32>
        %select_n3A_700 = arith.select %gt3A_698, %select_n3A_673, %select_n3A_666 : vector<16xi1>, vector<16xi32>
        %gt3A_701 = arith.cmpf ogt, %select_n3A_589, %select_n3A_675 : vector<16xf32>
        %select_n3A_702 = arith.select %gt3A_701, %select_n3A_589, %select_n3A_675 : vector<16xi1>, vector<16xf32>
        %select_n3A_703 = arith.select %gt3A_701, %broadcast_in_dim3A_682, %select_n3A_680 : vector<16xi1>, vector<16xi32>
        %gt3A_704 = arith.cmpf ogt, %select_n3A_687, %select_n3A_684 : vector<16xf32>
        %select_n3A_705 = arith.select %gt3A_704, %select_n3A_687, %select_n3A_684 : vector<16xi1>, vector<16xf32>
        %select_n3A_706 = arith.select %gt3A_704, %select_n3A_688, %select_n3A_685 : vector<16xi1>, vector<16xi32>
        %gt3A_707 = arith.cmpf ogt, %select_n3A_693, %select_n3A_690 : vector<16xf32>
        %select_n3A_708 = arith.select %gt3A_707, %select_n3A_693, %select_n3A_690 : vector<16xi1>, vector<16xf32>
        %select_n3A_709 = arith.select %gt3A_707, %select_n3A_694, %select_n3A_691 : vector<16xi1>, vector<16xi32>
        %gt3A_710 = arith.cmpf ogt, %select_n3A_699, %select_n3A_696 : vector<16xf32>
        %select_n3A_711 = arith.select %gt3A_710, %select_n3A_699, %select_n3A_696 : vector<16xi1>, vector<16xf32>
        %select_n3A_712 = arith.select %gt3A_710, %select_n3A_700, %select_n3A_697 : vector<16xi1>, vector<16xi32>
        %gt3A_713 = arith.cmpf ogt, %select_n3A_708, %select_n3A_705 : vector<16xf32>
        %select_n3A_714 = arith.select %gt3A_713, %select_n3A_708, %select_n3A_705 : vector<16xi1>, vector<16xf32>
        %select_n3A_715 = arith.select %gt3A_713, %select_n3A_709, %select_n3A_706 : vector<16xi1>, vector<16xi32>
        %gt3A_716 = arith.cmpf ogt, %select_n3A_702, %select_n3A_711 : vector<16xf32>
        %select_n3A_717 = arith.select %gt3A_716, %select_n3A_702, %select_n3A_711 : vector<16xi1>, vector<16xf32>
        %select_n3A_718 = arith.select %gt3A_716, %select_n3A_703, %select_n3A_712 : vector<16xi1>, vector<16xi32>
        %gt3A_719 = arith.cmpf ogt, %select_n3A_717, %select_n3A_714 : vector<16xf32>
        %select_n3A_720 = arith.select %gt3A_719, %select_n3A_717, %select_n3A_714 : vector<16xi1>, vector<16xf32>
        %select_n3A_721 = arith.select %gt3A_719, %select_n3A_718, %select_n3A_715 : vector<16xi1>, vector<16xi32>
        %swap3A_722 = arith.constant 2 : i32
        %swap3A_723 = arith.index_cast %swap3A_722 : i32 to index
        %swap3A_724 = arith.index_cast %mul3A_23 : i32 to index
        %swap3A_725 = tpu.vector_load %arg6[%swap3A_723, %swap3A_724] {strides = array<i32>} : memref<8x2816xi32, #tpu.memory_space<vmem>>, vector<16xi32>,
        tpu.vector_store %arg6[%swap3A_723, %swap3A_724], %select_n3A_721 {strides = array<i32>} : memref<8x2816xi32, #tpu.memory_space<vmem>>, vector<16xi32>,
        %eq3A_726 = arith.constant 0 : i32
        %eq3A_727 = vector.broadcast %eq3A_726 : i32 to vector<16xi32>
        %eq3A_728 = arith.cmpi eq, %select_n3A_721, %eq3A_727 : vector<16xi32>
        %select_n3A_729 = arith.select %eq3A_728, %broadcast_in_dim3A_1, %select_n3A_485 : vector<16xi1>, vector<16xf32>
        %eq3A_730 = arith.constant 1 : i32
        %eq3A_731 = vector.broadcast %eq3A_730 : i32 to vector<16xi32>
        %eq3A_732 = arith.cmpi eq, %select_n3A_721, %eq3A_731 : vector<16xi32>
        %select_n3A_733 = arith.select %eq3A_732, %broadcast_in_dim3A_1, %select_n3A_489 : vector<16xi1>, vector<16xf32>
        %eq3A_734 = arith.constant 2 : i32
        %eq3A_735 = vector.broadcast %eq3A_734 : i32 to vector<16xi32>
        %eq3A_736 = arith.cmpi eq, %select_n3A_721, %eq3A_735 : vector<16xi32>
        %select_n3A_737 = arith.select %eq3A_736, %broadcast_in_dim3A_1, %select_n3A_493 : vector<16xi1>, vector<16xf32>
        %eq3A_738 = arith.constant 3 : i32
        %eq3A_739 = vector.broadcast %eq3A_738 : i32 to vector<16xi32>
        %eq3A_740 = arith.cmpi eq, %select_n3A_721, %eq3A_739 : vector<16xi32>
        %select_n3A_741 = arith.select %eq3A_740, %broadcast_in_dim3A_1, %select_n3A_497 : vector<16xi1>, vector<16xf32>
        %eq3A_742 = arith.constant 4 : i32
        %eq3A_743 = vector.broadcast %eq3A_742 : i32 to vector<16xi32>
        %eq3A_744 = arith.cmpi eq, %select_n3A_721, %eq3A_743 : vector<16xi32>
        %select_n3A_745 = arith.select %eq3A_744, %broadcast_in_dim3A_1, %select_n3A_501 : vector<16xi1>, vector<16xf32>
        %eq3A_746 = arith.constant 5 : i32
        %eq3A_747 = vector.broadcast %eq3A_746 : i32 to vector<16xi32>
        %eq3A_748 = arith.cmpi eq, %select_n3A_721, %eq3A_747 : vector<16xi32>
        %select_n3A_749 = arith.select %eq3A_748, %broadcast_in_dim3A_1, %select_n3A_505 : vector<16xi1>, vector<16xf32>
        %eq3A_750 = arith.constant 6 : i32
        %eq3A_751 = vector.broadcast %eq3A_750 : i32 to vector<16xi32>
        %eq3A_752 = arith.cmpi eq, %select_n3A_721, %eq3A_751 : vector<16xi32>
        %select_n3A_753 = arith.select %eq3A_752, %broadcast_in_dim3A_1, %select_n3A_509 : vector<16xi1>, vector<16xf32>
        %eq3A_754 = arith.constant 7 : i32
        %eq3A_755 = vector.broadcast %eq3A_754 : i32 to vector<16xi32>
        %eq3A_756 = arith.cmpi eq, %select_n3A_721, %eq3A_755 : vector<16xi32>
        %select_n3A_757 = arith.select %eq3A_756, %broadcast_in_dim3A_1, %select_n3A_513 : vector<16xi1>, vector<16xf32>
        %eq3A_758 = arith.constant 8 : i32
        %eq3A_759 = vector.broadcast %eq3A_758 : i32 to vector<16xi32>
        %eq3A_760 = arith.cmpi eq, %select_n3A_721, %eq3A_759 : vector<16xi32>
        %select_n3A_761 = arith.select %eq3A_760, %broadcast_in_dim3A_1, %select_n3A_517 : vector<16xi1>, vector<16xf32>
        %eq3A_762 = arith.constant 9 : i32
        %eq3A_763 = vector.broadcast %eq3A_762 : i32 to vector<16xi32>
        %eq3A_764 = arith.cmpi eq, %select_n3A_721, %eq3A_763 : vector<16xi32>
        %select_n3A_765 = arith.select %eq3A_764, %broadcast_in_dim3A_1, %select_n3A_521 : vector<16xi1>, vector<16xf32>
        %eq3A_766 = arith.constant 10 : i32
        %eq3A_767 = vector.broadcast %eq3A_766 : i32 to vector<16xi32>
        %eq3A_768 = arith.cmpi eq, %select_n3A_721, %eq3A_767 : vector<16xi32>
        %select_n3A_769 = arith.select %eq3A_768, %broadcast_in_dim3A_1, %select_n3A_525 : vector<16xi1>, vector<16xf32>
        %eq3A_770 = arith.constant 11 : i32
        %eq3A_771 = vector.broadcast %eq3A_770 : i32 to vector<16xi32>
        %eq3A_772 = arith.cmpi eq, %select_n3A_721, %eq3A_771 : vector<16xi32>
        %select_n3A_773 = arith.select %eq3A_772, %broadcast_in_dim3A_1, %select_n3A_529 : vector<16xi1>, vector<16xf32>
        %eq3A_774 = arith.constant 12 : i32
        %eq3A_775 = vector.broadcast %eq3A_774 : i32 to vector<16xi32>
        %eq3A_776 = arith.cmpi eq, %select_n3A_721, %eq3A_775 : vector<16xi32>
        %select_n3A_777 = arith.select %eq3A_776, %broadcast_in_dim3A_1, %select_n3A_533 : vector<16xi1>, vector<16xf32>
        %eq3A_778 = arith.constant 13 : i32
        %eq3A_779 = vector.broadcast %eq3A_778 : i32 to vector<16xi32>
        %eq3A_780 = arith.cmpi eq, %select_n3A_721, %eq3A_779 : vector<16xi32>
        %select_n3A_781 = arith.select %eq3A_780, %broadcast_in_dim3A_1, %select_n3A_537 : vector<16xi1>, vector<16xf32>
        %eq3A_782 = arith.constant 14 : i32
        %eq3A_783 = vector.broadcast %eq3A_782 : i32 to vector<16xi32>
        %eq3A_784 = arith.cmpi eq, %select_n3A_721, %eq3A_783 : vector<16xi32>
        %select_n3A_785 = arith.select %eq3A_784, %broadcast_in_dim3A_1, %select_n3A_541 : vector<16xi1>, vector<16xf32>
        %eq3A_786 = arith.constant 15 : i32
        %eq3A_787 = vector.broadcast %eq3A_786 : i32 to vector<16xi32>
        %eq3A_788 = arith.cmpi eq, %select_n3A_721, %eq3A_787 : vector<16xi32>
        %select_n3A_789 = arith.select %eq3A_788, %broadcast_in_dim3A_1, %select_n3A_545 : vector<16xi1>, vector<16xf32>
        %eq3A_790 = arith.constant 16 : i32
        %eq3A_791 = vector.broadcast %eq3A_790 : i32 to vector<16xi32>
        %eq3A_792 = arith.cmpi eq, %select_n3A_721, %eq3A_791 : vector<16xi32>
        %select_n3A_793 = arith.select %eq3A_792, %broadcast_in_dim3A_1, %select_n3A_549 : vector<16xi1>, vector<16xf32>
        %eq3A_794 = arith.constant 17 : i32
        %eq3A_795 = vector.broadcast %eq3A_794 : i32 to vector<16xi32>
        %eq3A_796 = arith.cmpi eq, %select_n3A_721, %eq3A_795 : vector<16xi32>
        %select_n3A_797 = arith.select %eq3A_796, %broadcast_in_dim3A_1, %select_n3A_553 : vector<16xi1>, vector<16xf32>
        %eq3A_798 = arith.constant 18 : i32
        %eq3A_799 = vector.broadcast %eq3A_798 : i32 to vector<16xi32>
        %eq3A_800 = arith.cmpi eq, %select_n3A_721, %eq3A_799 : vector<16xi32>
        %select_n3A_801 = arith.select %eq3A_800, %broadcast_in_dim3A_1, %select_n3A_557 : vector<16xi1>, vector<16xf32>
        %eq3A_802 = arith.constant 19 : i32
        %eq3A_803 = vector.broadcast %eq3A_802 : i32 to vector<16xi32>
        %eq3A_804 = arith.cmpi eq, %select_n3A_721, %eq3A_803 : vector<16xi32>
        %select_n3A_805 = arith.select %eq3A_804, %broadcast_in_dim3A_1, %select_n3A_561 : vector<16xi1>, vector<16xf32>
        %eq3A_806 = arith.constant 20 : i32
        %eq3A_807 = vector.broadcast %eq3A_806 : i32 to vector<16xi32>
        %eq3A_808 = arith.cmpi eq, %select_n3A_721, %eq3A_807 : vector<16xi32>
        %select_n3A_809 = arith.select %eq3A_808, %broadcast_in_dim3A_1, %select_n3A_565 : vector<16xi1>, vector<16xf32>
        %eq3A_810 = arith.constant 21 : i32
        %eq3A_811 = vector.broadcast %eq3A_810 : i32 to vector<16xi32>
        %eq3A_812 = arith.cmpi eq, %select_n3A_721, %eq3A_811 : vector<16xi32>
        %select_n3A_813 = arith.select %eq3A_812, %broadcast_in_dim3A_1, %select_n3A_569 : vector<16xi1>, vector<16xf32>
        %eq3A_814 = arith.constant 22 : i32
        %eq3A_815 = vector.broadcast %eq3A_814 : i32 to vector<16xi32>
        %eq3A_816 = arith.cmpi eq, %select_n3A_721, %eq3A_815 : vector<16xi32>
        %select_n3A_817 = arith.select %eq3A_816, %broadcast_in_dim3A_1, %select_n3A_573 : vector<16xi1>, vector<16xf32>
        %eq3A_818 = arith.constant 23 : i32
        %eq3A_819 = vector.broadcast %eq3A_818 : i32 to vector<16xi32>
        %eq3A_820 = arith.cmpi eq, %select_n3A_721, %eq3A_819 : vector<16xi32>
        %select_n3A_821 = arith.select %eq3A_820, %broadcast_in_dim3A_1, %select_n3A_577 : vector<16xi1>, vector<16xf32>
        %eq3A_822 = arith.constant 24 : i32
        %eq3A_823 = vector.broadcast %eq3A_822 : i32 to vector<16xi32>
        %eq3A_824 = arith.cmpi eq, %select_n3A_721, %eq3A_823 : vector<16xi32>
        %select_n3A_825 = arith.select %eq3A_824, %broadcast_in_dim3A_1, %select_n3A_581 : vector<16xi1>, vector<16xf32>
        %eq3A_826 = arith.constant 25 : i32
        %eq3A_827 = vector.broadcast %eq3A_826 : i32 to vector<16xi32>
        %eq3A_828 = arith.cmpi eq, %select_n3A_721, %eq3A_827 : vector<16xi32>
        %select_n3A_829 = arith.select %eq3A_828, %broadcast_in_dim3A_1, %select_n3A_585 : vector<16xi1>, vector<16xf32>
        %eq3A_830 = arith.constant 26 : i32
        %eq3A_831 = vector.broadcast %eq3A_830 : i32 to vector<16xi32>
        %eq3A_832 = arith.cmpi eq, %select_n3A_721, %eq3A_831 : vector<16xi32>
        %select_n3A_833 = arith.select %eq3A_832, %broadcast_in_dim3A_1, %select_n3A_589 : vector<16xi1>, vector<16xf32>
        %gt3A_834 = arith.cmpf ogt, %select_n3A_733, %select_n3A_729 : vector<16xf32>
        %select_n3A_835 = arith.select %gt3A_834, %select_n3A_733, %select_n3A_729 : vector<16xi1>, vector<16xf32>
        %jit3A_836 = arith.constant 1 : i32
        %jit3A_837 = arith.constant 0 : i32
        %broadcast_in_dim3A_838 = vector.broadcast %jit3A_836 : i32 to vector<16xi32>
        %broadcast_in_dim3A_839 = vector.broadcast %jit3A_837 : i32 to vector<16xi32>
        %select_n3A_840 = arith.select %gt3A_834, %broadcast_in_dim3A_838, %broadcast_in_dim3A_839 : vector<16xi1>, vector<16xi32>
        %gt3A_841 = arith.cmpf ogt, %select_n3A_741, %select_n3A_737 : vector<16xf32>
        %select_n3A_842 = arith.select %gt3A_841, %select_n3A_741, %select_n3A_737 : vector<16xi1>, vector<16xf32>
        %jit3A_843 = arith.constant 3 : i32
        %jit3A_844 = arith.constant 2 : i32
        %broadcast_in_dim3A_845 = vector.broadcast %jit3A_843 : i32 to vector<16xi32>
        %broadcast_in_dim3A_846 = vector.broadcast %jit3A_844 : i32 to vector<16xi32>
        %select_n3A_847 = arith.select %gt3A_841, %broadcast_in_dim3A_845, %broadcast_in_dim3A_846 : vector<16xi1>, vector<16xi32>
        %gt3A_848 = arith.cmpf ogt, %select_n3A_749, %select_n3A_745 : vector<16xf32>
        %select_n3A_849 = arith.select %gt3A_848, %select_n3A_749, %select_n3A_745 : vector<16xi1>, vector<16xf32>
        %jit3A_850 = arith.constant 5 : i32
        %jit3A_851 = arith.constant 4 : i32
        %broadcast_in_dim3A_852 = vector.broadcast %jit3A_850 : i32 to vector<16xi32>
        %broadcast_in_dim3A_853 = vector.broadcast %jit3A_851 : i32 to vector<16xi32>
        %select_n3A_854 = arith.select %gt3A_848, %broadcast_in_dim3A_852, %broadcast_in_dim3A_853 : vector<16xi1>, vector<16xi32>
        %gt3A_855 = arith.cmpf ogt, %select_n3A_757, %select_n3A_753 : vector<16xf32>
        %select_n3A_856 = arith.select %gt3A_855, %select_n3A_757, %select_n3A_753 : vector<16xi1>, vector<16xf32>
        %jit3A_857 = arith.constant 7 : i32
        %jit3A_858 = arith.constant 6 : i32
        %broadcast_in_dim3A_859 = vector.broadcast %jit3A_857 : i32 to vector<16xi32>
        %broadcast_in_dim3A_860 = vector.broadcast %jit3A_858 : i32 to vector<16xi32>
        %select_n3A_861 = arith.select %gt3A_855, %broadcast_in_dim3A_859, %broadcast_in_dim3A_860 : vector<16xi1>, vector<16xi32>
        %gt3A_862 = arith.cmpf ogt, %select_n3A_765, %select_n3A_761 : vector<16xf32>
        %select_n3A_863 = arith.select %gt3A_862, %select_n3A_765, %select_n3A_761 : vector<16xi1>, vector<16xf32>
        %jit3A_864 = arith.constant 9 : i32
        %jit3A_865 = arith.constant 8 : i32
        %broadcast_in_dim3A_866 = vector.broadcast %jit3A_864 : i32 to vector<16xi32>
        %broadcast_in_dim3A_867 = vector.broadcast %jit3A_865 : i32 to vector<16xi32>
        %select_n3A_868 = arith.select %gt3A_862, %broadcast_in_dim3A_866, %broadcast_in_dim3A_867 : vector<16xi1>, vector<16xi32>
        %gt3A_869 = arith.cmpf ogt, %select_n3A_773, %select_n3A_769 : vector<16xf32>
        %select_n3A_870 = arith.select %gt3A_869, %select_n3A_773, %select_n3A_769 : vector<16xi1>, vector<16xf32>
        %jit3A_871 = arith.constant 11 : i32
        %jit3A_872 = arith.constant 10 : i32
        %broadcast_in_dim3A_873 = vector.broadcast %jit3A_871 : i32 to vector<16xi32>
        %broadcast_in_dim3A_874 = vector.broadcast %jit3A_872 : i32 to vector<16xi32>
        %select_n3A_875 = arith.select %gt3A_869, %broadcast_in_dim3A_873, %broadcast_in_dim3A_874 : vector<16xi1>, vector<16xi32>
        %gt3A_876 = arith.cmpf ogt, %select_n3A_781, %select_n3A_777 : vector<16xf32>
        %select_n3A_877 = arith.select %gt3A_876, %select_n3A_781, %select_n3A_777 : vector<16xi1>, vector<16xf32>
        %jit3A_878 = arith.constant 13 : i32
        %jit3A_879 = arith.constant 12 : i32
        %broadcast_in_dim3A_880 = vector.broadcast %jit3A_878 : i32 to vector<16xi32>
        %broadcast_in_dim3A_881 = vector.broadcast %jit3A_879 : i32 to vector<16xi32>
        %select_n3A_882 = arith.select %gt3A_876, %broadcast_in_dim3A_880, %broadcast_in_dim3A_881 : vector<16xi1>, vector<16xi32>
        %gt3A_883 = arith.cmpf ogt, %select_n3A_789, %select_n3A_785 : vector<16xf32>
        %select_n3A_884 = arith.select %gt3A_883, %select_n3A_789, %select_n3A_785 : vector<16xi1>, vector<16xf32>
        %jit3A_885 = arith.constant 15 : i32
        %jit3A_886 = arith.constant 14 : i32
        %broadcast_in_dim3A_887 = vector.broadcast %jit3A_885 : i32 to vector<16xi32>
        %broadcast_in_dim3A_888 = vector.broadcast %jit3A_886 : i32 to vector<16xi32>
        %select_n3A_889 = arith.select %gt3A_883, %broadcast_in_dim3A_887, %broadcast_in_dim3A_888 : vector<16xi1>, vector<16xi32>
        %gt3A_890 = arith.cmpf ogt, %select_n3A_797, %select_n3A_793 : vector<16xf32>
        %select_n3A_891 = arith.select %gt3A_890, %select_n3A_797, %select_n3A_793 : vector<16xi1>, vector<16xf32>
        %jit3A_892 = arith.constant 17 : i32
        %jit3A_893 = arith.constant 16 : i32
        %broadcast_in_dim3A_894 = vector.broadcast %jit3A_892 : i32 to vector<16xi32>
        %broadcast_in_dim3A_895 = vector.broadcast %jit3A_893 : i32 to vector<16xi32>
        %select_n3A_896 = arith.select %gt3A_890, %broadcast_in_dim3A_894, %broadcast_in_dim3A_895 : vector<16xi1>, vector<16xi32>
        %gt3A_897 = arith.cmpf ogt, %select_n3A_805, %select_n3A_801 : vector<16xf32>
        %select_n3A_898 = arith.select %gt3A_897, %select_n3A_805, %select_n3A_801 : vector<16xi1>, vector<16xf32>
        %jit3A_899 = arith.constant 19 : i32
        %jit3A_900 = arith.constant 18 : i32
        %broadcast_in_dim3A_901 = vector.broadcast %jit3A_899 : i32 to vector<16xi32>
        %broadcast_in_dim3A_902 = vector.broadcast %jit3A_900 : i32 to vector<16xi32>
        %select_n3A_903 = arith.select %gt3A_897, %broadcast_in_dim3A_901, %broadcast_in_dim3A_902 : vector<16xi1>, vector<16xi32>
        %gt3A_904 = arith.cmpf ogt, %select_n3A_813, %select_n3A_809 : vector<16xf32>
        %select_n3A_905 = arith.select %gt3A_904, %select_n3A_813, %select_n3A_809 : vector<16xi1>, vector<16xf32>
        %jit3A_906 = arith.constant 21 : i32
        %jit3A_907 = arith.constant 20 : i32
        %broadcast_in_dim3A_908 = vector.broadcast %jit3A_906 : i32 to vector<16xi32>
        %broadcast_in_dim3A_909 = vector.broadcast %jit3A_907 : i32 to vector<16xi32>
        %select_n3A_910 = arith.select %gt3A_904, %broadcast_in_dim3A_908, %broadcast_in_dim3A_909 : vector<16xi1>, vector<16xi32>
        %gt3A_911 = arith.cmpf ogt, %select_n3A_821, %select_n3A_817 : vector<16xf32>
        %select_n3A_912 = arith.select %gt3A_911, %select_n3A_821, %select_n3A_817 : vector<16xi1>, vector<16xf32>
        %jit3A_913 = arith.constant 23 : i32
        %jit3A_914 = arith.constant 22 : i32
        %broadcast_in_dim3A_915 = vector.broadcast %jit3A_913 : i32 to vector<16xi32>
        %broadcast_in_dim3A_916 = vector.broadcast %jit3A_914 : i32 to vector<16xi32>
        %select_n3A_917 = arith.select %gt3A_911, %broadcast_in_dim3A_915, %broadcast_in_dim3A_916 : vector<16xi1>, vector<16xi32>
        %gt3A_918 = arith.cmpf ogt, %select_n3A_829, %select_n3A_825 : vector<16xf32>
        %select_n3A_919 = arith.select %gt3A_918, %select_n3A_829, %select_n3A_825 : vector<16xi1>, vector<16xf32>
        %jit3A_920 = arith.constant 25 : i32
        %jit3A_921 = arith.constant 24 : i32
        %broadcast_in_dim3A_922 = vector.broadcast %jit3A_920 : i32 to vector<16xi32>
        %broadcast_in_dim3A_923 = vector.broadcast %jit3A_921 : i32 to vector<16xi32>
        %select_n3A_924 = arith.select %gt3A_918, %broadcast_in_dim3A_922, %broadcast_in_dim3A_923 : vector<16xi1>, vector<16xi32>
        %broadcast_in_dim3A_925 = arith.constant 26 : i32
        %broadcast_in_dim3A_926 = vector.broadcast %broadcast_in_dim3A_925 : i32 to vector<16xi32>
        %gt3A_927 = arith.cmpf ogt, %select_n3A_842, %select_n3A_835 : vector<16xf32>
        %select_n3A_928 = arith.select %gt3A_927, %select_n3A_842, %select_n3A_835 : vector<16xi1>, vector<16xf32>
        %select_n3A_929 = arith.select %gt3A_927, %select_n3A_847, %select_n3A_840 : vector<16xi1>, vector<16xi32>
        %gt3A_930 = arith.cmpf ogt, %select_n3A_856, %select_n3A_849 : vector<16xf32>
        %select_n3A_931 = arith.select %gt3A_930, %select_n3A_856, %select_n3A_849 : vector<16xi1>, vector<16xf32>
        %select_n3A_932 = arith.select %gt3A_930, %select_n3A_861, %select_n3A_854 : vector<16xi1>, vector<16xi32>
        %gt3A_933 = arith.cmpf ogt, %select_n3A_870, %select_n3A_863 : vector<16xf32>
        %select_n3A_934 = arith.select %gt3A_933, %select_n3A_870, %select_n3A_863 : vector<16xi1>, vector<16xf32>
        %select_n3A_935 = arith.select %gt3A_933, %select_n3A_875, %select_n3A_868 : vector<16xi1>, vector<16xi32>
        %gt3A_936 = arith.cmpf ogt, %select_n3A_884, %select_n3A_877 : vector<16xf32>
        %select_n3A_937 = arith.select %gt3A_936, %select_n3A_884, %select_n3A_877 : vector<16xi1>, vector<16xf32>
        %select_n3A_938 = arith.select %gt3A_936, %select_n3A_889, %select_n3A_882 : vector<16xi1>, vector<16xi32>
        %gt3A_939 = arith.cmpf ogt, %select_n3A_898, %select_n3A_891 : vector<16xf32>
        %select_n3A_940 = arith.select %gt3A_939, %select_n3A_898, %select_n3A_891 : vector<16xi1>, vector<16xf32>
        %select_n3A_941 = arith.select %gt3A_939, %select_n3A_903, %select_n3A_896 : vector<16xi1>, vector<16xi32>
        %gt3A_942 = arith.cmpf ogt, %select_n3A_912, %select_n3A_905 : vector<16xf32>
        %select_n3A_943 = arith.select %gt3A_942, %select_n3A_912, %select_n3A_905 : vector<16xi1>, vector<16xf32>
        %select_n3A_944 = arith.select %gt3A_942, %select_n3A_917, %select_n3A_910 : vector<16xi1>, vector<16xi32>
        %gt3A_945 = arith.cmpf ogt, %select_n3A_833, %select_n3A_919 : vector<16xf32>
        %select_n3A_946 = arith.select %gt3A_945, %select_n3A_833, %select_n3A_919 : vector<16xi1>, vector<16xf32>
        %select_n3A_947 = arith.select %gt3A_945, %broadcast_in_dim3A_926, %select_n3A_924 : vector<16xi1>, vector<16xi32>
        %gt3A_948 = arith.cmpf ogt, %select_n3A_931, %select_n3A_928 : vector<16xf32>
        %select_n3A_949 = arith.select %gt3A_948, %select_n3A_931, %select_n3A_928 : vector<16xi1>, vector<16xf32>
        %select_n3A_950 = arith.select %gt3A_948, %select_n3A_932, %select_n3A_929 : vector<16xi1>, vector<16xi32>
        %gt3A_951 = arith.cmpf ogt, %select_n3A_937, %select_n3A_934 : vector<16xf32>
        %select_n3A_952 = arith.select %gt3A_951, %select_n3A_937, %select_n3A_934 : vector<16xi1>, vector<16xf32>
        %select_n3A_953 = arith.select %gt3A_951, %select_n3A_938, %select_n3A_935 : vector<16xi1>, vector<16xi32>
        %gt3A_954 = arith.cmpf ogt, %select_n3A_943, %select_n3A_940 : vector<16xf32>
        %select_n3A_955 = arith.select %gt3A_954, %select_n3A_943, %select_n3A_940 : vector<16xi1>, vector<16xf32>
        %select_n3A_956 = arith.select %gt3A_954, %select_n3A_944, %select_n3A_941 : vector<16xi1>, vector<16xi32>
        %gt3A_957 = arith.cmpf ogt, %select_n3A_952, %select_n3A_949 : vector<16xf32>
        %select_n3A_958 = arith.select %gt3A_957, %select_n3A_952, %select_n3A_949 : vector<16xi1>, vector<16xf32>
        %select_n3A_959 = arith.select %gt3A_957, %select_n3A_953, %select_n3A_950 : vector<16xi1>, vector<16xi32>
        %gt3A_960 = arith.cmpf ogt, %select_n3A_946, %select_n3A_955 : vector<16xf32>
        %select_n3A_961 = arith.select %gt3A_960, %select_n3A_946, %select_n3A_955 : vector<16xi1>, vector<16xf32>
        %select_n3A_962 = arith.select %gt3A_960, %select_n3A_947, %select_n3A_956 : vector<16xi1>, vector<16xi32>
        %gt3A_963 = arith.cmpf ogt, %select_n3A_961, %select_n3A_958 : vector<16xf32>
        %select_n3A_964 = arith.select %gt3A_963, %select_n3A_961, %select_n3A_958 : vector<16xi1>, vector<16xf32>
        %select_n3A_965 = arith.select %gt3A_963, %select_n3A_962, %select_n3A_959 : vector<16xi1>, vector<16xi32>
        %swap3A_966 = arith.constant 3 : i32
        %swap3A_967 = arith.index_cast %swap3A_966 : i32 to index
        %swap3A_968 = arith.index_cast %mul3A_23 : i32 to index
        %swap3A_969 = tpu.vector_load %arg6[%swap3A_967, %swap3A_968] {strides = array<i32>} : memref<8x2816xi32, #tpu.memory_space<vmem>>, vector<16xi32>,
        tpu.vector_store %arg6[%swap3A_967, %swap3A_968], %select_n3A_965 {strides = array<i32>} : memref<8x2816xi32, #tpu.memory_space<vmem>>, vector<16xi32>,
        %eq3A_970 = arith.constant 0 : i32
        %eq3A_971 = vector.broadcast %eq3A_970 : i32 to vector<16xi32>
        %eq3A_972 = arith.cmpi eq, %select_n3A_965, %eq3A_971 : vector<16xi32>
        %select_n3A_973 = arith.select %eq3A_972, %broadcast_in_dim3A_1, %select_n3A_729 : vector<16xi1>, vector<16xf32>
        %eq3A_974 = arith.constant 1 : i32
        %eq3A_975 = vector.broadcast %eq3A_974 : i32 to vector<16xi32>
        %eq3A_976 = arith.cmpi eq, %select_n3A_965, %eq3A_975 : vector<16xi32>
        %select_n3A_977 = arith.select %eq3A_976, %broadcast_in_dim3A_1, %select_n3A_733 : vector<16xi1>, vector<16xf32>
        %eq3A_978 = arith.constant 2 : i32
        %eq3A_979 = vector.broadcast %eq3A_978 : i32 to vector<16xi32>
        %eq3A_980 = arith.cmpi eq, %select_n3A_965, %eq3A_979 : vector<16xi32>
        %select_n3A_981 = arith.select %eq3A_980, %broadcast_in_dim3A_1, %select_n3A_737 : vector<16xi1>, vector<16xf32>
        %eq3A_982 = arith.constant 3 : i32
        %eq3A_983 = vector.broadcast %eq3A_982 : i32 to vector<16xi32>
        %eq3A_984 = arith.cmpi eq, %select_n3A_965, %eq3A_983 : vector<16xi32>
        %select_n3A_985 = arith.select %eq3A_984, %broadcast_in_dim3A_1, %select_n3A_741 : vector<16xi1>, vector<16xf32>
        %eq3A_986 = arith.constant 4 : i32
        %eq3A_987 = vector.broadcast %eq3A_986 : i32 to vector<16xi32>
        %eq3A_988 = arith.cmpi eq, %select_n3A_965, %eq3A_987 : vector<16xi32>
        %select_n3A_989 = arith.select %eq3A_988, %broadcast_in_dim3A_1, %select_n3A_745 : vector<16xi1>, vector<16xf32>
        %eq3A_990 = arith.constant 5 : i32
        %eq3A_991 = vector.broadcast %eq3A_990 : i32 to vector<16xi32>
        %eq3A_992 = arith.cmpi eq, %select_n3A_965, %eq3A_991 : vector<16xi32>
        %select_n3A_993 = arith.select %eq3A_992, %broadcast_in_dim3A_1, %select_n3A_749 : vector<16xi1>, vector<16xf32>
        %eq3A_994 = arith.constant 6 : i32
        %eq3A_995 = vector.broadcast %eq3A_994 : i32 to vector<16xi32>
        %eq3A_996 = arith.cmpi eq, %select_n3A_965, %eq3A_995 : vector<16xi32>
        %select_n3A_997 = arith.select %eq3A_996, %broadcast_in_dim3A_1, %select_n3A_753 : vector<16xi1>, vector<16xf32>
        %eq3A_998 = arith.constant 7 : i32
        %eq3A_999 = vector.broadcast %eq3A_998 : i32 to vector<16xi32>
        %eq3A_1000 = arith.cmpi eq, %select_n3A_965, %eq3A_999 : vector<16xi32>
        %select_n3A_1001 = arith.select %eq3A_1000, %broadcast_in_dim3A_1, %select_n3A_757 : vector<16xi1>, vector<16xf32>
        %eq3A_1002 = arith.constant 8 : i32
        %eq3A_1003 = vector.broadcast %eq3A_1002 : i32 to vector<16xi32>
        %eq3A_1004 = arith.cmpi eq, %select_n3A_965, %eq3A_1003 : vector<16xi32>
        %select_n3A_1005 = arith.select %eq3A_1004, %broadcast_in_dim3A_1, %select_n3A_761 : vector<16xi1>, vector<16xf32>
        %eq3A_1006 = arith.constant 9 : i32
        %eq3A_1007 = vector.broadcast %eq3A_1006 : i32 to vector<16xi32>
        %eq3A_1008 = arith.cmpi eq, %select_n3A_965, %eq3A_1007 : vector<16xi32>
        %select_n3A_1009 = arith.select %eq3A_1008, %broadcast_in_dim3A_1, %select_n3A_765 : vector<16xi1>, vector<16xf32>
        %eq3A_1010 = arith.constant 10 : i32
        %eq3A_1011 = vector.broadcast %eq3A_1010 : i32 to vector<16xi32>
        %eq3A_1012 = arith.cmpi eq, %select_n3A_965, %eq3A_1011 : vector<16xi32>
        %select_n3A_1013 = arith.select %eq3A_1012, %broadcast_in_dim3A_1, %select_n3A_769 : vector<16xi1>, vector<16xf32>
        %eq3A_1014 = arith.constant 11 : i32
        %eq3A_1015 = vector.broadcast %eq3A_1014 : i32 to vector<16xi32>
        %eq3A_1016 = arith.cmpi eq, %select_n3A_965, %eq3A_1015 : vector<16xi32>
        %select_n3A_1017 = arith.select %eq3A_1016, %broadcast_in_dim3A_1, %select_n3A_773 : vector<16xi1>, vector<16xf32>
        %eq3A_1018 = arith.constant 12 : i32
        %eq3A_1019 = vector.broadcast %eq3A_1018 : i32 to vector<16xi32>
        %eq3A_1020 = arith.cmpi eq, %select_n3A_965, %eq3A_1019 : vector<16xi32>
        %select_n3A_1021 = arith.select %eq3A_1020, %broadcast_in_dim3A_1, %select_n3A_777 : vector<16xi1>, vector<16xf32>
        %eq3A_1022 = arith.constant 13 : i32
        %eq3A_1023 = vector.broadcast %eq3A_1022 : i32 to vector<16xi32>
        %eq3A_1024 = arith.cmpi eq, %select_n3A_965, %eq3A_1023 : vector<16xi32>
        %select_n3A_1025 = arith.select %eq3A_1024, %broadcast_in_dim3A_1, %select_n3A_781 : vector<16xi1>, vector<16xf32>
        %eq3A_1026 = arith.constant 14 : i32
        %eq3A_1027 = vector.broadcast %eq3A_1026 : i32 to vector<16xi32>
        %eq3A_1028 = arith.cmpi eq, %select_n3A_965, %eq3A_1027 : vector<16xi32>
        %select_n3A_1029 = arith.select %eq3A_1028, %broadcast_in_dim3A_1, %select_n3A_785 : vector<16xi1>, vector<16xf32>
        %eq3A_1030 = arith.constant 15 : i32
        %eq3A_1031 = vector.broadcast %eq3A_1030 : i32 to vector<16xi32>
        %eq3A_1032 = arith.cmpi eq, %select_n3A_965, %eq3A_1031 : vector<16xi32>
        %select_n3A_1033 = arith.select %eq3A_1032, %broadcast_in_dim3A_1, %select_n3A_789 : vector<16xi1>, vector<16xf32>
        %eq3A_1034 = arith.constant 16 : i32
        %eq3A_1035 = vector.broadcast %eq3A_1034 : i32 to vector<16xi32>
        %eq3A_1036 = arith.cmpi eq, %select_n3A_965, %eq3A_1035 : vector<16xi32>
        %select_n3A_1037 = arith.select %eq3A_1036, %broadcast_in_dim3A_1, %select_n3A_793 : vector<16xi1>, vector<16xf32>
        %eq3A_1038 = arith.constant 17 : i32
        %eq3A_1039 = vector.broadcast %eq3A_1038 : i32 to vector<16xi32>
        %eq3A_1040 = arith.cmpi eq, %select_n3A_965, %eq3A_1039 : vector<16xi32>
        %select_n3A_1041 = arith.select %eq3A_1040, %broadcast_in_dim3A_1, %select_n3A_797 : vector<16xi1>, vector<16xf32>
        %eq3A_1042 = arith.constant 18 : i32
        %eq3A_1043 = vector.broadcast %eq3A_1042 : i32 to vector<16xi32>
        %eq3A_1044 = arith.cmpi eq, %select_n3A_965, %eq3A_1043 : vector<16xi32>
        %select_n3A_1045 = arith.select %eq3A_1044, %broadcast_in_dim3A_1, %select_n3A_801 : vector<16xi1>, vector<16xf32>
        %eq3A_1046 = arith.constant 19 : i32
        %eq3A_1047 = vector.broadcast %eq3A_1046 : i32 to vector<16xi32>
        %eq3A_1048 = arith.cmpi eq, %select_n3A_965, %eq3A_1047 : vector<16xi32>
        %select_n3A_1049 = arith.select %eq3A_1048, %broadcast_in_dim3A_1, %select_n3A_805 : vector<16xi1>, vector<16xf32>
        %eq3A_1050 = arith.constant 20 : i32
        %eq3A_1051 = vector.broadcast %eq3A_1050 : i32 to vector<16xi32>
        %eq3A_1052 = arith.cmpi eq, %select_n3A_965, %eq3A_1051 : vector<16xi32>
        %select_n3A_1053 = arith.select %eq3A_1052, %broadcast_in_dim3A_1, %select_n3A_809 : vector<16xi1>, vector<16xf32>
        %eq3A_1054 = arith.constant 21 : i32
        %eq3A_1055 = vector.broadcast %eq3A_1054 : i32 to vector<16xi32>
        %eq3A_1056 = arith.cmpi eq, %select_n3A_965, %eq3A_1055 : vector<16xi32>
        %select_n3A_1057 = arith.select %eq3A_1056, %broadcast_in_dim3A_1, %select_n3A_813 : vector<16xi1>, vector<16xf32>
        %eq3A_1058 = arith.constant 22 : i32
        %eq3A_1059 = vector.broadcast %eq3A_1058 : i32 to vector<16xi32>
        %eq3A_1060 = arith.cmpi eq, %select_n3A_965, %eq3A_1059 : vector<16xi32>
        %select_n3A_1061 = arith.select %eq3A_1060, %broadcast_in_dim3A_1, %select_n3A_817 : vector<16xi1>, vector<16xf32>
        %eq3A_1062 = arith.constant 23 : i32
        %eq3A_1063 = vector.broadcast %eq3A_1062 : i32 to vector<16xi32>
        %eq3A_1064 = arith.cmpi eq, %select_n3A_965, %eq3A_1063 : vector<16xi32>
        %select_n3A_1065 = arith.select %eq3A_1064, %broadcast_in_dim3A_1, %select_n3A_821 : vector<16xi1>, vector<16xf32>
        %eq3A_1066 = arith.constant 24 : i32
        %eq3A_1067 = vector.broadcast %eq3A_1066 : i32 to vector<16xi32>
        %eq3A_1068 = arith.cmpi eq, %select_n3A_965, %eq3A_1067 : vector<16xi32>
        %select_n3A_1069 = arith.select %eq3A_1068, %broadcast_in_dim3A_1, %select_n3A_825 : vector<16xi1>, vector<16xf32>
        %eq3A_1070 = arith.constant 25 : i32
        %eq3A_1071 = vector.broadcast %eq3A_1070 : i32 to vector<16xi32>
        %eq3A_1072 = arith.cmpi eq, %select_n3A_965, %eq3A_1071 : vector<16xi32>
        %select_n3A_1073 = arith.select %eq3A_1072, %broadcast_in_dim3A_1, %select_n3A_829 : vector<16xi1>, vector<16xf32>
        %eq3A_1074 = arith.constant 26 : i32
        %eq3A_1075 = vector.broadcast %eq3A_1074 : i32 to vector<16xi32>
        %eq3A_1076 = arith.cmpi eq, %select_n3A_965, %eq3A_1075 : vector<16xi32>
        %select_n3A_1077 = arith.select %eq3A_1076, %broadcast_in_dim3A_1, %select_n3A_833 : vector<16xi1>, vector<16xf32>
        %gt3A_1078 = arith.cmpf ogt, %select_n3A_977, %select_n3A_973 : vector<16xf32>
        %select_n3A_1079 = arith.select %gt3A_1078, %select_n3A_977, %select_n3A_973 : vector<16xi1>, vector<16xf32>
        %jit3A_1080 = arith.constant 1 : i32
        %jit3A_1081 = arith.constant 0 : i32
        %broadcast_in_dim3A_1082 = vector.broadcast %jit3A_1080 : i32 to vector<16xi32>
        %broadcast_in_dim3A_1083 = vector.broadcast %jit3A_1081 : i32 to vector<16xi32>
        %select_n3A_1084 = arith.select %gt3A_1078, %broadcast_in_dim3A_1082, %broadcast_in_dim3A_1083 : vector<16xi1>, vector<16xi32>
        %gt3A_1085 = arith.cmpf ogt, %select_n3A_985, %select_n3A_981 : vector<16xf32>
        %select_n3A_1086 = arith.select %gt3A_1085, %select_n3A_985, %select_n3A_981 : vector<16xi1>, vector<16xf32>
        %jit3A_1087 = arith.constant 3 : i32
        %jit3A_1088 = arith.constant 2 : i32
        %broadcast_in_dim3A_1089 = vector.broadcast %jit3A_1087 : i32 to vector<16xi32>
        %broadcast_in_dim3A_1090 = vector.broadcast %jit3A_1088 : i32 to vector<16xi32>
        %select_n3A_1091 = arith.select %gt3A_1085, %broadcast_in_dim3A_1089, %broadcast_in_dim3A_1090 : vector<16xi1>, vector<16xi32>
        %gt3A_1092 = arith.cmpf ogt, %select_n3A_993, %select_n3A_989 : vector<16xf32>
        %select_n3A_1093 = arith.select %gt3A_1092, %select_n3A_993, %select_n3A_989 : vector<16xi1>, vector<16xf32>
        %jit3A_1094 = arith.constant 5 : i32
        %jit3A_1095 = arith.constant 4 : i32
        %broadcast_in_dim3A_1096 = vector.broadcast %jit3A_1094 : i32 to vector<16xi32>
        %broadcast_in_dim3A_1097 = vector.broadcast %jit3A_1095 : i32 to vector<16xi32>
        %select_n3A_1098 = arith.select %gt3A_1092, %broadcast_in_dim3A_1096, %broadcast_in_dim3A_1097 : vector<16xi1>, vector<16xi32>
        %gt3A_1099 = arith.cmpf ogt, %select_n3A_1001, %select_n3A_997 : vector<16xf32>
        %select_n3A_1100 = arith.select %gt3A_1099, %select_n3A_1001, %select_n3A_997 : vector<16xi1>, vector<16xf32>
        %jit3A_1101 = arith.constant 7 : i32
        %jit3A_1102 = arith.constant 6 : i32
        %broadcast_in_dim3A_1103 = vector.broadcast %jit3A_1101 : i32 to vector<16xi32>
        %broadcast_in_dim3A_1104 = vector.broadcast %jit3A_1102 : i32 to vector<16xi32>
        %select_n3A_1105 = arith.select %gt3A_1099, %broadcast_in_dim3A_1103, %broadcast_in_dim3A_1104 : vector<16xi1>, vector<16xi32>
        %gt3A_1106 = arith.cmpf ogt, %select_n3A_1009, %select_n3A_1005 : vector<16xf32>
        %select_n3A_1107 = arith.select %gt3A_1106, %select_n3A_1009, %select_n3A_1005 : vector<16xi1>, vector<16xf32>
        %jit3A_1108 = arith.constant 9 : i32
        %jit3A_1109 = arith.constant 8 : i32
        %broadcast_in_dim3A_1110 = vector.broadcast %jit3A_1108 : i32 to vector<16xi32>
        %broadcast_in_dim3A_1111 = vector.broadcast %jit3A_1109 : i32 to vector<16xi32>
        %select_n3A_1112 = arith.select %gt3A_1106, %broadcast_in_dim3A_1110, %broadcast_in_dim3A_1111 : vector<16xi1>, vector<16xi32>
        %gt3A_1113 = arith.cmpf ogt, %select_n3A_1017, %select_n3A_1013 : vector<16xf32>
        %select_n3A_1114 = arith.select %gt3A_1113, %select_n3A_1017, %select_n3A_1013 : vector<16xi1>, vector<16xf32>
        %jit3A_1115 = arith.constant 11 : i32
        %jit3A_1116 = arith.constant 10 : i32
        %broadcast_in_dim3A_1117 = vector.broadcast %jit3A_1115 : i32 to vector<16xi32>
        %broadcast_in_dim3A_1118 = vector.broadcast %jit3A_1116 : i32 to vector<16xi32>
        %select_n3A_1119 = arith.select %gt3A_1113, %broadcast_in_dim3A_1117, %broadcast_in_dim3A_1118 : vector<16xi1>, vector<16xi32>
        %gt3A_1120 = arith.cmpf ogt, %select_n3A_1025, %select_n3A_1021 : vector<16xf32>
        %select_n3A_1121 = arith.select %gt3A_1120, %select_n3A_1025, %select_n3A_1021 : vector<16xi1>, vector<16xf32>
        %jit3A_1122 = arith.constant 13 : i32
        %jit3A_1123 = arith.constant 12 : i32
        %broadcast_in_dim3A_1124 = vector.broadcast %jit3A_1122 : i32 to vector<16xi32>
        %broadcast_in_dim3A_1125 = vector.broadcast %jit3A_1123 : i32 to vector<16xi32>
        %select_n3A_1126 = arith.select %gt3A_1120, %broadcast_in_dim3A_1124, %broadcast_in_dim3A_1125 : vector<16xi1>, vector<16xi32>
        %gt3A_1127 = arith.cmpf ogt, %select_n3A_1033, %select_n3A_1029 : vector<16xf32>
        %select_n3A_1128 = arith.select %gt3A_1127, %select_n3A_1033, %select_n3A_1029 : vector<16xi1>, vector<16xf32>
        %jit3A_1129 = arith.constant 15 : i32
        %jit3A_1130 = arith.constant 14 : i32
        %broadcast_in_dim3A_1131 = vector.broadcast %jit3A_1129 : i32 to vector<16xi32>
        %broadcast_in_dim3A_1132 = vector.broadcast %jit3A_1130 : i32 to vector<16xi32>
        %select_n3A_1133 = arith.select %gt3A_1127, %broadcast_in_dim3A_1131, %broadcast_in_dim3A_1132 : vector<16xi1>, vector<16xi32>
        %gt3A_1134 = arith.cmpf ogt, %select_n3A_1041, %select_n3A_1037 : vector<16xf32>
        %select_n3A_1135 = arith.select %gt3A_1134, %select_n3A_1041, %select_n3A_1037 : vector<16xi1>, vector<16xf32>
        %jit3A_1136 = arith.constant 17 : i32
        %jit3A_1137 = arith.constant 16 : i32
        %broadcast_in_dim3A_1138 = vector.broadcast %jit3A_1136 : i32 to vector<16xi32>
        %broadcast_in_dim3A_1139 = vector.broadcast %jit3A_1137 : i32 to vector<16xi32>
        %select_n3A_1140 = arith.select %gt3A_1134, %broadcast_in_dim3A_1138, %broadcast_in_dim3A_1139 : vector<16xi1>, vector<16xi32>
        %gt3A_1141 = arith.cmpf ogt, %select_n3A_1049, %select_n3A_1045 : vector<16xf32>
        %select_n3A_1142 = arith.select %gt3A_1141, %select_n3A_1049, %select_n3A_1045 : vector<16xi1>, vector<16xf32>
        %jit3A_1143 = arith.constant 19 : i32
        %jit3A_1144 = arith.constant 18 : i32
        %broadcast_in_dim3A_1145 = vector.broadcast %jit3A_1143 : i32 to vector<16xi32>
        %broadcast_in_dim3A_1146 = vector.broadcast %jit3A_1144 : i32 to vector<16xi32>
        %select_n3A_1147 = arith.select %gt3A_1141, %broadcast_in_dim3A_1145, %broadcast_in_dim3A_1146 : vector<16xi1>, vector<16xi32>
        %gt3A_1148 = arith.cmpf ogt, %select_n3A_1057, %select_n3A_1053 : vector<16xf32>
        %select_n3A_1149 = arith.select %gt3A_1148, %select_n3A_1057, %select_n3A_1053 : vector<16xi1>, vector<16xf32>
        %jit3A_1150 = arith.constant 21 : i32
        %jit3A_1151 = arith.constant 20 : i32
        %broadcast_in_dim3A_1152 = vector.broadcast %jit3A_1150 : i32 to vector<16xi32>
        %broadcast_in_dim3A_1153 = vector.broadcast %jit3A_1151 : i32 to vector<16xi32>
        %select_n3A_1154 = arith.select %gt3A_1148, %broadcast_in_dim3A_1152, %broadcast_in_dim3A_1153 : vector<16xi1>, vector<16xi32>
        %gt3A_1155 = arith.cmpf ogt, %select_n3A_1065, %select_n3A_1061 : vector<16xf32>
        %select_n3A_1156 = arith.select %gt3A_1155, %select_n3A_1065, %select_n3A_1061 : vector<16xi1>, vector<16xf32>
        %jit3A_1157 = arith.constant 23 : i32
        %jit3A_1158 = arith.constant 22 : i32
        %broadcast_in_dim3A_1159 = vector.broadcast %jit3A_1157 : i32 to vector<16xi32>
        %broadcast_in_dim3A_1160 = vector.broadcast %jit3A_1158 : i32 to vector<16xi32>
        %select_n3A_1161 = arith.select %gt3A_1155, %broadcast_in_dim3A_1159, %broadcast_in_dim3A_1160 : vector<16xi1>, vector<16xi32>
        %gt3A_1162 = arith.cmpf ogt, %select_n3A_1073, %select_n3A_1069 : vector<16xf32>
        %select_n3A_1163 = arith.select %gt3A_1162, %select_n3A_1073, %select_n3A_1069 : vector<16xi1>, vector<16xf32>
        %jit3A_1164 = arith.constant 25 : i32
        %jit3A_1165 = arith.constant 24 : i32
        %broadcast_in_dim3A_1166 = vector.broadcast %jit3A_1164 : i32 to vector<16xi32>
        %broadcast_in_dim3A_1167 = vector.broadcast %jit3A_1165 : i32 to vector<16xi32>
        %select_n3A_1168 = arith.select %gt3A_1162, %broadcast_in_dim3A_1166, %broadcast_in_dim3A_1167 : vector<16xi1>, vector<16xi32>
        %broadcast_in_dim3A_1169 = arith.constant 26 : i32
        %broadcast_in_dim3A_1170 = vector.broadcast %broadcast_in_dim3A_1169 : i32 to vector<16xi32>
        %gt3A_1171 = arith.cmpf ogt, %select_n3A_1086, %select_n3A_1079 : vector<16xf32>
        %select_n3A_1172 = arith.select %gt3A_1171, %select_n3A_1086, %select_n3A_1079 : vector<16xi1>, vector<16xf32>
        %select_n3A_1173 = arith.select %gt3A_1171, %select_n3A_1091, %select_n3A_1084 : vector<16xi1>, vector<16xi32>
        %gt3A_1174 = arith.cmpf ogt, %select_n3A_1100, %select_n3A_1093 : vector<16xf32>
        %select_n3A_1175 = arith.select %gt3A_1174, %select_n3A_1100, %select_n3A_1093 : vector<16xi1>, vector<16xf32>
        %select_n3A_1176 = arith.select %gt3A_1174, %select_n3A_1105, %select_n3A_1098 : vector<16xi1>, vector<16xi32>
        %gt3A_1177 = arith.cmpf ogt, %select_n3A_1114, %select_n3A_1107 : vector<16xf32>
        %select_n3A_1178 = arith.select %gt3A_1177, %select_n3A_1114, %select_n3A_1107 : vector<16xi1>, vector<16xf32>
        %select_n3A_1179 = arith.select %gt3A_1177, %select_n3A_1119, %select_n3A_1112 : vector<16xi1>, vector<16xi32>
        %gt3A_1180 = arith.cmpf ogt, %select_n3A_1128, %select_n3A_1121 : vector<16xf32>
        %select_n3A_1181 = arith.select %gt3A_1180, %select_n3A_1128, %select_n3A_1121 : vector<16xi1>, vector<16xf32>
        %select_n3A_1182 = arith.select %gt3A_1180, %select_n3A_1133, %select_n3A_1126 : vector<16xi1>, vector<16xi32>
        %gt3A_1183 = arith.cmpf ogt, %select_n3A_1142, %select_n3A_1135 : vector<16xf32>
        %select_n3A_1184 = arith.select %gt3A_1183, %select_n3A_1142, %select_n3A_1135 : vector<16xi1>, vector<16xf32>
        %select_n3A_1185 = arith.select %gt3A_1183, %select_n3A_1147, %select_n3A_1140 : vector<16xi1>, vector<16xi32>
        %gt3A_1186 = arith.cmpf ogt, %select_n3A_1156, %select_n3A_1149 : vector<16xf32>
        %select_n3A_1187 = arith.select %gt3A_1186, %select_n3A_1156, %select_n3A_1149 : vector<16xi1>, vector<16xf32>
        %select_n3A_1188 = arith.select %gt3A_1186, %select_n3A_1161, %select_n3A_1154 : vector<16xi1>, vector<16xi32>
        %gt3A_1189 = arith.cmpf ogt, %select_n3A_1077, %select_n3A_1163 : vector<16xf32>
        %select_n3A_1190 = arith.select %gt3A_1189, %select_n3A_1077, %select_n3A_1163 : vector<16xi1>, vector<16xf32>
        %select_n3A_1191 = arith.select %gt3A_1189, %broadcast_in_dim3A_1170, %select_n3A_1168 : vector<16xi1>, vector<16xi32>
        %gt3A_1192 = arith.cmpf ogt, %select_n3A_1175, %select_n3A_1172 : vector<16xf32>
        %select_n3A_1193 = arith.select %gt3A_1192, %select_n3A_1175, %select_n3A_1172 : vector<16xi1>, vector<16xf32>
        %select_n3A_1194 = arith.select %gt3A_1192, %select_n3A_1176, %select_n3A_1173 : vector<16xi1>, vector<16xi32>
        %gt3A_1195 = arith.cmpf ogt, %select_n3A_1181, %select_n3A_1178 : vector<16xf32>
        %select_n3A_1196 = arith.select %gt3A_1195, %select_n3A_1181, %select_n3A_1178 : vector<16xi1>, vector<16xf32>
        %select_n3A_1197 = arith.select %gt3A_1195, %select_n3A_1182, %select_n3A_1179 : vector<16xi1>, vector<16xi32>
        %gt3A_1198 = arith.cmpf ogt, %select_n3A_1187, %select_n3A_1184 : vector<16xf32>
        %select_n3A_1199 = arith.select %gt3A_1198, %select_n3A_1187, %select_n3A_1184 : vector<16xi1>, vector<16xf32>
        %select_n3A_1200 = arith.select %gt3A_1198, %select_n3A_1188, %select_n3A_1185 : vector<16xi1>, vector<16xi32>
        %gt3A_1201 = arith.cmpf ogt, %select_n3A_1196, %select_n3A_1193 : vector<16xf32>
        %select_n3A_1202 = arith.select %gt3A_1201, %select_n3A_1196, %select_n3A_1193 : vector<16xi1>, vector<16xf32>
        %select_n3A_1203 = arith.select %gt3A_1201, %select_n3A_1197, %select_n3A_1194 : vector<16xi1>, vector<16xi32>
        %gt3A_1204 = arith.cmpf ogt, %select_n3A_1190, %select_n3A_1199 : vector<16xf32>
        %select_n3A_1205 = arith.select %gt3A_1204, %select_n3A_1190, %select_n3A_1199 : vector<16xi1>, vector<16xf32>
        %select_n3A_1206 = arith.select %gt3A_1204, %select_n3A_1191, %select_n3A_1200 : vector<16xi1>, vector<16xi32>
        %gt3A_1207 = arith.cmpf ogt, %select_n3A_1205, %select_n3A_1202 : vector<16xf32>
        %select_n3A_1208 = arith.select %gt3A_1207, %select_n3A_1205, %select_n3A_1202 : vector<16xi1>, vector<16xf32>
        %select_n3A_1209 = arith.select %gt3A_1207, %select_n3A_1206, %select_n3A_1203 : vector<16xi1>, vector<16xi32>
        %swap3A_1210 = arith.constant 4 : i32
        %swap3A_1211 = arith.index_cast %swap3A_1210 : i32 to index
        %swap3A_1212 = arith.index_cast %mul3A_23 : i32 to index
        %swap3A_1213 = tpu.vector_load %arg6[%swap3A_1211, %swap3A_1212] {strides = array<i32>} : memref<8x2816xi32, #tpu.memory_space<vmem>>, vector<16xi32>,
        tpu.vector_store %arg6[%swap3A_1211, %swap3A_1212], %select_n3A_1209 {strides = array<i32>} : memref<8x2816xi32, #tpu.memory_space<vmem>>, vector<16xi32>,
      }
      %scan3A_12 = arith.constant 144 : i32
      "tpu.region"() ({
        %run_scoped3A = tpu.sem_alloc : memref<!tpu.dma_semaphore, #tpu.memory_space<semaphore_mem>>
        %dma_start3A = arith.constant 0 : i32
        %dma_start3A_19 = arith.constant 2304 : i32
        %dma_start3A_20 = tpu.memref_slice %arg5[%dma_start3A, %dma_start3A_19] : memref<27x2816xf32, #tpu.memory_space<vmem>> -> memref<27x128xf32, #tpu.memory_space<vmem>>
        %dma_start3A_21 = arith.constant 0 : i32
        %dma_start3A_22 = arith.constant 2304 : i32
        %dma_start3A_23 = tpu.memref_slice %arg5[%dma_start3A_21, %dma_start3A_22] : memref<27x2816xf32, #tpu.memory_space<vmem>> -> memref<27x128xf32, #tpu.memory_space<vmem>>
        tpu.enqueue_dma source(%arg3 : memref<27x128xf32, #tpu.memory_space<hbm>>) target(%dma_start3A_23 : memref<27x128xf32, #tpu.memory_space<vmem>>) target_semaphore(%run_scoped3A : memref<!tpu.dma_semaphore, #tpu.memory_space<semaphore_mem>>)
        %dma_wait3A = arith.constant 0 : i32
        %dma_wait3A_24 = arith.constant 2304 : i32
        %dma_wait3A_25 = tpu.memref_slice %arg5[%dma_wait3A, %dma_wait3A_24] : memref<27x2816xf32, #tpu.memory_space<vmem>> -> memref<27x128xf32, #tpu.memory_space<vmem>>
        %dma_wait3A_26 = arith.constant 0 : i32
        %dma_wait3A_27 = arith.constant 2304 : i32
        %dma_wait3A_28 = tpu.memref_slice %arg5[%dma_wait3A_26, %dma_wait3A_27] : memref<27x2816xf32, #tpu.memory_space<vmem>> -> memref<27x128xf32, #tpu.memory_space<vmem>>
        tpu.wait_dma2 semaphore(%run_scoped3A : memref<!tpu.dma_semaphore, #tpu.memory_space<semaphore_mem>>) src(%arg3 : memref<27x128xf32, #tpu.memory_space<hbm>>) dst(%dma_wait3A_28 : memref<27x128xf32, #tpu.memory_space<vmem>>)
        tpu.yield
      }) : () -> ()
      %scan3A_13 = arith.constant 0 : i32
      %scan3A_14 = arith.constant 0 : i32
      %scan3A_15 = arith.constant 7 : i32
      %scan3A_16 = arith.addi %scan3A_14, %scan3A_15 : i32
      %scan3A_17 = arith.constant 1 : i32
      scf.for %scan3A_19 = %scan3A_14 to %scan3A_16 step %scan3A_17  : i32 {
        %mul3A_20 = arith.constant 16 : i32
        %mul3A_21 = arith.muli %scan3A_19, %mul3A_20 : i32
        %add3A_22 = arith.constant 2332 : i32
        %add3A_23 = arith.addi %add3A_22, %mul3A_21 : i32
        %mul3A_24 = arith.constant 16 : i32
        %mul3A_25 = arith.muli %scan3A_19, %mul3A_24 : i32
        %add3A_26 = arith.constant 2304 : i32
        %add3A_27 = arith.addi %add3A_26, %mul3A_25 : i32
        %add3A_28 = vector.broadcast %add3A_23 : i32 to vector<16xi32>
        %add3A_29 = arith.addi %add3A_28, %iota3A : vector<16xi32>
        %broadcast_in_dim3A_30 = arith.constant 0 : i32
        %broadcast_in_dim3A_31 = vector.broadcast %broadcast_in_dim3A_30 : i32 to vector<16xi32>
        %gather3A = tpu.vector_load_idx %arg5[%broadcast_in_dim3A_31, %add3A_29] : memref<27x2816xf32, #tpu.memory_space<vmem>>[vector<16xi32>, vector<16xi32>], vector<16xf32>,
        %broadcast_in_dim3A_32 = arith.constant 1 : i32
        %broadcast_in_dim3A_33 = vector.broadcast %broadcast_in_dim3A_32 : i32 to vector<16xi32>
        %gather3A_34 = tpu.vector_load_idx %arg5[%broadcast_in_dim3A_33, %add3A_29] : memref<27x2816xf32, #tpu.memory_space<vmem>>[vector<16xi32>, vector<16xi32>], vector<16xf32>,
        %broadcast_in_dim3A_35 = arith.constant 2 : i32
        %broadcast_in_dim3A_36 = vector.broadcast %broadcast_in_dim3A_35 : i32 to vector<16xi32>
        %gather3A_37 = tpu.vector_load_idx %arg5[%broadcast_in_dim3A_36, %add3A_29] : memref<27x2816xf32, #tpu.memory_space<vmem>>[vector<16xi32>, vector<16xi32>], vector<16xf32>,
        %broadcast_in_dim3A_38 = arith.constant 3 : i32
        %broadcast_in_dim3A_39 = vector.broadcast %broadcast_in_dim3A_38 : i32 to vector<16xi32>
        %gather3A_40 = tpu.vector_load_idx %arg5[%broadcast_in_dim3A_39, %add3A_29] : memref<27x2816xf32, #tpu.memory_space<vmem>>[vector<16xi32>, vector<16xi32>], vector<16xf32>,
        %broadcast_in_dim3A_41 = arith.constant 4 : i32
        %broadcast_in_dim3A_42 = vector.broadcast %broadcast_in_dim3A_41 : i32 to vector<16xi32>
        %gather3A_43 = tpu.vector_load_idx %arg5[%broadcast_in_dim3A_42, %add3A_29] : memref<27x2816xf32, #tpu.memory_space<vmem>>[vector<16xi32>, vector<16xi32>], vector<16xf32>,
        %broadcast_in_dim3A_44 = arith.constant 5 : i32
        %broadcast_in_dim3A_45 = vector.broadcast %broadcast_in_dim3A_44 : i32 to vector<16xi32>
        %gather3A_46 = tpu.vector_load_idx %arg5[%broadcast_in_dim3A_45, %add3A_29] : memref<27x2816xf32, #tpu.memory_space<vmem>>[vector<16xi32>, vector<16xi32>], vector<16xf32>,
        %broadcast_in_dim3A_47 = arith.constant 6 : i32
        %broadcast_in_dim3A_48 = vector.broadcast %broadcast_in_dim3A_47 : i32 to vector<16xi32>
        %gather3A_49 = tpu.vector_load_idx %arg5[%broadcast_in_dim3A_48, %add3A_29] : memref<27x2816xf32, #tpu.memory_space<vmem>>[vector<16xi32>, vector<16xi32>], vector<16xf32>,
        %broadcast_in_dim3A_50 = arith.constant 7 : i32
        %broadcast_in_dim3A_51 = vector.broadcast %broadcast_in_dim3A_50 : i32 to vector<16xi32>
        %gather3A_52 = tpu.vector_load_idx %arg5[%broadcast_in_dim3A_51, %add3A_29] : memref<27x2816xf32, #tpu.memory_space<vmem>>[vector<16xi32>, vector<16xi32>], vector<16xf32>,
        %broadcast_in_dim3A_53 = arith.constant 8 : i32
        %broadcast_in_dim3A_54 = vector.broadcast %broadcast_in_dim3A_53 : i32 to vector<16xi32>
        %gather3A_55 = tpu.vector_load_idx %arg5[%broadcast_in_dim3A_54, %add3A_29] : memref<27x2816xf32, #tpu.memory_space<vmem>>[vector<16xi32>, vector<16xi32>], vector<16xf32>,
        %broadcast_in_dim3A_56 = arith.constant 9 : i32
        %broadcast_in_dim3A_57 = vector.broadcast %broadcast_in_dim3A_56 : i32 to vector<16xi32>
        %gather3A_58 = tpu.vector_load_idx %arg5[%broadcast_in_dim3A_57, %add3A_29] : memref<27x2816xf32, #tpu.memory_space<vmem>>[vector<16xi32>, vector<16xi32>], vector<16xf32>,
        %broadcast_in_dim3A_59 = arith.constant 10 : i32
        %broadcast_in_dim3A_60 = vector.broadcast %broadcast_in_dim3A_59 : i32 to vector<16xi32>
        %gather3A_61 = tpu.vector_load_idx %arg5[%broadcast_in_dim3A_60, %add3A_29] : memref<27x2816xf32, #tpu.memory_space<vmem>>[vector<16xi32>, vector<16xi32>], vector<16xf32>,
        %broadcast_in_dim3A_62 = arith.constant 11 : i32
        %broadcast_in_dim3A_63 = vector.broadcast %broadcast_in_dim3A_62 : i32 to vector<16xi32>
        %gather3A_64 = tpu.vector_load_idx %arg5[%broadcast_in_dim3A_63, %add3A_29] : memref<27x2816xf32, #tpu.memory_space<vmem>>[vector<16xi32>, vector<16xi32>], vector<16xf32>,
        %broadcast_in_dim3A_65 = arith.constant 12 : i32
        %broadcast_in_dim3A_66 = vector.broadcast %broadcast_in_dim3A_65 : i32 to vector<16xi32>
        %gather3A_67 = tpu.vector_load_idx %arg5[%broadcast_in_dim3A_66, %add3A_29] : memref<27x2816xf32, #tpu.memory_space<vmem>>[vector<16xi32>, vector<16xi32>], vector<16xf32>,
        %broadcast_in_dim3A_68 = arith.constant 13 : i32
        %broadcast_in_dim3A_69 = vector.broadcast %broadcast_in_dim3A_68 : i32 to vector<16xi32>
        %gather3A_70 = tpu.vector_load_idx %arg5[%broadcast_in_dim3A_69, %add3A_29] : memref<27x2816xf32, #tpu.memory_space<vmem>>[vector<16xi32>, vector<16xi32>], vector<16xf32>,
        %broadcast_in_dim3A_71 = arith.constant 14 : i32
        %broadcast_in_dim3A_72 = vector.broadcast %broadcast_in_dim3A_71 : i32 to vector<16xi32>
        %gather3A_73 = tpu.vector_load_idx %arg5[%broadcast_in_dim3A_72, %add3A_29] : memref<27x2816xf32, #tpu.memory_space<vmem>>[vector<16xi32>, vector<16xi32>], vector<16xf32>,
        %broadcast_in_dim3A_74 = arith.constant 15 : i32
        %broadcast_in_dim3A_75 = vector.broadcast %broadcast_in_dim3A_74 : i32 to vector<16xi32>
        %gather3A_76 = tpu.vector_load_idx %arg5[%broadcast_in_dim3A_75, %add3A_29] : memref<27x2816xf32, #tpu.memory_space<vmem>>[vector<16xi32>, vector<16xi32>], vector<16xf32>,
        %broadcast_in_dim3A_77 = arith.constant 16 : i32
        %broadcast_in_dim3A_78 = vector.broadcast %broadcast_in_dim3A_77 : i32 to vector<16xi32>
        %gather3A_79 = tpu.vector_load_idx %arg5[%broadcast_in_dim3A_78, %add3A_29] : memref<27x2816xf32, #tpu.memory_space<vmem>>[vector<16xi32>, vector<16xi32>], vector<16xf32>,
        %broadcast_in_dim3A_80 = arith.constant 17 : i32
        %broadcast_in_dim3A_81 = vector.broadcast %broadcast_in_dim3A_80 : i32 to vector<16xi32>
        %gather3A_82 = tpu.vector_load_idx %arg5[%broadcast_in_dim3A_81, %add3A_29] : memref<27x2816xf32, #tpu.memory_space<vmem>>[vector<16xi32>, vector<16xi32>], vector<16xf32>,
        %broadcast_in_dim3A_83 = arith.constant 18 : i32
        %broadcast_in_dim3A_84 = vector.broadcast %broadcast_in_dim3A_83 : i32 to vector<16xi32>
        %gather3A_85 = tpu.vector_load_idx %arg5[%broadcast_in_dim3A_84, %add3A_29] : memref<27x2816xf32, #tpu.memory_space<vmem>>[vector<16xi32>, vector<16xi32>], vector<16xf32>,
        %broadcast_in_dim3A_86 = arith.constant 19 : i32
        %broadcast_in_dim3A_87 = vector.broadcast %broadcast_in_dim3A_86 : i32 to vector<16xi32>
        %gather3A_88 = tpu.vector_load_idx %arg5[%broadcast_in_dim3A_87, %add3A_29] : memref<27x2816xf32, #tpu.memory_space<vmem>>[vector<16xi32>, vector<16xi32>], vector<16xf32>,
        %broadcast_in_dim3A_89 = arith.constant 20 : i32
        %broadcast_in_dim3A_90 = vector.broadcast %broadcast_in_dim3A_89 : i32 to vector<16xi32>
        %gather3A_91 = tpu.vector_load_idx %arg5[%broadcast_in_dim3A_90, %add3A_29] : memref<27x2816xf32, #tpu.memory_space<vmem>>[vector<16xi32>, vector<16xi32>], vector<16xf32>,
        %broadcast_in_dim3A_92 = arith.constant 21 : i32
        %broadcast_in_dim3A_93 = vector.broadcast %broadcast_in_dim3A_92 : i32 to vector<16xi32>
        %gather3A_94 = tpu.vector_load_idx %arg5[%broadcast_in_dim3A_93, %add3A_29] : memref<27x2816xf32, #tpu.memory_space<vmem>>[vector<16xi32>, vector<16xi32>], vector<16xf32>,
        %broadcast_in_dim3A_95 = arith.constant 22 : i32
        %broadcast_in_dim3A_96 = vector.broadcast %broadcast_in_dim3A_95 : i32 to vector<16xi32>
        %gather3A_97 = tpu.vector_load_idx %arg5[%broadcast_in_dim3A_96, %add3A_29] : memref<27x2816xf32, #tpu.memory_space<vmem>>[vector<16xi32>, vector<16xi32>], vector<16xf32>,
        %broadcast_in_dim3A_98 = arith.constant 23 : i32
        %broadcast_in_dim3A_99 = vector.broadcast %broadcast_in_dim3A_98 : i32 to vector<16xi32>
        %gather3A_100 = tpu.vector_load_idx %arg5[%broadcast_in_dim3A_99, %add3A_29] : memref<27x2816xf32, #tpu.memory_space<vmem>>[vector<16xi32>, vector<16xi32>], vector<16xf32>,
        %broadcast_in_dim3A_101 = arith.constant 24 : i32
        %broadcast_in_dim3A_102 = vector.broadcast %broadcast_in_dim3A_101 : i32 to vector<16xi32>
        %gather3A_103 = tpu.vector_load_idx %arg5[%broadcast_in_dim3A_102, %add3A_29] : memref<27x2816xf32, #tpu.memory_space<vmem>>[vector<16xi32>, vector<16xi32>], vector<16xf32>,
        %broadcast_in_dim3A_104 = arith.constant 25 : i32
        %broadcast_in_dim3A_105 = vector.broadcast %broadcast_in_dim3A_104 : i32 to vector<16xi32>
        %gather3A_106 = tpu.vector_load_idx %arg5[%broadcast_in_dim3A_105, %add3A_29] : memref<27x2816xf32, #tpu.memory_space<vmem>>[vector<16xi32>, vector<16xi32>], vector<16xf32>,
        %broadcast_in_dim3A_107 = arith.constant 26 : i32
        %broadcast_in_dim3A_108 = vector.broadcast %broadcast_in_dim3A_107 : i32 to vector<16xi32>
        %gather3A_109 = tpu.vector_load_idx %arg5[%broadcast_in_dim3A_108, %add3A_29] : memref<27x2816xf32, #tpu.memory_space<vmem>>[vector<16xi32>, vector<16xi32>], vector<16xf32>,
        %gt3A = arith.cmpf ogt, %gather3A_34, %gather3A : vector<16xf32>
        %select_n3A = arith.select %gt3A, %gather3A_34, %gather3A : vector<16xi1>, vector<16xf32>
        %jit3A = arith.constant 1 : i32
        %jit3A_110 = arith.constant 0 : i32
        %broadcast_in_dim3A_111 = vector.broadcast %jit3A : i32 to vector<16xi32>
        %broadcast_in_dim3A_112 = vector.broadcast %jit3A_110 : i32 to vector<16xi32>
        %select_n3A_113 = arith.select %gt3A, %broadcast_in_dim3A_111, %broadcast_in_dim3A_112 : vector<16xi1>, vector<16xi32>
        %gt3A_114 = arith.cmpf ogt, %gather3A_40, %gather3A_37 : vector<16xf32>
        %select_n3A_115 = arith.select %gt3A_114, %gather3A_40, %gather3A_37 : vector<16xi1>, vector<16xf32>
        %jit3A_116 = arith.constant 3 : i32
        %jit3A_117 = arith.constant 2 : i32
        %broadcast_in_dim3A_118 = vector.broadcast %jit3A_116 : i32 to vector<16xi32>
        %broadcast_in_dim3A_119 = vector.broadcast %jit3A_117 : i32 to vector<16xi32>
        %select_n3A_120 = arith.select %gt3A_114, %broadcast_in_dim3A_118, %broadcast_in_dim3A_119 : vector<16xi1>, vector<16xi32>
        %gt3A_121 = arith.cmpf ogt, %gather3A_46, %gather3A_43 : vector<16xf32>
        %select_n3A_122 = arith.select %gt3A_121, %gather3A_46, %gather3A_43 : vector<16xi1>, vector<16xf32>
        %jit3A_123 = arith.constant 5 : i32
        %jit3A_124 = arith.constant 4 : i32
        %broadcast_in_dim3A_125 = vector.broadcast %jit3A_123 : i32 to vector<16xi32>
        %broadcast_in_dim3A_126 = vector.broadcast %jit3A_124 : i32 to vector<16xi32>
        %select_n3A_127 = arith.select %gt3A_121, %broadcast_in_dim3A_125, %broadcast_in_dim3A_126 : vector<16xi1>, vector<16xi32>
        %gt3A_128 = arith.cmpf ogt, %gather3A_52, %gather3A_49 : vector<16xf32>
        %select_n3A_129 = arith.select %gt3A_128, %gather3A_52, %gather3A_49 : vector<16xi1>, vector<16xf32>
        %jit3A_130 = arith.constant 7 : i32
        %jit3A_131 = arith.constant 6 : i32
        %broadcast_in_dim3A_132 = vector.broadcast %jit3A_130 : i32 to vector<16xi32>
        %broadcast_in_dim3A_133 = vector.broadcast %jit3A_131 : i32 to vector<16xi32>
        %select_n3A_134 = arith.select %gt3A_128, %broadcast_in_dim3A_132, %broadcast_in_dim3A_133 : vector<16xi1>, vector<16xi32>
        %gt3A_135 = arith.cmpf ogt, %gather3A_58, %gather3A_55 : vector<16xf32>
        %select_n3A_136 = arith.select %gt3A_135, %gather3A_58, %gather3A_55 : vector<16xi1>, vector<16xf32>
        %jit3A_137 = arith.constant 9 : i32
        %jit3A_138 = arith.constant 8 : i32
        %broadcast_in_dim3A_139 = vector.broadcast %jit3A_137 : i32 to vector<16xi32>
        %broadcast_in_dim3A_140 = vector.broadcast %jit3A_138 : i32 to vector<16xi32>
        %select_n3A_141 = arith.select %gt3A_135, %broadcast_in_dim3A_139, %broadcast_in_dim3A_140 : vector<16xi1>, vector<16xi32>
        %gt3A_142 = arith.cmpf ogt, %gather3A_64, %gather3A_61 : vector<16xf32>
        %select_n3A_143 = arith.select %gt3A_142, %gather3A_64, %gather3A_61 : vector<16xi1>, vector<16xf32>
        %jit3A_144 = arith.constant 11 : i32
        %jit3A_145 = arith.constant 10 : i32
        %broadcast_in_dim3A_146 = vector.broadcast %jit3A_144 : i32 to vector<16xi32>
        %broadcast_in_dim3A_147 = vector.broadcast %jit3A_145 : i32 to vector<16xi32>
        %select_n3A_148 = arith.select %gt3A_142, %broadcast_in_dim3A_146, %broadcast_in_dim3A_147 : vector<16xi1>, vector<16xi32>
        %gt3A_149 = arith.cmpf ogt, %gather3A_70, %gather3A_67 : vector<16xf32>
        %select_n3A_150 = arith.select %gt3A_149, %gather3A_70, %gather3A_67 : vector<16xi1>, vector<16xf32>
        %jit3A_151 = arith.constant 13 : i32
        %jit3A_152 = arith.constant 12 : i32
        %broadcast_in_dim3A_153 = vector.broadcast %jit3A_151 : i32 to vector<16xi32>
        %broadcast_in_dim3A_154 = vector.broadcast %jit3A_152 : i32 to vector<16xi32>
        %select_n3A_155 = arith.select %gt3A_149, %broadcast_in_dim3A_153, %broadcast_in_dim3A_154 : vector<16xi1>, vector<16xi32>
        %gt3A_156 = arith.cmpf ogt, %gather3A_76, %gather3A_73 : vector<16xf32>
        %select_n3A_157 = arith.select %gt3A_156, %gather3A_76, %gather3A_73 : vector<16xi1>, vector<16xf32>
        %jit3A_158 = arith.constant 15 : i32
        %jit3A_159 = arith.constant 14 : i32
        %broadcast_in_dim3A_160 = vector.broadcast %jit3A_158 : i32 to vector<16xi32>
        %broadcast_in_dim3A_161 = vector.broadcast %jit3A_159 : i32 to vector<16xi32>
        %select_n3A_162 = arith.select %gt3A_156, %broadcast_in_dim3A_160, %broadcast_in_dim3A_161 : vector<16xi1>, vector<16xi32>
        %gt3A_163 = arith.cmpf ogt, %gather3A_82, %gather3A_79 : vector<16xf32>
        %select_n3A_164 = arith.select %gt3A_163, %gather3A_82, %gather3A_79 : vector<16xi1>, vector<16xf32>
        %jit3A_165 = arith.constant 17 : i32
        %jit3A_166 = arith.constant 16 : i32
        %broadcast_in_dim3A_167 = vector.broadcast %jit3A_165 : i32 to vector<16xi32>
        %broadcast_in_dim3A_168 = vector.broadcast %jit3A_166 : i32 to vector<16xi32>
        %select_n3A_169 = arith.select %gt3A_163, %broadcast_in_dim3A_167, %broadcast_in_dim3A_168 : vector<16xi1>, vector<16xi32>
        %gt3A_170 = arith.cmpf ogt, %gather3A_88, %gather3A_85 : vector<16xf32>
        %select_n3A_171 = arith.select %gt3A_170, %gather3A_88, %gather3A_85 : vector<16xi1>, vector<16xf32>
        %jit3A_172 = arith.constant 19 : i32
        %jit3A_173 = arith.constant 18 : i32
        %broadcast_in_dim3A_174 = vector.broadcast %jit3A_172 : i32 to vector<16xi32>
        %broadcast_in_dim3A_175 = vector.broadcast %jit3A_173 : i32 to vector<16xi32>
        %select_n3A_176 = arith.select %gt3A_170, %broadcast_in_dim3A_174, %broadcast_in_dim3A_175 : vector<16xi1>, vector<16xi32>
        %gt3A_177 = arith.cmpf ogt, %gather3A_94, %gather3A_91 : vector<16xf32>
        %select_n3A_178 = arith.select %gt3A_177, %gather3A_94, %gather3A_91 : vector<16xi1>, vector<16xf32>
        %jit3A_179 = arith.constant 21 : i32
        %jit3A_180 = arith.constant 20 : i32
        %broadcast_in_dim3A_181 = vector.broadcast %jit3A_179 : i32 to vector<16xi32>
        %broadcast_in_dim3A_182 = vector.broadcast %jit3A_180 : i32 to vector<16xi32>
        %select_n3A_183 = arith.select %gt3A_177, %broadcast_in_dim3A_181, %broadcast_in_dim3A_182 : vector<16xi1>, vector<16xi32>
        %gt3A_184 = arith.cmpf ogt, %gather3A_100, %gather3A_97 : vector<16xf32>
        %select_n3A_185 = arith.select %gt3A_184, %gather3A_100, %gather3A_97 : vector<16xi1>, vector<16xf32>
        %jit3A_186 = arith.constant 23 : i32
        %jit3A_187 = arith.constant 22 : i32
        %broadcast_in_dim3A_188 = vector.broadcast %jit3A_186 : i32 to vector<16xi32>
        %broadcast_in_dim3A_189 = vector.broadcast %jit3A_187 : i32 to vector<16xi32>
        %select_n3A_190 = arith.select %gt3A_184, %broadcast_in_dim3A_188, %broadcast_in_dim3A_189 : vector<16xi1>, vector<16xi32>
        %gt3A_191 = arith.cmpf ogt, %gather3A_106, %gather3A_103 : vector<16xf32>
        %select_n3A_192 = arith.select %gt3A_191, %gather3A_106, %gather3A_103 : vector<16xi1>, vector<16xf32>
        %jit3A_193 = arith.constant 25 : i32
        %jit3A_194 = arith.constant 24 : i32
        %broadcast_in_dim3A_195 = vector.broadcast %jit3A_193 : i32 to vector<16xi32>
        %broadcast_in_dim3A_196 = vector.broadcast %jit3A_194 : i32 to vector<16xi32>
        %select_n3A_197 = arith.select %gt3A_191, %broadcast_in_dim3A_195, %broadcast_in_dim3A_196 : vector<16xi1>, vector<16xi32>
        %broadcast_in_dim3A_198 = arith.constant 26 : i32
        %broadcast_in_dim3A_199 = vector.broadcast %broadcast_in_dim3A_198 : i32 to vector<16xi32>
        %gt3A_200 = arith.cmpf ogt, %select_n3A_115, %select_n3A : vector<16xf32>
        %select_n3A_201 = arith.select %gt3A_200, %select_n3A_115, %select_n3A : vector<16xi1>, vector<16xf32>
        %select_n3A_202 = arith.select %gt3A_200, %select_n3A_120, %select_n3A_113 : vector<16xi1>, vector<16xi32>
        %gt3A_203 = arith.cmpf ogt, %select_n3A_129, %select_n3A_122 : vector<16xf32>
        %select_n3A_204 = arith.select %gt3A_203, %select_n3A_129, %select_n3A_122 : vector<16xi1>, vector<16xf32>
        %select_n3A_205 = arith.select %gt3A_203, %select_n3A_134, %select_n3A_127 : vector<16xi1>, vector<16xi32>
        %gt3A_206 = arith.cmpf ogt, %select_n3A_143, %select_n3A_136 : vector<16xf32>
        %select_n3A_207 = arith.select %gt3A_206, %select_n3A_143, %select_n3A_136 : vector<16xi1>, vector<16xf32>
        %select_n3A_208 = arith.select %gt3A_206, %select_n3A_148, %select_n3A_141 : vector<16xi1>, vector<16xi32>
        %gt3A_209 = arith.cmpf ogt, %select_n3A_157, %select_n3A_150 : vector<16xf32>
        %select_n3A_210 = arith.select %gt3A_209, %select_n3A_157, %select_n3A_150 : vector<16xi1>, vector<16xf32>
        %select_n3A_211 = arith.select %gt3A_209, %select_n3A_162, %select_n3A_155 : vector<16xi1>, vector<16xi32>
        %gt3A_212 = arith.cmpf ogt, %select_n3A_171, %select_n3A_164 : vector<16xf32>
        %select_n3A_213 = arith.select %gt3A_212, %select_n3A_171, %select_n3A_164 : vector<16xi1>, vector<16xf32>
        %select_n3A_214 = arith.select %gt3A_212, %select_n3A_176, %select_n3A_169 : vector<16xi1>, vector<16xi32>
        %gt3A_215 = arith.cmpf ogt, %select_n3A_185, %select_n3A_178 : vector<16xf32>
        %select_n3A_216 = arith.select %gt3A_215, %select_n3A_185, %select_n3A_178 : vector<16xi1>, vector<16xf32>
        %select_n3A_217 = arith.select %gt3A_215, %select_n3A_190, %select_n3A_183 : vector<16xi1>, vector<16xi32>
        %gt3A_218 = arith.cmpf ogt, %gather3A_109, %select_n3A_192 : vector<16xf32>
        %select_n3A_219 = arith.select %gt3A_218, %gather3A_109, %select_n3A_192 : vector<16xi1>, vector<16xf32>
        %select_n3A_220 = arith.select %gt3A_218, %broadcast_in_dim3A_199, %select_n3A_197 : vector<16xi1>, vector<16xi32>
        %gt3A_221 = arith.cmpf ogt, %select_n3A_204, %select_n3A_201 : vector<16xf32>
        %select_n3A_222 = arith.select %gt3A_221, %select_n3A_204, %select_n3A_201 : vector<16xi1>, vector<16xf32>
        %select_n3A_223 = arith.select %gt3A_221, %select_n3A_205, %select_n3A_202 : vector<16xi1>, vector<16xi32>
        %gt3A_224 = arith.cmpf ogt, %select_n3A_210, %select_n3A_207 : vector<16xf32>
        %select_n3A_225 = arith.select %gt3A_224, %select_n3A_210, %select_n3A_207 : vector<16xi1>, vector<16xf32>
        %select_n3A_226 = arith.select %gt3A_224, %select_n3A_211, %select_n3A_208 : vector<16xi1>, vector<16xi32>
        %gt3A_227 = arith.cmpf ogt, %select_n3A_216, %select_n3A_213 : vector<16xf32>
        %select_n3A_228 = arith.select %gt3A_227, %select_n3A_216, %select_n3A_213 : vector<16xi1>, vector<16xf32>
        %select_n3A_229 = arith.select %gt3A_227, %select_n3A_217, %select_n3A_214 : vector<16xi1>, vector<16xi32>
        %gt3A_230 = arith.cmpf ogt, %select_n3A_225, %select_n3A_222 : vector<16xf32>
        %select_n3A_231 = arith.select %gt3A_230, %select_n3A_225, %select_n3A_222 : vector<16xi1>, vector<16xf32>
        %select_n3A_232 = arith.select %gt3A_230, %select_n3A_226, %select_n3A_223 : vector<16xi1>, vector<16xi32>
        %gt3A_233 = arith.cmpf ogt, %select_n3A_219, %select_n3A_228 : vector<16xf32>
        %select_n3A_234 = arith.select %gt3A_233, %select_n3A_219, %select_n3A_228 : vector<16xi1>, vector<16xf32>
        %select_n3A_235 = arith.select %gt3A_233, %select_n3A_220, %select_n3A_229 : vector<16xi1>, vector<16xi32>
        %gt3A_236 = arith.cmpf ogt, %select_n3A_234, %select_n3A_231 : vector<16xf32>
        %select_n3A_237 = arith.select %gt3A_236, %select_n3A_234, %select_n3A_231 : vector<16xi1>, vector<16xf32>
        %select_n3A_238 = arith.select %gt3A_236, %select_n3A_235, %select_n3A_232 : vector<16xi1>, vector<16xi32>
        %swap3A = arith.constant 0 : i32
        %swap3A_239 = arith.index_cast %swap3A : i32 to index
        %swap3A_240 = arith.index_cast %add3A_27 : i32 to index
        %swap3A_241 = tpu.vector_load %arg6[%swap3A_239, %swap3A_240] {strides = array<i32>} : memref<8x2816xi32, #tpu.memory_space<vmem>>, vector<16xi32>,
        tpu.vector_store %arg6[%swap3A_239, %swap3A_240], %select_n3A_238 {strides = array<i32>} : memref<8x2816xi32, #tpu.memory_space<vmem>>, vector<16xi32>,
        %eq3A_242 = arith.constant 0 : i32
        %eq3A_243 = vector.broadcast %eq3A_242 : i32 to vector<16xi32>
        %eq3A_244 = arith.cmpi eq, %select_n3A_238, %eq3A_243 : vector<16xi32>
        %select_n3A_245 = arith.select %eq3A_244, %broadcast_in_dim3A_1, %gather3A : vector<16xi1>, vector<16xf32>
        %eq3A_246 = arith.constant 1 : i32
        %eq3A_247 = vector.broadcast %eq3A_246 : i32 to vector<16xi32>
        %eq3A_248 = arith.cmpi eq, %select_n3A_238, %eq3A_247 : vector<16xi32>
        %select_n3A_249 = arith.select %eq3A_248, %broadcast_in_dim3A_1, %gather3A_34 : vector<16xi1>, vector<16xf32>
        %eq3A_250 = arith.constant 2 : i32
        %eq3A_251 = vector.broadcast %eq3A_250 : i32 to vector<16xi32>
        %eq3A_252 = arith.cmpi eq, %select_n3A_238, %eq3A_251 : vector<16xi32>
        %select_n3A_253 = arith.select %eq3A_252, %broadcast_in_dim3A_1, %gather3A_37 : vector<16xi1>, vector<16xf32>
        %eq3A_254 = arith.constant 3 : i32
        %eq3A_255 = vector.broadcast %eq3A_254 : i32 to vector<16xi32>
        %eq3A_256 = arith.cmpi eq, %select_n3A_238, %eq3A_255 : vector<16xi32>
        %select_n3A_257 = arith.select %eq3A_256, %broadcast_in_dim3A_1, %gather3A_40 : vector<16xi1>, vector<16xf32>
        %eq3A_258 = arith.constant 4 : i32
        %eq3A_259 = vector.broadcast %eq3A_258 : i32 to vector<16xi32>
        %eq3A_260 = arith.cmpi eq, %select_n3A_238, %eq3A_259 : vector<16xi32>
        %select_n3A_261 = arith.select %eq3A_260, %broadcast_in_dim3A_1, %gather3A_43 : vector<16xi1>, vector<16xf32>
        %eq3A_262 = arith.constant 5 : i32
        %eq3A_263 = vector.broadcast %eq3A_262 : i32 to vector<16xi32>
        %eq3A_264 = arith.cmpi eq, %select_n3A_238, %eq3A_263 : vector<16xi32>
        %select_n3A_265 = arith.select %eq3A_264, %broadcast_in_dim3A_1, %gather3A_46 : vector<16xi1>, vector<16xf32>
        %eq3A_266 = arith.constant 6 : i32
        %eq3A_267 = vector.broadcast %eq3A_266 : i32 to vector<16xi32>
        %eq3A_268 = arith.cmpi eq, %select_n3A_238, %eq3A_267 : vector<16xi32>
        %select_n3A_269 = arith.select %eq3A_268, %broadcast_in_dim3A_1, %gather3A_49 : vector<16xi1>, vector<16xf32>
        %eq3A_270 = arith.constant 7 : i32
        %eq3A_271 = vector.broadcast %eq3A_270 : i32 to vector<16xi32>
        %eq3A_272 = arith.cmpi eq, %select_n3A_238, %eq3A_271 : vector<16xi32>
        %select_n3A_273 = arith.select %eq3A_272, %broadcast_in_dim3A_1, %gather3A_52 : vector<16xi1>, vector<16xf32>
        %eq3A_274 = arith.constant 8 : i32
        %eq3A_275 = vector.broadcast %eq3A_274 : i32 to vector<16xi32>
        %eq3A_276 = arith.cmpi eq, %select_n3A_238, %eq3A_275 : vector<16xi32>
        %select_n3A_277 = arith.select %eq3A_276, %broadcast_in_dim3A_1, %gather3A_55 : vector<16xi1>, vector<16xf32>
        %eq3A_278 = arith.constant 9 : i32
        %eq3A_279 = vector.broadcast %eq3A_278 : i32 to vector<16xi32>
        %eq3A_280 = arith.cmpi eq, %select_n3A_238, %eq3A_279 : vector<16xi32>
        %select_n3A_281 = arith.select %eq3A_280, %broadcast_in_dim3A_1, %gather3A_58 : vector<16xi1>, vector<16xf32>
        %eq3A_282 = arith.constant 10 : i32
        %eq3A_283 = vector.broadcast %eq3A_282 : i32 to vector<16xi32>
        %eq3A_284 = arith.cmpi eq, %select_n3A_238, %eq3A_283 : vector<16xi32>
        %select_n3A_285 = arith.select %eq3A_284, %broadcast_in_dim3A_1, %gather3A_61 : vector<16xi1>, vector<16xf32>
        %eq3A_286 = arith.constant 11 : i32
        %eq3A_287 = vector.broadcast %eq3A_286 : i32 to vector<16xi32>
        %eq3A_288 = arith.cmpi eq, %select_n3A_238, %eq3A_287 : vector<16xi32>
        %select_n3A_289 = arith.select %eq3A_288, %broadcast_in_dim3A_1, %gather3A_64 : vector<16xi1>, vector<16xf32>
        %eq3A_290 = arith.constant 12 : i32
        %eq3A_291 = vector.broadcast %eq3A_290 : i32 to vector<16xi32>
        %eq3A_292 = arith.cmpi eq, %select_n3A_238, %eq3A_291 : vector<16xi32>
        %select_n3A_293 = arith.select %eq3A_292, %broadcast_in_dim3A_1, %gather3A_67 : vector<16xi1>, vector<16xf32>
        %eq3A_294 = arith.constant 13 : i32
        %eq3A_295 = vector.broadcast %eq3A_294 : i32 to vector<16xi32>
        %eq3A_296 = arith.cmpi eq, %select_n3A_238, %eq3A_295 : vector<16xi32>
        %select_n3A_297 = arith.select %eq3A_296, %broadcast_in_dim3A_1, %gather3A_70 : vector<16xi1>, vector<16xf32>
        %eq3A_298 = arith.constant 14 : i32
        %eq3A_299 = vector.broadcast %eq3A_298 : i32 to vector<16xi32>
        %eq3A_300 = arith.cmpi eq, %select_n3A_238, %eq3A_299 : vector<16xi32>
        %select_n3A_301 = arith.select %eq3A_300, %broadcast_in_dim3A_1, %gather3A_73 : vector<16xi1>, vector<16xf32>
        %eq3A_302 = arith.constant 15 : i32
        %eq3A_303 = vector.broadcast %eq3A_302 : i32 to vector<16xi32>
        %eq3A_304 = arith.cmpi eq, %select_n3A_238, %eq3A_303 : vector<16xi32>
        %select_n3A_305 = arith.select %eq3A_304, %broadcast_in_dim3A_1, %gather3A_76 : vector<16xi1>, vector<16xf32>
        %eq3A_306 = arith.constant 16 : i32
        %eq3A_307 = vector.broadcast %eq3A_306 : i32 to vector<16xi32>
        %eq3A_308 = arith.cmpi eq, %select_n3A_238, %eq3A_307 : vector<16xi32>
        %select_n3A_309 = arith.select %eq3A_308, %broadcast_in_dim3A_1, %gather3A_79 : vector<16xi1>, vector<16xf32>
        %eq3A_310 = arith.constant 17 : i32
        %eq3A_311 = vector.broadcast %eq3A_310 : i32 to vector<16xi32>
        %eq3A_312 = arith.cmpi eq, %select_n3A_238, %eq3A_311 : vector<16xi32>
        %select_n3A_313 = arith.select %eq3A_312, %broadcast_in_dim3A_1, %gather3A_82 : vector<16xi1>, vector<16xf32>
        %eq3A_314 = arith.constant 18 : i32
        %eq3A_315 = vector.broadcast %eq3A_314 : i32 to vector<16xi32>
        %eq3A_316 = arith.cmpi eq, %select_n3A_238, %eq3A_315 : vector<16xi32>
        %select_n3A_317 = arith.select %eq3A_316, %broadcast_in_dim3A_1, %gather3A_85 : vector<16xi1>, vector<16xf32>
        %eq3A_318 = arith.constant 19 : i32
        %eq3A_319 = vector.broadcast %eq3A_318 : i32 to vector<16xi32>
        %eq3A_320 = arith.cmpi eq, %select_n3A_238, %eq3A_319 : vector<16xi32>
        %select_n3A_321 = arith.select %eq3A_320, %broadcast_in_dim3A_1, %gather3A_88 : vector<16xi1>, vector<16xf32>
        %eq3A_322 = arith.constant 20 : i32
        %eq3A_323 = vector.broadcast %eq3A_322 : i32 to vector<16xi32>
        %eq3A_324 = arith.cmpi eq, %select_n3A_238, %eq3A_323 : vector<16xi32>
        %select_n3A_325 = arith.select %eq3A_324, %broadcast_in_dim3A_1, %gather3A_91 : vector<16xi1>, vector<16xf32>
        %eq3A_326 = arith.constant 21 : i32
        %eq3A_327 = vector.broadcast %eq3A_326 : i32 to vector<16xi32>
        %eq3A_328 = arith.cmpi eq, %select_n3A_238, %eq3A_327 : vector<16xi32>
        %select_n3A_329 = arith.select %eq3A_328, %broadcast_in_dim3A_1, %gather3A_94 : vector<16xi1>, vector<16xf32>
        %eq3A_330 = arith.constant 22 : i32
        %eq3A_331 = vector.broadcast %eq3A_330 : i32 to vector<16xi32>
        %eq3A_332 = arith.cmpi eq, %select_n3A_238, %eq3A_331 : vector<16xi32>
        %select_n3A_333 = arith.select %eq3A_332, %broadcast_in_dim3A_1, %gather3A_97 : vector<16xi1>, vector<16xf32>
        %eq3A_334 = arith.constant 23 : i32
        %eq3A_335 = vector.broadcast %eq3A_334 : i32 to vector<16xi32>
        %eq3A_336 = arith.cmpi eq, %select_n3A_238, %eq3A_335 : vector<16xi32>
        %select_n3A_337 = arith.select %eq3A_336, %broadcast_in_dim3A_1, %gather3A_100 : vector<16xi1>, vector<16xf32>
        %eq3A_338 = arith.constant 24 : i32
        %eq3A_339 = vector.broadcast %eq3A_338 : i32 to vector<16xi32>
        %eq3A_340 = arith.cmpi eq, %select_n3A_238, %eq3A_339 : vector<16xi32>
        %select_n3A_341 = arith.select %eq3A_340, %broadcast_in_dim3A_1, %gather3A_103 : vector<16xi1>, vector<16xf32>
        %eq3A_342 = arith.constant 25 : i32
        %eq3A_343 = vector.broadcast %eq3A_342 : i32 to vector<16xi32>
        %eq3A_344 = arith.cmpi eq, %select_n3A_238, %eq3A_343 : vector<16xi32>
        %select_n3A_345 = arith.select %eq3A_344, %broadcast_in_dim3A_1, %gather3A_106 : vector<16xi1>, vector<16xf32>
        %eq3A_346 = arith.constant 26 : i32
        %eq3A_347 = vector.broadcast %eq3A_346 : i32 to vector<16xi32>
        %eq3A_348 = arith.cmpi eq, %select_n3A_238, %eq3A_347 : vector<16xi32>
        %select_n3A_349 = arith.select %eq3A_348, %broadcast_in_dim3A_1, %gather3A_109 : vector<16xi1>, vector<16xf32>
        %gt3A_350 = arith.cmpf ogt, %select_n3A_249, %select_n3A_245 : vector<16xf32>
        %select_n3A_351 = arith.select %gt3A_350, %select_n3A_249, %select_n3A_245 : vector<16xi1>, vector<16xf32>
        %jit3A_352 = arith.constant 1 : i32
        %jit3A_353 = arith.constant 0 : i32
        %broadcast_in_dim3A_354 = vector.broadcast %jit3A_352 : i32 to vector<16xi32>
        %broadcast_in_dim3A_355 = vector.broadcast %jit3A_353 : i32 to vector<16xi32>
        %select_n3A_356 = arith.select %gt3A_350, %broadcast_in_dim3A_354, %broadcast_in_dim3A_355 : vector<16xi1>, vector<16xi32>
        %gt3A_357 = arith.cmpf ogt, %select_n3A_257, %select_n3A_253 : vector<16xf32>
        %select_n3A_358 = arith.select %gt3A_357, %select_n3A_257, %select_n3A_253 : vector<16xi1>, vector<16xf32>
        %jit3A_359 = arith.constant 3 : i32
        %jit3A_360 = arith.constant 2 : i32
        %broadcast_in_dim3A_361 = vector.broadcast %jit3A_359 : i32 to vector<16xi32>
        %broadcast_in_dim3A_362 = vector.broadcast %jit3A_360 : i32 to vector<16xi32>
        %select_n3A_363 = arith.select %gt3A_357, %broadcast_in_dim3A_361, %broadcast_in_dim3A_362 : vector<16xi1>, vector<16xi32>
        %gt3A_364 = arith.cmpf ogt, %select_n3A_265, %select_n3A_261 : vector<16xf32>
        %select_n3A_365 = arith.select %gt3A_364, %select_n3A_265, %select_n3A_261 : vector<16xi1>, vector<16xf32>
        %jit3A_366 = arith.constant 5 : i32
        %jit3A_367 = arith.constant 4 : i32
        %broadcast_in_dim3A_368 = vector.broadcast %jit3A_366 : i32 to vector<16xi32>
        %broadcast_in_dim3A_369 = vector.broadcast %jit3A_367 : i32 to vector<16xi32>
        %select_n3A_370 = arith.select %gt3A_364, %broadcast_in_dim3A_368, %broadcast_in_dim3A_369 : vector<16xi1>, vector<16xi32>
        %gt3A_371 = arith.cmpf ogt, %select_n3A_273, %select_n3A_269 : vector<16xf32>
        %select_n3A_372 = arith.select %gt3A_371, %select_n3A_273, %select_n3A_269 : vector<16xi1>, vector<16xf32>
        %jit3A_373 = arith.constant 7 : i32
        %jit3A_374 = arith.constant 6 : i32
        %broadcast_in_dim3A_375 = vector.broadcast %jit3A_373 : i32 to vector<16xi32>
        %broadcast_in_dim3A_376 = vector.broadcast %jit3A_374 : i32 to vector<16xi32>
        %select_n3A_377 = arith.select %gt3A_371, %broadcast_in_dim3A_375, %broadcast_in_dim3A_376 : vector<16xi1>, vector<16xi32>
        %gt3A_378 = arith.cmpf ogt, %select_n3A_281, %select_n3A_277 : vector<16xf32>
        %select_n3A_379 = arith.select %gt3A_378, %select_n3A_281, %select_n3A_277 : vector<16xi1>, vector<16xf32>
        %jit3A_380 = arith.constant 9 : i32
        %jit3A_381 = arith.constant 8 : i32
        %broadcast_in_dim3A_382 = vector.broadcast %jit3A_380 : i32 to vector<16xi32>
        %broadcast_in_dim3A_383 = vector.broadcast %jit3A_381 : i32 to vector<16xi32>
        %select_n3A_384 = arith.select %gt3A_378, %broadcast_in_dim3A_382, %broadcast_in_dim3A_383 : vector<16xi1>, vector<16xi32>
        %gt3A_385 = arith.cmpf ogt, %select_n3A_289, %select_n3A_285 : vector<16xf32>
        %select_n3A_386 = arith.select %gt3A_385, %select_n3A_289, %select_n3A_285 : vector<16xi1>, vector<16xf32>
        %jit3A_387 = arith.constant 11 : i32
        %jit3A_388 = arith.constant 10 : i32
        %broadcast_in_dim3A_389 = vector.broadcast %jit3A_387 : i32 to vector<16xi32>
        %broadcast_in_dim3A_390 = vector.broadcast %jit3A_388 : i32 to vector<16xi32>
        %select_n3A_391 = arith.select %gt3A_385, %broadcast_in_dim3A_389, %broadcast_in_dim3A_390 : vector<16xi1>, vector<16xi32>
        %gt3A_392 = arith.cmpf ogt, %select_n3A_297, %select_n3A_293 : vector<16xf32>
        %select_n3A_393 = arith.select %gt3A_392, %select_n3A_297, %select_n3A_293 : vector<16xi1>, vector<16xf32>
        %jit3A_394 = arith.constant 13 : i32
        %jit3A_395 = arith.constant 12 : i32
        %broadcast_in_dim3A_396 = vector.broadcast %jit3A_394 : i32 to vector<16xi32>
        %broadcast_in_dim3A_397 = vector.broadcast %jit3A_395 : i32 to vector<16xi32>
        %select_n3A_398 = arith.select %gt3A_392, %broadcast_in_dim3A_396, %broadcast_in_dim3A_397 : vector<16xi1>, vector<16xi32>
        %gt3A_399 = arith.cmpf ogt, %select_n3A_305, %select_n3A_301 : vector<16xf32>
        %select_n3A_400 = arith.select %gt3A_399, %select_n3A_305, %select_n3A_301 : vector<16xi1>, vector<16xf32>
        %jit3A_401 = arith.constant 15 : i32
        %jit3A_402 = arith.constant 14 : i32
        %broadcast_in_dim3A_403 = vector.broadcast %jit3A_401 : i32 to vector<16xi32>
        %broadcast_in_dim3A_404 = vector.broadcast %jit3A_402 : i32 to vector<16xi32>
        %select_n3A_405 = arith.select %gt3A_399, %broadcast_in_dim3A_403, %broadcast_in_dim3A_404 : vector<16xi1>, vector<16xi32>
        %gt3A_406 = arith.cmpf ogt, %select_n3A_313, %select_n3A_309 : vector<16xf32>
        %select_n3A_407 = arith.select %gt3A_406, %select_n3A_313, %select_n3A_309 : vector<16xi1>, vector<16xf32>
        %jit3A_408 = arith.constant 17 : i32
        %jit3A_409 = arith.constant 16 : i32
        %broadcast_in_dim3A_410 = vector.broadcast %jit3A_408 : i32 to vector<16xi32>
        %broadcast_in_dim3A_411 = vector.broadcast %jit3A_409 : i32 to vector<16xi32>
        %select_n3A_412 = arith.select %gt3A_406, %broadcast_in_dim3A_410, %broadcast_in_dim3A_411 : vector<16xi1>, vector<16xi32>
        %gt3A_413 = arith.cmpf ogt, %select_n3A_321, %select_n3A_317 : vector<16xf32>
        %select_n3A_414 = arith.select %gt3A_413, %select_n3A_321, %select_n3A_317 : vector<16xi1>, vector<16xf32>
        %jit3A_415 = arith.constant 19 : i32
        %jit3A_416 = arith.constant 18 : i32
        %broadcast_in_dim3A_417 = vector.broadcast %jit3A_415 : i32 to vector<16xi32>
        %broadcast_in_dim3A_418 = vector.broadcast %jit3A_416 : i32 to vector<16xi32>
        %select_n3A_419 = arith.select %gt3A_413, %broadcast_in_dim3A_417, %broadcast_in_dim3A_418 : vector<16xi1>, vector<16xi32>
        %gt3A_420 = arith.cmpf ogt, %select_n3A_329, %select_n3A_325 : vector<16xf32>
        %select_n3A_421 = arith.select %gt3A_420, %select_n3A_329, %select_n3A_325 : vector<16xi1>, vector<16xf32>
        %jit3A_422 = arith.constant 21 : i32
        %jit3A_423 = arith.constant 20 : i32
        %broadcast_in_dim3A_424 = vector.broadcast %jit3A_422 : i32 to vector<16xi32>
        %broadcast_in_dim3A_425 = vector.broadcast %jit3A_423 : i32 to vector<16xi32>
        %select_n3A_426 = arith.select %gt3A_420, %broadcast_in_dim3A_424, %broadcast_in_dim3A_425 : vector<16xi1>, vector<16xi32>
        %gt3A_427 = arith.cmpf ogt, %select_n3A_337, %select_n3A_333 : vector<16xf32>
        %select_n3A_428 = arith.select %gt3A_427, %select_n3A_337, %select_n3A_333 : vector<16xi1>, vector<16xf32>
        %jit3A_429 = arith.constant 23 : i32
        %jit3A_430 = arith.constant 22 : i32
        %broadcast_in_dim3A_431 = vector.broadcast %jit3A_429 : i32 to vector<16xi32>
        %broadcast_in_dim3A_432 = vector.broadcast %jit3A_430 : i32 to vector<16xi32>
        %select_n3A_433 = arith.select %gt3A_427, %broadcast_in_dim3A_431, %broadcast_in_dim3A_432 : vector<16xi1>, vector<16xi32>
        %gt3A_434 = arith.cmpf ogt, %select_n3A_345, %select_n3A_341 : vector<16xf32>
        %select_n3A_435 = arith.select %gt3A_434, %select_n3A_345, %select_n3A_341 : vector<16xi1>, vector<16xf32>
        %jit3A_436 = arith.constant 25 : i32
        %jit3A_437 = arith.constant 24 : i32
        %broadcast_in_dim3A_438 = vector.broadcast %jit3A_436 : i32 to vector<16xi32>
        %broadcast_in_dim3A_439 = vector.broadcast %jit3A_437 : i32 to vector<16xi32>
        %select_n3A_440 = arith.select %gt3A_434, %broadcast_in_dim3A_438, %broadcast_in_dim3A_439 : vector<16xi1>, vector<16xi32>
        %broadcast_in_dim3A_441 = arith.constant 26 : i32
        %broadcast_in_dim3A_442 = vector.broadcast %broadcast_in_dim3A_441 : i32 to vector<16xi32>
        %gt3A_443 = arith.cmpf ogt, %select_n3A_358, %select_n3A_351 : vector<16xf32>
        %select_n3A_444 = arith.select %gt3A_443, %select_n3A_358, %select_n3A_351 : vector<16xi1>, vector<16xf32>
        %select_n3A_445 = arith.select %gt3A_443, %select_n3A_363, %select_n3A_356 : vector<16xi1>, vector<16xi32>
        %gt3A_446 = arith.cmpf ogt, %select_n3A_372, %select_n3A_365 : vector<16xf32>
        %select_n3A_447 = arith.select %gt3A_446, %select_n3A_372, %select_n3A_365 : vector<16xi1>, vector<16xf32>
        %select_n3A_448 = arith.select %gt3A_446, %select_n3A_377, %select_n3A_370 : vector<16xi1>, vector<16xi32>
        %gt3A_449 = arith.cmpf ogt, %select_n3A_386, %select_n3A_379 : vector<16xf32>
        %select_n3A_450 = arith.select %gt3A_449, %select_n3A_386, %select_n3A_379 : vector<16xi1>, vector<16xf32>
        %select_n3A_451 = arith.select %gt3A_449, %select_n3A_391, %select_n3A_384 : vector<16xi1>, vector<16xi32>
        %gt3A_452 = arith.cmpf ogt, %select_n3A_400, %select_n3A_393 : vector<16xf32>
        %select_n3A_453 = arith.select %gt3A_452, %select_n3A_400, %select_n3A_393 : vector<16xi1>, vector<16xf32>
        %select_n3A_454 = arith.select %gt3A_452, %select_n3A_405, %select_n3A_398 : vector<16xi1>, vector<16xi32>
        %gt3A_455 = arith.cmpf ogt, %select_n3A_414, %select_n3A_407 : vector<16xf32>
        %select_n3A_456 = arith.select %gt3A_455, %select_n3A_414, %select_n3A_407 : vector<16xi1>, vector<16xf32>
        %select_n3A_457 = arith.select %gt3A_455, %select_n3A_419, %select_n3A_412 : vector<16xi1>, vector<16xi32>
        %gt3A_458 = arith.cmpf ogt, %select_n3A_428, %select_n3A_421 : vector<16xf32>
        %select_n3A_459 = arith.select %gt3A_458, %select_n3A_428, %select_n3A_421 : vector<16xi1>, vector<16xf32>
        %select_n3A_460 = arith.select %gt3A_458, %select_n3A_433, %select_n3A_426 : vector<16xi1>, vector<16xi32>
        %gt3A_461 = arith.cmpf ogt, %select_n3A_349, %select_n3A_435 : vector<16xf32>
        %select_n3A_462 = arith.select %gt3A_461, %select_n3A_349, %select_n3A_435 : vector<16xi1>, vector<16xf32>
        %select_n3A_463 = arith.select %gt3A_461, %broadcast_in_dim3A_442, %select_n3A_440 : vector<16xi1>, vector<16xi32>
        %gt3A_464 = arith.cmpf ogt, %select_n3A_447, %select_n3A_444 : vector<16xf32>
        %select_n3A_465 = arith.select %gt3A_464, %select_n3A_447, %select_n3A_444 : vector<16xi1>, vector<16xf32>
        %select_n3A_466 = arith.select %gt3A_464, %select_n3A_448, %select_n3A_445 : vector<16xi1>, vector<16xi32>
        %gt3A_467 = arith.cmpf ogt, %select_n3A_453, %select_n3A_450 : vector<16xf32>
        %select_n3A_468 = arith.select %gt3A_467, %select_n3A_453, %select_n3A_450 : vector<16xi1>, vector<16xf32>
        %select_n3A_469 = arith.select %gt3A_467, %select_n3A_454, %select_n3A_451 : vector<16xi1>, vector<16xi32>
        %gt3A_470 = arith.cmpf ogt, %select_n3A_459, %select_n3A_456 : vector<16xf32>
        %select_n3A_471 = arith.select %gt3A_470, %select_n3A_459, %select_n3A_456 : vector<16xi1>, vector<16xf32>
        %select_n3A_472 = arith.select %gt3A_470, %select_n3A_460, %select_n3A_457 : vector<16xi1>, vector<16xi32>
        %gt3A_473 = arith.cmpf ogt, %select_n3A_468, %select_n3A_465 : vector<16xf32>
        %select_n3A_474 = arith.select %gt3A_473, %select_n3A_468, %select_n3A_465 : vector<16xi1>, vector<16xf32>
        %select_n3A_475 = arith.select %gt3A_473, %select_n3A_469, %select_n3A_466 : vector<16xi1>, vector<16xi32>
        %gt3A_476 = arith.cmpf ogt, %select_n3A_462, %select_n3A_471 : vector<16xf32>
        %select_n3A_477 = arith.select %gt3A_476, %select_n3A_462, %select_n3A_471 : vector<16xi1>, vector<16xf32>
        %select_n3A_478 = arith.select %gt3A_476, %select_n3A_463, %select_n3A_472 : vector<16xi1>, vector<16xi32>
        %gt3A_479 = arith.cmpf ogt, %select_n3A_477, %select_n3A_474 : vector<16xf32>
        %select_n3A_480 = arith.select %gt3A_479, %select_n3A_477, %select_n3A_474 : vector<16xi1>, vector<16xf32>
        %select_n3A_481 = arith.select %gt3A_479, %select_n3A_478, %select_n3A_475 : vector<16xi1>, vector<16xi32>
        %swap3A_482 = arith.constant 1 : i32
        %swap3A_483 = arith.index_cast %swap3A_482 : i32 to index
        %swap3A_484 = arith.index_cast %add3A_27 : i32 to index
        %swap3A_485 = tpu.vector_load %arg6[%swap3A_483, %swap3A_484] {strides = array<i32>} : memref<8x2816xi32, #tpu.memory_space<vmem>>, vector<16xi32>,
        tpu.vector_store %arg6[%swap3A_483, %swap3A_484], %select_n3A_481 {strides = array<i32>} : memref<8x2816xi32, #tpu.memory_space<vmem>>, vector<16xi32>,
        %eq3A_486 = arith.constant 0 : i32
        %eq3A_487 = vector.broadcast %eq3A_486 : i32 to vector<16xi32>
        %eq3A_488 = arith.cmpi eq, %select_n3A_481, %eq3A_487 : vector<16xi32>
        %select_n3A_489 = arith.select %eq3A_488, %broadcast_in_dim3A_1, %select_n3A_245 : vector<16xi1>, vector<16xf32>
        %eq3A_490 = arith.constant 1 : i32
        %eq3A_491 = vector.broadcast %eq3A_490 : i32 to vector<16xi32>
        %eq3A_492 = arith.cmpi eq, %select_n3A_481, %eq3A_491 : vector<16xi32>
        %select_n3A_493 = arith.select %eq3A_492, %broadcast_in_dim3A_1, %select_n3A_249 : vector<16xi1>, vector<16xf32>
        %eq3A_494 = arith.constant 2 : i32
        %eq3A_495 = vector.broadcast %eq3A_494 : i32 to vector<16xi32>
        %eq3A_496 = arith.cmpi eq, %select_n3A_481, %eq3A_495 : vector<16xi32>
        %select_n3A_497 = arith.select %eq3A_496, %broadcast_in_dim3A_1, %select_n3A_253 : vector<16xi1>, vector<16xf32>
        %eq3A_498 = arith.constant 3 : i32
        %eq3A_499 = vector.broadcast %eq3A_498 : i32 to vector<16xi32>
        %eq3A_500 = arith.cmpi eq, %select_n3A_481, %eq3A_499 : vector<16xi32>
        %select_n3A_501 = arith.select %eq3A_500, %broadcast_in_dim3A_1, %select_n3A_257 : vector<16xi1>, vector<16xf32>
        %eq3A_502 = arith.constant 4 : i32
        %eq3A_503 = vector.broadcast %eq3A_502 : i32 to vector<16xi32>
        %eq3A_504 = arith.cmpi eq, %select_n3A_481, %eq3A_503 : vector<16xi32>
        %select_n3A_505 = arith.select %eq3A_504, %broadcast_in_dim3A_1, %select_n3A_261 : vector<16xi1>, vector<16xf32>
        %eq3A_506 = arith.constant 5 : i32
        %eq3A_507 = vector.broadcast %eq3A_506 : i32 to vector<16xi32>
        %eq3A_508 = arith.cmpi eq, %select_n3A_481, %eq3A_507 : vector<16xi32>
        %select_n3A_509 = arith.select %eq3A_508, %broadcast_in_dim3A_1, %select_n3A_265 : vector<16xi1>, vector<16xf32>
        %eq3A_510 = arith.constant 6 : i32
        %eq3A_511 = vector.broadcast %eq3A_510 : i32 to vector<16xi32>
        %eq3A_512 = arith.cmpi eq, %select_n3A_481, %eq3A_511 : vector<16xi32>
        %select_n3A_513 = arith.select %eq3A_512, %broadcast_in_dim3A_1, %select_n3A_269 : vector<16xi1>, vector<16xf32>
        %eq3A_514 = arith.constant 7 : i32
        %eq3A_515 = vector.broadcast %eq3A_514 : i32 to vector<16xi32>
        %eq3A_516 = arith.cmpi eq, %select_n3A_481, %eq3A_515 : vector<16xi32>
        %select_n3A_517 = arith.select %eq3A_516, %broadcast_in_dim3A_1, %select_n3A_273 : vector<16xi1>, vector<16xf32>
        %eq3A_518 = arith.constant 8 : i32
        %eq3A_519 = vector.broadcast %eq3A_518 : i32 to vector<16xi32>
        %eq3A_520 = arith.cmpi eq, %select_n3A_481, %eq3A_519 : vector<16xi32>
        %select_n3A_521 = arith.select %eq3A_520, %broadcast_in_dim3A_1, %select_n3A_277 : vector<16xi1>, vector<16xf32>
        %eq3A_522 = arith.constant 9 : i32
        %eq3A_523 = vector.broadcast %eq3A_522 : i32 to vector<16xi32>
        %eq3A_524 = arith.cmpi eq, %select_n3A_481, %eq3A_523 : vector<16xi32>
        %select_n3A_525 = arith.select %eq3A_524, %broadcast_in_dim3A_1, %select_n3A_281 : vector<16xi1>, vector<16xf32>
        %eq3A_526 = arith.constant 10 : i32
        %eq3A_527 = vector.broadcast %eq3A_526 : i32 to vector<16xi32>
        %eq3A_528 = arith.cmpi eq, %select_n3A_481, %eq3A_527 : vector<16xi32>
        %select_n3A_529 = arith.select %eq3A_528, %broadcast_in_dim3A_1, %select_n3A_285 : vector<16xi1>, vector<16xf32>
        %eq3A_530 = arith.constant 11 : i32
        %eq3A_531 = vector.broadcast %eq3A_530 : i32 to vector<16xi32>
        %eq3A_532 = arith.cmpi eq, %select_n3A_481, %eq3A_531 : vector<16xi32>
        %select_n3A_533 = arith.select %eq3A_532, %broadcast_in_dim3A_1, %select_n3A_289 : vector<16xi1>, vector<16xf32>
        %eq3A_534 = arith.constant 12 : i32
        %eq3A_535 = vector.broadcast %eq3A_534 : i32 to vector<16xi32>
        %eq3A_536 = arith.cmpi eq, %select_n3A_481, %eq3A_535 : vector<16xi32>
        %select_n3A_537 = arith.select %eq3A_536, %broadcast_in_dim3A_1, %select_n3A_293 : vector<16xi1>, vector<16xf32>
        %eq3A_538 = arith.constant 13 : i32
        %eq3A_539 = vector.broadcast %eq3A_538 : i32 to vector<16xi32>
        %eq3A_540 = arith.cmpi eq, %select_n3A_481, %eq3A_539 : vector<16xi32>
        %select_n3A_541 = arith.select %eq3A_540, %broadcast_in_dim3A_1, %select_n3A_297 : vector<16xi1>, vector<16xf32>
        %eq3A_542 = arith.constant 14 : i32
        %eq3A_543 = vector.broadcast %eq3A_542 : i32 to vector<16xi32>
        %eq3A_544 = arith.cmpi eq, %select_n3A_481, %eq3A_543 : vector<16xi32>
        %select_n3A_545 = arith.select %eq3A_544, %broadcast_in_dim3A_1, %select_n3A_301 : vector<16xi1>, vector<16xf32>
        %eq3A_546 = arith.constant 15 : i32
        %eq3A_547 = vector.broadcast %eq3A_546 : i32 to vector<16xi32>
        %eq3A_548 = arith.cmpi eq, %select_n3A_481, %eq3A_547 : vector<16xi32>
        %select_n3A_549 = arith.select %eq3A_548, %broadcast_in_dim3A_1, %select_n3A_305 : vector<16xi1>, vector<16xf32>
        %eq3A_550 = arith.constant 16 : i32
        %eq3A_551 = vector.broadcast %eq3A_550 : i32 to vector<16xi32>
        %eq3A_552 = arith.cmpi eq, %select_n3A_481, %eq3A_551 : vector<16xi32>
        %select_n3A_553 = arith.select %eq3A_552, %broadcast_in_dim3A_1, %select_n3A_309 : vector<16xi1>, vector<16xf32>
        %eq3A_554 = arith.constant 17 : i32
        %eq3A_555 = vector.broadcast %eq3A_554 : i32 to vector<16xi32>
        %eq3A_556 = arith.cmpi eq, %select_n3A_481, %eq3A_555 : vector<16xi32>
        %select_n3A_557 = arith.select %eq3A_556, %broadcast_in_dim3A_1, %select_n3A_313 : vector<16xi1>, vector<16xf32>
        %eq3A_558 = arith.constant 18 : i32
        %eq3A_559 = vector.broadcast %eq3A_558 : i32 to vector<16xi32>
        %eq3A_560 = arith.cmpi eq, %select_n3A_481, %eq3A_559 : vector<16xi32>
        %select_n3A_561 = arith.select %eq3A_560, %broadcast_in_dim3A_1, %select_n3A_317 : vector<16xi1>, vector<16xf32>
        %eq3A_562 = arith.constant 19 : i32
        %eq3A_563 = vector.broadcast %eq3A_562 : i32 to vector<16xi32>
        %eq3A_564 = arith.cmpi eq, %select_n3A_481, %eq3A_563 : vector<16xi32>
        %select_n3A_565 = arith.select %eq3A_564, %broadcast_in_dim3A_1, %select_n3A_321 : vector<16xi1>, vector<16xf32>
        %eq3A_566 = arith.constant 20 : i32
        %eq3A_567 = vector.broadcast %eq3A_566 : i32 to vector<16xi32>
        %eq3A_568 = arith.cmpi eq, %select_n3A_481, %eq3A_567 : vector<16xi32>
        %select_n3A_569 = arith.select %eq3A_568, %broadcast_in_dim3A_1, %select_n3A_325 : vector<16xi1>, vector<16xf32>
        %eq3A_570 = arith.constant 21 : i32
        %eq3A_571 = vector.broadcast %eq3A_570 : i32 to vector<16xi32>
        %eq3A_572 = arith.cmpi eq, %select_n3A_481, %eq3A_571 : vector<16xi32>
        %select_n3A_573 = arith.select %eq3A_572, %broadcast_in_dim3A_1, %select_n3A_329 : vector<16xi1>, vector<16xf32>
        %eq3A_574 = arith.constant 22 : i32
        %eq3A_575 = vector.broadcast %eq3A_574 : i32 to vector<16xi32>
        %eq3A_576 = arith.cmpi eq, %select_n3A_481, %eq3A_575 : vector<16xi32>
        %select_n3A_577 = arith.select %eq3A_576, %broadcast_in_dim3A_1, %select_n3A_333 : vector<16xi1>, vector<16xf32>
        %eq3A_578 = arith.constant 23 : i32
        %eq3A_579 = vector.broadcast %eq3A_578 : i32 to vector<16xi32>
        %eq3A_580 = arith.cmpi eq, %select_n3A_481, %eq3A_579 : vector<16xi32>
        %select_n3A_581 = arith.select %eq3A_580, %broadcast_in_dim3A_1, %select_n3A_337 : vector<16xi1>, vector<16xf32>
        %eq3A_582 = arith.constant 24 : i32
        %eq3A_583 = vector.broadcast %eq3A_582 : i32 to vector<16xi32>
        %eq3A_584 = arith.cmpi eq, %select_n3A_481, %eq3A_583 : vector<16xi32>
        %select_n3A_585 = arith.select %eq3A_584, %broadcast_in_dim3A_1, %select_n3A_341 : vector<16xi1>, vector<16xf32>
        %eq3A_586 = arith.constant 25 : i32
        %eq3A_587 = vector.broadcast %eq3A_586 : i32 to vector<16xi32>
        %eq3A_588 = arith.cmpi eq, %select_n3A_481, %eq3A_587 : vector<16xi32>
        %select_n3A_589 = arith.select %eq3A_588, %broadcast_in_dim3A_1, %select_n3A_345 : vector<16xi1>, vector<16xf32>
        %eq3A_590 = arith.constant 26 : i32
        %eq3A_591 = vector.broadcast %eq3A_590 : i32 to vector<16xi32>
        %eq3A_592 = arith.cmpi eq, %select_n3A_481, %eq3A_591 : vector<16xi32>
        %select_n3A_593 = arith.select %eq3A_592, %broadcast_in_dim3A_1, %select_n3A_349 : vector<16xi1>, vector<16xf32>
        %gt3A_594 = arith.cmpf ogt, %select_n3A_493, %select_n3A_489 : vector<16xf32>
        %select_n3A_595 = arith.select %gt3A_594, %select_n3A_493, %select_n3A_489 : vector<16xi1>, vector<16xf32>
        %jit3A_596 = arith.constant 1 : i32
        %jit3A_597 = arith.constant 0 : i32
        %broadcast_in_dim3A_598 = vector.broadcast %jit3A_596 : i32 to vector<16xi32>
        %broadcast_in_dim3A_599 = vector.broadcast %jit3A_597 : i32 to vector<16xi32>
        %select_n3A_600 = arith.select %gt3A_594, %broadcast_in_dim3A_598, %broadcast_in_dim3A_599 : vector<16xi1>, vector<16xi32>
        %gt3A_601 = arith.cmpf ogt, %select_n3A_501, %select_n3A_497 : vector<16xf32>
        %select_n3A_602 = arith.select %gt3A_601, %select_n3A_501, %select_n3A_497 : vector<16xi1>, vector<16xf32>
        %jit3A_603 = arith.constant 3 : i32
        %jit3A_604 = arith.constant 2 : i32
        %broadcast_in_dim3A_605 = vector.broadcast %jit3A_603 : i32 to vector<16xi32>
        %broadcast_in_dim3A_606 = vector.broadcast %jit3A_604 : i32 to vector<16xi32>
        %select_n3A_607 = arith.select %gt3A_601, %broadcast_in_dim3A_605, %broadcast_in_dim3A_606 : vector<16xi1>, vector<16xi32>
        %gt3A_608 = arith.cmpf ogt, %select_n3A_509, %select_n3A_505 : vector<16xf32>
        %select_n3A_609 = arith.select %gt3A_608, %select_n3A_509, %select_n3A_505 : vector<16xi1>, vector<16xf32>
        %jit3A_610 = arith.constant 5 : i32
        %jit3A_611 = arith.constant 4 : i32
        %broadcast_in_dim3A_612 = vector.broadcast %jit3A_610 : i32 to vector<16xi32>
        %broadcast_in_dim3A_613 = vector.broadcast %jit3A_611 : i32 to vector<16xi32>
        %select_n3A_614 = arith.select %gt3A_608, %broadcast_in_dim3A_612, %broadcast_in_dim3A_613 : vector<16xi1>, vector<16xi32>
        %gt3A_615 = arith.cmpf ogt, %select_n3A_517, %select_n3A_513 : vector<16xf32>
        %select_n3A_616 = arith.select %gt3A_615, %select_n3A_517, %select_n3A_513 : vector<16xi1>, vector<16xf32>
        %jit3A_617 = arith.constant 7 : i32
        %jit3A_618 = arith.constant 6 : i32
        %broadcast_in_dim3A_619 = vector.broadcast %jit3A_617 : i32 to vector<16xi32>
        %broadcast_in_dim3A_620 = vector.broadcast %jit3A_618 : i32 to vector<16xi32>
        %select_n3A_621 = arith.select %gt3A_615, %broadcast_in_dim3A_619, %broadcast_in_dim3A_620 : vector<16xi1>, vector<16xi32>
        %gt3A_622 = arith.cmpf ogt, %select_n3A_525, %select_n3A_521 : vector<16xf32>
        %select_n3A_623 = arith.select %gt3A_622, %select_n3A_525, %select_n3A_521 : vector<16xi1>, vector<16xf32>
        %jit3A_624 = arith.constant 9 : i32
        %jit3A_625 = arith.constant 8 : i32
        %broadcast_in_dim3A_626 = vector.broadcast %jit3A_624 : i32 to vector<16xi32>
        %broadcast_in_dim3A_627 = vector.broadcast %jit3A_625 : i32 to vector<16xi32>
        %select_n3A_628 = arith.select %gt3A_622, %broadcast_in_dim3A_626, %broadcast_in_dim3A_627 : vector<16xi1>, vector<16xi32>
        %gt3A_629 = arith.cmpf ogt, %select_n3A_533, %select_n3A_529 : vector<16xf32>
        %select_n3A_630 = arith.select %gt3A_629, %select_n3A_533, %select_n3A_529 : vector<16xi1>, vector<16xf32>
        %jit3A_631 = arith.constant 11 : i32
        %jit3A_632 = arith.constant 10 : i32
        %broadcast_in_dim3A_633 = vector.broadcast %jit3A_631 : i32 to vector<16xi32>
        %broadcast_in_dim3A_634 = vector.broadcast %jit3A_632 : i32 to vector<16xi32>
        %select_n3A_635 = arith.select %gt3A_629, %broadcast_in_dim3A_633, %broadcast_in_dim3A_634 : vector<16xi1>, vector<16xi32>
        %gt3A_636 = arith.cmpf ogt, %select_n3A_541, %select_n3A_537 : vector<16xf32>
        %select_n3A_637 = arith.select %gt3A_636, %select_n3A_541, %select_n3A_537 : vector<16xi1>, vector<16xf32>
        %jit3A_638 = arith.constant 13 : i32
        %jit3A_639 = arith.constant 12 : i32
        %broadcast_in_dim3A_640 = vector.broadcast %jit3A_638 : i32 to vector<16xi32>
        %broadcast_in_dim3A_641 = vector.broadcast %jit3A_639 : i32 to vector<16xi32>
        %select_n3A_642 = arith.select %gt3A_636, %broadcast_in_dim3A_640, %broadcast_in_dim3A_641 : vector<16xi1>, vector<16xi32>
        %gt3A_643 = arith.cmpf ogt, %select_n3A_549, %select_n3A_545 : vector<16xf32>
        %select_n3A_644 = arith.select %gt3A_643, %select_n3A_549, %select_n3A_545 : vector<16xi1>, vector<16xf32>
        %jit3A_645 = arith.constant 15 : i32
        %jit3A_646 = arith.constant 14 : i32
        %broadcast_in_dim3A_647 = vector.broadcast %jit3A_645 : i32 to vector<16xi32>
        %broadcast_in_dim3A_648 = vector.broadcast %jit3A_646 : i32 to vector<16xi32>
        %select_n3A_649 = arith.select %gt3A_643, %broadcast_in_dim3A_647, %broadcast_in_dim3A_648 : vector<16xi1>, vector<16xi32>
        %gt3A_650 = arith.cmpf ogt, %select_n3A_557, %select_n3A_553 : vector<16xf32>
        %select_n3A_651 = arith.select %gt3A_650, %select_n3A_557, %select_n3A_553 : vector<16xi1>, vector<16xf32>
        %jit3A_652 = arith.constant 17 : i32
        %jit3A_653 = arith.constant 16 : i32
        %broadcast_in_dim3A_654 = vector.broadcast %jit3A_652 : i32 to vector<16xi32>
        %broadcast_in_dim3A_655 = vector.broadcast %jit3A_653 : i32 to vector<16xi32>
        %select_n3A_656 = arith.select %gt3A_650, %broadcast_in_dim3A_654, %broadcast_in_dim3A_655 : vector<16xi1>, vector<16xi32>
        %gt3A_657 = arith.cmpf ogt, %select_n3A_565, %select_n3A_561 : vector<16xf32>
        %select_n3A_658 = arith.select %gt3A_657, %select_n3A_565, %select_n3A_561 : vector<16xi1>, vector<16xf32>
        %jit3A_659 = arith.constant 19 : i32
        %jit3A_660 = arith.constant 18 : i32
        %broadcast_in_dim3A_661 = vector.broadcast %jit3A_659 : i32 to vector<16xi32>
        %broadcast_in_dim3A_662 = vector.broadcast %jit3A_660 : i32 to vector<16xi32>
        %select_n3A_663 = arith.select %gt3A_657, %broadcast_in_dim3A_661, %broadcast_in_dim3A_662 : vector<16xi1>, vector<16xi32>
        %gt3A_664 = arith.cmpf ogt, %select_n3A_573, %select_n3A_569 : vector<16xf32>
        %select_n3A_665 = arith.select %gt3A_664, %select_n3A_573, %select_n3A_569 : vector<16xi1>, vector<16xf32>
        %jit3A_666 = arith.constant 21 : i32
        %jit3A_667 = arith.constant 20 : i32
        %broadcast_in_dim3A_668 = vector.broadcast %jit3A_666 : i32 to vector<16xi32>
        %broadcast_in_dim3A_669 = vector.broadcast %jit3A_667 : i32 to vector<16xi32>
        %select_n3A_670 = arith.select %gt3A_664, %broadcast_in_dim3A_668, %broadcast_in_dim3A_669 : vector<16xi1>, vector<16xi32>
        %gt3A_671 = arith.cmpf ogt, %select_n3A_581, %select_n3A_577 : vector<16xf32>
        %select_n3A_672 = arith.select %gt3A_671, %select_n3A_581, %select_n3A_577 : vector<16xi1>, vector<16xf32>
        %jit3A_673 = arith.constant 23 : i32
        %jit3A_674 = arith.constant 22 : i32
        %broadcast_in_dim3A_675 = vector.broadcast %jit3A_673 : i32 to vector<16xi32>
        %broadcast_in_dim3A_676 = vector.broadcast %jit3A_674 : i32 to vector<16xi32>
        %select_n3A_677 = arith.select %gt3A_671, %broadcast_in_dim3A_675, %broadcast_in_dim3A_676 : vector<16xi1>, vector<16xi32>
        %gt3A_678 = arith.cmpf ogt, %select_n3A_589, %select_n3A_585 : vector<16xf32>
        %select_n3A_679 = arith.select %gt3A_678, %select_n3A_589, %select_n3A_585 : vector<16xi1>, vector<16xf32>
        %jit3A_680 = arith.constant 25 : i32
        %jit3A_681 = arith.constant 24 : i32
        %broadcast_in_dim3A_682 = vector.broadcast %jit3A_680 : i32 to vector<16xi32>
        %broadcast_in_dim3A_683 = vector.broadcast %jit3A_681 : i32 to vector<16xi32>
        %select_n3A_684 = arith.select %gt3A_678, %broadcast_in_dim3A_682, %broadcast_in_dim3A_683 : vector<16xi1>, vector<16xi32>
        %broadcast_in_dim3A_685 = arith.constant 26 : i32
        %broadcast_in_dim3A_686 = vector.broadcast %broadcast_in_dim3A_685 : i32 to vector<16xi32>
        %gt3A_687 = arith.cmpf ogt, %select_n3A_602, %select_n3A_595 : vector<16xf32>
        %select_n3A_688 = arith.select %gt3A_687, %select_n3A_602, %select_n3A_595 : vector<16xi1>, vector<16xf32>
        %select_n3A_689 = arith.select %gt3A_687, %select_n3A_607, %select_n3A_600 : vector<16xi1>, vector<16xi32>
        %gt3A_690 = arith.cmpf ogt, %select_n3A_616, %select_n3A_609 : vector<16xf32>
        %select_n3A_691 = arith.select %gt3A_690, %select_n3A_616, %select_n3A_609 : vector<16xi1>, vector<16xf32>
        %select_n3A_692 = arith.select %gt3A_690, %select_n3A_621, %select_n3A_614 : vector<16xi1>, vector<16xi32>
        %gt3A_693 = arith.cmpf ogt, %select_n3A_630, %select_n3A_623 : vector<16xf32>
        %select_n3A_694 = arith.select %gt3A_693, %select_n3A_630, %select_n3A_623 : vector<16xi1>, vector<16xf32>
        %select_n3A_695 = arith.select %gt3A_693, %select_n3A_635, %select_n3A_628 : vector<16xi1>, vector<16xi32>
        %gt3A_696 = arith.cmpf ogt, %select_n3A_644, %select_n3A_637 : vector<16xf32>
        %select_n3A_697 = arith.select %gt3A_696, %select_n3A_644, %select_n3A_637 : vector<16xi1>, vector<16xf32>
        %select_n3A_698 = arith.select %gt3A_696, %select_n3A_649, %select_n3A_642 : vector<16xi1>, vector<16xi32>
        %gt3A_699 = arith.cmpf ogt, %select_n3A_658, %select_n3A_651 : vector<16xf32>
        %select_n3A_700 = arith.select %gt3A_699, %select_n3A_658, %select_n3A_651 : vector<16xi1>, vector<16xf32>
        %select_n3A_701 = arith.select %gt3A_699, %select_n3A_663, %select_n3A_656 : vector<16xi1>, vector<16xi32>
        %gt3A_702 = arith.cmpf ogt, %select_n3A_672, %select_n3A_665 : vector<16xf32>
        %select_n3A_703 = arith.select %gt3A_702, %select_n3A_672, %select_n3A_665 : vector<16xi1>, vector<16xf32>
        %select_n3A_704 = arith.select %gt3A_702, %select_n3A_677, %select_n3A_670 : vector<16xi1>, vector<16xi32>
        %gt3A_705 = arith.cmpf ogt, %select_n3A_593, %select_n3A_679 : vector<16xf32>
        %select_n3A_706 = arith.select %gt3A_705, %select_n3A_593, %select_n3A_679 : vector<16xi1>, vector<16xf32>
        %select_n3A_707 = arith.select %gt3A_705, %broadcast_in_dim3A_686, %select_n3A_684 : vector<16xi1>, vector<16xi32>
        %gt3A_708 = arith.cmpf ogt, %select_n3A_691, %select_n3A_688 : vector<16xf32>
        %select_n3A_709 = arith.select %gt3A_708, %select_n3A_691, %select_n3A_688 : vector<16xi1>, vector<16xf32>
        %select_n3A_710 = arith.select %gt3A_708, %select_n3A_692, %select_n3A_689 : vector<16xi1>, vector<16xi32>
        %gt3A_711 = arith.cmpf ogt, %select_n3A_697, %select_n3A_694 : vector<16xf32>
        %select_n3A_712 = arith.select %gt3A_711, %select_n3A_697, %select_n3A_694 : vector<16xi1>, vector<16xf32>
        %select_n3A_713 = arith.select %gt3A_711, %select_n3A_698, %select_n3A_695 : vector<16xi1>, vector<16xi32>
        %gt3A_714 = arith.cmpf ogt, %select_n3A_703, %select_n3A_700 : vector<16xf32>
        %select_n3A_715 = arith.select %gt3A_714, %select_n3A_703, %select_n3A_700 : vector<16xi1>, vector<16xf32>
        %select_n3A_716 = arith.select %gt3A_714, %select_n3A_704, %select_n3A_701 : vector<16xi1>, vector<16xi32>
        %gt3A_717 = arith.cmpf ogt, %select_n3A_712, %select_n3A_709 : vector<16xf32>
        %select_n3A_718 = arith.select %gt3A_717, %select_n3A_712, %select_n3A_709 : vector<16xi1>, vector<16xf32>
        %select_n3A_719 = arith.select %gt3A_717, %select_n3A_713, %select_n3A_710 : vector<16xi1>, vector<16xi32>
        %gt3A_720 = arith.cmpf ogt, %select_n3A_706, %select_n3A_715 : vector<16xf32>
        %select_n3A_721 = arith.select %gt3A_720, %select_n3A_706, %select_n3A_715 : vector<16xi1>, vector<16xf32>
        %select_n3A_722 = arith.select %gt3A_720, %select_n3A_707, %select_n3A_716 : vector<16xi1>, vector<16xi32>
        %gt3A_723 = arith.cmpf ogt, %select_n3A_721, %select_n3A_718 : vector<16xf32>
        %select_n3A_724 = arith.select %gt3A_723, %select_n3A_721, %select_n3A_718 : vector<16xi1>, vector<16xf32>
        %select_n3A_725 = arith.select %gt3A_723, %select_n3A_722, %select_n3A_719 : vector<16xi1>, vector<16xi32>
        %swap3A_726 = arith.constant 2 : i32
        %swap3A_727 = arith.index_cast %swap3A_726 : i32 to index
        %swap3A_728 = arith.index_cast %add3A_27 : i32 to index
        %swap3A_729 = tpu.vector_load %arg6[%swap3A_727, %swap3A_728] {strides = array<i32>} : memref<8x2816xi32, #tpu.memory_space<vmem>>, vector<16xi32>,
        tpu.vector_store %arg6[%swap3A_727, %swap3A_728], %select_n3A_725 {strides = array<i32>} : memref<8x2816xi32, #tpu.memory_space<vmem>>, vector<16xi32>,
        %eq3A_730 = arith.constant 0 : i32
        %eq3A_731 = vector.broadcast %eq3A_730 : i32 to vector<16xi32>
        %eq3A_732 = arith.cmpi eq, %select_n3A_725, %eq3A_731 : vector<16xi32>
        %select_n3A_733 = arith.select %eq3A_732, %broadcast_in_dim3A_1, %select_n3A_489 : vector<16xi1>, vector<16xf32>
        %eq3A_734 = arith.constant 1 : i32
        %eq3A_735 = vector.broadcast %eq3A_734 : i32 to vector<16xi32>
        %eq3A_736 = arith.cmpi eq, %select_n3A_725, %eq3A_735 : vector<16xi32>
        %select_n3A_737 = arith.select %eq3A_736, %broadcast_in_dim3A_1, %select_n3A_493 : vector<16xi1>, vector<16xf32>
        %eq3A_738 = arith.constant 2 : i32
        %eq3A_739 = vector.broadcast %eq3A_738 : i32 to vector<16xi32>
        %eq3A_740 = arith.cmpi eq, %select_n3A_725, %eq3A_739 : vector<16xi32>
        %select_n3A_741 = arith.select %eq3A_740, %broadcast_in_dim3A_1, %select_n3A_497 : vector<16xi1>, vector<16xf32>
        %eq3A_742 = arith.constant 3 : i32
        %eq3A_743 = vector.broadcast %eq3A_742 : i32 to vector<16xi32>
        %eq3A_744 = arith.cmpi eq, %select_n3A_725, %eq3A_743 : vector<16xi32>
        %select_n3A_745 = arith.select %eq3A_744, %broadcast_in_dim3A_1, %select_n3A_501 : vector<16xi1>, vector<16xf32>
        %eq3A_746 = arith.constant 4 : i32
        %eq3A_747 = vector.broadcast %eq3A_746 : i32 to vector<16xi32>
        %eq3A_748 = arith.cmpi eq, %select_n3A_725, %eq3A_747 : vector<16xi32>
        %select_n3A_749 = arith.select %eq3A_748, %broadcast_in_dim3A_1, %select_n3A_505 : vector<16xi1>, vector<16xf32>
        %eq3A_750 = arith.constant 5 : i32
        %eq3A_751 = vector.broadcast %eq3A_750 : i32 to vector<16xi32>
        %eq3A_752 = arith.cmpi eq, %select_n3A_725, %eq3A_751 : vector<16xi32>
        %select_n3A_753 = arith.select %eq3A_752, %broadcast_in_dim3A_1, %select_n3A_509 : vector<16xi1>, vector<16xf32>
        %eq3A_754 = arith.constant 6 : i32
        %eq3A_755 = vector.broadcast %eq3A_754 : i32 to vector<16xi32>
        %eq3A_756 = arith.cmpi eq, %select_n3A_725, %eq3A_755 : vector<16xi32>
        %select_n3A_757 = arith.select %eq3A_756, %broadcast_in_dim3A_1, %select_n3A_513 : vector<16xi1>, vector<16xf32>
        %eq3A_758 = arith.constant 7 : i32
        %eq3A_759 = vector.broadcast %eq3A_758 : i32 to vector<16xi32>
        %eq3A_760 = arith.cmpi eq, %select_n3A_725, %eq3A_759 : vector<16xi32>
        %select_n3A_761 = arith.select %eq3A_760, %broadcast_in_dim3A_1, %select_n3A_517 : vector<16xi1>, vector<16xf32>
        %eq3A_762 = arith.constant 8 : i32
        %eq3A_763 = vector.broadcast %eq3A_762 : i32 to vector<16xi32>
        %eq3A_764 = arith.cmpi eq, %select_n3A_725, %eq3A_763 : vector<16xi32>
        %select_n3A_765 = arith.select %eq3A_764, %broadcast_in_dim3A_1, %select_n3A_521 : vector<16xi1>, vector<16xf32>
        %eq3A_766 = arith.constant 9 : i32
        %eq3A_767 = vector.broadcast %eq3A_766 : i32 to vector<16xi32>
        %eq3A_768 = arith.cmpi eq, %select_n3A_725, %eq3A_767 : vector<16xi32>
        %select_n3A_769 = arith.select %eq3A_768, %broadcast_in_dim3A_1, %select_n3A_525 : vector<16xi1>, vector<16xf32>
        %eq3A_770 = arith.constant 10 : i32
        %eq3A_771 = vector.broadcast %eq3A_770 : i32 to vector<16xi32>
        %eq3A_772 = arith.cmpi eq, %select_n3A_725, %eq3A_771 : vector<16xi32>
        %select_n3A_773 = arith.select %eq3A_772, %broadcast_in_dim3A_1, %select_n3A_529 : vector<16xi1>, vector<16xf32>
        %eq3A_774 = arith.constant 11 : i32
        %eq3A_775 = vector.broadcast %eq3A_774 : i32 to vector<16xi32>
        %eq3A_776 = arith.cmpi eq, %select_n3A_725, %eq3A_775 : vector<16xi32>
        %select_n3A_777 = arith.select %eq3A_776, %broadcast_in_dim3A_1, %select_n3A_533 : vector<16xi1>, vector<16xf32>
        %eq3A_778 = arith.constant 12 : i32
        %eq3A_779 = vector.broadcast %eq3A_778 : i32 to vector<16xi32>
        %eq3A_780 = arith.cmpi eq, %select_n3A_725, %eq3A_779 : vector<16xi32>
        %select_n3A_781 = arith.select %eq3A_780, %broadcast_in_dim3A_1, %select_n3A_537 : vector<16xi1>, vector<16xf32>
        %eq3A_782 = arith.constant 13 : i32
        %eq3A_783 = vector.broadcast %eq3A_782 : i32 to vector<16xi32>
        %eq3A_784 = arith.cmpi eq, %select_n3A_725, %eq3A_783 : vector<16xi32>
        %select_n3A_785 = arith.select %eq3A_784, %broadcast_in_dim3A_1, %select_n3A_541 : vector<16xi1>, vector<16xf32>
        %eq3A_786 = arith.constant 14 : i32
        %eq3A_787 = vector.broadcast %eq3A_786 : i32 to vector<16xi32>
        %eq3A_788 = arith.cmpi eq, %select_n3A_725, %eq3A_787 : vector<16xi32>
        %select_n3A_789 = arith.select %eq3A_788, %broadcast_in_dim3A_1, %select_n3A_545 : vector<16xi1>, vector<16xf32>
        %eq3A_790 = arith.constant 15 : i32
        %eq3A_791 = vector.broadcast %eq3A_790 : i32 to vector<16xi32>
        %eq3A_792 = arith.cmpi eq, %select_n3A_725, %eq3A_791 : vector<16xi32>
        %select_n3A_793 = arith.select %eq3A_792, %broadcast_in_dim3A_1, %select_n3A_549 : vector<16xi1>, vector<16xf32>
        %eq3A_794 = arith.constant 16 : i32
        %eq3A_795 = vector.broadcast %eq3A_794 : i32 to vector<16xi32>
        %eq3A_796 = arith.cmpi eq, %select_n3A_725, %eq3A_795 : vector<16xi32>
        %select_n3A_797 = arith.select %eq3A_796, %broadcast_in_dim3A_1, %select_n3A_553 : vector<16xi1>, vector<16xf32>
        %eq3A_798 = arith.constant 17 : i32
        %eq3A_799 = vector.broadcast %eq3A_798 : i32 to vector<16xi32>
        %eq3A_800 = arith.cmpi eq, %select_n3A_725, %eq3A_799 : vector<16xi32>
        %select_n3A_801 = arith.select %eq3A_800, %broadcast_in_dim3A_1, %select_n3A_557 : vector<16xi1>, vector<16xf32>
        %eq3A_802 = arith.constant 18 : i32
        %eq3A_803 = vector.broadcast %eq3A_802 : i32 to vector<16xi32>
        %eq3A_804 = arith.cmpi eq, %select_n3A_725, %eq3A_803 : vector<16xi32>
        %select_n3A_805 = arith.select %eq3A_804, %broadcast_in_dim3A_1, %select_n3A_561 : vector<16xi1>, vector<16xf32>
        %eq3A_806 = arith.constant 19 : i32
        %eq3A_807 = vector.broadcast %eq3A_806 : i32 to vector<16xi32>
        %eq3A_808 = arith.cmpi eq, %select_n3A_725, %eq3A_807 : vector<16xi32>
        %select_n3A_809 = arith.select %eq3A_808, %broadcast_in_dim3A_1, %select_n3A_565 : vector<16xi1>, vector<16xf32>
        %eq3A_810 = arith.constant 20 : i32
        %eq3A_811 = vector.broadcast %eq3A_810 : i32 to vector<16xi32>
        %eq3A_812 = arith.cmpi eq, %select_n3A_725, %eq3A_811 : vector<16xi32>
        %select_n3A_813 = arith.select %eq3A_812, %broadcast_in_dim3A_1, %select_n3A_569 : vector<16xi1>, vector<16xf32>
        %eq3A_814 = arith.constant 21 : i32
        %eq3A_815 = vector.broadcast %eq3A_814 : i32 to vector<16xi32>
        %eq3A_816 = arith.cmpi eq, %select_n3A_725, %eq3A_815 : vector<16xi32>
        %select_n3A_817 = arith.select %eq3A_816, %broadcast_in_dim3A_1, %select_n3A_573 : vector<16xi1>, vector<16xf32>
        %eq3A_818 = arith.constant 22 : i32
        %eq3A_819 = vector.broadcast %eq3A_818 : i32 to vector<16xi32>
        %eq3A_820 = arith.cmpi eq, %select_n3A_725, %eq3A_819 : vector<16xi32>
        %select_n3A_821 = arith.select %eq3A_820, %broadcast_in_dim3A_1, %select_n3A_577 : vector<16xi1>, vector<16xf32>
        %eq3A_822 = arith.constant 23 : i32
        %eq3A_823 = vector.broadcast %eq3A_822 : i32 to vector<16xi32>
        %eq3A_824 = arith.cmpi eq, %select_n3A_725, %eq3A_823 : vector<16xi32>
        %select_n3A_825 = arith.select %eq3A_824, %broadcast_in_dim3A_1, %select_n3A_581 : vector<16xi1>, vector<16xf32>
        %eq3A_826 = arith.constant 24 : i32
        %eq3A_827 = vector.broadcast %eq3A_826 : i32 to vector<16xi32>
        %eq3A_828 = arith.cmpi eq, %select_n3A_725, %eq3A_827 : vector<16xi32>
        %select_n3A_829 = arith.select %eq3A_828, %broadcast_in_dim3A_1, %select_n3A_585 : vector<16xi1>, vector<16xf32>
        %eq3A_830 = arith.constant 25 : i32
        %eq3A_831 = vector.broadcast %eq3A_830 : i32 to vector<16xi32>
        %eq3A_832 = arith.cmpi eq, %select_n3A_725, %eq3A_831 : vector<16xi32>
        %select_n3A_833 = arith.select %eq3A_832, %broadcast_in_dim3A_1, %select_n3A_589 : vector<16xi1>, vector<16xf32>
        %eq3A_834 = arith.constant 26 : i32
        %eq3A_835 = vector.broadcast %eq3A_834 : i32 to vector<16xi32>
        %eq3A_836 = arith.cmpi eq, %select_n3A_725, %eq3A_835 : vector<16xi32>
        %select_n3A_837 = arith.select %eq3A_836, %broadcast_in_dim3A_1, %select_n3A_593 : vector<16xi1>, vector<16xf32>
        %gt3A_838 = arith.cmpf ogt, %select_n3A_737, %select_n3A_733 : vector<16xf32>
        %select_n3A_839 = arith.select %gt3A_838, %select_n3A_737, %select_n3A_733 : vector<16xi1>, vector<16xf32>
        %jit3A_840 = arith.constant 1 : i32
        %jit3A_841 = arith.constant 0 : i32
        %broadcast_in_dim3A_842 = vector.broadcast %jit3A_840 : i32 to vector<16xi32>
        %broadcast_in_dim3A_843 = vector.broadcast %jit3A_841 : i32 to vector<16xi32>
        %select_n3A_844 = arith.select %gt3A_838, %broadcast_in_dim3A_842, %broadcast_in_dim3A_843 : vector<16xi1>, vector<16xi32>
        %gt3A_845 = arith.cmpf ogt, %select_n3A_745, %select_n3A_741 : vector<16xf32>
        %select_n3A_846 = arith.select %gt3A_845, %select_n3A_745, %select_n3A_741 : vector<16xi1>, vector<16xf32>
        %jit3A_847 = arith.constant 3 : i32
        %jit3A_848 = arith.constant 2 : i32
        %broadcast_in_dim3A_849 = vector.broadcast %jit3A_847 : i32 to vector<16xi32>
        %broadcast_in_dim3A_850 = vector.broadcast %jit3A_848 : i32 to vector<16xi32>
        %select_n3A_851 = arith.select %gt3A_845, %broadcast_in_dim3A_849, %broadcast_in_dim3A_850 : vector<16xi1>, vector<16xi32>
        %gt3A_852 = arith.cmpf ogt, %select_n3A_753, %select_n3A_749 : vector<16xf32>
        %select_n3A_853 = arith.select %gt3A_852, %select_n3A_753, %select_n3A_749 : vector<16xi1>, vector<16xf32>
        %jit3A_854 = arith.constant 5 : i32
        %jit3A_855 = arith.constant 4 : i32
        %broadcast_in_dim3A_856 = vector.broadcast %jit3A_854 : i32 to vector<16xi32>
        %broadcast_in_dim3A_857 = vector.broadcast %jit3A_855 : i32 to vector<16xi32>
        %select_n3A_858 = arith.select %gt3A_852, %broadcast_in_dim3A_856, %broadcast_in_dim3A_857 : vector<16xi1>, vector<16xi32>
        %gt3A_859 = arith.cmpf ogt, %select_n3A_761, %select_n3A_757 : vector<16xf32>
        %select_n3A_860 = arith.select %gt3A_859, %select_n3A_761, %select_n3A_757 : vector<16xi1>, vector<16xf32>
        %jit3A_861 = arith.constant 7 : i32
        %jit3A_862 = arith.constant 6 : i32
        %broadcast_in_dim3A_863 = vector.broadcast %jit3A_861 : i32 to vector<16xi32>
        %broadcast_in_dim3A_864 = vector.broadcast %jit3A_862 : i32 to vector<16xi32>
        %select_n3A_865 = arith.select %gt3A_859, %broadcast_in_dim3A_863, %broadcast_in_dim3A_864 : vector<16xi1>, vector<16xi32>
        %gt3A_866 = arith.cmpf ogt, %select_n3A_769, %select_n3A_765 : vector<16xf32>
        %select_n3A_867 = arith.select %gt3A_866, %select_n3A_769, %select_n3A_765 : vector<16xi1>, vector<16xf32>
        %jit3A_868 = arith.constant 9 : i32
        %jit3A_869 = arith.constant 8 : i32
        %broadcast_in_dim3A_870 = vector.broadcast %jit3A_868 : i32 to vector<16xi32>
        %broadcast_in_dim3A_871 = vector.broadcast %jit3A_869 : i32 to vector<16xi32>
        %select_n3A_872 = arith.select %gt3A_866, %broadcast_in_dim3A_870, %broadcast_in_dim3A_871 : vector<16xi1>, vector<16xi32>
        %gt3A_873 = arith.cmpf ogt, %select_n3A_777, %select_n3A_773 : vector<16xf32>
        %select_n3A_874 = arith.select %gt3A_873, %select_n3A_777, %select_n3A_773 : vector<16xi1>, vector<16xf32>
        %jit3A_875 = arith.constant 11 : i32
        %jit3A_876 = arith.constant 10 : i32
        %broadcast_in_dim3A_877 = vector.broadcast %jit3A_875 : i32 to vector<16xi32>
        %broadcast_in_dim3A_878 = vector.broadcast %jit3A_876 : i32 to vector<16xi32>
        %select_n3A_879 = arith.select %gt3A_873, %broadcast_in_dim3A_877, %broadcast_in_dim3A_878 : vector<16xi1>, vector<16xi32>
        %gt3A_880 = arith.cmpf ogt, %select_n3A_785, %select_n3A_781 : vector<16xf32>
        %select_n3A_881 = arith.select %gt3A_880, %select_n3A_785, %select_n3A_781 : vector<16xi1>, vector<16xf32>
        %jit3A_882 = arith.constant 13 : i32
        %jit3A_883 = arith.constant 12 : i32
        %broadcast_in_dim3A_884 = vector.broadcast %jit3A_882 : i32 to vector<16xi32>
        %broadcast_in_dim3A_885 = vector.broadcast %jit3A_883 : i32 to vector<16xi32>
        %select_n3A_886 = arith.select %gt3A_880, %broadcast_in_dim3A_884, %broadcast_in_dim3A_885 : vector<16xi1>, vector<16xi32>
        %gt3A_887 = arith.cmpf ogt, %select_n3A_793, %select_n3A_789 : vector<16xf32>
        %select_n3A_888 = arith.select %gt3A_887, %select_n3A_793, %select_n3A_789 : vector<16xi1>, vector<16xf32>
        %jit3A_889 = arith.constant 15 : i32
        %jit3A_890 = arith.constant 14 : i32
        %broadcast_in_dim3A_891 = vector.broadcast %jit3A_889 : i32 to vector<16xi32>
        %broadcast_in_dim3A_892 = vector.broadcast %jit3A_890 : i32 to vector<16xi32>
        %select_n3A_893 = arith.select %gt3A_887, %broadcast_in_dim3A_891, %broadcast_in_dim3A_892 : vector<16xi1>, vector<16xi32>
        %gt3A_894 = arith.cmpf ogt, %select_n3A_801, %select_n3A_797 : vector<16xf32>
        %select_n3A_895 = arith.select %gt3A_894, %select_n3A_801, %select_n3A_797 : vector<16xi1>, vector<16xf32>
        %jit3A_896 = arith.constant 17 : i32
        %jit3A_897 = arith.constant 16 : i32
        %broadcast_in_dim3A_898 = vector.broadcast %jit3A_896 : i32 to vector<16xi32>
        %broadcast_in_dim3A_899 = vector.broadcast %jit3A_897 : i32 to vector<16xi32>
        %select_n3A_900 = arith.select %gt3A_894, %broadcast_in_dim3A_898, %broadcast_in_dim3A_899 : vector<16xi1>, vector<16xi32>
        %gt3A_901 = arith.cmpf ogt, %select_n3A_809, %select_n3A_805 : vector<16xf32>
        %select_n3A_902 = arith.select %gt3A_901, %select_n3A_809, %select_n3A_805 : vector<16xi1>, vector<16xf32>
        %jit3A_903 = arith.constant 19 : i32
        %jit3A_904 = arith.constant 18 : i32
        %broadcast_in_dim3A_905 = vector.broadcast %jit3A_903 : i32 to vector<16xi32>
        %broadcast_in_dim3A_906 = vector.broadcast %jit3A_904 : i32 to vector<16xi32>
        %select_n3A_907 = arith.select %gt3A_901, %broadcast_in_dim3A_905, %broadcast_in_dim3A_906 : vector<16xi1>, vector<16xi32>
        %gt3A_908 = arith.cmpf ogt, %select_n3A_817, %select_n3A_813 : vector<16xf32>
        %select_n3A_909 = arith.select %gt3A_908, %select_n3A_817, %select_n3A_813 : vector<16xi1>, vector<16xf32>
        %jit3A_910 = arith.constant 21 : i32
        %jit3A_911 = arith.constant 20 : i32
        %broadcast_in_dim3A_912 = vector.broadcast %jit3A_910 : i32 to vector<16xi32>
        %broadcast_in_dim3A_913 = vector.broadcast %jit3A_911 : i32 to vector<16xi32>
        %select_n3A_914 = arith.select %gt3A_908, %broadcast_in_dim3A_912, %broadcast_in_dim3A_913 : vector<16xi1>, vector<16xi32>
        %gt3A_915 = arith.cmpf ogt, %select_n3A_825, %select_n3A_821 : vector<16xf32>
        %select_n3A_916 = arith.select %gt3A_915, %select_n3A_825, %select_n3A_821 : vector<16xi1>, vector<16xf32>
        %jit3A_917 = arith.constant 23 : i32
        %jit3A_918 = arith.constant 22 : i32
        %broadcast_in_dim3A_919 = vector.broadcast %jit3A_917 : i32 to vector<16xi32>
        %broadcast_in_dim3A_920 = vector.broadcast %jit3A_918 : i32 to vector<16xi32>
        %select_n3A_921 = arith.select %gt3A_915, %broadcast_in_dim3A_919, %broadcast_in_dim3A_920 : vector<16xi1>, vector<16xi32>
        %gt3A_922 = arith.cmpf ogt, %select_n3A_833, %select_n3A_829 : vector<16xf32>
        %select_n3A_923 = arith.select %gt3A_922, %select_n3A_833, %select_n3A_829 : vector<16xi1>, vector<16xf32>
        %jit3A_924 = arith.constant 25 : i32
        %jit3A_925 = arith.constant 24 : i32
        %broadcast_in_dim3A_926 = vector.broadcast %jit3A_924 : i32 to vector<16xi32>
        %broadcast_in_dim3A_927 = vector.broadcast %jit3A_925 : i32 to vector<16xi32>
        %select_n3A_928 = arith.select %gt3A_922, %broadcast_in_dim3A_926, %broadcast_in_dim3A_927 : vector<16xi1>, vector<16xi32>
        %broadcast_in_dim3A_929 = arith.constant 26 : i32
        %broadcast_in_dim3A_930 = vector.broadcast %broadcast_in_dim3A_929 : i32 to vector<16xi32>
        %gt3A_931 = arith.cmpf ogt, %select_n3A_846, %select_n3A_839 : vector<16xf32>
        %select_n3A_932 = arith.select %gt3A_931, %select_n3A_846, %select_n3A_839 : vector<16xi1>, vector<16xf32>
        %select_n3A_933 = arith.select %gt3A_931, %select_n3A_851, %select_n3A_844 : vector<16xi1>, vector<16xi32>
        %gt3A_934 = arith.cmpf ogt, %select_n3A_860, %select_n3A_853 : vector<16xf32>
        %select_n3A_935 = arith.select %gt3A_934, %select_n3A_860, %select_n3A_853 : vector<16xi1>, vector<16xf32>
        %select_n3A_936 = arith.select %gt3A_934, %select_n3A_865, %select_n3A_858 : vector<16xi1>, vector<16xi32>
        %gt3A_937 = arith.cmpf ogt, %select_n3A_874, %select_n3A_867 : vector<16xf32>
        %select_n3A_938 = arith.select %gt3A_937, %select_n3A_874, %select_n3A_867 : vector<16xi1>, vector<16xf32>
        %select_n3A_939 = arith.select %gt3A_937, %select_n3A_879, %select_n3A_872 : vector<16xi1>, vector<16xi32>
        %gt3A_940 = arith.cmpf ogt, %select_n3A_888, %select_n3A_881 : vector<16xf32>
        %select_n3A_941 = arith.select %gt3A_940, %select_n3A_888, %select_n3A_881 : vector<16xi1>, vector<16xf32>
        %select_n3A_942 = arith.select %gt3A_940, %select_n3A_893, %select_n3A_886 : vector<16xi1>, vector<16xi32>
        %gt3A_943 = arith.cmpf ogt, %select_n3A_902, %select_n3A_895 : vector<16xf32>
        %select_n3A_944 = arith.select %gt3A_943, %select_n3A_902, %select_n3A_895 : vector<16xi1>, vector<16xf32>
        %select_n3A_945 = arith.select %gt3A_943, %select_n3A_907, %select_n3A_900 : vector<16xi1>, vector<16xi32>
        %gt3A_946 = arith.cmpf ogt, %select_n3A_916, %select_n3A_909 : vector<16xf32>
        %select_n3A_947 = arith.select %gt3A_946, %select_n3A_916, %select_n3A_909 : vector<16xi1>, vector<16xf32>
        %select_n3A_948 = arith.select %gt3A_946, %select_n3A_921, %select_n3A_914 : vector<16xi1>, vector<16xi32>
        %gt3A_949 = arith.cmpf ogt, %select_n3A_837, %select_n3A_923 : vector<16xf32>
        %select_n3A_950 = arith.select %gt3A_949, %select_n3A_837, %select_n3A_923 : vector<16xi1>, vector<16xf32>
        %select_n3A_951 = arith.select %gt3A_949, %broadcast_in_dim3A_930, %select_n3A_928 : vector<16xi1>, vector<16xi32>
        %gt3A_952 = arith.cmpf ogt, %select_n3A_935, %select_n3A_932 : vector<16xf32>
        %select_n3A_953 = arith.select %gt3A_952, %select_n3A_935, %select_n3A_932 : vector<16xi1>, vector<16xf32>
        %select_n3A_954 = arith.select %gt3A_952, %select_n3A_936, %select_n3A_933 : vector<16xi1>, vector<16xi32>
        %gt3A_955 = arith.cmpf ogt, %select_n3A_941, %select_n3A_938 : vector<16xf32>
        %select_n3A_956 = arith.select %gt3A_955, %select_n3A_941, %select_n3A_938 : vector<16xi1>, vector<16xf32>
        %select_n3A_957 = arith.select %gt3A_955, %select_n3A_942, %select_n3A_939 : vector<16xi1>, vector<16xi32>
        %gt3A_958 = arith.cmpf ogt, %select_n3A_947, %select_n3A_944 : vector<16xf32>
        %select_n3A_959 = arith.select %gt3A_958, %select_n3A_947, %select_n3A_944 : vector<16xi1>, vector<16xf32>
        %select_n3A_960 = arith.select %gt3A_958, %select_n3A_948, %select_n3A_945 : vector<16xi1>, vector<16xi32>
        %gt3A_961 = arith.cmpf ogt, %select_n3A_956, %select_n3A_953 : vector<16xf32>
        %select_n3A_962 = arith.select %gt3A_961, %select_n3A_956, %select_n3A_953 : vector<16xi1>, vector<16xf32>
        %select_n3A_963 = arith.select %gt3A_961, %select_n3A_957, %select_n3A_954 : vector<16xi1>, vector<16xi32>
        %gt3A_964 = arith.cmpf ogt, %select_n3A_950, %select_n3A_959 : vector<16xf32>
        %select_n3A_965 = arith.select %gt3A_964, %select_n3A_950, %select_n3A_959 : vector<16xi1>, vector<16xf32>
        %select_n3A_966 = arith.select %gt3A_964, %select_n3A_951, %select_n3A_960 : vector<16xi1>, vector<16xi32>
        %gt3A_967 = arith.cmpf ogt, %select_n3A_965, %select_n3A_962 : vector<16xf32>
        %select_n3A_968 = arith.select %gt3A_967, %select_n3A_965, %select_n3A_962 : vector<16xi1>, vector<16xf32>
        %select_n3A_969 = arith.select %gt3A_967, %select_n3A_966, %select_n3A_963 : vector<16xi1>, vector<16xi32>
        %swap3A_970 = arith.constant 3 : i32
        %swap3A_971 = arith.index_cast %swap3A_970 : i32 to index
        %swap3A_972 = arith.index_cast %add3A_27 : i32 to index
        %swap3A_973 = tpu.vector_load %arg6[%swap3A_971, %swap3A_972] {strides = array<i32>} : memref<8x2816xi32, #tpu.memory_space<vmem>>, vector<16xi32>,
        tpu.vector_store %arg6[%swap3A_971, %swap3A_972], %select_n3A_969 {strides = array<i32>} : memref<8x2816xi32, #tpu.memory_space<vmem>>, vector<16xi32>,
        %eq3A_974 = arith.constant 0 : i32
        %eq3A_975 = vector.broadcast %eq3A_974 : i32 to vector<16xi32>
        %eq3A_976 = arith.cmpi eq, %select_n3A_969, %eq3A_975 : vector<16xi32>
        %select_n3A_977 = arith.select %eq3A_976, %broadcast_in_dim3A_1, %select_n3A_733 : vector<16xi1>, vector<16xf32>
        %eq3A_978 = arith.constant 1 : i32
        %eq3A_979 = vector.broadcast %eq3A_978 : i32 to vector<16xi32>
        %eq3A_980 = arith.cmpi eq, %select_n3A_969, %eq3A_979 : vector<16xi32>
        %select_n3A_981 = arith.select %eq3A_980, %broadcast_in_dim3A_1, %select_n3A_737 : vector<16xi1>, vector<16xf32>
        %eq3A_982 = arith.constant 2 : i32
        %eq3A_983 = vector.broadcast %eq3A_982 : i32 to vector<16xi32>
        %eq3A_984 = arith.cmpi eq, %select_n3A_969, %eq3A_983 : vector<16xi32>
        %select_n3A_985 = arith.select %eq3A_984, %broadcast_in_dim3A_1, %select_n3A_741 : vector<16xi1>, vector<16xf32>
        %eq3A_986 = arith.constant 3 : i32
        %eq3A_987 = vector.broadcast %eq3A_986 : i32 to vector<16xi32>
        %eq3A_988 = arith.cmpi eq, %select_n3A_969, %eq3A_987 : vector<16xi32>
        %select_n3A_989 = arith.select %eq3A_988, %broadcast_in_dim3A_1, %select_n3A_745 : vector<16xi1>, vector<16xf32>
        %eq3A_990 = arith.constant 4 : i32
        %eq3A_991 = vector.broadcast %eq3A_990 : i32 to vector<16xi32>
        %eq3A_992 = arith.cmpi eq, %select_n3A_969, %eq3A_991 : vector<16xi32>
        %select_n3A_993 = arith.select %eq3A_992, %broadcast_in_dim3A_1, %select_n3A_749 : vector<16xi1>, vector<16xf32>
        %eq3A_994 = arith.constant 5 : i32
        %eq3A_995 = vector.broadcast %eq3A_994 : i32 to vector<16xi32>
        %eq3A_996 = arith.cmpi eq, %select_n3A_969, %eq3A_995 : vector<16xi32>
        %select_n3A_997 = arith.select %eq3A_996, %broadcast_in_dim3A_1, %select_n3A_753 : vector<16xi1>, vector<16xf32>
        %eq3A_998 = arith.constant 6 : i32
        %eq3A_999 = vector.broadcast %eq3A_998 : i32 to vector<16xi32>
        %eq3A_1000 = arith.cmpi eq, %select_n3A_969, %eq3A_999 : vector<16xi32>
        %select_n3A_1001 = arith.select %eq3A_1000, %broadcast_in_dim3A_1, %select_n3A_757 : vector<16xi1>, vector<16xf32>
        %eq3A_1002 = arith.constant 7 : i32
        %eq3A_1003 = vector.broadcast %eq3A_1002 : i32 to vector<16xi32>
        %eq3A_1004 = arith.cmpi eq, %select_n3A_969, %eq3A_1003 : vector<16xi32>
        %select_n3A_1005 = arith.select %eq3A_1004, %broadcast_in_dim3A_1, %select_n3A_761 : vector<16xi1>, vector<16xf32>
        %eq3A_1006 = arith.constant 8 : i32
        %eq3A_1007 = vector.broadcast %eq3A_1006 : i32 to vector<16xi32>
        %eq3A_1008 = arith.cmpi eq, %select_n3A_969, %eq3A_1007 : vector<16xi32>
        %select_n3A_1009 = arith.select %eq3A_1008, %broadcast_in_dim3A_1, %select_n3A_765 : vector<16xi1>, vector<16xf32>
        %eq3A_1010 = arith.constant 9 : i32
        %eq3A_1011 = vector.broadcast %eq3A_1010 : i32 to vector<16xi32>
        %eq3A_1012 = arith.cmpi eq, %select_n3A_969, %eq3A_1011 : vector<16xi32>
        %select_n3A_1013 = arith.select %eq3A_1012, %broadcast_in_dim3A_1, %select_n3A_769 : vector<16xi1>, vector<16xf32>
        %eq3A_1014 = arith.constant 10 : i32
        %eq3A_1015 = vector.broadcast %eq3A_1014 : i32 to vector<16xi32>
        %eq3A_1016 = arith.cmpi eq, %select_n3A_969, %eq3A_1015 : vector<16xi32>
        %select_n3A_1017 = arith.select %eq3A_1016, %broadcast_in_dim3A_1, %select_n3A_773 : vector<16xi1>, vector<16xf32>
        %eq3A_1018 = arith.constant 11 : i32
        %eq3A_1019 = vector.broadcast %eq3A_1018 : i32 to vector<16xi32>
        %eq3A_1020 = arith.cmpi eq, %select_n3A_969, %eq3A_1019 : vector<16xi32>
        %select_n3A_1021 = arith.select %eq3A_1020, %broadcast_in_dim3A_1, %select_n3A_777 : vector<16xi1>, vector<16xf32>
        %eq3A_1022 = arith.constant 12 : i32
        %eq3A_1023 = vector.broadcast %eq3A_1022 : i32 to vector<16xi32>
        %eq3A_1024 = arith.cmpi eq, %select_n3A_969, %eq3A_1023 : vector<16xi32>
        %select_n3A_1025 = arith.select %eq3A_1024, %broadcast_in_dim3A_1, %select_n3A_781 : vector<16xi1>, vector<16xf32>
        %eq3A_1026 = arith.constant 13 : i32
        %eq3A_1027 = vector.broadcast %eq3A_1026 : i32 to vector<16xi32>
        %eq3A_1028 = arith.cmpi eq, %select_n3A_969, %eq3A_1027 : vector<16xi32>
        %select_n3A_1029 = arith.select %eq3A_1028, %broadcast_in_dim3A_1, %select_n3A_785 : vector<16xi1>, vector<16xf32>
        %eq3A_1030 = arith.constant 14 : i32
        %eq3A_1031 = vector.broadcast %eq3A_1030 : i32 to vector<16xi32>
        %eq3A_1032 = arith.cmpi eq, %select_n3A_969, %eq3A_1031 : vector<16xi32>
        %select_n3A_1033 = arith.select %eq3A_1032, %broadcast_in_dim3A_1, %select_n3A_789 : vector<16xi1>, vector<16xf32>
        %eq3A_1034 = arith.constant 15 : i32
        %eq3A_1035 = vector.broadcast %eq3A_1034 : i32 to vector<16xi32>
        %eq3A_1036 = arith.cmpi eq, %select_n3A_969, %eq3A_1035 : vector<16xi32>
        %select_n3A_1037 = arith.select %eq3A_1036, %broadcast_in_dim3A_1, %select_n3A_793 : vector<16xi1>, vector<16xf32>
        %eq3A_1038 = arith.constant 16 : i32
        %eq3A_1039 = vector.broadcast %eq3A_1038 : i32 to vector<16xi32>
        %eq3A_1040 = arith.cmpi eq, %select_n3A_969, %eq3A_1039 : vector<16xi32>
        %select_n3A_1041 = arith.select %eq3A_1040, %broadcast_in_dim3A_1, %select_n3A_797 : vector<16xi1>, vector<16xf32>
        %eq3A_1042 = arith.constant 17 : i32
        %eq3A_1043 = vector.broadcast %eq3A_1042 : i32 to vector<16xi32>
        %eq3A_1044 = arith.cmpi eq, %select_n3A_969, %eq3A_1043 : vector<16xi32>
        %select_n3A_1045 = arith.select %eq3A_1044, %broadcast_in_dim3A_1, %select_n3A_801 : vector<16xi1>, vector<16xf32>
        %eq3A_1046 = arith.constant 18 : i32
        %eq3A_1047 = vector.broadcast %eq3A_1046 : i32 to vector<16xi32>
        %eq3A_1048 = arith.cmpi eq, %select_n3A_969, %eq3A_1047 : vector<16xi32>
        %select_n3A_1049 = arith.select %eq3A_1048, %broadcast_in_dim3A_1, %select_n3A_805 : vector<16xi1>, vector<16xf32>
        %eq3A_1050 = arith.constant 19 : i32
        %eq3A_1051 = vector.broadcast %eq3A_1050 : i32 to vector<16xi32>
        %eq3A_1052 = arith.cmpi eq, %select_n3A_969, %eq3A_1051 : vector<16xi32>
        %select_n3A_1053 = arith.select %eq3A_1052, %broadcast_in_dim3A_1, %select_n3A_809 : vector<16xi1>, vector<16xf32>
        %eq3A_1054 = arith.constant 20 : i32
        %eq3A_1055 = vector.broadcast %eq3A_1054 : i32 to vector<16xi32>
        %eq3A_1056 = arith.cmpi eq, %select_n3A_969, %eq3A_1055 : vector<16xi32>
        %select_n3A_1057 = arith.select %eq3A_1056, %broadcast_in_dim3A_1, %select_n3A_813 : vector<16xi1>, vector<16xf32>
        %eq3A_1058 = arith.constant 21 : i32
        %eq3A_1059 = vector.broadcast %eq3A_1058 : i32 to vector<16xi32>
        %eq3A_1060 = arith.cmpi eq, %select_n3A_969, %eq3A_1059 : vector<16xi32>
        %select_n3A_1061 = arith.select %eq3A_1060, %broadcast_in_dim3A_1, %select_n3A_817 : vector<16xi1>, vector<16xf32>
        %eq3A_1062 = arith.constant 22 : i32
        %eq3A_1063 = vector.broadcast %eq3A_1062 : i32 to vector<16xi32>
        %eq3A_1064 = arith.cmpi eq, %select_n3A_969, %eq3A_1063 : vector<16xi32>
        %select_n3A_1065 = arith.select %eq3A_1064, %broadcast_in_dim3A_1, %select_n3A_821 : vector<16xi1>, vector<16xf32>
        %eq3A_1066 = arith.constant 23 : i32
        %eq3A_1067 = vector.broadcast %eq3A_1066 : i32 to vector<16xi32>
        %eq3A_1068 = arith.cmpi eq, %select_n3A_969, %eq3A_1067 : vector<16xi32>
        %select_n3A_1069 = arith.select %eq3A_1068, %broadcast_in_dim3A_1, %select_n3A_825 : vector<16xi1>, vector<16xf32>
        %eq3A_1070 = arith.constant 24 : i32
        %eq3A_1071 = vector.broadcast %eq3A_1070 : i32 to vector<16xi32>
        %eq3A_1072 = arith.cmpi eq, %select_n3A_969, %eq3A_1071 : vector<16xi32>
        %select_n3A_1073 = arith.select %eq3A_1072, %broadcast_in_dim3A_1, %select_n3A_829 : vector<16xi1>, vector<16xf32>
        %eq3A_1074 = arith.constant 25 : i32
        %eq3A_1075 = vector.broadcast %eq3A_1074 : i32 to vector<16xi32>
        %eq3A_1076 = arith.cmpi eq, %select_n3A_969, %eq3A_1075 : vector<16xi32>
        %select_n3A_1077 = arith.select %eq3A_1076, %broadcast_in_dim3A_1, %select_n3A_833 : vector<16xi1>, vector<16xf32>
        %eq3A_1078 = arith.constant 26 : i32
        %eq3A_1079 = vector.broadcast %eq3A_1078 : i32 to vector<16xi32>
        %eq3A_1080 = arith.cmpi eq, %select_n3A_969, %eq3A_1079 : vector<16xi32>
        %select_n3A_1081 = arith.select %eq3A_1080, %broadcast_in_dim3A_1, %select_n3A_837 : vector<16xi1>, vector<16xf32>
        %gt3A_1082 = arith.cmpf ogt, %select_n3A_981, %select_n3A_977 : vector<16xf32>
        %select_n3A_1083 = arith.select %gt3A_1082, %select_n3A_981, %select_n3A_977 : vector<16xi1>, vector<16xf32>
        %jit3A_1084 = arith.constant 1 : i32
        %jit3A_1085 = arith.constant 0 : i32
        %broadcast_in_dim3A_1086 = vector.broadcast %jit3A_1084 : i32 to vector<16xi32>
        %broadcast_in_dim3A_1087 = vector.broadcast %jit3A_1085 : i32 to vector<16xi32>
        %select_n3A_1088 = arith.select %gt3A_1082, %broadcast_in_dim3A_1086, %broadcast_in_dim3A_1087 : vector<16xi1>, vector<16xi32>
        %gt3A_1089 = arith.cmpf ogt, %select_n3A_989, %select_n3A_985 : vector<16xf32>
        %select_n3A_1090 = arith.select %gt3A_1089, %select_n3A_989, %select_n3A_985 : vector<16xi1>, vector<16xf32>
        %jit3A_1091 = arith.constant 3 : i32
        %jit3A_1092 = arith.constant 2 : i32
        %broadcast_in_dim3A_1093 = vector.broadcast %jit3A_1091 : i32 to vector<16xi32>
        %broadcast_in_dim3A_1094 = vector.broadcast %jit3A_1092 : i32 to vector<16xi32>
        %select_n3A_1095 = arith.select %gt3A_1089, %broadcast_in_dim3A_1093, %broadcast_in_dim3A_1094 : vector<16xi1>, vector<16xi32>
        %gt3A_1096 = arith.cmpf ogt, %select_n3A_997, %select_n3A_993 : vector<16xf32>
        %select_n3A_1097 = arith.select %gt3A_1096, %select_n3A_997, %select_n3A_993 : vector<16xi1>, vector<16xf32>
        %jit3A_1098 = arith.constant 5 : i32
        %jit3A_1099 = arith.constant 4 : i32
        %broadcast_in_dim3A_1100 = vector.broadcast %jit3A_1098 : i32 to vector<16xi32>
        %broadcast_in_dim3A_1101 = vector.broadcast %jit3A_1099 : i32 to vector<16xi32>
        %select_n3A_1102 = arith.select %gt3A_1096, %broadcast_in_dim3A_1100, %broadcast_in_dim3A_1101 : vector<16xi1>, vector<16xi32>
        %gt3A_1103 = arith.cmpf ogt, %select_n3A_1005, %select_n3A_1001 : vector<16xf32>
        %select_n3A_1104 = arith.select %gt3A_1103, %select_n3A_1005, %select_n3A_1001 : vector<16xi1>, vector<16xf32>
        %jit3A_1105 = arith.constant 7 : i32
        %jit3A_1106 = arith.constant 6 : i32
        %broadcast_in_dim3A_1107 = vector.broadcast %jit3A_1105 : i32 to vector<16xi32>
        %broadcast_in_dim3A_1108 = vector.broadcast %jit3A_1106 : i32 to vector<16xi32>
        %select_n3A_1109 = arith.select %gt3A_1103, %broadcast_in_dim3A_1107, %broadcast_in_dim3A_1108 : vector<16xi1>, vector<16xi32>
        %gt3A_1110 = arith.cmpf ogt, %select_n3A_1013, %select_n3A_1009 : vector<16xf32>
        %select_n3A_1111 = arith.select %gt3A_1110, %select_n3A_1013, %select_n3A_1009 : vector<16xi1>, vector<16xf32>
        %jit3A_1112 = arith.constant 9 : i32
        %jit3A_1113 = arith.constant 8 : i32
        %broadcast_in_dim3A_1114 = vector.broadcast %jit3A_1112 : i32 to vector<16xi32>
        %broadcast_in_dim3A_1115 = vector.broadcast %jit3A_1113 : i32 to vector<16xi32>
        %select_n3A_1116 = arith.select %gt3A_1110, %broadcast_in_dim3A_1114, %broadcast_in_dim3A_1115 : vector<16xi1>, vector<16xi32>
        %gt3A_1117 = arith.cmpf ogt, %select_n3A_1021, %select_n3A_1017 : vector<16xf32>
        %select_n3A_1118 = arith.select %gt3A_1117, %select_n3A_1021, %select_n3A_1017 : vector<16xi1>, vector<16xf32>
        %jit3A_1119 = arith.constant 11 : i32
        %jit3A_1120 = arith.constant 10 : i32
        %broadcast_in_dim3A_1121 = vector.broadcast %jit3A_1119 : i32 to vector<16xi32>
        %broadcast_in_dim3A_1122 = vector.broadcast %jit3A_1120 : i32 to vector<16xi32>
        %select_n3A_1123 = arith.select %gt3A_1117, %broadcast_in_dim3A_1121, %broadcast_in_dim3A_1122 : vector<16xi1>, vector<16xi32>
        %gt3A_1124 = arith.cmpf ogt, %select_n3A_1029, %select_n3A_1025 : vector<16xf32>
        %select_n3A_1125 = arith.select %gt3A_1124, %select_n3A_1029, %select_n3A_1025 : vector<16xi1>, vector<16xf32>
        %jit3A_1126 = arith.constant 13 : i32
        %jit3A_1127 = arith.constant 12 : i32
        %broadcast_in_dim3A_1128 = vector.broadcast %jit3A_1126 : i32 to vector<16xi32>
        %broadcast_in_dim3A_1129 = vector.broadcast %jit3A_1127 : i32 to vector<16xi32>
        %select_n3A_1130 = arith.select %gt3A_1124, %broadcast_in_dim3A_1128, %broadcast_in_dim3A_1129 : vector<16xi1>, vector<16xi32>
        %gt3A_1131 = arith.cmpf ogt, %select_n3A_1037, %select_n3A_1033 : vector<16xf32>
        %select_n3A_1132 = arith.select %gt3A_1131, %select_n3A_1037, %select_n3A_1033 : vector<16xi1>, vector<16xf32>
        %jit3A_1133 = arith.constant 15 : i32
        %jit3A_1134 = arith.constant 14 : i32
        %broadcast_in_dim3A_1135 = vector.broadcast %jit3A_1133 : i32 to vector<16xi32>
        %broadcast_in_dim3A_1136 = vector.broadcast %jit3A_1134 : i32 to vector<16xi32>
        %select_n3A_1137 = arith.select %gt3A_1131, %broadcast_in_dim3A_1135, %broadcast_in_dim3A_1136 : vector<16xi1>, vector<16xi32>
        %gt3A_1138 = arith.cmpf ogt, %select_n3A_1045, %select_n3A_1041 : vector<16xf32>
        %select_n3A_1139 = arith.select %gt3A_1138, %select_n3A_1045, %select_n3A_1041 : vector<16xi1>, vector<16xf32>
        %jit3A_1140 = arith.constant 17 : i32
        %jit3A_1141 = arith.constant 16 : i32
        %broadcast_in_dim3A_1142 = vector.broadcast %jit3A_1140 : i32 to vector<16xi32>
        %broadcast_in_dim3A_1143 = vector.broadcast %jit3A_1141 : i32 to vector<16xi32>
        %select_n3A_1144 = arith.select %gt3A_1138, %broadcast_in_dim3A_1142, %broadcast_in_dim3A_1143 : vector<16xi1>, vector<16xi32>
        %gt3A_1145 = arith.cmpf ogt, %select_n3A_1053, %select_n3A_1049 : vector<16xf32>
        %select_n3A_1146 = arith.select %gt3A_1145, %select_n3A_1053, %select_n3A_1049 : vector<16xi1>, vector<16xf32>
        %jit3A_1147 = arith.constant 19 : i32
        %jit3A_1148 = arith.constant 18 : i32
        %broadcast_in_dim3A_1149 = vector.broadcast %jit3A_1147 : i32 to vector<16xi32>
        %broadcast_in_dim3A_1150 = vector.broadcast %jit3A_1148 : i32 to vector<16xi32>
        %select_n3A_1151 = arith.select %gt3A_1145, %broadcast_in_dim3A_1149, %broadcast_in_dim3A_1150 : vector<16xi1>, vector<16xi32>
        %gt3A_1152 = arith.cmpf ogt, %select_n3A_1061, %select_n3A_1057 : vector<16xf32>
        %select_n3A_1153 = arith.select %gt3A_1152, %select_n3A_1061, %select_n3A_1057 : vector<16xi1>, vector<16xf32>
        %jit3A_1154 = arith.constant 21 : i32
        %jit3A_1155 = arith.constant 20 : i32
        %broadcast_in_dim3A_1156 = vector.broadcast %jit3A_1154 : i32 to vector<16xi32>
        %broadcast_in_dim3A_1157 = vector.broadcast %jit3A_1155 : i32 to vector<16xi32>
        %select_n3A_1158 = arith.select %gt3A_1152, %broadcast_in_dim3A_1156, %broadcast_in_dim3A_1157 : vector<16xi1>, vector<16xi32>
        %gt3A_1159 = arith.cmpf ogt, %select_n3A_1069, %select_n3A_1065 : vector<16xf32>
        %select_n3A_1160 = arith.select %gt3A_1159, %select_n3A_1069, %select_n3A_1065 : vector<16xi1>, vector<16xf32>
        %jit3A_1161 = arith.constant 23 : i32
        %jit3A_1162 = arith.constant 22 : i32
        %broadcast_in_dim3A_1163 = vector.broadcast %jit3A_1161 : i32 to vector<16xi32>
        %broadcast_in_dim3A_1164 = vector.broadcast %jit3A_1162 : i32 to vector<16xi32>
        %select_n3A_1165 = arith.select %gt3A_1159, %broadcast_in_dim3A_1163, %broadcast_in_dim3A_1164 : vector<16xi1>, vector<16xi32>
        %gt3A_1166 = arith.cmpf ogt, %select_n3A_1077, %select_n3A_1073 : vector<16xf32>
        %select_n3A_1167 = arith.select %gt3A_1166, %select_n3A_1077, %select_n3A_1073 : vector<16xi1>, vector<16xf32>
        %jit3A_1168 = arith.constant 25 : i32
        %jit3A_1169 = arith.constant 24 : i32
        %broadcast_in_dim3A_1170 = vector.broadcast %jit3A_1168 : i32 to vector<16xi32>
        %broadcast_in_dim3A_1171 = vector.broadcast %jit3A_1169 : i32 to vector<16xi32>
        %select_n3A_1172 = arith.select %gt3A_1166, %broadcast_in_dim3A_1170, %broadcast_in_dim3A_1171 : vector<16xi1>, vector<16xi32>
        %broadcast_in_dim3A_1173 = arith.constant 26 : i32
        %broadcast_in_dim3A_1174 = vector.broadcast %broadcast_in_dim3A_1173 : i32 to vector<16xi32>
        %gt3A_1175 = arith.cmpf ogt, %select_n3A_1090, %select_n3A_1083 : vector<16xf32>
        %select_n3A_1176 = arith.select %gt3A_1175, %select_n3A_1090, %select_n3A_1083 : vector<16xi1>, vector<16xf32>
        %select_n3A_1177 = arith.select %gt3A_1175, %select_n3A_1095, %select_n3A_1088 : vector<16xi1>, vector<16xi32>
        %gt3A_1178 = arith.cmpf ogt, %select_n3A_1104, %select_n3A_1097 : vector<16xf32>
        %select_n3A_1179 = arith.select %gt3A_1178, %select_n3A_1104, %select_n3A_1097 : vector<16xi1>, vector<16xf32>
        %select_n3A_1180 = arith.select %gt3A_1178, %select_n3A_1109, %select_n3A_1102 : vector<16xi1>, vector<16xi32>
        %gt3A_1181 = arith.cmpf ogt, %select_n3A_1118, %select_n3A_1111 : vector<16xf32>
        %select_n3A_1182 = arith.select %gt3A_1181, %select_n3A_1118, %select_n3A_1111 : vector<16xi1>, vector<16xf32>
        %select_n3A_1183 = arith.select %gt3A_1181, %select_n3A_1123, %select_n3A_1116 : vector<16xi1>, vector<16xi32>
        %gt3A_1184 = arith.cmpf ogt, %select_n3A_1132, %select_n3A_1125 : vector<16xf32>
        %select_n3A_1185 = arith.select %gt3A_1184, %select_n3A_1132, %select_n3A_1125 : vector<16xi1>, vector<16xf32>
        %select_n3A_1186 = arith.select %gt3A_1184, %select_n3A_1137, %select_n3A_1130 : vector<16xi1>, vector<16xi32>
        %gt3A_1187 = arith.cmpf ogt, %select_n3A_1146, %select_n3A_1139 : vector<16xf32>
        %select_n3A_1188 = arith.select %gt3A_1187, %select_n3A_1146, %select_n3A_1139 : vector<16xi1>, vector<16xf32>
        %select_n3A_1189 = arith.select %gt3A_1187, %select_n3A_1151, %select_n3A_1144 : vector<16xi1>, vector<16xi32>
        %gt3A_1190 = arith.cmpf ogt, %select_n3A_1160, %select_n3A_1153 : vector<16xf32>
        %select_n3A_1191 = arith.select %gt3A_1190, %select_n3A_1160, %select_n3A_1153 : vector<16xi1>, vector<16xf32>
        %select_n3A_1192 = arith.select %gt3A_1190, %select_n3A_1165, %select_n3A_1158 : vector<16xi1>, vector<16xi32>
        %gt3A_1193 = arith.cmpf ogt, %select_n3A_1081, %select_n3A_1167 : vector<16xf32>
        %select_n3A_1194 = arith.select %gt3A_1193, %select_n3A_1081, %select_n3A_1167 : vector<16xi1>, vector<16xf32>
        %select_n3A_1195 = arith.select %gt3A_1193, %broadcast_in_dim3A_1174, %select_n3A_1172 : vector<16xi1>, vector<16xi32>
        %gt3A_1196 = arith.cmpf ogt, %select_n3A_1179, %select_n3A_1176 : vector<16xf32>
        %select_n3A_1197 = arith.select %gt3A_1196, %select_n3A_1179, %select_n3A_1176 : vector<16xi1>, vector<16xf32>
        %select_n3A_1198 = arith.select %gt3A_1196, %select_n3A_1180, %select_n3A_1177 : vector<16xi1>, vector<16xi32>
        %gt3A_1199 = arith.cmpf ogt, %select_n3A_1185, %select_n3A_1182 : vector<16xf32>
        %select_n3A_1200 = arith.select %gt3A_1199, %select_n3A_1185, %select_n3A_1182 : vector<16xi1>, vector<16xf32>
        %select_n3A_1201 = arith.select %gt3A_1199, %select_n3A_1186, %select_n3A_1183 : vector<16xi1>, vector<16xi32>
        %gt3A_1202 = arith.cmpf ogt, %select_n3A_1191, %select_n3A_1188 : vector<16xf32>
        %select_n3A_1203 = arith.select %gt3A_1202, %select_n3A_1191, %select_n3A_1188 : vector<16xi1>, vector<16xf32>
        %select_n3A_1204 = arith.select %gt3A_1202, %select_n3A_1192, %select_n3A_1189 : vector<16xi1>, vector<16xi32>
        %gt3A_1205 = arith.cmpf ogt, %select_n3A_1200, %select_n3A_1197 : vector<16xf32>
        %select_n3A_1206 = arith.select %gt3A_1205, %select_n3A_1200, %select_n3A_1197 : vector<16xi1>, vector<16xf32>
        %select_n3A_1207 = arith.select %gt3A_1205, %select_n3A_1201, %select_n3A_1198 : vector<16xi1>, vector<16xi32>
        %gt3A_1208 = arith.cmpf ogt, %select_n3A_1194, %select_n3A_1203 : vector<16xf32>
        %select_n3A_1209 = arith.select %gt3A_1208, %select_n3A_1194, %select_n3A_1203 : vector<16xi1>, vector<16xf32>
        %select_n3A_1210 = arith.select %gt3A_1208, %select_n3A_1195, %select_n3A_1204 : vector<16xi1>, vector<16xi32>
        %gt3A_1211 = arith.cmpf ogt, %select_n3A_1209, %select_n3A_1206 : vector<16xf32>
        %select_n3A_1212 = arith.select %gt3A_1211, %select_n3A_1209, %select_n3A_1206 : vector<16xi1>, vector<16xf32>
        %select_n3A_1213 = arith.select %gt3A_1211, %select_n3A_1210, %select_n3A_1207 : vector<16xi1>, vector<16xi32>
        %swap3A_1214 = arith.constant 4 : i32
        %swap3A_1215 = arith.index_cast %swap3A_1214 : i32 to index
        %swap3A_1216 = arith.index_cast %add3A_27 : i32 to index
        %swap3A_1217 = tpu.vector_load %arg6[%swap3A_1215, %swap3A_1216] {strides = array<i32>} : memref<8x2816xi32, #tpu.memory_space<vmem>>, vector<16xi32>,
        tpu.vector_store %arg6[%swap3A_1215, %swap3A_1216], %select_n3A_1213 {strides = array<i32>} : memref<8x2816xi32, #tpu.memory_space<vmem>>, vector<16xi32>,
      }
      %scan3A_18 = arith.constant 7 : i32
      "tpu.region"() ({
        %run_scoped3A = tpu.sem_alloc : memref<!tpu.dma_semaphore, #tpu.memory_space<semaphore_mem>>
        %dma_start3A = arith.constant 0 : i32
        %dma_start3A_19 = arith.constant 0 : i32
        %dma_start3A_20 = tpu.memref_slice %arg6[%dma_start3A, %dma_start3A_19] : memref<8x2816xi32, #tpu.memory_space<vmem>> -> memref<8x2432xi32, #tpu.memory_space<vmem>>
        %dma_start3A_21 = arith.constant 0 : i32
        %dma_start3A_22 = arith.constant 87296 : i32
        %dma_start3A_23 = tpu.memref_slice %arg4[%dma_start3A_21, %dma_start3A_22] : memref<8x90112xi32, #tpu.memory_space<hbm>> -> memref<8x2432xi32, #tpu.memory_space<hbm>>
        %dma_start3A_24 = arith.constant 0 : i32
        %dma_start3A_25 = arith.constant 87296 : i32
        %dma_start3A_26 = tpu.memref_slice %arg4[%dma_start3A_24, %dma_start3A_25] : memref<8x90112xi32, #tpu.memory_space<hbm>> -> memref<8x2432xi32, #tpu.memory_space<hbm>>
        %dma_start3A_27 = arith.constant 0 : i32
        %dma_start3A_28 = arith.constant 0 : i32
        %dma_start3A_29 = tpu.memref_slice %arg6[%dma_start3A_27, %dma_start3A_28] : memref<8x2816xi32, #tpu.memory_space<vmem>> -> memref<8x2432xi32, #tpu.memory_space<vmem>>
        tpu.enqueue_dma source(%dma_start3A_29 : memref<8x2432xi32, #tpu.memory_space<vmem>>) target(%dma_start3A_26 : memref<8x2432xi32, #tpu.memory_space<hbm>>) target_semaphore(%run_scoped3A : memref<!tpu.dma_semaphore, #tpu.memory_space<semaphore_mem>>)
        %dma_wait3A = arith.constant 0 : i32
        %dma_wait3A_30 = arith.constant 0 : i32
        %dma_wait3A_31 = tpu.memref_slice %arg6[%dma_wait3A, %dma_wait3A_30] : memref<8x2816xi32, #tpu.memory_space<vmem>> -> memref<8x2432xi32, #tpu.memory_space<vmem>>
        %dma_wait3A_32 = arith.constant 0 : i32
        %dma_wait3A_33 = arith.constant 87296 : i32
        %dma_wait3A_34 = tpu.memref_slice %arg4[%dma_wait3A_32, %dma_wait3A_33] : memref<8x90112xi32, #tpu.memory_space<hbm>> -> memref<8x2432xi32, #tpu.memory_space<hbm>>
        %dma_wait3A_35 = arith.constant 0 : i32
        %dma_wait3A_36 = arith.constant 87296 : i32
        %dma_wait3A_37 = tpu.memref_slice %arg4[%dma_wait3A_35, %dma_wait3A_36] : memref<8x90112xi32, #tpu.memory_space<hbm>> -> memref<8x2432xi32, #tpu.memory_space<hbm>>
        %dma_wait3A_38 = arith.constant 0 : i32
        %dma_wait3A_39 = arith.constant 0 : i32
        %dma_wait3A_40 = tpu.memref_slice %arg6[%dma_wait3A_38, %dma_wait3A_39] : memref<8x2816xi32, #tpu.memory_space<vmem>> -> memref<8x2432xi32, #tpu.memory_space<vmem>>
        tpu.wait_dma2 semaphore(%run_scoped3A : memref<!tpu.dma_semaphore, #tpu.memory_space<semaphore_mem>>) src(%dma_wait3A_40 : memref<8x2432xi32, #tpu.memory_space<vmem>>) dst(%dma_wait3A_37 : memref<8x2432xi32, #tpu.memory_space<hbm>>)
        tpu.yield
      }) : () -> ()
    } else {
    }
    return
  }
}

#map = affine_map<(d0, d1) -> (0, 0)>
module attributes {stable_mosaic.version = 14 : i64} {
  func.func @sc_topk(%arg0: i32, %arg1: i32, %arg2: memref<300x160xf32, #tpu.memory_space<hbm>>, %arg3: memref<8x304xi32, #tpu.memory_space<hbm>>, %arg4: memref<16x160xf32, #tpu.memory_space<vmem>>, %arg5: memref<5x16xi32, #tpu.memory_space<vmem>>) attributes {dimension_semantics = [#tpu.dimension_semantics<core_parallel>, #tpu.dimension_semantics<subcore_parallel>], iteration_bounds = array<i64: 2, 16>, scalar_prefetch = 0 : i64, scratch_operands = 2 : i64, tpu.core_type = #tpu.core_type<sc_vector_subcore>, window_params = [{transform_indices = #map}, {transform_indices = #map}]} {
    %mul3A = arith.constant 2 : i32
    %mul3A_0 = arith.muli %arg1, %mul3A : i32
    %add3A = arith.addi %mul3A_0, %arg0 : i32
    %iota3A = tpu.iota {dimensions = array<i32: 0>} : vector<16xi32>
    %broadcast_in_dim3A = arith.constant 0xFF800000 : f32
    %broadcast_in_dim3A_1 = vector.broadcast %broadcast_in_dim3A : f32 to vector<16xf32>
    %broadcast_in_dim3A_2 = arith.constant 0 : i32
    %broadcast_in_dim3A_3 = vector.broadcast %broadcast_in_dim3A_2 : i32 to vector<16xi32>
    %lt3A = arith.constant 18 : i32
    %lt3A_4 = arith.cmpi slt, %add3A, %lt3A : i32
    %convert_element_type3A = arith.extui %lt3A_4 : i1 to i32
    %cond3A = arith.constant 0 : i32
    %cond3A_5 = arith.cmpi ne, %convert_element_type3A, %cond3A : i32
    scf.if %cond3A_5 {
      %mul3A_10 = arith.constant 16 : i32
      %mul3A_11 = arith.muli %add3A, %mul3A_10 : i32
      "tpu.region"() ({
        %run_scoped3A = tpu.sem_alloc : memref<!tpu.dma_semaphore, #tpu.memory_space<semaphore_mem>>
        %dma_start3A = arith.constant 0 : i32
        %dma_start3A_77 = tpu.memref_slice %arg2[%mul3A_11, %dma_start3A] : memref<300x160xf32, #tpu.memory_space<hbm>> -> memref<16x160xf32, #tpu.memory_space<hbm>>
        %dma_start3A_78 = arith.constant 0 : i32
        %dma_start3A_79 = tpu.memref_slice %arg2[%mul3A_11, %dma_start3A_78] : memref<300x160xf32, #tpu.memory_space<hbm>> -> memref<16x160xf32, #tpu.memory_space<hbm>>
        tpu.enqueue_dma source(%dma_start3A_79 : memref<16x160xf32, #tpu.memory_space<hbm>>) target(%arg4 : memref<16x160xf32, #tpu.memory_space<vmem>>) target_semaphore(%run_scoped3A : memref<!tpu.dma_semaphore, #tpu.memory_space<semaphore_mem>>)
        %dma_wait3A = arith.constant 0 : i32
        %dma_wait3A_80 = tpu.memref_slice %arg2[%mul3A_11, %dma_wait3A] : memref<300x160xf32, #tpu.memory_space<hbm>> -> memref<16x160xf32, #tpu.memory_space<hbm>>
        %dma_wait3A_81 = arith.constant 0 : i32
        %dma_wait3A_82 = tpu.memref_slice %arg2[%mul3A_11, %dma_wait3A_81] : memref<300x160xf32, #tpu.memory_space<hbm>> -> memref<16x160xf32, #tpu.memory_space<hbm>>
        tpu.wait_dma2 semaphore(%run_scoped3A : memref<!tpu.dma_semaphore, #tpu.memory_space<semaphore_mem>>) src(%dma_wait3A_82 : memref<16x160xf32, #tpu.memory_space<hbm>>) dst(%arg4 : memref<16x160xf32, #tpu.memory_space<vmem>>)
        tpu.yield
      }) : () -> ()
      %scan3A = arith.constant 0 : i32
      %scan3A_12 = arith.constant 0 : i32
      %mul3A_13 = arith.constant 16 : i32
      %mul3A_14 = arith.muli %scan3A_12, %mul3A_13 : i32
      %add3A_15 = vector.broadcast %mul3A_14 : i32 to vector<16xi32>
      %add3A_16 = arith.addi %add3A_15, %iota3A : vector<16xi32>
      %scan3A_17 = arith.constant 0 : i32
      %scan3A_18 = arith.constant 160 : i32
      %scan3A_19 = arith.addi %scan3A_17, %scan3A_18 : i32
      %scan3A_20 = arith.constant 1 : i32
      %scan3A_21:2 = scf.for %scan3A_77 = %scan3A_17 to %scan3A_19 step %scan3A_20 iter_args(%scan3A_78 = %broadcast_in_dim3A_1, %scan3A_79 = %broadcast_in_dim3A_3) -> (vector<16xf32>, vector<16xi32>)  : i32 {
        %broadcast_in_dim3A_80 = vector.broadcast %scan3A_77 : i32 to vector<16xi32>
        %gather3A = tpu.vector_load_idx %arg4[%add3A_16, %broadcast_in_dim3A_80] : memref<16x160xf32, #tpu.memory_space<vmem>>[vector<16xi32>, vector<16xi32>], vector<16xf32>,
        %gt3A = arith.cmpf ogt, %gather3A, %scan3A_78 : vector<16xf32>
        %select_n3A = arith.select %gt3A, %gather3A, %scan3A_78 : vector<16xi1>, vector<16xf32>
        %broadcast_in_dim3A_81 = vector.broadcast %scan3A_77 : i32 to vector<16xi32>
        %select_n3A_82 = arith.select %gt3A, %broadcast_in_dim3A_81, %scan3A_79 : vector<16xi1>, vector<16xi32>
        scf.yield %select_n3A, %select_n3A_82 : vector<16xf32>, vector<16xi32>
      }
      %scan3A_22 = arith.constant 160 : i32
      tpu.vector_store_idx %arg4[%add3A_16, %scan3A_21#1], %broadcast_in_dim3A_1 : memref<16x160xf32, #tpu.memory_space<vmem>>[vector<16xi32>, vector<16xi32>], vector<16xf32>,
      %mul3A_23 = arith.constant 16 : i32
      %mul3A_24 = arith.muli %scan3A_12, %mul3A_23 : i32
      %swap3A = arith.constant 0 : i32
      %swap3A_25 = arith.index_cast %swap3A : i32 to index
      %swap3A_26 = arith.index_cast %mul3A_24 : i32 to index
      %swap3A_27 = tpu.vector_load %arg5[%swap3A_25, %swap3A_26] {strides = array<i32>} : memref<5x16xi32, #tpu.memory_space<vmem>>, vector<16xi32>,
      tpu.vector_store %arg5[%swap3A_25, %swap3A_26], %scan3A_21#1 {strides = array<i32>} : memref<5x16xi32, #tpu.memory_space<vmem>>, vector<16xi32>,
      %scan3A_28 = arith.constant 0 : i32
      %scan3A_29 = arith.constant 160 : i32
      %scan3A_30 = arith.addi %scan3A_28, %scan3A_29 : i32
      %scan3A_31 = arith.constant 1 : i32
      %scan3A_32:2 = scf.for %scan3A_77 = %scan3A_28 to %scan3A_30 step %scan3A_31 iter_args(%scan3A_78 = %broadcast_in_dim3A_1, %scan3A_79 = %broadcast_in_dim3A_3) -> (vector<16xf32>, vector<16xi32>)  : i32 {
        %broadcast_in_dim3A_80 = vector.broadcast %scan3A_77 : i32 to vector<16xi32>
        %gather3A = tpu.vector_load_idx %arg4[%add3A_16, %broadcast_in_dim3A_80] : memref<16x160xf32, #tpu.memory_space<vmem>>[vector<16xi32>, vector<16xi32>], vector<16xf32>,
        %gt3A = arith.cmpf ogt, %gather3A, %scan3A_78 : vector<16xf32>
        %select_n3A = arith.select %gt3A, %gather3A, %scan3A_78 : vector<16xi1>, vector<16xf32>
        %broadcast_in_dim3A_81 = vector.broadcast %scan3A_77 : i32 to vector<16xi32>
        %select_n3A_82 = arith.select %gt3A, %broadcast_in_dim3A_81, %scan3A_79 : vector<16xi1>, vector<16xi32>
        scf.yield %select_n3A, %select_n3A_82 : vector<16xf32>, vector<16xi32>
      }
      %scan3A_33 = arith.constant 160 : i32
      tpu.vector_store_idx %arg4[%add3A_16, %scan3A_32#1], %broadcast_in_dim3A_1 : memref<16x160xf32, #tpu.memory_space<vmem>>[vector<16xi32>, vector<16xi32>], vector<16xf32>,
      %mul3A_34 = arith.constant 16 : i32
      %mul3A_35 = arith.muli %scan3A_12, %mul3A_34 : i32
      %swap3A_36 = arith.constant 1 : i32
      %swap3A_37 = arith.index_cast %swap3A_36 : i32 to index
      %swap3A_38 = arith.index_cast %mul3A_35 : i32 to index
      %swap3A_39 = tpu.vector_load %arg5[%swap3A_37, %swap3A_38] {strides = array<i32>} : memref<5x16xi32, #tpu.memory_space<vmem>>, vector<16xi32>,
      tpu.vector_store %arg5[%swap3A_37, %swap3A_38], %scan3A_32#1 {strides = array<i32>} : memref<5x16xi32, #tpu.memory_space<vmem>>, vector<16xi32>,
      %scan3A_40 = arith.constant 0 : i32
      %scan3A_41 = arith.constant 160 : i32
      %scan3A_42 = arith.addi %scan3A_40, %scan3A_41 : i32
      %scan3A_43 = arith.constant 1 : i32
      %scan3A_44:2 = scf.for %scan3A_77 = %scan3A_40 to %scan3A_42 step %scan3A_43 iter_args(%scan3A_78 = %broadcast_in_dim3A_1, %scan3A_79 = %broadcast_in_dim3A_3) -> (vector<16xf32>, vector<16xi32>)  : i32 {
        %broadcast_in_dim3A_80 = vector.broadcast %scan3A_77 : i32 to vector<16xi32>
        %gather3A = tpu.vector_load_idx %arg4[%add3A_16, %broadcast_in_dim3A_80] : memref<16x160xf32, #tpu.memory_space<vmem>>[vector<16xi32>, vector<16xi32>], vector<16xf32>,
        %gt3A = arith.cmpf ogt, %gather3A, %scan3A_78 : vector<16xf32>
        %select_n3A = arith.select %gt3A, %gather3A, %scan3A_78 : vector<16xi1>, vector<16xf32>
        %broadcast_in_dim3A_81 = vector.broadcast %scan3A_77 : i32 to vector<16xi32>
        %select_n3A_82 = arith.select %gt3A, %broadcast_in_dim3A_81, %scan3A_79 : vector<16xi1>, vector<16xi32>
        scf.yield %select_n3A, %select_n3A_82 : vector<16xf32>, vector<16xi32>
      }
      %scan3A_45 = arith.constant 160 : i32
      tpu.vector_store_idx %arg4[%add3A_16, %scan3A_44#1], %broadcast_in_dim3A_1 : memref<16x160xf32, #tpu.memory_space<vmem>>[vector<16xi32>, vector<16xi32>], vector<16xf32>,
      %mul3A_46 = arith.constant 16 : i32
      %mul3A_47 = arith.muli %scan3A_12, %mul3A_46 : i32
      %swap3A_48 = arith.constant 2 : i32
      %swap3A_49 = arith.index_cast %swap3A_48 : i32 to index
      %swap3A_50 = arith.index_cast %mul3A_47 : i32 to index
      %swap3A_51 = tpu.vector_load %arg5[%swap3A_49, %swap3A_50] {strides = array<i32>} : memref<5x16xi32, #tpu.memory_space<vmem>>, vector<16xi32>,
      tpu.vector_store %arg5[%swap3A_49, %swap3A_50], %scan3A_44#1 {strides = array<i32>} : memref<5x16xi32, #tpu.memory_space<vmem>>, vector<16xi32>,
      %scan3A_52 = arith.constant 0 : i32
      %scan3A_53 = arith.constant 160 : i32
      %scan3A_54 = arith.addi %scan3A_52, %scan3A_53 : i32
      %scan3A_55 = arith.constant 1 : i32
      %scan3A_56:2 = scf.for %scan3A_77 = %scan3A_52 to %scan3A_54 step %scan3A_55 iter_args(%scan3A_78 = %broadcast_in_dim3A_1, %scan3A_79 = %broadcast_in_dim3A_3) -> (vector<16xf32>, vector<16xi32>)  : i32 {
        %broadcast_in_dim3A_80 = vector.broadcast %scan3A_77 : i32 to vector<16xi32>
        %gather3A = tpu.vector_load_idx %arg4[%add3A_16, %broadcast_in_dim3A_80] : memref<16x160xf32, #tpu.memory_space<vmem>>[vector<16xi32>, vector<16xi32>], vector<16xf32>,
        %gt3A = arith.cmpf ogt, %gather3A, %scan3A_78 : vector<16xf32>
        %select_n3A = arith.select %gt3A, %gather3A, %scan3A_78 : vector<16xi1>, vector<16xf32>
        %broadcast_in_dim3A_81 = vector.broadcast %scan3A_77 : i32 to vector<16xi32>
        %select_n3A_82 = arith.select %gt3A, %broadcast_in_dim3A_81, %scan3A_79 : vector<16xi1>, vector<16xi32>
        scf.yield %select_n3A, %select_n3A_82 : vector<16xf32>, vector<16xi32>
      }
      %scan3A_57 = arith.constant 160 : i32
      tpu.vector_store_idx %arg4[%add3A_16, %scan3A_56#1], %broadcast_in_dim3A_1 : memref<16x160xf32, #tpu.memory_space<vmem>>[vector<16xi32>, vector<16xi32>], vector<16xf32>,
      %mul3A_58 = arith.constant 16 : i32
      %mul3A_59 = arith.muli %scan3A_12, %mul3A_58 : i32
      %swap3A_60 = arith.constant 3 : i32
      %swap3A_61 = arith.index_cast %swap3A_60 : i32 to index
      %swap3A_62 = arith.index_cast %mul3A_59 : i32 to index
      %swap3A_63 = tpu.vector_load %arg5[%swap3A_61, %swap3A_62] {strides = array<i32>} : memref<5x16xi32, #tpu.memory_space<vmem>>, vector<16xi32>,
      tpu.vector_store %arg5[%swap3A_61, %swap3A_62], %scan3A_56#1 {strides = array<i32>} : memref<5x16xi32, #tpu.memory_space<vmem>>, vector<16xi32>,
      %scan3A_64 = arith.constant 0 : i32
      %scan3A_65 = arith.constant 160 : i32
      %scan3A_66 = arith.addi %scan3A_64, %scan3A_65 : i32
      %scan3A_67 = arith.constant 1 : i32
      %scan3A_68:2 = scf.for %scan3A_77 = %scan3A_64 to %scan3A_66 step %scan3A_67 iter_args(%scan3A_78 = %broadcast_in_dim3A_1, %scan3A_79 = %broadcast_in_dim3A_3) -> (vector<16xf32>, vector<16xi32>)  : i32 {
        %broadcast_in_dim3A_80 = vector.broadcast %scan3A_77 : i32 to vector<16xi32>
        %gather3A = tpu.vector_load_idx %arg4[%add3A_16, %broadcast_in_dim3A_80] : memref<16x160xf32, #tpu.memory_space<vmem>>[vector<16xi32>, vector<16xi32>], vector<16xf32>,
        %gt3A = arith.cmpf ogt, %gather3A, %scan3A_78 : vector<16xf32>
        %select_n3A = arith.select %gt3A, %gather3A, %scan3A_78 : vector<16xi1>, vector<16xf32>
        %broadcast_in_dim3A_81 = vector.broadcast %scan3A_77 : i32 to vector<16xi32>
        %select_n3A_82 = arith.select %gt3A, %broadcast_in_dim3A_81, %scan3A_79 : vector<16xi1>, vector<16xi32>
        scf.yield %select_n3A, %select_n3A_82 : vector<16xf32>, vector<16xi32>
      }
      %scan3A_69 = arith.constant 160 : i32
      tpu.vector_store_idx %arg4[%add3A_16, %scan3A_68#1], %broadcast_in_dim3A_1 : memref<16x160xf32, #tpu.memory_space<vmem>>[vector<16xi32>, vector<16xi32>], vector<16xf32>,
      %mul3A_70 = arith.constant 16 : i32
      %mul3A_71 = arith.muli %scan3A_12, %mul3A_70 : i32
      %swap3A_72 = arith.constant 4 : i32
      %swap3A_73 = arith.index_cast %swap3A_72 : i32 to index
      %swap3A_74 = arith.index_cast %mul3A_71 : i32 to index
      %swap3A_75 = tpu.vector_load %arg5[%swap3A_73, %swap3A_74] {strides = array<i32>} : memref<5x16xi32, #tpu.memory_space<vmem>>, vector<16xi32>,
      tpu.vector_store %arg5[%swap3A_73, %swap3A_74], %scan3A_68#1 {strides = array<i32>} : memref<5x16xi32, #tpu.memory_space<vmem>>, vector<16xi32>,
      %scan3A_76 = arith.constant 1 : i32
      "tpu.region"() ({
        %run_scoped3A = tpu.sem_alloc : memref<!tpu.dma_semaphore, #tpu.memory_space<semaphore_mem>>
        %dma_start3A = arith.constant 0 : i32
        %dma_start3A_77 = arith.constant 0 : i32
        %dma_start3A_78 = tpu.memref_slice %arg5[%dma_start3A, %dma_start3A_77] : memref<5x16xi32, #tpu.memory_space<vmem>> -> memref<1x16xi32, #tpu.memory_space<vmem>>
        %dma_start3A_79 = arith.constant 0 : i32
        %dma_start3A_80 = tpu.memref_slice %arg3[%dma_start3A_79, %mul3A_11] : memref<8x304xi32, #tpu.memory_space<hbm>> -> memref<1x16xi32, #tpu.memory_space<hbm>>
        %dma_start3A_81 = arith.constant 0 : i32
        %dma_start3A_82 = tpu.memref_slice %arg3[%dma_start3A_81, %mul3A_11] : memref<8x304xi32, #tpu.memory_space<hbm>> -> memref<1x16xi32, #tpu.memory_space<hbm>>
        %dma_start3A_83 = arith.constant 0 : i32
        %dma_start3A_84 = arith.constant 0 : i32
        %dma_start3A_85 = tpu.memref_slice %arg5[%dma_start3A_83, %dma_start3A_84] : memref<5x16xi32, #tpu.memory_space<vmem>> -> memref<1x16xi32, #tpu.memory_space<vmem>>
        tpu.enqueue_dma source(%dma_start3A_85 : memref<1x16xi32, #tpu.memory_space<vmem>>) target(%dma_start3A_82 : memref<1x16xi32, #tpu.memory_space<hbm>>) target_semaphore(%run_scoped3A : memref<!tpu.dma_semaphore, #tpu.memory_space<semaphore_mem>>)
        %dma_wait3A = arith.constant 0 : i32
        %dma_wait3A_86 = arith.constant 0 : i32
        %dma_wait3A_87 = tpu.memref_slice %arg5[%dma_wait3A, %dma_wait3A_86] : memref<5x16xi32, #tpu.memory_space<vmem>> -> memref<1x16xi32, #tpu.memory_space<vmem>>
        %dma_wait3A_88 = arith.constant 0 : i32
        %dma_wait3A_89 = tpu.memref_slice %arg3[%dma_wait3A_88, %mul3A_11] : memref<8x304xi32, #tpu.memory_space<hbm>> -> memref<1x16xi32, #tpu.memory_space<hbm>>
        %dma_wait3A_90 = arith.constant 0 : i32
        %dma_wait3A_91 = tpu.memref_slice %arg3[%dma_wait3A_90, %mul3A_11] : memref<8x304xi32, #tpu.memory_space<hbm>> -> memref<1x16xi32, #tpu.memory_space<hbm>>
        %dma_wait3A_92 = arith.constant 0 : i32
        %dma_wait3A_93 = arith.constant 0 : i32
        %dma_wait3A_94 = tpu.memref_slice %arg5[%dma_wait3A_92, %dma_wait3A_93] : memref<5x16xi32, #tpu.memory_space<vmem>> -> memref<1x16xi32, #tpu.memory_space<vmem>>
        tpu.wait_dma2 semaphore(%run_scoped3A : memref<!tpu.dma_semaphore, #tpu.memory_space<semaphore_mem>>) src(%dma_wait3A_94 : memref<1x16xi32, #tpu.memory_space<vmem>>) dst(%dma_wait3A_91 : memref<1x16xi32, #tpu.memory_space<hbm>>)
        tpu.yield
      }) : () -> ()
      "tpu.region"() ({
        %run_scoped3A = tpu.sem_alloc : memref<!tpu.dma_semaphore, #tpu.memory_space<semaphore_mem>>
        %dma_start3A = arith.constant 1 : i32
        %dma_start3A_77 = arith.constant 0 : i32
        %dma_start3A_78 = tpu.memref_slice %arg5[%dma_start3A, %dma_start3A_77] : memref<5x16xi32, #tpu.memory_space<vmem>> -> memref<1x16xi32, #tpu.memory_space<vmem>>
        %dma_start3A_79 = arith.constant 1 : i32
        %dma_start3A_80 = tpu.memref_slice %arg3[%dma_start3A_79, %mul3A_11] : memref<8x304xi32, #tpu.memory_space<hbm>> -> memref<1x16xi32, #tpu.memory_space<hbm>>
        %dma_start3A_81 = arith.constant 1 : i32
        %dma_start3A_82 = tpu.memref_slice %arg3[%dma_start3A_81, %mul3A_11] : memref<8x304xi32, #tpu.memory_space<hbm>> -> memref<1x16xi32, #tpu.memory_space<hbm>>
        %dma_start3A_83 = arith.constant 1 : i32
        %dma_start3A_84 = arith.constant 0 : i32
        %dma_start3A_85 = tpu.memref_slice %arg5[%dma_start3A_83, %dma_start3A_84] : memref<5x16xi32, #tpu.memory_space<vmem>> -> memref<1x16xi32, #tpu.memory_space<vmem>>
        tpu.enqueue_dma source(%dma_start3A_85 : memref<1x16xi32, #tpu.memory_space<vmem>>) target(%dma_start3A_82 : memref<1x16xi32, #tpu.memory_space<hbm>>) target_semaphore(%run_scoped3A : memref<!tpu.dma_semaphore, #tpu.memory_space<semaphore_mem>>)
        %dma_wait3A = arith.constant 1 : i32
        %dma_wait3A_86 = arith.constant 0 : i32
        %dma_wait3A_87 = tpu.memref_slice %arg5[%dma_wait3A, %dma_wait3A_86] : memref<5x16xi32, #tpu.memory_space<vmem>> -> memref<1x16xi32, #tpu.memory_space<vmem>>
        %dma_wait3A_88 = arith.constant 1 : i32
        %dma_wait3A_89 = tpu.memref_slice %arg3[%dma_wait3A_88, %mul3A_11] : memref<8x304xi32, #tpu.memory_space<hbm>> -> memref<1x16xi32, #tpu.memory_space<hbm>>
        %dma_wait3A_90 = arith.constant 1 : i32
        %dma_wait3A_91 = tpu.memref_slice %arg3[%dma_wait3A_90, %mul3A_11] : memref<8x304xi32, #tpu.memory_space<hbm>> -> memref<1x16xi32, #tpu.memory_space<hbm>>
        %dma_wait3A_92 = arith.constant 1 : i32
        %dma_wait3A_93 = arith.constant 0 : i32
        %dma_wait3A_94 = tpu.memref_slice %arg5[%dma_wait3A_92, %dma_wait3A_93] : memref<5x16xi32, #tpu.memory_space<vmem>> -> memref<1x16xi32, #tpu.memory_space<vmem>>
        tpu.wait_dma2 semaphore(%run_scoped3A : memref<!tpu.dma_semaphore, #tpu.memory_space<semaphore_mem>>) src(%dma_wait3A_94 : memref<1x16xi32, #tpu.memory_space<vmem>>) dst(%dma_wait3A_91 : memref<1x16xi32, #tpu.memory_space<hbm>>)
        tpu.yield
      }) : () -> ()
      "tpu.region"() ({
        %run_scoped3A = tpu.sem_alloc : memref<!tpu.dma_semaphore, #tpu.memory_space<semaphore_mem>>
        %dma_start3A = arith.constant 2 : i32
        %dma_start3A_77 = arith.constant 0 : i32
        %dma_start3A_78 = tpu.memref_slice %arg5[%dma_start3A, %dma_start3A_77] : memref<5x16xi32, #tpu.memory_space<vmem>> -> memref<1x16xi32, #tpu.memory_space<vmem>>
        %dma_start3A_79 = arith.constant 2 : i32
        %dma_start3A_80 = tpu.memref_slice %arg3[%dma_start3A_79, %mul3A_11] : memref<8x304xi32, #tpu.memory_space<hbm>> -> memref<1x16xi32, #tpu.memory_space<hbm>>
        %dma_start3A_81 = arith.constant 2 : i32
        %dma_start3A_82 = tpu.memref_slice %arg3[%dma_start3A_81, %mul3A_11] : memref<8x304xi32, #tpu.memory_space<hbm>> -> memref<1x16xi32, #tpu.memory_space<hbm>>
        %dma_start3A_83 = arith.constant 2 : i32
        %dma_start3A_84 = arith.constant 0 : i32
        %dma_start3A_85 = tpu.memref_slice %arg5[%dma_start3A_83, %dma_start3A_84] : memref<5x16xi32, #tpu.memory_space<vmem>> -> memref<1x16xi32, #tpu.memory_space<vmem>>
        tpu.enqueue_dma source(%dma_start3A_85 : memref<1x16xi32, #tpu.memory_space<vmem>>) target(%dma_start3A_82 : memref<1x16xi32, #tpu.memory_space<hbm>>) target_semaphore(%run_scoped3A : memref<!tpu.dma_semaphore, #tpu.memory_space<semaphore_mem>>)
        %dma_wait3A = arith.constant 2 : i32
        %dma_wait3A_86 = arith.constant 0 : i32
        %dma_wait3A_87 = tpu.memref_slice %arg5[%dma_wait3A, %dma_wait3A_86] : memref<5x16xi32, #tpu.memory_space<vmem>> -> memref<1x16xi32, #tpu.memory_space<vmem>>
        %dma_wait3A_88 = arith.constant 2 : i32
        %dma_wait3A_89 = tpu.memref_slice %arg3[%dma_wait3A_88, %mul3A_11] : memref<8x304xi32, #tpu.memory_space<hbm>> -> memref<1x16xi32, #tpu.memory_space<hbm>>
        %dma_wait3A_90 = arith.constant 2 : i32
        %dma_wait3A_91 = tpu.memref_slice %arg3[%dma_wait3A_90, %mul3A_11] : memref<8x304xi32, #tpu.memory_space<hbm>> -> memref<1x16xi32, #tpu.memory_space<hbm>>
        %dma_wait3A_92 = arith.constant 2 : i32
        %dma_wait3A_93 = arith.constant 0 : i32
        %dma_wait3A_94 = tpu.memref_slice %arg5[%dma_wait3A_92, %dma_wait3A_93] : memref<5x16xi32, #tpu.memory_space<vmem>> -> memref<1x16xi32, #tpu.memory_space<vmem>>
        tpu.wait_dma2 semaphore(%run_scoped3A : memref<!tpu.dma_semaphore, #tpu.memory_space<semaphore_mem>>) src(%dma_wait3A_94 : memref<1x16xi32, #tpu.memory_space<vmem>>) dst(%dma_wait3A_91 : memref<1x16xi32, #tpu.memory_space<hbm>>)
        tpu.yield
      }) : () -> ()
      "tpu.region"() ({
        %run_scoped3A = tpu.sem_alloc : memref<!tpu.dma_semaphore, #tpu.memory_space<semaphore_mem>>
        %dma_start3A = arith.constant 3 : i32
        %dma_start3A_77 = arith.constant 0 : i32
        %dma_start3A_78 = tpu.memref_slice %arg5[%dma_start3A, %dma_start3A_77] : memref<5x16xi32, #tpu.memory_space<vmem>> -> memref<1x16xi32, #tpu.memory_space<vmem>>
        %dma_start3A_79 = arith.constant 3 : i32
        %dma_start3A_80 = tpu.memref_slice %arg3[%dma_start3A_79, %mul3A_11] : memref<8x304xi32, #tpu.memory_space<hbm>> -> memref<1x16xi32, #tpu.memory_space<hbm>>
        %dma_start3A_81 = arith.constant 3 : i32
        %dma_start3A_82 = tpu.memref_slice %arg3[%dma_start3A_81, %mul3A_11] : memref<8x304xi32, #tpu.memory_space<hbm>> -> memref<1x16xi32, #tpu.memory_space<hbm>>
        %dma_start3A_83 = arith.constant 3 : i32
        %dma_start3A_84 = arith.constant 0 : i32
        %dma_start3A_85 = tpu.memref_slice %arg5[%dma_start3A_83, %dma_start3A_84] : memref<5x16xi32, #tpu.memory_space<vmem>> -> memref<1x16xi32, #tpu.memory_space<vmem>>
        tpu.enqueue_dma source(%dma_start3A_85 : memref<1x16xi32, #tpu.memory_space<vmem>>) target(%dma_start3A_82 : memref<1x16xi32, #tpu.memory_space<hbm>>) target_semaphore(%run_scoped3A : memref<!tpu.dma_semaphore, #tpu.memory_space<semaphore_mem>>)
        %dma_wait3A = arith.constant 3 : i32
        %dma_wait3A_86 = arith.constant 0 : i32
        %dma_wait3A_87 = tpu.memref_slice %arg5[%dma_wait3A, %dma_wait3A_86] : memref<5x16xi32, #tpu.memory_space<vmem>> -> memref<1x16xi32, #tpu.memory_space<vmem>>
        %dma_wait3A_88 = arith.constant 3 : i32
        %dma_wait3A_89 = tpu.memref_slice %arg3[%dma_wait3A_88, %mul3A_11] : memref<8x304xi32, #tpu.memory_space<hbm>> -> memref<1x16xi32, #tpu.memory_space<hbm>>
        %dma_wait3A_90 = arith.constant 3 : i32
        %dma_wait3A_91 = tpu.memref_slice %arg3[%dma_wait3A_90, %mul3A_11] : memref<8x304xi32, #tpu.memory_space<hbm>> -> memref<1x16xi32, #tpu.memory_space<hbm>>
        %dma_wait3A_92 = arith.constant 3 : i32
        %dma_wait3A_93 = arith.constant 0 : i32
        %dma_wait3A_94 = tpu.memref_slice %arg5[%dma_wait3A_92, %dma_wait3A_93] : memref<5x16xi32, #tpu.memory_space<vmem>> -> memref<1x16xi32, #tpu.memory_space<vmem>>
        tpu.wait_dma2 semaphore(%run_scoped3A : memref<!tpu.dma_semaphore, #tpu.memory_space<semaphore_mem>>) src(%dma_wait3A_94 : memref<1x16xi32, #tpu.memory_space<vmem>>) dst(%dma_wait3A_91 : memref<1x16xi32, #tpu.memory_space<hbm>>)
        tpu.yield
      }) : () -> ()
      "tpu.region"() ({
        %run_scoped3A = tpu.sem_alloc : memref<!tpu.dma_semaphore, #tpu.memory_space<semaphore_mem>>
        %dma_start3A = arith.constant 4 : i32
        %dma_start3A_77 = arith.constant 0 : i32
        %dma_start3A_78 = tpu.memref_slice %arg5[%dma_start3A, %dma_start3A_77] : memref<5x16xi32, #tpu.memory_space<vmem>> -> memref<1x16xi32, #tpu.memory_space<vmem>>
        %dma_start3A_79 = arith.constant 4 : i32
        %dma_start3A_80 = tpu.memref_slice %arg3[%dma_start3A_79, %mul3A_11] : memref<8x304xi32, #tpu.memory_space<hbm>> -> memref<1x16xi32, #tpu.memory_space<hbm>>
        %dma_start3A_81 = arith.constant 4 : i32
        %dma_start3A_82 = tpu.memref_slice %arg3[%dma_start3A_81, %mul3A_11] : memref<8x304xi32, #tpu.memory_space<hbm>> -> memref<1x16xi32, #tpu.memory_space<hbm>>
        %dma_start3A_83 = arith.constant 4 : i32
        %dma_start3A_84 = arith.constant 0 : i32
        %dma_start3A_85 = tpu.memref_slice %arg5[%dma_start3A_83, %dma_start3A_84] : memref<5x16xi32, #tpu.memory_space<vmem>> -> memref<1x16xi32, #tpu.memory_space<vmem>>
        tpu.enqueue_dma source(%dma_start3A_85 : memref<1x16xi32, #tpu.memory_space<vmem>>) target(%dma_start3A_82 : memref<1x16xi32, #tpu.memory_space<hbm>>) target_semaphore(%run_scoped3A : memref<!tpu.dma_semaphore, #tpu.memory_space<semaphore_mem>>)
        %dma_wait3A = arith.constant 4 : i32
        %dma_wait3A_86 = arith.constant 0 : i32
        %dma_wait3A_87 = tpu.memref_slice %arg5[%dma_wait3A, %dma_wait3A_86] : memref<5x16xi32, #tpu.memory_space<vmem>> -> memref<1x16xi32, #tpu.memory_space<vmem>>
        %dma_wait3A_88 = arith.constant 4 : i32
        %dma_wait3A_89 = tpu.memref_slice %arg3[%dma_wait3A_88, %mul3A_11] : memref<8x304xi32, #tpu.memory_space<hbm>> -> memref<1x16xi32, #tpu.memory_space<hbm>>
        %dma_wait3A_90 = arith.constant 4 : i32
        %dma_wait3A_91 = tpu.memref_slice %arg3[%dma_wait3A_90, %mul3A_11] : memref<8x304xi32, #tpu.memory_space<hbm>> -> memref<1x16xi32, #tpu.memory_space<hbm>>
        %dma_wait3A_92 = arith.constant 4 : i32
        %dma_wait3A_93 = arith.constant 0 : i32
        %dma_wait3A_94 = tpu.memref_slice %arg5[%dma_wait3A_92, %dma_wait3A_93] : memref<5x16xi32, #tpu.memory_space<vmem>> -> memref<1x16xi32, #tpu.memory_space<vmem>>
        tpu.wait_dma2 semaphore(%run_scoped3A : memref<!tpu.dma_semaphore, #tpu.memory_space<semaphore_mem>>) src(%dma_wait3A_94 : memref<1x16xi32, #tpu.memory_space<vmem>>) dst(%dma_wait3A_91 : memref<1x16xi32, #tpu.memory_space<hbm>>)
        tpu.yield
      }) : () -> ()
    } else {
    }
    %eq3A = arith.constant 18 : i32
    %eq3A_6 = arith.cmpi eq, %add3A, %eq3A : i32
    %convert_element_type3A_7 = arith.extui %eq3A_6 : i1 to i32
    %cond3A_8 = arith.constant 0 : i32
    %cond3A_9 = arith.cmpi ne, %convert_element_type3A_7, %cond3A_8 : i32
    scf.if %cond3A_9 {
      "tpu.region"() ({
        %run_scoped3A = tpu.sem_alloc : memref<!tpu.dma_semaphore, #tpu.memory_space<semaphore_mem>>
        %dma_start3A = arith.constant 0 : i32
        %dma_start3A_75 = arith.constant 0 : i32
        %dma_start3A_76 = tpu.memref_slice %arg4[%dma_start3A, %dma_start3A_75] : memref<16x160xf32, #tpu.memory_space<vmem>> -> memref<12x160xf32, #tpu.memory_space<vmem>>
        %dma_start3A_77 = arith.constant 288 : i32
        %dma_start3A_78 = arith.constant 0 : i32
        %dma_start3A_79 = tpu.memref_slice %arg2[%dma_start3A_77, %dma_start3A_78] : memref<300x160xf32, #tpu.memory_space<hbm>> -> memref<12x160xf32, #tpu.memory_space<hbm>>
        %dma_start3A_80 = arith.constant 0 : i32
        %dma_start3A_81 = arith.constant 0 : i32
        %dma_start3A_82 = tpu.memref_slice %arg4[%dma_start3A_80, %dma_start3A_81] : memref<16x160xf32, #tpu.memory_space<vmem>> -> memref<12x160xf32, #tpu.memory_space<vmem>>
        %dma_start3A_83 = arith.constant 288 : i32
        %dma_start3A_84 = arith.constant 0 : i32
        %dma_start3A_85 = tpu.memref_slice %arg2[%dma_start3A_83, %dma_start3A_84] : memref<300x160xf32, #tpu.memory_space<hbm>> -> memref<12x160xf32, #tpu.memory_space<hbm>>
        tpu.enqueue_dma source(%dma_start3A_85 : memref<12x160xf32, #tpu.memory_space<hbm>>) target(%dma_start3A_82 : memref<12x160xf32, #tpu.memory_space<vmem>>) target_semaphore(%run_scoped3A : memref<!tpu.dma_semaphore, #tpu.memory_space<semaphore_mem>>)
        %dma_wait3A = arith.constant 0 : i32
        %dma_wait3A_86 = arith.constant 0 : i32
        %dma_wait3A_87 = tpu.memref_slice %arg4[%dma_wait3A, %dma_wait3A_86] : memref<16x160xf32, #tpu.memory_space<vmem>> -> memref<12x160xf32, #tpu.memory_space<vmem>>
        %dma_wait3A_88 = arith.constant 288 : i32
        %dma_wait3A_89 = arith.constant 0 : i32
        %dma_wait3A_90 = tpu.memref_slice %arg2[%dma_wait3A_88, %dma_wait3A_89] : memref<300x160xf32, #tpu.memory_space<hbm>> -> memref<12x160xf32, #tpu.memory_space<hbm>>
        %dma_wait3A_91 = arith.constant 0 : i32
        %dma_wait3A_92 = arith.constant 0 : i32
        %dma_wait3A_93 = tpu.memref_slice %arg4[%dma_wait3A_91, %dma_wait3A_92] : memref<16x160xf32, #tpu.memory_space<vmem>> -> memref<12x160xf32, #tpu.memory_space<vmem>>
        %dma_wait3A_94 = arith.constant 288 : i32
        %dma_wait3A_95 = arith.constant 0 : i32
        %dma_wait3A_96 = tpu.memref_slice %arg2[%dma_wait3A_94, %dma_wait3A_95] : memref<300x160xf32, #tpu.memory_space<hbm>> -> memref<12x160xf32, #tpu.memory_space<hbm>>
        tpu.wait_dma2 semaphore(%run_scoped3A : memref<!tpu.dma_semaphore, #tpu.memory_space<semaphore_mem>>) src(%dma_wait3A_96 : memref<12x160xf32, #tpu.memory_space<hbm>>) dst(%dma_wait3A_93 : memref<12x160xf32, #tpu.memory_space<vmem>>)
        tpu.yield
      }) : () -> ()
      %scan3A = arith.constant 0 : i32
      %scan3A_10 = arith.constant 0 : i32
      %mul3A_11 = arith.constant 16 : i32
      %mul3A_12 = arith.muli %scan3A_10, %mul3A_11 : i32
      %add3A_13 = vector.broadcast %mul3A_12 : i32 to vector<16xi32>
      %add3A_14 = arith.addi %add3A_13, %iota3A : vector<16xi32>
      %scan3A_15 = arith.constant 0 : i32
      %scan3A_16 = arith.constant 160 : i32
      %scan3A_17 = arith.addi %scan3A_15, %scan3A_16 : i32
      %scan3A_18 = arith.constant 1 : i32
      %scan3A_19:2 = scf.for %scan3A_75 = %scan3A_15 to %scan3A_17 step %scan3A_18 iter_args(%scan3A_76 = %broadcast_in_dim3A_1, %scan3A_77 = %broadcast_in_dim3A_3) -> (vector<16xf32>, vector<16xi32>)  : i32 {
        %broadcast_in_dim3A_78 = vector.broadcast %scan3A_75 : i32 to vector<16xi32>
        %gather3A = tpu.vector_load_idx %arg4[%add3A_14, %broadcast_in_dim3A_78] : memref<16x160xf32, #tpu.memory_space<vmem>>[vector<16xi32>, vector<16xi32>], vector<16xf32>,
        %gt3A = arith.cmpf ogt, %gather3A, %scan3A_76 : vector<16xf32>
        %select_n3A = arith.select %gt3A, %gather3A, %scan3A_76 : vector<16xi1>, vector<16xf32>
        %broadcast_in_dim3A_79 = vector.broadcast %scan3A_75 : i32 to vector<16xi32>
        %select_n3A_80 = arith.select %gt3A, %broadcast_in_dim3A_79, %scan3A_77 : vector<16xi1>, vector<16xi32>
        scf.yield %select_n3A, %select_n3A_80 : vector<16xf32>, vector<16xi32>
      }
      %scan3A_20 = arith.constant 160 : i32
      tpu.vector_store_idx %arg4[%add3A_14, %scan3A_19#1], %broadcast_in_dim3A_1 : memref<16x160xf32, #tpu.memory_space<vmem>>[vector<16xi32>, vector<16xi32>], vector<16xf32>,
      %mul3A_21 = arith.constant 16 : i32
      %mul3A_22 = arith.muli %scan3A_10, %mul3A_21 : i32
      %swap3A = arith.constant 0 : i32
      %swap3A_23 = arith.index_cast %swap3A : i32 to index
      %swap3A_24 = arith.index_cast %mul3A_22 : i32 to index
      %swap3A_25 = tpu.vector_load %arg5[%swap3A_23, %swap3A_24] {strides = array<i32>} : memref<5x16xi32, #tpu.memory_space<vmem>>, vector<16xi32>,
      tpu.vector_store %arg5[%swap3A_23, %swap3A_24], %scan3A_19#1 {strides = array<i32>} : memref<5x16xi32, #tpu.memory_space<vmem>>, vector<16xi32>,
      %scan3A_26 = arith.constant 0 : i32
      %scan3A_27 = arith.constant 160 : i32
      %scan3A_28 = arith.addi %scan3A_26, %scan3A_27 : i32
      %scan3A_29 = arith.constant 1 : i32
      %scan3A_30:2 = scf.for %scan3A_75 = %scan3A_26 to %scan3A_28 step %scan3A_29 iter_args(%scan3A_76 = %broadcast_in_dim3A_1, %scan3A_77 = %broadcast_in_dim3A_3) -> (vector<16xf32>, vector<16xi32>)  : i32 {
        %broadcast_in_dim3A_78 = vector.broadcast %scan3A_75 : i32 to vector<16xi32>
        %gather3A = tpu.vector_load_idx %arg4[%add3A_14, %broadcast_in_dim3A_78] : memref<16x160xf32, #tpu.memory_space<vmem>>[vector<16xi32>, vector<16xi32>], vector<16xf32>,
        %gt3A = arith.cmpf ogt, %gather3A, %scan3A_76 : vector<16xf32>
        %select_n3A = arith.select %gt3A, %gather3A, %scan3A_76 : vector<16xi1>, vector<16xf32>
        %broadcast_in_dim3A_79 = vector.broadcast %scan3A_75 : i32 to vector<16xi32>
        %select_n3A_80 = arith.select %gt3A, %broadcast_in_dim3A_79, %scan3A_77 : vector<16xi1>, vector<16xi32>
        scf.yield %select_n3A, %select_n3A_80 : vector<16xf32>, vector<16xi32>
      }
      %scan3A_31 = arith.constant 160 : i32
      tpu.vector_store_idx %arg4[%add3A_14, %scan3A_30#1], %broadcast_in_dim3A_1 : memref<16x160xf32, #tpu.memory_space<vmem>>[vector<16xi32>, vector<16xi32>], vector<16xf32>,
      %mul3A_32 = arith.constant 16 : i32
      %mul3A_33 = arith.muli %scan3A_10, %mul3A_32 : i32
      %swap3A_34 = arith.constant 1 : i32
      %swap3A_35 = arith.index_cast %swap3A_34 : i32 to index
      %swap3A_36 = arith.index_cast %mul3A_33 : i32 to index
      %swap3A_37 = tpu.vector_load %arg5[%swap3A_35, %swap3A_36] {strides = array<i32>} : memref<5x16xi32, #tpu.memory_space<vmem>>, vector<16xi32>,
      tpu.vector_store %arg5[%swap3A_35, %swap3A_36], %scan3A_30#1 {strides = array<i32>} : memref<5x16xi32, #tpu.memory_space<vmem>>, vector<16xi32>,
      %scan3A_38 = arith.constant 0 : i32
      %scan3A_39 = arith.constant 160 : i32
      %scan3A_40 = arith.addi %scan3A_38, %scan3A_39 : i32
      %scan3A_41 = arith.constant 1 : i32
      %scan3A_42:2 = scf.for %scan3A_75 = %scan3A_38 to %scan3A_40 step %scan3A_41 iter_args(%scan3A_76 = %broadcast_in_dim3A_1, %scan3A_77 = %broadcast_in_dim3A_3) -> (vector<16xf32>, vector<16xi32>)  : i32 {
        %broadcast_in_dim3A_78 = vector.broadcast %scan3A_75 : i32 to vector<16xi32>
        %gather3A = tpu.vector_load_idx %arg4[%add3A_14, %broadcast_in_dim3A_78] : memref<16x160xf32, #tpu.memory_space<vmem>>[vector<16xi32>, vector<16xi32>], vector<16xf32>,
        %gt3A = arith.cmpf ogt, %gather3A, %scan3A_76 : vector<16xf32>
        %select_n3A = arith.select %gt3A, %gather3A, %scan3A_76 : vector<16xi1>, vector<16xf32>
        %broadcast_in_dim3A_79 = vector.broadcast %scan3A_75 : i32 to vector<16xi32>
        %select_n3A_80 = arith.select %gt3A, %broadcast_in_dim3A_79, %scan3A_77 : vector<16xi1>, vector<16xi32>
        scf.yield %select_n3A, %select_n3A_80 : vector<16xf32>, vector<16xi32>
      }
      %scan3A_43 = arith.constant 160 : i32
      tpu.vector_store_idx %arg4[%add3A_14, %scan3A_42#1], %broadcast_in_dim3A_1 : memref<16x160xf32, #tpu.memory_space<vmem>>[vector<16xi32>, vector<16xi32>], vector<16xf32>,
      %mul3A_44 = arith.constant 16 : i32
      %mul3A_45 = arith.muli %scan3A_10, %mul3A_44 : i32
      %swap3A_46 = arith.constant 2 : i32
      %swap3A_47 = arith.index_cast %swap3A_46 : i32 to index
      %swap3A_48 = arith.index_cast %mul3A_45 : i32 to index
      %swap3A_49 = tpu.vector_load %arg5[%swap3A_47, %swap3A_48] {strides = array<i32>} : memref<5x16xi32, #tpu.memory_space<vmem>>, vector<16xi32>,
      tpu.vector_store %arg5[%swap3A_47, %swap3A_48], %scan3A_42#1 {strides = array<i32>} : memref<5x16xi32, #tpu.memory_space<vmem>>, vector<16xi32>,
      %scan3A_50 = arith.constant 0 : i32
      %scan3A_51 = arith.constant 160 : i32
      %scan3A_52 = arith.addi %scan3A_50, %scan3A_51 : i32
      %scan3A_53 = arith.constant 1 : i32
      %scan3A_54:2 = scf.for %scan3A_75 = %scan3A_50 to %scan3A_52 step %scan3A_53 iter_args(%scan3A_76 = %broadcast_in_dim3A_1, %scan3A_77 = %broadcast_in_dim3A_3) -> (vector<16xf32>, vector<16xi32>)  : i32 {
        %broadcast_in_dim3A_78 = vector.broadcast %scan3A_75 : i32 to vector<16xi32>
        %gather3A = tpu.vector_load_idx %arg4[%add3A_14, %broadcast_in_dim3A_78] : memref<16x160xf32, #tpu.memory_space<vmem>>[vector<16xi32>, vector<16xi32>], vector<16xf32>,
        %gt3A = arith.cmpf ogt, %gather3A, %scan3A_76 : vector<16xf32>
        %select_n3A = arith.select %gt3A, %gather3A, %scan3A_76 : vector<16xi1>, vector<16xf32>
        %broadcast_in_dim3A_79 = vector.broadcast %scan3A_75 : i32 to vector<16xi32>
        %select_n3A_80 = arith.select %gt3A, %broadcast_in_dim3A_79, %scan3A_77 : vector<16xi1>, vector<16xi32>
        scf.yield %select_n3A, %select_n3A_80 : vector<16xf32>, vector<16xi32>
      }
      %scan3A_55 = arith.constant 160 : i32
      tpu.vector_store_idx %arg4[%add3A_14, %scan3A_54#1], %broadcast_in_dim3A_1 : memref<16x160xf32, #tpu.memory_space<vmem>>[vector<16xi32>, vector<16xi32>], vector<16xf32>,
      %mul3A_56 = arith.constant 16 : i32
      %mul3A_57 = arith.muli %scan3A_10, %mul3A_56 : i32
      %swap3A_58 = arith.constant 3 : i32
      %swap3A_59 = arith.index_cast %swap3A_58 : i32 to index
      %swap3A_60 = arith.index_cast %mul3A_57 : i32 to index
      %swap3A_61 = tpu.vector_load %arg5[%swap3A_59, %swap3A_60] {strides = array<i32>} : memref<5x16xi32, #tpu.memory_space<vmem>>, vector<16xi32>,
      tpu.vector_store %arg5[%swap3A_59, %swap3A_60], %scan3A_54#1 {strides = array<i32>} : memref<5x16xi32, #tpu.memory_space<vmem>>, vector<16xi32>,
      %scan3A_62 = arith.constant 0 : i32
      %scan3A_63 = arith.constant 160 : i32
      %scan3A_64 = arith.addi %scan3A_62, %scan3A_63 : i32
      %scan3A_65 = arith.constant 1 : i32
      %scan3A_66:2 = scf.for %scan3A_75 = %scan3A_62 to %scan3A_64 step %scan3A_65 iter_args(%scan3A_76 = %broadcast_in_dim3A_1, %scan3A_77 = %broadcast_in_dim3A_3) -> (vector<16xf32>, vector<16xi32>)  : i32 {
        %broadcast_in_dim3A_78 = vector.broadcast %scan3A_75 : i32 to vector<16xi32>
        %gather3A = tpu.vector_load_idx %arg4[%add3A_14, %broadcast_in_dim3A_78] : memref<16x160xf32, #tpu.memory_space<vmem>>[vector<16xi32>, vector<16xi32>], vector<16xf32>,
        %gt3A = arith.cmpf ogt, %gather3A, %scan3A_76 : vector<16xf32>
        %select_n3A = arith.select %gt3A, %gather3A, %scan3A_76 : vector<16xi1>, vector<16xf32>
        %broadcast_in_dim3A_79 = vector.broadcast %scan3A_75 : i32 to vector<16xi32>
        %select_n3A_80 = arith.select %gt3A, %broadcast_in_dim3A_79, %scan3A_77 : vector<16xi1>, vector<16xi32>
        scf.yield %select_n3A, %select_n3A_80 : vector<16xf32>, vector<16xi32>
      }
      %scan3A_67 = arith.constant 160 : i32
      tpu.vector_store_idx %arg4[%add3A_14, %scan3A_66#1], %broadcast_in_dim3A_1 : memref<16x160xf32, #tpu.memory_space<vmem>>[vector<16xi32>, vector<16xi32>], vector<16xf32>,
      %mul3A_68 = arith.constant 16 : i32
      %mul3A_69 = arith.muli %scan3A_10, %mul3A_68 : i32
      %swap3A_70 = arith.constant 4 : i32
      %swap3A_71 = arith.index_cast %swap3A_70 : i32 to index
      %swap3A_72 = arith.index_cast %mul3A_69 : i32 to index
      %swap3A_73 = tpu.vector_load %arg5[%swap3A_71, %swap3A_72] {strides = array<i32>} : memref<5x16xi32, #tpu.memory_space<vmem>>, vector<16xi32>,
      tpu.vector_store %arg5[%swap3A_71, %swap3A_72], %scan3A_66#1 {strides = array<i32>} : memref<5x16xi32, #tpu.memory_space<vmem>>, vector<16xi32>,
      %scan3A_74 = arith.constant 1 : i32
      "tpu.region"() ({
        %run_scoped3A = tpu.sem_alloc : memref<!tpu.dma_semaphore, #tpu.memory_space<semaphore_mem>>
        %dma_start3A = arith.constant 0 : i32
        %dma_start3A_75 = arith.constant 0 : i32
        %dma_start3A_76 = tpu.memref_slice %arg5[%dma_start3A, %dma_start3A_75] : memref<5x16xi32, #tpu.memory_space<vmem>> -> memref<1x16xi32, #tpu.memory_space<vmem>>
        %dma_start3A_77 = arith.constant 0 : i32
        %dma_start3A_78 = arith.constant 288 : i32
        %dma_start3A_79 = tpu.memref_slice %arg3[%dma_start3A_77, %dma_start3A_78] : memref<8x304xi32, #tpu.memory_space<hbm>> -> memref<1x16xi32, #tpu.memory_space<hbm>>
        %dma_start3A_80 = arith.constant 0 : i32
        %dma_start3A_81 = arith.constant 288 : i32
        %dma_start3A_82 = tpu.memref_slice %arg3[%dma_start3A_80, %dma_start3A_81] : memref<8x304xi32, #tpu.memory_space<hbm>> -> memref<1x16xi32, #tpu.memory_space<hbm>>
        %dma_start3A_83 = arith.constant 0 : i32
        %dma_start3A_84 = arith.constant 0 : i32
        %dma_start3A_85 = tpu.memref_slice %arg5[%dma_start3A_83, %dma_start3A_84] : memref<5x16xi32, #tpu.memory_space<vmem>> -> memref<1x16xi32, #tpu.memory_space<vmem>>
        tpu.enqueue_dma source(%dma_start3A_85 : memref<1x16xi32, #tpu.memory_space<vmem>>) target(%dma_start3A_82 : memref<1x16xi32, #tpu.memory_space<hbm>>) target_semaphore(%run_scoped3A : memref<!tpu.dma_semaphore, #tpu.memory_space<semaphore_mem>>)
        %dma_wait3A = arith.constant 0 : i32
        %dma_wait3A_86 = arith.constant 0 : i32
        %dma_wait3A_87 = tpu.memref_slice %arg5[%dma_wait3A, %dma_wait3A_86] : memref<5x16xi32, #tpu.memory_space<vmem>> -> memref<1x16xi32, #tpu.memory_space<vmem>>
        %dma_wait3A_88 = arith.constant 0 : i32
        %dma_wait3A_89 = arith.constant 288 : i32
        %dma_wait3A_90 = tpu.memref_slice %arg3[%dma_wait3A_88, %dma_wait3A_89] : memref<8x304xi32, #tpu.memory_space<hbm>> -> memref<1x16xi32, #tpu.memory_space<hbm>>
        %dma_wait3A_91 = arith.constant 0 : i32
        %dma_wait3A_92 = arith.constant 288 : i32
        %dma_wait3A_93 = tpu.memref_slice %arg3[%dma_wait3A_91, %dma_wait3A_92] : memref<8x304xi32, #tpu.memory_space<hbm>> -> memref<1x16xi32, #tpu.memory_space<hbm>>
        %dma_wait3A_94 = arith.constant 0 : i32
        %dma_wait3A_95 = arith.constant 0 : i32
        %dma_wait3A_96 = tpu.memref_slice %arg5[%dma_wait3A_94, %dma_wait3A_95] : memref<5x16xi32, #tpu.memory_space<vmem>> -> memref<1x16xi32, #tpu.memory_space<vmem>>
        tpu.wait_dma2 semaphore(%run_scoped3A : memref<!tpu.dma_semaphore, #tpu.memory_space<semaphore_mem>>) src(%dma_wait3A_96 : memref<1x16xi32, #tpu.memory_space<vmem>>) dst(%dma_wait3A_93 : memref<1x16xi32, #tpu.memory_space<hbm>>)
        tpu.yield
      }) : () -> ()
      "tpu.region"() ({
        %run_scoped3A = tpu.sem_alloc : memref<!tpu.dma_semaphore, #tpu.memory_space<semaphore_mem>>
        %dma_start3A = arith.constant 1 : i32
        %dma_start3A_75 = arith.constant 0 : i32
        %dma_start3A_76 = tpu.memref_slice %arg5[%dma_start3A, %dma_start3A_75] : memref<5x16xi32, #tpu.memory_space<vmem>> -> memref<1x16xi32, #tpu.memory_space<vmem>>
        %dma_start3A_77 = arith.constant 1 : i32
        %dma_start3A_78 = arith.constant 288 : i32
        %dma_start3A_79 = tpu.memref_slice %arg3[%dma_start3A_77, %dma_start3A_78] : memref<8x304xi32, #tpu.memory_space<hbm>> -> memref<1x16xi32, #tpu.memory_space<hbm>>
        %dma_start3A_80 = arith.constant 1 : i32
        %dma_start3A_81 = arith.constant 288 : i32
        %dma_start3A_82 = tpu.memref_slice %arg3[%dma_start3A_80, %dma_start3A_81] : memref<8x304xi32, #tpu.memory_space<hbm>> -> memref<1x16xi32, #tpu.memory_space<hbm>>
        %dma_start3A_83 = arith.constant 1 : i32
        %dma_start3A_84 = arith.constant 0 : i32
        %dma_start3A_85 = tpu.memref_slice %arg5[%dma_start3A_83, %dma_start3A_84] : memref<5x16xi32, #tpu.memory_space<vmem>> -> memref<1x16xi32, #tpu.memory_space<vmem>>
        tpu.enqueue_dma source(%dma_start3A_85 : memref<1x16xi32, #tpu.memory_space<vmem>>) target(%dma_start3A_82 : memref<1x16xi32, #tpu.memory_space<hbm>>) target_semaphore(%run_scoped3A : memref<!tpu.dma_semaphore, #tpu.memory_space<semaphore_mem>>)
        %dma_wait3A = arith.constant 1 : i32
        %dma_wait3A_86 = arith.constant 0 : i32
        %dma_wait3A_87 = tpu.memref_slice %arg5[%dma_wait3A, %dma_wait3A_86] : memref<5x16xi32, #tpu.memory_space<vmem>> -> memref<1x16xi32, #tpu.memory_space<vmem>>
        %dma_wait3A_88 = arith.constant 1 : i32
        %dma_wait3A_89 = arith.constant 288 : i32
        %dma_wait3A_90 = tpu.memref_slice %arg3[%dma_wait3A_88, %dma_wait3A_89] : memref<8x304xi32, #tpu.memory_space<hbm>> -> memref<1x16xi32, #tpu.memory_space<hbm>>
        %dma_wait3A_91 = arith.constant 1 : i32
        %dma_wait3A_92 = arith.constant 288 : i32
        %dma_wait3A_93 = tpu.memref_slice %arg3[%dma_wait3A_91, %dma_wait3A_92] : memref<8x304xi32, #tpu.memory_space<hbm>> -> memref<1x16xi32, #tpu.memory_space<hbm>>
        %dma_wait3A_94 = arith.constant 1 : i32
        %dma_wait3A_95 = arith.constant 0 : i32
        %dma_wait3A_96 = tpu.memref_slice %arg5[%dma_wait3A_94, %dma_wait3A_95] : memref<5x16xi32, #tpu.memory_space<vmem>> -> memref<1x16xi32, #tpu.memory_space<vmem>>
        tpu.wait_dma2 semaphore(%run_scoped3A : memref<!tpu.dma_semaphore, #tpu.memory_space<semaphore_mem>>) src(%dma_wait3A_96 : memref<1x16xi32, #tpu.memory_space<vmem>>) dst(%dma_wait3A_93 : memref<1x16xi32, #tpu.memory_space<hbm>>)
        tpu.yield
      }) : () -> ()
      "tpu.region"() ({
        %run_scoped3A = tpu.sem_alloc : memref<!tpu.dma_semaphore, #tpu.memory_space<semaphore_mem>>
        %dma_start3A = arith.constant 2 : i32
        %dma_start3A_75 = arith.constant 0 : i32
        %dma_start3A_76 = tpu.memref_slice %arg5[%dma_start3A, %dma_start3A_75] : memref<5x16xi32, #tpu.memory_space<vmem>> -> memref<1x16xi32, #tpu.memory_space<vmem>>
        %dma_start3A_77 = arith.constant 2 : i32
        %dma_start3A_78 = arith.constant 288 : i32
        %dma_start3A_79 = tpu.memref_slice %arg3[%dma_start3A_77, %dma_start3A_78] : memref<8x304xi32, #tpu.memory_space<hbm>> -> memref<1x16xi32, #tpu.memory_space<hbm>>
        %dma_start3A_80 = arith.constant 2 : i32
        %dma_start3A_81 = arith.constant 288 : i32
        %dma_start3A_82 = tpu.memref_slice %arg3[%dma_start3A_80, %dma_start3A_81] : memref<8x304xi32, #tpu.memory_space<hbm>> -> memref<1x16xi32, #tpu.memory_space<hbm>>
        %dma_start3A_83 = arith.constant 2 : i32
        %dma_start3A_84 = arith.constant 0 : i32
        %dma_start3A_85 = tpu.memref_slice %arg5[%dma_start3A_83, %dma_start3A_84] : memref<5x16xi32, #tpu.memory_space<vmem>> -> memref<1x16xi32, #tpu.memory_space<vmem>>
        tpu.enqueue_dma source(%dma_start3A_85 : memref<1x16xi32, #tpu.memory_space<vmem>>) target(%dma_start3A_82 : memref<1x16xi32, #tpu.memory_space<hbm>>) target_semaphore(%run_scoped3A : memref<!tpu.dma_semaphore, #tpu.memory_space<semaphore_mem>>)
        %dma_wait3A = arith.constant 2 : i32
        %dma_wait3A_86 = arith.constant 0 : i32
        %dma_wait3A_87 = tpu.memref_slice %arg5[%dma_wait3A, %dma_wait3A_86] : memref<5x16xi32, #tpu.memory_space<vmem>> -> memref<1x16xi32, #tpu.memory_space<vmem>>
        %dma_wait3A_88 = arith.constant 2 : i32
        %dma_wait3A_89 = arith.constant 288 : i32
        %dma_wait3A_90 = tpu.memref_slice %arg3[%dma_wait3A_88, %dma_wait3A_89] : memref<8x304xi32, #tpu.memory_space<hbm>> -> memref<1x16xi32, #tpu.memory_space<hbm>>
        %dma_wait3A_91 = arith.constant 2 : i32
        %dma_wait3A_92 = arith.constant 288 : i32
        %dma_wait3A_93 = tpu.memref_slice %arg3[%dma_wait3A_91, %dma_wait3A_92] : memref<8x304xi32, #tpu.memory_space<hbm>> -> memref<1x16xi32, #tpu.memory_space<hbm>>
        %dma_wait3A_94 = arith.constant 2 : i32
        %dma_wait3A_95 = arith.constant 0 : i32
        %dma_wait3A_96 = tpu.memref_slice %arg5[%dma_wait3A_94, %dma_wait3A_95] : memref<5x16xi32, #tpu.memory_space<vmem>> -> memref<1x16xi32, #tpu.memory_space<vmem>>
        tpu.wait_dma2 semaphore(%run_scoped3A : memref<!tpu.dma_semaphore, #tpu.memory_space<semaphore_mem>>) src(%dma_wait3A_96 : memref<1x16xi32, #tpu.memory_space<vmem>>) dst(%dma_wait3A_93 : memref<1x16xi32, #tpu.memory_space<hbm>>)
        tpu.yield
      }) : () -> ()
      "tpu.region"() ({
        %run_scoped3A = tpu.sem_alloc : memref<!tpu.dma_semaphore, #tpu.memory_space<semaphore_mem>>
        %dma_start3A = arith.constant 3 : i32
        %dma_start3A_75 = arith.constant 0 : i32
        %dma_start3A_76 = tpu.memref_slice %arg5[%dma_start3A, %dma_start3A_75] : memref<5x16xi32, #tpu.memory_space<vmem>> -> memref<1x16xi32, #tpu.memory_space<vmem>>
        %dma_start3A_77 = arith.constant 3 : i32
        %dma_start3A_78 = arith.constant 288 : i32
        %dma_start3A_79 = tpu.memref_slice %arg3[%dma_start3A_77, %dma_start3A_78] : memref<8x304xi32, #tpu.memory_space<hbm>> -> memref<1x16xi32, #tpu.memory_space<hbm>>
        %dma_start3A_80 = arith.constant 3 : i32
        %dma_start3A_81 = arith.constant 288 : i32
        %dma_start3A_82 = tpu.memref_slice %arg3[%dma_start3A_80, %dma_start3A_81] : memref<8x304xi32, #tpu.memory_space<hbm>> -> memref<1x16xi32, #tpu.memory_space<hbm>>
        %dma_start3A_83 = arith.constant 3 : i32
        %dma_start3A_84 = arith.constant 0 : i32
        %dma_start3A_85 = tpu.memref_slice %arg5[%dma_start3A_83, %dma_start3A_84] : memref<5x16xi32, #tpu.memory_space<vmem>> -> memref<1x16xi32, #tpu.memory_space<vmem>>
        tpu.enqueue_dma source(%dma_start3A_85 : memref<1x16xi32, #tpu.memory_space<vmem>>) target(%dma_start3A_82 : memref<1x16xi32, #tpu.memory_space<hbm>>) target_semaphore(%run_scoped3A : memref<!tpu.dma_semaphore, #tpu.memory_space<semaphore_mem>>)
        %dma_wait3A = arith.constant 3 : i32
        %dma_wait3A_86 = arith.constant 0 : i32
        %dma_wait3A_87 = tpu.memref_slice %arg5[%dma_wait3A, %dma_wait3A_86] : memref<5x16xi32, #tpu.memory_space<vmem>> -> memref<1x16xi32, #tpu.memory_space<vmem>>
        %dma_wait3A_88 = arith.constant 3 : i32
        %dma_wait3A_89 = arith.constant 288 : i32
        %dma_wait3A_90 = tpu.memref_slice %arg3[%dma_wait3A_88, %dma_wait3A_89] : memref<8x304xi32, #tpu.memory_space<hbm>> -> memref<1x16xi32, #tpu.memory_space<hbm>>
        %dma_wait3A_91 = arith.constant 3 : i32
        %dma_wait3A_92 = arith.constant 288 : i32
        %dma_wait3A_93 = tpu.memref_slice %arg3[%dma_wait3A_91, %dma_wait3A_92] : memref<8x304xi32, #tpu.memory_space<hbm>> -> memref<1x16xi32, #tpu.memory_space<hbm>>
        %dma_wait3A_94 = arith.constant 3 : i32
        %dma_wait3A_95 = arith.constant 0 : i32
        %dma_wait3A_96 = tpu.memref_slice %arg5[%dma_wait3A_94, %dma_wait3A_95] : memref<5x16xi32, #tpu.memory_space<vmem>> -> memref<1x16xi32, #tpu.memory_space<vmem>>
        tpu.wait_dma2 semaphore(%run_scoped3A : memref<!tpu.dma_semaphore, #tpu.memory_space<semaphore_mem>>) src(%dma_wait3A_96 : memref<1x16xi32, #tpu.memory_space<vmem>>) dst(%dma_wait3A_93 : memref<1x16xi32, #tpu.memory_space<hbm>>)
        tpu.yield
      }) : () -> ()
      "tpu.region"() ({
        %run_scoped3A = tpu.sem_alloc : memref<!tpu.dma_semaphore, #tpu.memory_space<semaphore_mem>>
        %dma_start3A = arith.constant 4 : i32
        %dma_start3A_75 = arith.constant 0 : i32
        %dma_start3A_76 = tpu.memref_slice %arg5[%dma_start3A, %dma_start3A_75] : memref<5x16xi32, #tpu.memory_space<vmem>> -> memref<1x16xi32, #tpu.memory_space<vmem>>
        %dma_start3A_77 = arith.constant 4 : i32
        %dma_start3A_78 = arith.constant 288 : i32
        %dma_start3A_79 = tpu.memref_slice %arg3[%dma_start3A_77, %dma_start3A_78] : memref<8x304xi32, #tpu.memory_space<hbm>> -> memref<1x16xi32, #tpu.memory_space<hbm>>
        %dma_start3A_80 = arith.constant 4 : i32
        %dma_start3A_81 = arith.constant 288 : i32
        %dma_start3A_82 = tpu.memref_slice %arg3[%dma_start3A_80, %dma_start3A_81] : memref<8x304xi32, #tpu.memory_space<hbm>> -> memref<1x16xi32, #tpu.memory_space<hbm>>
        %dma_start3A_83 = arith.constant 4 : i32
        %dma_start3A_84 = arith.constant 0 : i32
        %dma_start3A_85 = tpu.memref_slice %arg5[%dma_start3A_83, %dma_start3A_84] : memref<5x16xi32, #tpu.memory_space<vmem>> -> memref<1x16xi32, #tpu.memory_space<vmem>>
        tpu.enqueue_dma source(%dma_start3A_85 : memref<1x16xi32, #tpu.memory_space<vmem>>) target(%dma_start3A_82 : memref<1x16xi32, #tpu.memory_space<hbm>>) target_semaphore(%run_scoped3A : memref<!tpu.dma_semaphore, #tpu.memory_space<semaphore_mem>>)
        %dma_wait3A = arith.constant 4 : i32
        %dma_wait3A_86 = arith.constant 0 : i32
        %dma_wait3A_87 = tpu.memref_slice %arg5[%dma_wait3A, %dma_wait3A_86] : memref<5x16xi32, #tpu.memory_space<vmem>> -> memref<1x16xi32, #tpu.memory_space<vmem>>
        %dma_wait3A_88 = arith.constant 4 : i32
        %dma_wait3A_89 = arith.constant 288 : i32
        %dma_wait3A_90 = tpu.memref_slice %arg3[%dma_wait3A_88, %dma_wait3A_89] : memref<8x304xi32, #tpu.memory_space<hbm>> -> memref<1x16xi32, #tpu.memory_space<hbm>>
        %dma_wait3A_91 = arith.constant 4 : i32
        %dma_wait3A_92 = arith.constant 288 : i32
        %dma_wait3A_93 = tpu.memref_slice %arg3[%dma_wait3A_91, %dma_wait3A_92] : memref<8x304xi32, #tpu.memory_space<hbm>> -> memref<1x16xi32, #tpu.memory_space<hbm>>
        %dma_wait3A_94 = arith.constant 4 : i32
        %dma_wait3A_95 = arith.constant 0 : i32
        %dma_wait3A_96 = tpu.memref_slice %arg5[%dma_wait3A_94, %dma_wait3A_95] : memref<5x16xi32, #tpu.memory_space<vmem>> -> memref<1x16xi32, #tpu.memory_space<vmem>>
        tpu.wait_dma2 semaphore(%run_scoped3A : memref<!tpu.dma_semaphore, #tpu.memory_space<semaphore_mem>>) src(%dma_wait3A_96 : memref<1x16xi32, #tpu.memory_space<vmem>>) dst(%dma_wait3A_93 : memref<1x16xi32, #tpu.memory_space<hbm>>)
        tpu.yield
      }) : () -> ()
    } else {
    }
    return
  }
}

module attributes {stable_mosaic.version = 14 : i64} {
  func.func @body(%arg0: i32, %arg1: memref<8x512xi32, #tpu.memory_space<vmem>>, %arg2: memref<27x512xf32, #tpu.memory_space<vmem>>, %arg3: memref<512x512xf32, #tpu.memory_space<vmem>>) attributes {dimension_semantics = [#tpu.dimension_semantics<arbitrary>], iteration_bounds = array<i64: 176>, scalar_prefetch = 0 : i64, scratch_operands = 0 : i64, tpu.core_type = #tpu.core_type<tc>, window_params = [{transform_indices = @transform_0, window_bounds = array<i64: 8, 512>}, {pipeline_mode = #tpu.pipeline_mode<synchronous>, transform_indices = @transform_1, window_bounds = array<i64: 27, 512>}, {transform_indices = @transform_2, window_bounds = array<i64: 512, 512>}]} {
    %iota3A = tpu.iota {dimensions = array<i32: 0>} : vector<27x512xi32>
    %get3A = arith.constant 0 : index
    %get3A_0 = arith.constant 0 : index
    %get3A_1 = vector.load %arg1[%get3A, %get3A_0] : memref<8x512xi32, #tpu.memory_space<vmem>>, vector<1x512xi32>
    %eq3A = vector.broadcast %get3A_1 : vector<1x512xi32> to vector<27x512xi32>
    %eq3A_2 = arith.cmpi eq, %iota3A, %eq3A : vector<27x512xi32>
    %get3A_3 = arith.constant 1 : index
    %get3A_4 = arith.constant 0 : index
    %get3A_5 = vector.load %arg1[%get3A_3, %get3A_4] : memref<8x512xi32, #tpu.memory_space<vmem>>, vector<1x512xi32>
    %eq3A_6 = vector.broadcast %get3A_5 : vector<1x512xi32> to vector<27x512xi32>
    %eq3A_7 = arith.cmpi eq, %iota3A, %eq3A_6 : vector<27x512xi32>
    %or3A = arith.ori %eq3A_2, %eq3A_7 : vector<27x512xi1>
    %get3A_8 = arith.constant 2 : index
    %get3A_9 = arith.constant 0 : index
    %get3A_10 = vector.load %arg1[%get3A_8, %get3A_9] : memref<8x512xi32, #tpu.memory_space<vmem>>, vector<1x512xi32>
    %eq3A_11 = vector.broadcast %get3A_10 : vector<1x512xi32> to vector<27x512xi32>
    %eq3A_12 = arith.cmpi eq, %iota3A, %eq3A_11 : vector<27x512xi32>
    %or3A_13 = arith.ori %or3A, %eq3A_12 : vector<27x512xi1>
    %get3A_14 = arith.constant 3 : index
    %get3A_15 = arith.constant 0 : index
    %get3A_16 = vector.load %arg1[%get3A_14, %get3A_15] : memref<8x512xi32, #tpu.memory_space<vmem>>, vector<1x512xi32>
    %eq3A_17 = vector.broadcast %get3A_16 : vector<1x512xi32> to vector<27x512xi32>
    %eq3A_18 = arith.cmpi eq, %iota3A, %eq3A_17 : vector<27x512xi32>
    %or3A_19 = arith.ori %or3A_13, %eq3A_18 : vector<27x512xi1>
    %get3A_20 = arith.constant 4 : index
    %get3A_21 = arith.constant 0 : index
    %get3A_22 = vector.load %arg1[%get3A_20, %get3A_21] : memref<8x512xi32, #tpu.memory_space<vmem>>, vector<1x512xi32>
    %eq3A_23 = vector.broadcast %get3A_22 : vector<1x512xi32> to vector<27x512xi32>
    %eq3A_24 = arith.cmpi eq, %iota3A, %eq3A_23 : vector<27x512xi32>
    %or3A_25 = arith.ori %or3A_19, %eq3A_24 : vector<27x512xi1>
    %jit3A = arith.constant 1.000000e+00 : f32
    %jit3A_26 = arith.constant 0.000000e+00 : f32
    %broadcast_in_dim3A = vector.broadcast %jit3A : f32 to vector<27x512xf32>
    %broadcast_in_dim3A_27 = vector.broadcast %jit3A_26 : f32 to vector<27x512xf32>
    %select_n3A = arith.select %or3A_25, %broadcast_in_dim3A, %broadcast_in_dim3A_27 : vector<27x512xi1>, vector<27x512xf32>
    %get3A_28 = arith.constant 0 : index
    %get3A_29 = arith.constant 0 : index
    %get3A_30 = vector.load %arg2[%get3A_28, %get3A_29] : memref<27x512xf32, #tpu.memory_space<vmem>>, vector<27x512xf32>
    %dot_general3A = arith.constant dense<0.000000e+00> : vector<512x512xf32>
    %dot_general3A_31 = tpu.matmul %select_n3A, %get3A_30, %dot_general3A {dimension_numbers = #tpu.dot_dimension_numbers<[0], [0], [1], [1], [0, 1, 1, 1], [], []>, transpose_lhs_hint = false} : vector<27x512xf32>, vector<27x512xf32>, vector<512x512xf32> -> vector<512x512xf32>
    %swap3A = arith.constant 0 : index
    %swap3A_32 = arith.constant 0 : index
    %swap3A_33 = vector.load %arg3[%swap3A, %swap3A_32] : memref<512x512xf32, #tpu.memory_space<vmem>>, vector<512x512xf32>
    tpu.vector_store %arg3[%swap3A, %swap3A_32], %dot_general3A_31 {strides = array<i32>} : memref<512x512xf32, #tpu.memory_space<vmem>>, vector<512x512xf32>,
    return
  }
  func.func @transform_0(%arg0: i32) -> (i32, i32) {
    %c0_i32 = arith.constant 0 : i32
    %c0_i32_0 = arith.constant 0 : i32
    return %c0_i32, %arg0 : i32, i32
  }
  func.func @transform_1(%arg0: i32) -> (i32, i32) {
    %c0_i32 = arith.constant 0 : i32
    %c0_i32_0 = arith.constant 0 : i32
    %c0_i32_1 = arith.constant 0 : i32
    return %c0_i32, %c0_i32_0 : i32, i32
  }
  func.func @transform_2(%arg0: i32) -> (i32, i32) {
    %c0_i32 = arith.constant 0 : i32
    %c0_i32_0 = arith.constant 0 : i32
    return %arg0, %c0_i32 : i32, i32
  }
}

module attributes {stable_mosaic.version = 14 : i64} {
  func.func @body(%arg0: i32, %arg1: memref<8x304xi32, #tpu.memory_space<vmem>>, %arg2: memref<160x512xf32, #tpu.memory_space<vmem>>, %arg3: memref<304x512xf32, #tpu.memory_space<vmem>>) attributes {dimension_semantics = [#tpu.dimension_semantics<arbitrary>], iteration_bounds = array<i64: 1>, scalar_prefetch = 0 : i64, scratch_operands = 0 : i64, tpu.core_type = #tpu.core_type<tc>, window_params = [{transform_indices = @transform_0, window_bounds = array<i64: 8, 304>}, {pipeline_mode = #tpu.pipeline_mode<synchronous>, transform_indices = @transform_1, window_bounds = array<i64: 160, 512>}, {transform_indices = @transform_2, window_bounds = array<i64: 304, 512>}]} {
    %iota3A = tpu.iota {dimensions = array<i32: 0>} : vector<160x304xi32>
    %get3A = arith.constant 0 : index
    %get3A_0 = arith.constant 0 : index
    %get3A_1 = vector.load %arg1[%get3A, %get3A_0] : memref<8x304xi32, #tpu.memory_space<vmem>>, vector<1x304xi32>
    %eq3A = vector.broadcast %get3A_1 : vector<1x304xi32> to vector<160x304xi32>
    %eq3A_2 = arith.cmpi eq, %iota3A, %eq3A : vector<160x304xi32>
    %get3A_3 = arith.constant 1 : index
    %get3A_4 = arith.constant 0 : index
    %get3A_5 = vector.load %arg1[%get3A_3, %get3A_4] : memref<8x304xi32, #tpu.memory_space<vmem>>, vector<1x304xi32>
    %eq3A_6 = vector.broadcast %get3A_5 : vector<1x304xi32> to vector<160x304xi32>
    %eq3A_7 = arith.cmpi eq, %iota3A, %eq3A_6 : vector<160x304xi32>
    %or3A = arith.ori %eq3A_2, %eq3A_7 : vector<160x304xi1>
    %get3A_8 = arith.constant 2 : index
    %get3A_9 = arith.constant 0 : index
    %get3A_10 = vector.load %arg1[%get3A_8, %get3A_9] : memref<8x304xi32, #tpu.memory_space<vmem>>, vector<1x304xi32>
    %eq3A_11 = vector.broadcast %get3A_10 : vector<1x304xi32> to vector<160x304xi32>
    %eq3A_12 = arith.cmpi eq, %iota3A, %eq3A_11 : vector<160x304xi32>
    %or3A_13 = arith.ori %or3A, %eq3A_12 : vector<160x304xi1>
    %get3A_14 = arith.constant 3 : index
    %get3A_15 = arith.constant 0 : index
    %get3A_16 = vector.load %arg1[%get3A_14, %get3A_15] : memref<8x304xi32, #tpu.memory_space<vmem>>, vector<1x304xi32>
    %eq3A_17 = vector.broadcast %get3A_16 : vector<1x304xi32> to vector<160x304xi32>
    %eq3A_18 = arith.cmpi eq, %iota3A, %eq3A_17 : vector<160x304xi32>
    %or3A_19 = arith.ori %or3A_13, %eq3A_18 : vector<160x304xi1>
    %get3A_20 = arith.constant 4 : index
    %get3A_21 = arith.constant 0 : index
    %get3A_22 = vector.load %arg1[%get3A_20, %get3A_21] : memref<8x304xi32, #tpu.memory_space<vmem>>, vector<1x304xi32>
    %eq3A_23 = vector.broadcast %get3A_22 : vector<1x304xi32> to vector<160x304xi32>
    %eq3A_24 = arith.cmpi eq, %iota3A, %eq3A_23 : vector<160x304xi32>
    %or3A_25 = arith.ori %or3A_19, %eq3A_24 : vector<160x304xi1>
    %jit3A = arith.constant 1.000000e+00 : f32
    %jit3A_26 = arith.constant 0.000000e+00 : f32
    %broadcast_in_dim3A = vector.broadcast %jit3A : f32 to vector<160x304xf32>
    %broadcast_in_dim3A_27 = vector.broadcast %jit3A_26 : f32 to vector<160x304xf32>
    %select_n3A = arith.select %or3A_25, %broadcast_in_dim3A, %broadcast_in_dim3A_27 : vector<160x304xi1>, vector<160x304xf32>
    %get3A_28 = arith.constant 0 : index
    %get3A_29 = arith.constant 0 : index
    %get3A_30 = vector.load %arg2[%get3A_28, %get3A_29] : memref<160x512xf32, #tpu.memory_space<vmem>>, vector<160x512xf32>
    %dot_general3A = arith.constant dense<0.000000e+00> : vector<304x512xf32>
    %dot_general3A_31 = tpu.matmul %select_n3A, %get3A_30, %dot_general3A {dimension_numbers = #tpu.dot_dimension_numbers<[0], [0], [1], [1], [0, 1, 1, 1], [], []>, transpose_lhs_hint = false} : vector<160x304xf32>, vector<160x512xf32>, vector<304x512xf32> -> vector<304x512xf32>
    %swap3A = arith.constant 0 : index
    %swap3A_32 = arith.constant 0 : index
    %swap3A_33 = vector.load %arg3[%swap3A, %swap3A_32] : memref<304x512xf32, #tpu.memory_space<vmem>>, vector<304x512xf32>
    tpu.vector_store %arg3[%swap3A, %swap3A_32], %dot_general3A_31 {strides = array<i32>} : memref<304x512xf32, #tpu.memory_space<vmem>>, vector<304x512xf32>,
    return
  }
  func.func @transform_0(%arg0: i32) -> (i32, i32) {
    %c0_i32 = arith.constant 0 : i32
    %c0_i32_0 = arith.constant 0 : i32
    return %c0_i32, %arg0 : i32, i32
  }
  func.func @transform_1(%arg0: i32) -> (i32, i32) {
    %c0_i32 = arith.constant 0 : i32
    %c0_i32_0 = arith.constant 0 : i32
    %c0_i32_1 = arith.constant 0 : i32
    return %c0_i32, %c0_i32_0 : i32, i32
  }
  func.func @transform_2(%arg0: i32) -> (i32, i32) {
    %c0_i32 = arith.constant 0 : i32
    %c0_i32_0 = arith.constant 0 : i32
    return %arg0, %c0_i32 : i32, i32
  }
}

</mosaic_0001>

<sc_bundles>
// kernel: kernel.6.cloned.1.call-start
scs
__scs_entry_jumppad:
0x0: {  	(pc) =	sbr.rel $0x88, $3  }
0x1: {  	(tag) =	ssettag $0x0;
	lr =	simm.s32 $0x1  }
0x2: {  	[smem:$0x3F9D] =	sst lr;
	_ =	strace $0xD0000000  }
0x3: {  	_ = 	snop  }
0x4: {  	_ = 	snop  }
0x5: {  	_ = 	snop  }
0x6: {  	_ = 	snop  }
0x7: {  	_ = 	snop  }
__scs_overlays_trampoline_lowered:
0x8: {  	[smem:$0x3FAC] =	sst s0  }
0x9: {  	[smem:$0x3FAD] =	sst s1  }
0xa: {  	[smem:$0x3FAE] =	sst s2  }
0xb: {  	[smem:$0x3FAF] =	sst s3  }
0xc: {  	[smem:$0x3FB0] =	sst s4  }
0xd: {  	[smem:$0x3FB1] =	sst s5  }
0xe: {  	[smem:$0x3FB2] =	sst s6  }
0xf: {  	[smem:$0x3FB3] =	sst s7  }
0x10: {  	[smem:$0x3FB4] =	sst s8  }
0x11: {  	[smem:$0x3FB5] =	sst s9;
	s0 =	simm.s32 @!p0 $0x0  }
0x12: {  	s1 =	sld [smem:$0x3F9B];
	s0 =	simm.s32 @p0 $0x1  }
0x13: {  	[smem:$0x3FB6] =	sst s0;
	s0 =	simm.s32 @!p1 $0x0  }
0x14: {  	s2 =	sld [smem:$0x3F9A];
	s0 =	simm.s32 @p1 $0x1  }
0x15: {  	[smem:$0x3FB7] =	sst s0;
	s0 =	simm.s32 @!p2 $0x0  }
0x16: {  	s3 =	sld [smem:$0x3FDB];
	s0 =	simm.s32 @p2 $0x1  }
0x17: {  	s4 =	simm.s32 $0x1BF5;
	[smem:$0x3FB9] =	sst s0  }
0x18: {  	s0 =	sld [smem:$0x3F9C];
	_ =	swait.ge [sflag:s4], $0x0  }
0x19: {  	s7 =	sld [smem:$0x3F9D]  }
0x1a: {  	s8 =	sadd.s32 $0xFFFFE003, lr  }
0x1b: {  	s9 =	sadd.s32 $0xFFFFFEF7, lr;
	s5 =	simm.s32 $0xFFFFFFFF;
	p2 =	slt.u32 s8, $0xFFFFF086  }
0x1c: {  	p1 =	slt.u32 s9, $0xF7A;
	s5 =	simm.s32 @!p2 $0x0  }
0x1d: {  	s5 =	simm.s32 @p1 $0x1;
	p0 =	seq.s32 s7, s2  }
0x1e: {  	s7 =	smul.u32 @!p0 $0xF7A, s2;
	p2 =	seq.s32 @!p0 s5, $0x0  }
0x1f: {  	s9 =	smul.u32 $0xF7A, s1;
	s8 =	simm.s32 @!p0 $0x1BF5;
	p2 =	por !p2, p0  }
0x20: {  	[sflag:s8] =	ssyncset.s32 @!p0 $0xFFFFF086;
	s6 =	sadd.s32 @!p0 s3, s7;
	s7 =	simm.s32 @!p0 $0x108  }
0x21: {  	s3 =	sadd.s32 s3, s9;
	s6 =	sadd.s32 @!p0 $0x88, s6;
	s7 =	simm.s32 @p2 $0x1082  }
0x22: {  	[simem:s7], [sflag:s8] =	dma.local @!p0 [hbm:s6], $0xF7A  }
0x23: {  	s9 =	sor.u32 $0xD0000000, s2;
	s6 =	simm.s32 $0x108;
	_ =	swait.ge @!p0 [sflag:s8], $0x0  }
0x24: {  	s3 =	sadd.s32 $0x88, s3;
	s6 =	simm.s32 @!p1 $0x1082;
	[sflag:s4] =	ssyncset.s32 $0xFFFFF086  }
0x25: {  	[simem:s6], [sflag:s4] =	dma.local [hbm:s3], $0xF7A  }
0x26: {  	[smem:$0x3F9D] =	sst s1;
	(tag) =	ssettag s2;
	_ =	strace s9  }
0x27: {  	s1 =	sld [smem:$0x3FAD]  }
0x28: {  	s2 =	sld [smem:$0x3FAE]  }
0x29: {  	s4 =	sld [smem:$0x3FB0]  }
0x2a: {  	p0 =	seq.s32 s5, $0x0;
	s5 =	sld [smem:$0x3FB1]  }
0x2b: {  	s6 =	sld [smem:$0x3FB2]  }
0x2c: {  	s7 =	sld [smem:$0x3FB3]  }
0x2d: {  	s3 =	simm.s32 $0x108;
	s8 =	sld [smem:$0x3FB4]  }
0x2e: {  	s3 =	simm.s32 @!p0 $0x1082;
	s9 =	sld [smem:$0x3FB5]  }
0x2f: {  	lr =	sadd.s32 s0, s3;
	s0 =	sld [smem:$0x3FAC]  }
0x30: {  	s3 =	sld [smem:$0x3FAF]  }
0x31: {  	[smem:$0x3FB8] =	sst s10  }
0x32: {  	s10 =	sld [smem:$0x3FB6];
	_ =	sdelay $0x3  }
0x33: {  	p0 =	seq.s32 s10, $0x1;
	s10 =	sld [smem:$0x3FB8];
	_ =	sdelay $0x3  }
0x34: {  	[smem:$0x3FB8] =	sst s10  }
0x35: {  	s10 =	sld [smem:$0x3FB7];
	_ =	sdelay $0x3  }
0x36: {  	p1 =	seq.s32 s10, $0x1;
	s10 =	sld [smem:$0x3FB8];
	_ =	sdelay $0x3  }
0x37: {  	[smem:$0x3FB8] =	sst s10  }
0x38: {  	s10 =	sld [smem:$0x3FB9]  }
0x39: {  	_ = 	snop;
	(pc) =	sbr.ind lr, $3  }
0x3a: {  	_ = 	snop  }
0x3b: {  	_ = 	snop  }
0x3c: {  	p2 =	seq.s32 s10, $0x1;
	s10 =	sld [smem:$0x3FB8]  }
0x3d: {  	_ =	shalt  }
0x3e: {  	_ =	shalt  }
0x3f: {  	_ =	shalt  }
0x40: {  	_ =	shalt  }
0x41: {  	_ =	shalt  }
0x42: {  	_ =	shalt  }
0x43: {  	_ =	shalt  }
0x44: {  	_ =	shalt  }
0x45: {  	_ =	shalt  }
0x46: {  	_ =	shalt  }
0x47: {  	_ =	shalt  }
0x48: {  	_ =	shalt  }
0x49: {  	_ =	shalt  }
0x4a: {  	_ =	shalt  }
0x4b: {  	_ =	shalt  }
0x4c: {  	_ =	shalt  }
0x4d: {  	_ =	shalt  }
0x4e: {  	_ =	shalt  }
0x4f: {  	_ =	shalt  }
0x50: {  	_ =	shalt  }
0x51: {  	_ =	shalt  }
0x52: {  	_ =	shalt  }
0x53: {  	_ =	shalt  }
0x54: {  	_ =	shalt  }
0x55: {  	_ =	shalt  }
0x56: {  	_ =	shalt  }
0x57: {  	_ =	shalt  }
0x58: {  	_ =	shalt  }
0x59: {  	_ =	shalt  }
0x5a: {  	_ =	shalt  }
0x5b: {  	_ =	shalt  }
0x5c: {  	_ =	shalt  }
0x5d: {  	_ =	shalt  }
0x5e: {  	_ =	shalt  }
0x5f: {  	_ =	shalt  }
0x60: {  	_ =	shalt  }
0x61: {  	_ =	shalt  }
0x62: {  	_ =	shalt  }
0x63: {  	_ =	shalt  }
0x64: {  	_ =	shalt  }
0x65: {  	_ =	shalt  }
0x66: {  	_ =	shalt  }
0x67: {  	_ =	shalt  }
0x68: {  	_ =	shalt  }
0x69: {  	_ =	shalt  }
0x6a: {  	_ =	shalt  }
0x6b: {  	_ =	shalt  }
0x6c: {  	_ =	shalt  }
0x6d: {  	_ =	shalt  }
0x6e: {  	_ =	shalt  }
0x6f: {  	_ =	shalt  }
0x70: {  	_ =	shalt  }
0x71: {  	_ =	shalt  }
0x72: {  	_ =	shalt  }
0x73: {  	_ =	shalt  }
0x74: {  	_ =	shalt  }
0x75: {  	_ =	shalt  }
0x76: {  	_ =	shalt  }
0x77: {  	_ =	shalt  }
0x78: {  	_ =	shalt  }
0x79: {  	_ =	shalt  }
0x7a: {  	_ =	shalt  }
0x7b: {  	_ =	shalt  }
0x7c: {  	_ =	shalt  }
0x7d: {  	_ =	shalt  }
0x7e: {  	_ =	shalt  }
0x7f: {  	_ =	shalt  }
0x80: {  	_ =	shalt  }
0x81: {  	_ =	shalt  }
0x82: {  	_ =	shalt  }
0x83: {  	_ =	shalt  }
0x84: {  	_ =	shalt  }
0x85: {  	_ =	shalt  }
0x86: {  	_ =	shalt  }
0x87: {  	_ =	shalt  }
.Lfunc_end0:
.L_simem_size_0:
called_computation_lowered:
.L_overlay_start_0:
0x88: {  	s2 =	sld [smem:$0x3FD9]  }
0x89: {  	s3 =	sld [smem:$0x3FFE];
	_ =	sdelay $0x1  }
0x8a: {  	s1 =	srdreg.scid  }
0x8b: {  	s0 =	sand.u32 $0x1, s1  }
0x8c: {  	s14 =	sshll.u32 s0, $0xA;
	s2 =	sadd.s32 s3, s2  }
0x8d: {  	s2 =	sadd.s32 s2, s14  }
0x8e: {  	[smem:$0x3FC4] =	sst s2  }
0x8f: {  	_ = 	snop  }
0x90: {  	s2 =	sld [smem:$0x3FD0];
	_ =	sdelay $0x2  }
0x91: {  	s15 =	simm.s32 $0xB;
	s4 =	simm.s32 $0x10  }
0x92: {  	[smem:s4], [sflag:s15] =	dma.local [hbm:s2], $0x1  }
0x93: {  	_ =	swait.eq [sflag:s15], $0x1  }
0x94: {  	[sflag:s15] =	ssyncset.done $0x0  }
0x95: {  	[sflag:s15] =	ssyncadd.s32 $0xFFFFFFFF  }
0x96: {  	s16 =	sld [smem:$0x10];
	(tm) =	ssettm $0x1  }
0x97: {  	s17 =	sld [smem:$0x3FFB];
	_ =	sdelay $0x3  }
0x98: {  	_ =	strace s17  }
0x99: {  	s3 =	sld [smem:$0x3FFC];
	_ =	sdelay $0x3  }
0x9a: {  	_ =	strace s3  }
0x9b: {  	s3 =	sld [smem:$0x3FFD];
	_ =	sdelay $0x3  }
0x9c: {  	_ =	strace s3  }
0x9d: {  	_ =	strace $0x8FFFFFFF  }
0x9e: {  	s18 =	sld [smem:$0x3FDB];
	_ =	sdelay $0x1  }
0x9f: {  	s19 =	simm.s32 $_scs_section_size  }
0xa0: {  	s5 =	simm.s32 $_size__tile_overlayer_lowered;
	s6 =	simm.s32 $_tile_overlayer_lowered  }
0xa1: {  	s22 =	simm.s32 $0x1BFF;
	s21 =	sshll.u32 s6, $0x1;
	s3 =	sadd.s32 s19, s18  }
0xa2: {  	s7 =	simm.s32 $0x0;
	s20 =	sshll.u32 s5, $0x1;
	s5 =	sadd.s32 s21, s3  }
0xa3: {  	[timem:s7], [sflag:s22] =	dma.local [hbm:s5], s20  }
0xa4: {  	_ =	swait.ge [sflag:s22], s20  }
0xa5: {  	s4 =	ssub.s32 $0x0, s20;
	[sflag:s22] =	ssyncset.done $0x0  }
0xa6: {  	[sflag:s22] =	ssyncadd.s32 s4;
	_ =	sdelay $0x1  }
0xa7: {  	s23 =	simm.s32 $0x1B8B  }
0xa8: {  	_ =	swait.ge [sflag:s23], $0x1  }
0xa9: {  	[sflag:s23] =	ssyncset.done $0x0  }
0xaa: {  	s25 =	simm.s32 $0x1B8E;
	s24 =	sld [smem:$0x3FFE];
	[sflag:s23] =	ssyncadd.s32 $0xFFFFFFFF  }
0xab: {  	s26 =	simm.s32 $execute0_lowered;
	[smem:$0x3FD2] =	sst s25  }
0xac: {  	s5 =	sshll.u32 s26, $0x1;
	_ =	strace $0x80000046;
	[dreg:$0x1] =	wrdreg $0xFFFFFFFF  }
0xad: {  	s28 =	simm.s32 $_size_execute0_lowered;
	s3 =	sadd.s32 s3, s5;
	[dreg:$0x0] =	wrdreg $0x0  }
0xae: {  	s5 =	sshll.u32 s28, $0x1;
	[dreg:$0x2] =	wrdreg s3  }
0xaf: {  	[dreg:$0x3] =	wrdreg s5  }
0xb0: {  	[dreg:$0x4] =	wrdreg $0xC0  }
0xb1: {  	_ =	task [dreg:s7], $0x5FFFF  }
0xb2: {  	[dreg:$0x1] =	wrdreg $0xFFFFFFFF  }
0xb3: {  	[dreg:$0x0] =	wrdreg $0x60  }
0xb4: {  	[dreg:$0x2] =	wrdreg s16  }
0xb5: {  	[dreg:$0x3] =	wrdreg s24  }
0xb6: {  	[dreg:$0x4] =	wrdreg $0x9  }
0xb7: {  	_ =	task.clear_ibuf [dreg:s7], $0x5FFFF;
	_ =	strace $0x90000046  }
0xb8: {  	s29 =	simm.s32 $0x9;
	_ =	strace $0x80000048  }
0xb9: {  	_ =	swait.ge [sflag:s29], $0x1  }
0xba: {  	[sflag:s29] =	ssyncadd.s32 $0xFFFFFFFF  }
0xbb: {  	_ =	strace $0x90000048  }
0xbc: {  	_ =	sfence  }
0xbd: {  	s30 =	sld [smem:$0x0];
	_ =	sdelay $0x2  }
0xbe: {  	s31 =	sshll.u32 s1, $0xD;
	s1 =	sshrl.u32 s1, $0x2  }
0xbf: {  	s3 =	sand.u32 $0x4000, s31;
	s1 =	sadd.s32 s1, s30  }
0xc0: {  	s0 =	sor.u32 s3, s0;
	s1 =	sshll.u32 s1, $0x11  }
0xc1: {  	s0 =	sor.u32 s1, s0  }
0xc2: {  	s0 =	sadd.s32 $0x8F2B, s0  }
0xc3: {  	[sflag:s0] =	ssyncadd.remote.s32 $0x1  }
0xc4: {  	_ =	sfence.sel $0xFFFF  }
0xc5: {  	[dreg:$0x0] =	wrdreg $0xFFFFFFFF;
	(pc) =	sbr.abs _section_cstart, $3  }
0xc6: {  	[dreg:$0x1] =	wrdreg $0xFFFFFFFF  }
0xc7: {  	_ =	task.clear_ibuf [dreg:s7], $0x2FFFF;
	_ =	strace $0x9FFFFFFF  }
0xc8: {  	(tm) =	ssettm $0x7FFFFFFF  }
0xc9: {  	_ =	shalt  }
tec
execute0_lowered:
.L_overlay_start_1:
0x0: {  	(tag) =	ssettag $0x1  }
0x1: {  	s9 =	rddreg [dreg:$0x0];
	s1 =	srdreg.scid  }
0x2: {  	s0 =	stileid.u32;
	s14 =	rddreg [dreg:$0x1]  }
0x3: {  	s2 =	simm.s32 $0x0;
	s16 =	simm.s32 $0x1;
	s17 =	simm.s32 $0xA00  }
0x4: {  	s18 =	simm.s32 $0xA10;
	s19 =	simm.s32 $0xA20;
	s20 =	simm.s32 $0xA30  }
0x5: {  	s21 =	simm.s32 $0xA40;
	s3 =	sand.u32 $0x1, s1;
	s1 =	rddreg [dreg:$0x2]  }
0x6: {  	s4 =	sshll.u32 s0, $0x1;
	[smem:$0x7FF] =	sst s2;
	s10 =	sadd.s32 $0xE24, s14  }
0x7: {  	s11 =	sadd.s32 $0xE4A, s14;
	s12 =	sadd.s32 $0xE70, s14;
	s13 =	sadd.s32 $0xE96, s14  }
0x8: {  	p0 =	sgt.u32 s0, $0x8;
	s22 =	sor.u32 s3, s4;
	s3 =	ssub.s32 $0x2, s3  }
0x9: {  	_ =	strace $0x80000047;
	s4 =	smul.u32 $0x140, s22;
	s5 =	sshll.u32 s22, $0x1  }
.Ltmp0:
0xa: {  	s6 =	sshrl.u32 s3, $0x1;
	p1 =	sne.s32 s22, $0x12;
	(pc) =	sbr.rel .LBB2_1-.Ltmp0, $4  }
0xb: {  	s22 =	simm.s32 $0x0;
	s8 =	sadd.s32 s5, s14;
	s15 =	ssub.s32 s3, s6  }
0xc: {  	s14 =	sadd.s32 $0xEBC, s14;
	s3 =	sadd.s32 s9, s4;
	s4 =	sadd.s32 $0xE00, s8  }
0xd: {  	v0 =	vlaneseq.u32;
	s5 =	sadd.s32 $0xE26, s8;
	s6 =	sadd.s32 $0xE4C, s8;
	s7 =	sadd.s32 $0xE72, s8  }
0xe: {  	v1 =	vimm.f32 $-Inf;
	v0 =	vmul.u32 $0xA0, v0;
	s8 =	sadd.s32 $0xE98, s8;
	s9 =	sadd.s32 $0x1680, s9;
	s15 =	smax.u32 s15, $0x1  }
.LBB2_24:
0xf: {  	_ =	sdelay $0x3  }
0x10: {  	v5 =	vld.idx.msk [tilespmem:v5+s2+$0x0], $0xffff;
	_ =	sdelay $0x2  }
0x11: {  	vm0 =	vgt.f32 v4, v2  }
0x12: {  	v2 =	vsel vm0, v4, v2  }
0x13: {  	v3 =	vsel vm0, s23, v3;
	vm15 =	vgt.f32 v5, v2  }
0x14: {  	v2 =	vsel vm15, s24, v3  }
0x15: {  	v3 =	vadd.s32 v0, v2;
	_ =	sdelay $0x4  }
0x16: {  	[tilespmem:v3+s2+$0x0] =	vst.idx.msk $0xffff, v1  }
0x17: {  	[tilespmem:$0xA40] =	vst v2  }
0x18: {  	[hbm4b:s10+s2] =	stream.linear.scatter [tilespmem:s17], [sflag:$0x1], $0x10, $0x38;
	[tilespmem:$0xA50] =	vst v63  }
0x19: {  	_ =	swait.ge [sflag:s16], $0x10  }
0x1a: {  	[sflag:s16] =	ssyncset.done $0x0  }
0x1b: {  	[sflag:s16] =	ssyncadd.s32 $0xFFFFFFF0  }
0x1c: {  	[hbm4b:s11+s2] =	stream.linear.scatter [tilespmem:s18], [sflag:$0x1], $0x10, $0x38;
	[tilespmem:$0xA50] =	vst v63  }
0x1d: {  	_ =	swait.ge [sflag:s16], $0x10  }
0x1e: {  	[sflag:s16] =	ssyncset.done $0x0  }
0x1f: {  	[sflag:s16] =	ssyncadd.s32 $0xFFFFFFF0  }
0x20: {  	[hbm4b:s12+s2] =	stream.linear.scatter [tilespmem:s19], [sflag:$0x1], $0x10, $0x38;
	[tilespmem:$0xA50] =	vst v63  }
0x21: {  	_ =	swait.ge [sflag:s16], $0x10  }
0x22: {  	[sflag:s16] =	ssyncset.done $0x0  }
0x23: {  	[sflag:s16] =	ssyncadd.s32 $0xFFFFFFF0  }
0x24: {  	[hbm4b:s13+s2] =	stream.linear.scatter [tilespmem:s20], [sflag:$0x1], $0x10, $0x38;
	[tilespmem:$0xA50] =	vst v63  }
0x25: {  	_ =	swait.ge [sflag:s16], $0x10  }
0x26: {  	[sflag:s16] =	ssyncset.done $0x0  }
0x27: {  	[sflag:s16] =	ssyncadd.s32 $0xFFFFFFF0  }
0x28: {  	[hbm4b:s14+s2] =	stream.linear.scatter [tilespmem:s21], [sflag:$0x1], $0x10, $0x38;
	[tilespmem:$0xA50] =	vst v63  }
0x29: {  	_ =	swait.ge [sflag:s16], $0x10  }
0x2a: {  	[sflag:s16] =	ssyncset.done $0x0  }
0x2b: {  	[sflag:s16] =	ssyncadd.s32 $0xFFFFFFF0  }
.LBB2_25:
0x2c: {  	s22 =	sadd.s32 $0x1, s22  }
0x2d: {  	p2 =	sne.s32 s22, s15  }
.Ltmp1:
0x2e: {  	_ = 	snop;
	(pc) =	sbr.rel @!p2 .LBB2_26-.Ltmp1, $1  }
0x2f: {  	_ =	sdelay $0x3  }
.LBB2_1:
.Ltmp2:
0x30: {  	(pc) =	sbr.rel @p0 .LBB2_13-.Ltmp2, $1  }
0x31: {  	_ =	sdelay $0x3  }
0x32: {  	s23 =	simm.s32 $0x0  }
0x33: {  	v2 =	vmov s23  }
0x34: {  	v2 =	vand.u32 $0xFF, v2  }
0x35: {  	v4 =	vadd.s32 v0, v2  }
0x36: {  	[tilespmem:s23], [sflag:$0x1] =	stream.linear.gather [hbm4b:s3+s23], $0xA00, $0x38;
	[tilespmem:$0xA50] =	vst v63  }
0x37: {  	s24 =	simm.s32 $0x1;
	_ =	swait.ge [sflag:s16], $0xA00  }
0x38: {  	[sflag:s16] =	ssyncset.done $0x0;
	v2 =	vmov s24  }
0x39: {  	[sflag:s16] =	ssyncadd.s32 $0xFFFFF600;
	v5 =	vand.u32 $0xFF, v2  }
0x3a: {  	v3 =	vimm.s32 $0x0;
	s25 =	simm.s32 $0x2;
	v2 =	vimm.f32 $-Inf;
	v5 =	vadd.s32 v0, v5;
	v4 =	vld.idx.msk [tilespmem:v4+s2+$0x0], $0xffff  }
.LBB2_3:
0x3b: {  	p2 =	sne.s32 s25, $0x9F  }
.Ltmp3:
0x3c: {  	_ = 	snop;
	(pc) =	sbr.rel @p2 .LBB2_3-.Ltmp3, $4  }
0x3d: {  	_ = 	snop  }
0x3e: {  	v6 =	vmov s25;
	s26 =	smov.u32 s25;
	s25 =	sadd.s32 $0x1, s25  }
0x3f: {  	v6 =	vand.u32 $0xFF, v6;
	vm0 =	vgt.f32 v4, v2;
	v7 =	vmov v4;
	v4 =	vld.idx.msk [tilespmem:v5+s2+$0x0], $0xffff  }
0x40: {  	v5 =	vadd.s32 v0, v6;
	v2 =	vsel vm0, v7, v2;
	v3 =	vsel vm0, s23, v3;
	s23 =	smov.u32 s24;
	s24 =	smov.u32 s26  }
0x41: {  	_ =	sdelay $0x3  }
0x42: {  	v5 =	vld.idx.msk [tilespmem:v5+s2+$0x0], $0xffff;
	_ =	sdelay $0x2  }
0x43: {  	vm0 =	vgt.f32 v4, v2  }
0x44: {  	v2 =	vsel vm0, v4, v2  }
0x45: {  	v3 =	vsel vm0, s23, v3;
	vm15 =	vgt.f32 v5, v2  }
0x46: {  	s23 =	simm.s32 $0x0;
	v3 =	vsel vm15, s24, v3  }
0x47: {  	v2 =	vmov s23;
	v4 =	vadd.s32 v0, v3  }
0x48: {  	v2 =	vand.u32 $0xFF, v2  }
0x49: {  	v5 =	vadd.s32 v0, v2;
	_ =	sdelay $0x1  }
0x4a: {  	s24 =	simm.s32 $0x1;
	v2 =	vimm.f32 $-Inf  }
0x4b: {  	[tilespmem:v4+s23+$0x0] =	vst.idx.msk $0xffff, v2;
	v4 =	vmov s24  }
0x4c: {  	[tilespmem:$0xA00] =	vst v3;
	v6 =	vand.u32 $0xFF, v4  }
0x4d: {  	s25 =	simm.s32 $0x2;
	v3 =	vimm.s32 $0x0;
	v4 =	vld.idx.msk [tilespmem:v5+s2+$0x0], $0xffff;
	v5 =	vadd.s32 v0, v6  }
.LBB2_5:
0x4e: {  	p2 =	sne.s32 s25, $0x9F  }
.Ltmp4:
0x4f: {  	_ = 	snop;
	(pc) =	sbr.rel @p2 .LBB2_5-.Ltmp4, $4  }
0x50: {  	_ = 	snop  }
0x51: {  	v6 =	vmov s25;
	s26 =	smov.u32 s25;
	s25 =	sadd.s32 $0x1, s25  }
0x52: {  	v6 =	vand.u32 $0xFF, v6;
	vm0 =	vgt.f32 v4, v2;
	v7 =	vmov v4;
	v4 =	vld.idx.msk [tilespmem:v5+s2+$0x0], $0xffff  }
0x53: {  	v5 =	vadd.s32 v0, v6;
	v2 =	vsel vm0, v7, v2;
	v3 =	vsel vm0, s23, v3;
	s23 =	smov.u32 s24;
	s24 =	smov.u32 s26  }
0x54: {  	_ =	sdelay $0x3  }
0x55: {  	v5 =	vld.idx.msk [tilespmem:v5+s2+$0x0], $0xffff;
	_ =	sdelay $0x2  }
0x56: {  	vm0 =	vgt.f32 v4, v2  }
0x57: {  	v2 =	vsel vm0, v4, v2  }
0x58: {  	v3 =	vsel vm0, s23, v3;
	vm15 =	vgt.f32 v5, v2  }
0x59: {  	s23 =	simm.s32 $0x0;
	v3 =	vsel vm15, s24, v3  }
0x5a: {  	v2 =	vmov s23;
	v4 =	vadd.s32 v0, v3  }
0x5b: {  	v2 =	vand.u32 $0xFF, v2  }
0x5c: {  	v5 =	vadd.s32 v0, v2;
	_ =	sdelay $0x1  }
0x5d: {  	s24 =	simm.s32 $0x1;
	v2 =	vimm.f32 $-Inf  }
0x5e: {  	[tilespmem:v4+s23+$0x0] =	vst.idx.msk $0xffff, v2;
	v4 =	vmov s24  }
0x5f: {  	[tilespmem:$0xA10] =	vst v3;
	v6 =	vand.u32 $0xFF, v4  }
0x60: {  	s25 =	simm.s32 $0x2;
	v3 =	vimm.s32 $0x0;
	v4 =	vld.idx.msk [tilespmem:v5+s2+$0x0], $0xffff;
	v5 =	vadd.s32 v0, v6  }
.LBB2_7:
0x61: {  	p2 =	sne.s32 s25, $0x9F  }
.Ltmp5:
0x62: {  	_ = 	snop;
	(pc) =	sbr.rel @p2 .LBB2_7-.Ltmp5, $4  }
0x63: {  	_ = 	snop  }
0x64: {  	v6 =	vmov s25;
	s26 =	smov.u32 s25;
	s25 =	sadd.s32 $0x1, s25  }
0x65: {  	v6 =	vand.u32 $0xFF, v6;
	vm0 =	vgt.f32 v4, v2;
	v7 =	vmov v4;
	v4 =	vld.idx.msk [tilespmem:v5+s2+$0x0], $0xffff  }
0x66: {  	v5 =	vadd.s32 v0, v6;
	v2 =	vsel vm0, v7, v2;
	v3 =	vsel vm0, s23, v3;
	s23 =	smov.u32 s24;
	s24 =	smov.u32 s26  }
0x67: {  	_ =	sdelay $0x3  }
0x68: {  	v5 =	vld.idx.msk [tilespmem:v5+s2+$0x0], $0xffff;
	_ =	sdelay $0x2  }
0x69: {  	vm0 =	vgt.f32 v4, v2  }
0x6a: {  	v2 =	vsel vm0, v4, v2  }
0x6b: {  	v3 =	vsel vm0, s23, v3;
	vm15 =	vgt.f32 v5, v2  }
0x6c: {  	s23 =	simm.s32 $0x0;
	v3 =	vsel vm15, s24, v3  }
0x6d: {  	v2 =	vmov s23;
	v4 =	vadd.s32 v0, v3  }
0x6e: {  	v2 =	vand.u32 $0xFF, v2  }
0x6f: {  	v5 =	vadd.s32 v0, v2;
	_ =	sdelay $0x1  }
0x70: {  	s24 =	simm.s32 $0x1;
	v2 =	vimm.f32 $-Inf  }
0x71: {  	[tilespmem:v4+s23+$0x0] =	vst.idx.msk $0xffff, v2;
	v4 =	vmov s24  }
0x72: {  	[tilespmem:$0xA20] =	vst v3;
	v6 =	vand.u32 $0xFF, v4  }
0x73: {  	s25 =	simm.s32 $0x2;
	v3 =	vimm.s32 $0x0;
	v4 =	vld.idx.msk [tilespmem:v5+s2+$0x0], $0xffff;
	v5 =	vadd.s32 v0, v6  }
.LBB2_9:
0x74: {  	p2 =	sne.s32 s25, $0x9F  }
.Ltmp6:
0x75: {  	_ = 	snop;
	(pc) =	sbr.rel @p2 .LBB2_9-.Ltmp6, $4  }
0x76: {  	_ = 	snop  }
0x77: {  	v6 =	vmov s25;
	s26 =	smov.u32 s25;
	s25 =	sadd.s32 $0x1, s25  }
0x78: {  	v6 =	vand.u32 $0xFF, v6;
	vm0 =	vgt.f32 v4, v2;
	v7 =	vmov v4;
	v4 =	vld.idx.msk [tilespmem:v5+s2+$0x0], $0xffff  }
0x79: {  	v5 =	vadd.s32 v0, v6;
	v2 =	vsel vm0, v7, v2;
	v3 =	vsel vm0, s23, v3;
	s23 =	smov.u32 s24;
	s24 =	smov.u32 s26  }
0x7a: {  	_ =	sdelay $0x3  }
0x7b: {  	v5 =	vld.idx.msk [tilespmem:v5+s2+$0x0], $0xffff;
	_ =	sdelay $0x2  }
0x7c: {  	vm0 =	vgt.f32 v4, v2  }
0x7d: {  	v2 =	vsel vm0, v4, v2  }
0x7e: {  	v3 =	vsel vm0, s23, v3;
	vm15 =	vgt.f32 v5, v2  }
0x7f: {  	s23 =	simm.s32 $0x0;
	v3 =	vsel vm15, s24, v3  }
0x80: {  	v2 =	vmov s23;
	v4 =	vadd.s32 v0, v3  }
0x81: {  	v2 =	vand.u32 $0xFF, v2  }
0x82: {  	v5 =	vadd.s32 v0, v2;
	_ =	sdelay $0x1  }
0x83: {  	s24 =	simm.s32 $0x1;
	v2 =	vimm.f32 $-Inf  }
0x84: {  	[tilespmem:v4+s23+$0x0] =	vst.idx.msk $0xffff, v2;
	v4 =	vmov s24  }
0x85: {  	[tilespmem:$0xA30] =	vst v3;
	v6 =	vand.u32 $0xFF, v4  }
0x86: {  	s25 =	simm.s32 $0x2;
	v3 =	vimm.s32 $0x0;
	v4 =	vld.idx.msk [tilespmem:v5+s2+$0x0], $0xffff;
	v5 =	vadd.s32 v0, v6  }
.LBB2_11:
0x87: {  	p2 =	sne.s32 s25, $0x9F  }
.Ltmp7:
0x88: {  	_ = 	snop;
	(pc) =	sbr.rel @p2 .LBB2_11-.Ltmp7, $4  }
0x89: {  	_ = 	snop  }
0x8a: {  	v6 =	vmov s25;
	s26 =	smov.u32 s25;
	s25 =	sadd.s32 $0x1, s25  }
0x8b: {  	v6 =	vand.u32 $0xFF, v6;
	vm0 =	vgt.f32 v4, v2;
	v7 =	vmov v4;
	v4 =	vld.idx.msk [tilespmem:v5+s2+$0x0], $0xffff  }
0x8c: {  	v5 =	vadd.s32 v0, v6;
	v2 =	vsel vm0, v7, v2;
	v3 =	vsel vm0, s23, v3;
	s23 =	smov.u32 s24;
	s24 =	smov.u32 s26  }
0x8d: {  	_ =	sdelay $0x3  }
0x8e: {  	v5 =	vld.idx.msk [tilespmem:v5+s2+$0x0], $0xffff;
	_ =	sdelay $0x2  }
0x8f: {  	vm0 =	vgt.f32 v4, v2  }
0x90: {  	v2 =	vsel vm0, v4, v2  }
0x91: {  	v3 =	vsel vm0, s23, v3;
	vm15 =	vgt.f32 v5, v2  }
0x92: {  	v2 =	vsel vm15, s24, v3  }
0x93: {  	v3 =	vadd.s32 v0, v2;
	_ =	sdelay $0x4  }
0x94: {  	[tilespmem:v3+s2+$0x0] =	vst.idx.msk $0xffff, v1  }
0x95: {  	[tilespmem:$0xA40] =	vst v2  }
0x96: {  	[hbm4b:s4+s2] =	stream.linear.scatter [tilespmem:s17], [sflag:$0x1], $0x10, $0x38;
	[tilespmem:$0xA50] =	vst v63  }
0x97: {  	_ =	swait.ge [sflag:s16], $0x10  }
0x98: {  	[sflag:s16] =	ssyncset.done $0x0  }
0x99: {  	[sflag:s16] =	ssyncadd.s32 $0xFFFFFFF0  }
0x9a: {  	[hbm4b:s5+s2] =	stream.linear.scatter [tilespmem:s18], [sflag:$0x1], $0x10, $0x38;
	[tilespmem:$0xA50] =	vst v63  }
0x9b: {  	_ =	swait.ge [sflag:s16], $0x10  }
0x9c: {  	[sflag:s16] =	ssyncset.done $0x0  }
0x9d: {  	[sflag:s16] =	ssyncadd.s32 $0xFFFFFFF0  }
0x9e: {  	[hbm4b:s6+s2] =	stream.linear.scatter [tilespmem:s19], [sflag:$0x1], $0x10, $0x38;
	[tilespmem:$0xA50] =	vst v63  }
0x9f: {  	_ =	swait.ge [sflag:s16], $0x10  }
0xa0: {  	[sflag:s16] =	ssyncset.done $0x0  }
0xa1: {  	[sflag:s16] =	ssyncadd.s32 $0xFFFFFFF0  }
0xa2: {  	[hbm4b:s7+s2] =	stream.linear.scatter [tilespmem:s20], [sflag:$0x1], $0x10, $0x38;
	[tilespmem:$0xA50] =	vst v63  }
0xa3: {  	_ =	swait.ge [sflag:s16], $0x10  }
0xa4: {  	[sflag:s16] =	ssyncset.done $0x0  }
0xa5: {  	[sflag:s16] =	ssyncadd.s32 $0xFFFFFFF0  }
0xa6: {  	[hbm4b:s8+s2] =	stream.linear.scatter [tilespmem:s21], [sflag:$0x1], $0x10, $0x38;
	[tilespmem:$0xA50] =	vst v63  }
0xa7: {  	_ =	swait.ge [sflag:s16], $0x10  }
0xa8: {  	[sflag:s16] =	ssyncset.done $0x0  }
0xa9: {  	[sflag:s16] =	ssyncadd.s32 $0xFFFFFFF0  }
.LBB2_13:
.Ltmp8:
0xaa: {  	(pc) =	sbr.rel @p1 .LBB2_25-.Ltmp8, $1  }
0xab: {  	_ =	sdelay $0x3  }
0xac: {  	s23 =	simm.s32 $0x0  }
0xad: {  	v2 =	vmov s23  }
0xae: {  	v2 =	vand.u32 $0xFF, v2  }
0xaf: {  	v4 =	vadd.s32 v0, v2  }
0xb0: {  	[tilespmem:s23], [sflag:$0x1] =	stream.linear.gather [hbm4b:s9+s23], $0x780, $0x38;
	[tilespmem:$0xA50] =	vst v63  }
0xb1: {  	s24 =	simm.s32 $0x1;
	_ =	swait.ge [sflag:s16], $0x780  }
0xb2: {  	[sflag:s16] =	ssyncset.done $0x0;
	v2 =	vmov s24  }
0xb3: {  	[sflag:s16] =	ssyncadd.s32 $0xFFFFF880;
	v5 =	vand.u32 $0xFF, v2  }
0xb4: {  	v3 =	vimm.s32 $0x0;
	s25 =	simm.s32 $0x2;
	v2 =	vimm.f32 $-Inf;
	v5 =	vadd.s32 v0, v5;
	v4 =	vld.idx.msk [tilespmem:v4+s2+$0x0], $0xffff  }
.LBB2_15:
0xb5: {  	p2 =	sne.s32 s25, $0x9F  }
.Ltmp9:
0xb6: {  	_ = 	snop;
	(pc) =	sbr.rel @p2 .LBB2_15-.Ltmp9, $4  }
0xb7: {  	_ = 	snop  }
0xb8: {  	v6 =	vmov s25;
	s26 =	smov.u32 s25;
	s25 =	sadd.s32 $0x1, s25  }
0xb9: {  	v6 =	vand.u32 $0xFF, v6;
	vm0 =	vgt.f32 v4, v2;
	v7 =	vmov v4;
	v4 =	vld.idx.msk [tilespmem:v5+s2+$0x0], $0xffff  }
0xba: {  	v5 =	vadd.s32 v0, v6;
	v2 =	vsel vm0, v7, v2;
	v3 =	vsel vm0, s23, v3;
	s23 =	smov.u32 s24;
	s24 =	smov.u32 s26  }
0xbb: {  	_ =	sdelay $0x3  }
0xbc: {  	v5 =	vld.idx.msk [tilespmem:v5+s2+$0x0], $0xffff;
	_ =	sdelay $0x2  }
0xbd: {  	vm0 =	vgt.f32 v4, v2  }
0xbe: {  	v2 =	vsel vm0, v4, v2  }
0xbf: {  	v3 =	vsel vm0, s23, v3;
	vm15 =	vgt.f32 v5, v2  }
0xc0: {  	s23 =	simm.s32 $0x0;
	v3 =	vsel vm15, s24, v3  }
0xc1: {  	v2 =	vmov s23;
	v4 =	vadd.s32 v0, v3  }
0xc2: {  	v2 =	vand.u32 $0xFF, v2  }
0xc3: {  	v5 =	vadd.s32 v0, v2;
	_ =	sdelay $0x1  }
0xc4: {  	s24 =	simm.s32 $0x1;
	v2 =	vimm.f32 $-Inf  }
0xc5: {  	[tilespmem:v4+s23+$0x0] =	vst.idx.msk $0xffff, v2;
	v4 =	vmov s24  }
0xc6: {  	[tilespmem:$0xA00] =	vst v3;
	v6 =	vand.u32 $0xFF, v4  }
0xc7: {  	s25 =	simm.s32 $0x2;
	v3 =	vimm.s32 $0x0;
	v4 =	vld.idx.msk [tilespmem:v5+s2+$0x0], $0xffff;
	v5 =	vadd.s32 v0, v6  }
.LBB2_17:
0xc8: {  	p2 =	sne.s32 s25, $0x9F  }
.Ltmp10:
0xc9: {  	_ = 	snop;
	(pc) =	sbr.rel @p2 .LBB2_17-.Ltmp10, $4  }
0xca: {  	_ = 	snop  }
0xcb: {  	v6 =	vmov s25;
	s26 =	smov.u32 s25;
	s25 =	sadd.s32 $0x1, s25  }
0xcc: {  	v6 =	vand.u32 $0xFF, v6;
	vm0 =	vgt.f32 v4, v2;
	v7 =	vmov v4;
	v4 =	vld.idx.msk [tilespmem:v5+s2+$0x0], $0xffff  }
0xcd: {  	v5 =	vadd.s32 v0, v6;
	v2 =	vsel vm0, v7, v2;
	v3 =	vsel vm0, s23, v3;
	s23 =	smov.u32 s24;
	s24 =	smov.u32 s26  }
0xce: {  	_ =	sdelay $0x3  }
0xcf: {  	v5 =	vld.idx.msk [tilespmem:v5+s2+$0x0], $0xffff;
	_ =	sdelay $0x2  }
0xd0: {  	vm0 =	vgt.f32 v4, v2  }
0xd1: {  	v2 =	vsel vm0, v4, v2  }
0xd2: {  	v3 =	vsel vm0, s23, v3;
	vm15 =	vgt.f32 v5, v2  }
0xd3: {  	s23 =	simm.s32 $0x0;
	v3 =	vsel vm15, s24, v3  }
0xd4: {  	v2 =	vmov s23;
	v4 =	vadd.s32 v0, v3  }
0xd5: {  	v2 =	vand.u32 $0xFF, v2  }
0xd6: {  	v5 =	vadd.s32 v0, v2;
	_ =	sdelay $0x1  }
0xd7: {  	s24 =	simm.s32 $0x1;
	v2 =	vimm.f32 $-Inf  }
0xd8: {  	[tilespmem:v4+s23+$0x0] =	vst.idx.msk $0xffff, v2;
	v4 =	vmov s24  }
0xd9: {  	[tilespmem:$0xA10] =	vst v3;
	v6 =	vand.u32 $0xFF, v4  }
0xda: {  	s25 =	simm.s32 $0x2;
	v3 =	vimm.s32 $0x0;
	v4 =	vld.idx.msk [tilespmem:v5+s2+$0x0], $0xffff;
	v5 =	vadd.s32 v0, v6  }
.LBB2_19:
0xdb: {  	p2 =	sne.s32 s25, $0x9F  }
.Ltmp11:
0xdc: {  	_ = 	snop;
	(pc) =	sbr.rel @p2 .LBB2_19-.Ltmp11, $4  }
0xdd: {  	_ = 	snop  }
0xde: {  	v6 =	vmov s25;
	s26 =	smov.u32 s25;
	s25 =	sadd.s32 $0x1, s25  }
0xdf: {  	v6 =	vand.u32 $0xFF, v6;
	vm0 =	vgt.f32 v4, v2;
	v7 =	vmov v4;
	v4 =	vld.idx.msk [tilespmem:v5+s2+$0x0], $0xffff  }
0xe0: {  	v5 =	vadd.s32 v0, v6;
	v2 =	vsel vm0, v7, v2;
	v3 =	vsel vm0, s23, v3;
	s23 =	smov.u32 s24;
	s24 =	smov.u32 s26  }
0xe1: {  	_ =	sdelay $0x3  }
0xe2: {  	v5 =	vld.idx.msk [tilespmem:v5+s2+$0x0], $0xffff;
	_ =	sdelay $0x2  }
0xe3: {  	vm0 =	vgt.f32 v4, v2  }
0xe4: {  	v2 =	vsel vm0, v4, v2  }
0xe5: {  	v3 =	vsel vm0, s23, v3;
	vm15 =	vgt.f32 v5, v2  }
0xe6: {  	s23 =	simm.s32 $0x0;
	v3 =	vsel vm15, s24, v3  }
0xe7: {  	v2 =	vmov s23;
	v4 =	vadd.s32 v0, v3  }
0xe8: {  	v2 =	vand.u32 $0xFF, v2  }
0xe9: {  	v5 =	vadd.s32 v0, v2;
	_ =	sdelay $0x1  }
0xea: {  	s24 =	simm.s32 $0x1;
	v2 =	vimm.f32 $-Inf  }
0xeb: {  	[tilespmem:v4+s23+$0x0] =	vst.idx.msk $0xffff, v2;
	v4 =	vmov s24  }
0xec: {  	[tilespmem:$0xA20] =	vst v3;
	v6 =	vand.u32 $0xFF, v4  }
0xed: {  	s25 =	simm.s32 $0x2;
	v3 =	vimm.s32 $0x0;
	v4 =	vld.idx.msk [tilespmem:v5+s2+$0x0], $0xffff;
	v5 =	vadd.s32 v0, v6  }
.LBB2_21:
0xee: {  	p2 =	sne.s32 s25, $0x9F  }
.Ltmp12:
0xef: {  	_ = 	snop;
	(pc) =	sbr.rel @p2 .LBB2_21-.Ltmp12, $4  }
0xf0: {  	_ = 	snop  }
0xf1: {  	v6 =	vmov s25;
	s26 =	smov.u32 s25;
	s25 =	sadd.s32 $0x1, s25  }
0xf2: {  	v6 =	vand.u32 $0xFF, v6;
	vm0 =	vgt.f32 v4, v2;
	v7 =	vmov v4;
	v4 =	vld.idx.msk [tilespmem:v5+s2+$0x0], $0xffff  }
0xf3: {  	v5 =	vadd.s32 v0, v6;
	v2 =	vsel vm0, v7, v2;
	v3 =	vsel vm0, s23, v3;
	s23 =	smov.u32 s24;
	s24 =	smov.u32 s26  }
0xf4: {  	_ =	sdelay $0x3  }
0xf5: {  	v5 =	vld.idx.msk [tilespmem:v5+s2+$0x0], $0xffff;
	_ =	sdelay $0x2  }
0xf6: {  	vm0 =	vgt.f32 v4, v2  }
0xf7: {  	v2 =	vsel vm0, v4, v2  }
0xf8: {  	v3 =	vsel vm0, s23, v3;
	vm15 =	vgt.f32 v5, v2  }
0xf9: {  	s23 =	simm.s32 $0x0;
	v3 =	vsel vm15, s24, v3  }
0xfa: {  	v2 =	vmov s23;
	v4 =	vadd.s32 v0, v3  }
0xfb: {  	v2 =	vand.u32 $0xFF, v2  }
0xfc: {  	v5 =	vadd.s32 v0, v2;
	_ =	sdelay $0x1  }
0xfd: {  	s24 =	simm.s32 $0x1;
	v2 =	vimm.f32 $-Inf  }
0xfe: {  	[tilespmem:v4+s23+$0x0] =	vst.idx.msk $0xffff, v2;
	v4 =	vmov s24  }
0xff: {  	[tilespmem:$0xA30] =	vst v3;
	v6 =	vand.u32 $0xFF, v4  }
0x100: {  	s25 =	simm.s32 $0x2;
	v3 =	vimm.s32 $0x0;
	v4 =	vld.idx.msk [tilespmem:v5+s2+$0x0], $0xffff;
	v5 =	vadd.s32 v0, v6  }
.LBB2_23:
0x101: {  	p2 =	sne.s32 s25, $0x9F  }
.Ltmp13:
0x102: {  	_ = 	snop;
	(pc) =	sbr.rel @p2 .LBB2_23-.Ltmp13, $4  }
0x103: {  	_ = 	snop  }
0x104: {  	v6 =	vmov s25;
	s26 =	smov.u32 s25;
	s25 =	sadd.s32 $0x1, s25  }
0x105: {  	vm0 =	vgt.f32 v4, v2;
	v7 =	vmov v4;
	v6 =	vand.u32 $0xFF, v6;
	v4 =	vld.idx.msk [tilespmem:v5+s2+$0x0], $0xffff  }
0x106: {  	v2 =	vsel vm0, v7, v2;
	v3 =	vsel vm0, s23, v3;
	s23 =	smov.u32 s24;
	s24 =	smov.u32 s26;
	v5 =	vadd.s32 v0, v6  }
.Ltmp14:
0x107: {  	_ = 	snop;
	(pc) =	sbr.rel .LBB2_24-.Ltmp14, $1  }
0x108: {  	_ =	sdelay $0x3  }
.LBB2_26:
0x109: {  	_ =	sfence.sel $0x180000  }
0x10a: {  	[bflag:$0x0] =	sbarrier.arrive $0xFFFF  }
0x10b: {  	p0 =	sne.s32 s0, $0x0;
	_ =	strace $0x90000047  }
0x10c: {  	s0 =	sadd.s32 @!p0 $0x100000, s1;
	[bflag:$0x2] =	sbarrier.arrive $0xFFFF  }
0x10d: {  	[sflag:s0] =	ssyncadd.tile.s32 @!p0 $0x1;
	_ =	shalt  }
.Lfunc_end2:
_tile_overlayer_lowered:
.L_overlay_start_2:
0x10e: {  	(tag) =	ssettag $0x2  }
0x10f: {  	s0 =	rddreg [dreg:$0x0];
	s2 =	stileid.u32  }
0x110: {  	s1 =	rddreg [dreg:$0x1];
	p0 =	sne.s32 s2, $0x0  }
0x111: {  	s3 =	rddreg [dreg:$0x2];
	[bflag:$0x3] =	sbarrier.arrive $0xFFFF;
	s2 =	simm.s32 @!p0 $0x1C01  }
0x112: {  	[timem:s3], [sflag:s2] =	dma.local @!p0 [hbm:s0], s1  }
0x113: {  	s0 =	simm.s32 @!p0 $0x1  }
0x114: {  	_ =	swait.ge @!p0 [sflag:s0], s1  }
0x115: {  	s1 =	ssub.s32 @!p0 $0x0, s1;
	[sflag:s0] =	ssyncset.done @!p0 $0x0  }
0x116: {  	[sflag:s0] =	ssyncadd.s32 @!p0 s1  }
0x117: {  	[bflag:$0x3] =	sbarrier.arrive $0xFFFF  }
0x118: {  	_ =	shalt  }

// kernel: kernel.9.cloned.1.call-start
scs
__scs_entry_jumppad:
0x0: {  	(pc) =	sbr.rel $0x88, $3  }
0x1: {  	(tag) =	ssettag $0x0;
	lr =	simm.s32 $0x1  }
0x2: {  	[smem:$0x3F9D] =	sst lr;
	_ =	strace $0xD0000000  }
0x3: {  	_ = 	snop  }
0x4: {  	_ = 	snop  }
0x5: {  	_ = 	snop  }
0x6: {  	_ = 	snop  }
0x7: {  	_ = 	snop  }
__scs_overlays_trampoline_lowered:
0x8: {  	[smem:$0x3FAC] =	sst s0  }
0x9: {  	[smem:$0x3FAD] =	sst s1  }
0xa: {  	[smem:$0x3FAE] =	sst s2  }
0xb: {  	[smem:$0x3FAF] =	sst s3  }
0xc: {  	[smem:$0x3FB0] =	sst s4  }
0xd: {  	[smem:$0x3FB1] =	sst s5  }
0xe: {  	[smem:$0x3FB2] =	sst s6  }
0xf: {  	[smem:$0x3FB3] =	sst s7  }
0x10: {  	[smem:$0x3FB4] =	sst s8  }
0x11: {  	[smem:$0x3FB5] =	sst s9;
	s0 =	simm.s32 @!p0 $0x0  }
0x12: {  	s1 =	sld [smem:$0x3F9B];
	s0 =	simm.s32 @p0 $0x1  }
0x13: {  	[smem:$0x3FB6] =	sst s0;
	s0 =	simm.s32 @!p1 $0x0  }
0x14: {  	s2 =	sld [smem:$0x3F9A];
	s0 =	simm.s32 @p1 $0x1  }
0x15: {  	[smem:$0x3FB7] =	sst s0;
	s0 =	simm.s32 @!p2 $0x0  }
0x16: {  	s3 =	sld [smem:$0x3FDB];
	s0 =	simm.s32 @p2 $0x1  }
0x17: {  	s4 =	simm.s32 $0x1BF5;
	[smem:$0x3FB9] =	sst s0  }
0x18: {  	s0 =	sld [smem:$0x3F9C];
	_ =	swait.ge [sflag:s4], $0x0  }
0x19: {  	s7 =	sld [smem:$0x3F9D]  }
0x1a: {  	s8 =	sadd.s32 $0xFFFFE003, lr  }
0x1b: {  	s9 =	sadd.s32 $0xFFFFFEF7, lr;
	s5 =	simm.s32 $0xFFFFFFFF;
	p2 =	slt.u32 s8, $0xFFFFF086  }
0x1c: {  	p1 =	slt.u32 s9, $0xF7A;
	s5 =	simm.s32 @!p2 $0x0  }
0x1d: {  	s5 =	simm.s32 @p1 $0x1;
	p0 =	seq.s32 s7, s2  }
0x1e: {  	s7 =	smul.u32 @!p0 $0xF7A, s2;
	p2 =	seq.s32 @!p0 s5, $0x0  }
0x1f: {  	s9 =	smul.u32 $0xF7A, s1;
	s8 =	simm.s32 @!p0 $0x1BF5;
	p2 =	por !p2, p0  }
0x20: {  	[sflag:s8] =	ssyncset.s32 @!p0 $0xFFFFF086;
	s6 =	sadd.s32 @!p0 s3, s7;
	s7 =	simm.s32 @!p0 $0x108  }
0x21: {  	s3 =	sadd.s32 s3, s9;
	s6 =	sadd.s32 @!p0 $0x88, s6;
	s7 =	simm.s32 @p2 $0x1082  }
0x22: {  	[simem:s7], [sflag:s8] =	dma.local @!p0 [hbm:s6], $0xF7A  }
0x23: {  	s9 =	sor.u32 $0xD0000000, s2;
	s6 =	simm.s32 $0x108;
	_ =	swait.ge @!p0 [sflag:s8], $0x0  }
0x24: {  	s3 =	sadd.s32 $0x88, s3;
	s6 =	simm.s32 @!p1 $0x1082;
	[sflag:s4] =	ssyncset.s32 $0xFFFFF086  }
0x25: {  	[simem:s6], [sflag:s4] =	dma.local [hbm:s3], $0xF7A  }
0x26: {  	[smem:$0x3F9D] =	sst s1;
	(tag) =	ssettag s2;
	_ =	strace s9  }
0x27: {  	s1 =	sld [smem:$0x3FAD]  }
0x28: {  	s2 =	sld [smem:$0x3FAE]  }
0x29: {  	s4 =	sld [smem:$0x3FB0]  }
0x2a: {  	p0 =	seq.s32 s5, $0x0;
	s5 =	sld [smem:$0x3FB1]  }
0x2b: {  	s6 =	sld [smem:$0x3FB2]  }
0x2c: {  	s7 =	sld [smem:$0x3FB3]  }
0x2d: {  	s3 =	simm.s32 $0x108;
	s8 =	sld [smem:$0x3FB4]  }
0x2e: {  	s3 =	simm.s32 @!p0 $0x1082;
	s9 =	sld [smem:$0x3FB5]  }
0x2f: {  	lr =	sadd.s32 s0, s3;
	s0 =	sld [smem:$0x3FAC]  }
0x30: {  	s3 =	sld [smem:$0x3FAF]  }
0x31: {  	[smem:$0x3FB8] =	sst s10  }
0x32: {  	s10 =	sld [smem:$0x3FB6];
	_ =	sdelay $0x3  }
0x33: {  	p0 =	seq.s32 s10, $0x1;
	s10 =	sld [smem:$0x3FB8];
	_ =	sdelay $0x3  }
0x34: {  	[smem:$0x3FB8] =	sst s10  }
0x35: {  	s10 =	sld [smem:$0x3FB7];
	_ =	sdelay $0x3  }
0x36: {  	p1 =	seq.s32 s10, $0x1;
	s10 =	sld [smem:$0x3FB8];
	_ =	sdelay $0x3  }
0x37: {  	[smem:$0x3FB8] =	sst s10  }
0x38: {  	s10 =	sld [smem:$0x3FB9]  }
0x39: {  	_ = 	snop;
	(pc) =	sbr.ind lr, $3  }
0x3a: {  	_ = 	snop  }
0x3b: {  	_ = 	snop  }
0x3c: {  	p2 =	seq.s32 s10, $0x1;
	s10 =	sld [smem:$0x3FB8]  }
0x3d: {  	_ =	shalt  }
0x3e: {  	_ =	shalt  }
0x3f: {  	_ =	shalt  }
0x40: {  	_ =	shalt  }
0x41: {  	_ =	shalt  }
0x42: {  	_ =	shalt  }
0x43: {  	_ =	shalt  }
0x44: {  	_ =	shalt  }
0x45: {  	_ =	shalt  }
0x46: {  	_ =	shalt  }
0x47: {  	_ =	shalt  }
0x48: {  	_ =	shalt  }
0x49: {  	_ =	shalt  }
0x4a: {  	_ =	shalt  }
0x4b: {  	_ =	shalt  }
0x4c: {  	_ =	shalt  }
0x4d: {  	_ =	shalt  }
0x4e: {  	_ =	shalt  }
0x4f: {  	_ =	shalt  }
0x50: {  	_ =	shalt  }
0x51: {  	_ =	shalt  }
0x52: {  	_ =	shalt  }
0x53: {  	_ =	shalt  }
0x54: {  	_ =	shalt  }
0x55: {  	_ =	shalt  }
0x56: {  	_ =	shalt  }
0x57: {  	_ =	shalt  }
0x58: {  	_ =	shalt  }
0x59: {  	_ =	shalt  }
0x5a: {  	_ =	shalt  }
0x5b: {  	_ =	shalt  }
0x5c: {  	_ =	shalt  }
0x5d: {  	_ =	shalt  }
0x5e: {  	_ =	shalt  }
0x5f: {  	_ =	shalt  }
0x60: {  	_ =	shalt  }
0x61: {  	_ =	shalt  }
0x62: {  	_ =	shalt  }
0x63: {  	_ =	shalt  }
0x64: {  	_ =	shalt  }
0x65: {  	_ =	shalt  }
0x66: {  	_ =	shalt  }
0x67: {  	_ =	shalt  }
0x68: {  	_ =	shalt  }
0x69: {  	_ =	shalt  }
0x6a: {  	_ =	shalt  }
0x6b: {  	_ =	shalt  }
0x6c: {  	_ =	shalt  }
0x6d: {  	_ =	shalt  }
0x6e: {  	_ =	shalt  }
0x6f: {  	_ =	shalt  }
0x70: {  	_ =	shalt  }
0x71: {  	_ =	shalt  }
0x72: {  	_ =	shalt  }
0x73: {  	_ =	shalt  }
0x74: {  	_ =	shalt  }
0x75: {  	_ =	shalt  }
0x76: {  	_ =	shalt  }
0x77: {  	_ =	shalt  }
0x78: {  	_ =	shalt  }
0x79: {  	_ =	shalt  }
0x7a: {  	_ =	shalt  }
0x7b: {  	_ =	shalt  }
0x7c: {  	_ =	shalt  }
0x7d: {  	_ =	shalt  }
0x7e: {  	_ =	shalt  }
0x7f: {  	_ =	shalt  }
0x80: {  	_ =	shalt  }
0x81: {  	_ =	shalt  }
0x82: {  	_ =	shalt  }
0x83: {  	_ =	shalt  }
0x84: {  	_ =	shalt  }
0x85: {  	_ =	shalt  }
0x86: {  	_ =	shalt  }
0x87: {  	_ =	shalt  }
.Lfunc_end0:
.L_simem_size_0:
called_computation.1_lowered:
.L_overlay_start_0:
0x88: {  	s2 =	sld [smem:$0x3FD9]  }
0x89: {  	s3 =	sld [smem:$0x3FFE];
	_ =	sdelay $0x1  }
0x8a: {  	s1 =	srdreg.scid  }
0x8b: {  	s0 =	sand.u32 $0x1, s1  }
0x8c: {  	s15 =	sshll.u32 s0, $0xA;
	s2 =	sadd.s32 s3, s2  }
0x8d: {  	s2 =	sadd.s32 s2, s15  }
0x8e: {  	[smem:$0x3FC4] =	sst s2  }
0x8f: {  	_ = 	snop  }
0x90: {  	s16 =	sld [smem:$0x3FD0];
	_ =	sdelay $0x2  }
0x91: {  	s4 =	simm.s32 $0xB;
	s5 =	simm.s32 $0x10;
	s2 =	sld [smem:$0x3FC8]  }
0x92: {  	[smem:s5], [sflag:s4] =	dma.local [hbm:s16], $0x1  }
0x93: {  	_ =	swait.eq [sflag:s4], $0x1  }
0x94: {  	[sflag:s4] =	ssyncset.done $0x0  }
0x95: {  	[sflag:s4] =	ssyncadd.s32 $0xFFFFFFFF  }
0x96: {  	s17 =	sld [smem:$0x11];
	(tm) =	ssettm $0x1  }
0x97: {  	s18 =	sld [smem:$0x3FFB];
	_ =	sdelay $0x3  }
0x98: {  	_ =	strace s18  }
0x99: {  	s3 =	sld [smem:$0x3FFC];
	_ =	sdelay $0x3  }
0x9a: {  	_ =	strace s3  }
0x9b: {  	s3 =	sld [smem:$0x3FFD];
	_ =	sdelay $0x3  }
0x9c: {  	_ =	strace s3  }
0x9d: {  	_ =	strace $0x8FFFFFFF  }
0x9e: {  	s19 =	sld [smem:$0x3FDB];
	_ =	sdelay $0x1  }
0x9f: {  	s20 =	simm.s32 $_scs_section_size  }
0xa0: {  	s6 =	simm.s32 $_size__tile_overlayer_lowered;
	s7 =	simm.s32 $_tile_overlayer_lowered  }
0xa1: {  	s8 =	simm.s32 $0x1BFF;
	s21 =	sshll.u32 s7, $0x1;
	s5 =	sadd.s32 s20, s19  }
0xa2: {  	s22 =	simm.s32 $0x0;
	s6 =	sshll.u32 s6, $0x1;
	s7 =	sadd.s32 s21, s5  }
0xa3: {  	[timem:s22], [sflag:s8] =	dma.local [hbm:s7], s6  }
0xa4: {  	_ =	swait.ge [sflag:s8], s6  }
0xa5: {  	s6 =	ssub.s32 $0x0, s6;
	[sflag:s8] =	ssyncset.done $0x0  }
0xa6: {  	[sflag:s8] =	ssyncadd.s32 s6;
	_ =	sdelay $0x1  }
0xa7: {  	s23 =	simm.s32 $0x1B8B  }
0xa8: {  	_ =	swait.ge [sflag:s23], $0x1  }
0xa9: {  	[sflag:s23] =	ssyncset.done $0x0  }
0xaa: {  	[sflag:s23] =	ssyncadd.s32 $0xFFFFFFFF  }
0xab: {  	s6 =	sld [smem:$0x0]  }
0xac: {  	s7 =	sand.u32 $0xFFFFFFFE, s1  }
0xad: {  	p0 =	sne.s32 s1, s7  }
0xae: {  	s7 =	sshll.u32 @p0 s7, $0xE  }
0xaf: {  	s7 =	sadd.s32 @p0 $0x11B8D, s7;
	s8 =	sshll.u32 @p0 s6, $0x11  }
0xb0: {  	s7 =	sor.u32 @p0 s8, s7  }
0xb1: {  	[sflag:s7] =	ssyncadd.remote.s32 @p0 $0x1;
	_ =	sdelay $0x1  }
0xb2: {  	s7 =	simm.s32 @p0 $0x1B8D  }
0xb3: {  	_ =	swait.eq @p0 [sflag:s7], $0x1  }
0xb4: {  	[sflag:s7] =	ssyncadd.s32 @p0 $0xFFFFFFFF  }
0xb5: {  	s8 =	sshll.u32 @!p0 s1, $0xE  }
0xb6: {  	s8 =	sor.u32 @!p0 $0x4000, s8;
	s7 =	simm.s32 @!p0 $0x1B8D  }
0xb7: {  	s6 =	sshll.u32 @!p0 s6, $0x11;
	s8 =	sadd.s32 @!p0 $0x11B8D, s8;
	_ =	swait.eq @!p0 [sflag:s7], $0x1  }
0xb8: {  	s6 =	sor.u32 @!p0 s6, s8;
	[sflag:s7] =	ssyncadd.s32 @!p0 $0xFFFFFFFF  }
0xb9: {  	s25 =	simm.s32 $0x1B8E;
	s24 =	sld [smem:$0x3FFE];
	[sflag:s6] =	ssyncadd.remote.s32 @!p0 $0x1  }
0xba: {  	s26 =	simm.s32 $execute0_lowered;
	[smem:$0x3FD2] =	sst s25  }
0xbb: {  	s7 =	sshll.u32 s26, $0x1;
	_ =	strace $0x80000049;
	[dreg:$0x1] =	wrdreg $0xFFFFFFFF  }
0xbc: {  	s28 =	simm.s32 $_size_execute0_lowered;
	s5 =	sadd.s32 s5, s7;
	[dreg:$0x0] =	wrdreg $0x0  }
0xbd: {  	s7 =	sshll.u32 s28, $0x1;
	[dreg:$0x2] =	wrdreg s5  }
0xbe: {  	[dreg:$0x3] =	wrdreg s7  }
0xbf: {  	[dreg:$0x4] =	wrdreg $0xC0  }
0xc0: {  	_ =	task [dreg:s22], $0x5FFFF  }
0xc1: {  	[dreg:$0x1] =	wrdreg $0xFFFFFFFF  }
0xc2: {  	[dreg:$0x0] =	wrdreg $0x60  }
0xc3: {  	[dreg:$0x2] =	wrdreg s2  }
0xc4: {  	[dreg:$0x3] =	wrdreg s24  }
0xc5: {  	[dreg:$0x4] =	wrdreg s17  }
0xc6: {  	[dreg:$0x5] =	wrdreg $0xA  }
0xc7: {  	_ =	task.clear_ibuf [dreg:s22], $0x6FFFF;
	_ =	strace $0x90000049  }
0xc8: {  	s29 =	simm.s32 $0xA;
	_ =	strace $0x8000004B  }
0xc9: {  	_ =	swait.ge [sflag:s29], $0x1  }
0xca: {  	[sflag:s29] =	ssyncadd.s32 $0xFFFFFFFF  }
0xcb: {  	_ =	strace $0x9000004B  }
0xcc: {  	_ =	sfence  }
0xcd: {  	s30 =	sld [smem:$0x0];
	_ =	sdelay $0x2  }
0xce: {  	s31 =	sshll.u32 s1, $0xD;
	s1 =	sshrl.u32 s1, $0x2  }
0xcf: {  	s4 =	sand.u32 $0x4000, s31;
	s1 =	sadd.s32 s1, s30  }
0xd0: {  	s0 =	sor.u32 s4, s0;
	s1 =	sshll.u32 s1, $0x11  }
0xd1: {  	s0 =	sor.u32 s1, s0  }
0xd2: {  	s0 =	sadd.s32 $0x8F2B, s0  }
0xd3: {  	[sflag:s0] =	ssyncadd.remote.s32 $0x1  }
0xd4: {  	_ =	sfence.sel $0xFFFF  }
0xd5: {  	[dreg:$0x0] =	wrdreg $0xFFFFFFFF;
	(pc) =	sbr.abs _section_cstart, $3  }
0xd6: {  	[dreg:$0x1] =	wrdreg $0xFFFFFFFF  }
0xd7: {  	_ =	task.clear_ibuf [dreg:s22], $0x2FFFF;
	_ =	strace $0x9FFFFFFF  }
0xd8: {  	(tm) =	ssettm $0x7FFFFFFF  }
0xd9: {  	_ =	shalt  }
tec
execute0_lowered:
.L_overlay_start_1:
0x0: {  	(tag) =	ssettag $0x1  }
0x1: {  	s6 =	rddreg [dreg:$0x0]  }
0x2: {  	s11 =	rddreg [dreg:$0x1];
	s1 =	srdreg.scid  }
0x3: {  	s0 =	stileid.u32;
	s7 =	rddreg [dreg:$0x2]  }
0x4: {  	s2 =	simm.s32 $0x0;
	s13 =	simm.s32 $0x5800;
	s15 =	simm.s32 $0xB000  }
0x5: {  	s17 =	simm.s32 $0x10800;
	s18 =	simm.s32 $0x1;
	s19 =	simm.s32 $0x4800  }
0x6: {  	s20 =	simm.s32 $0xA000;
	s21 =	simm.s32 $0xF800;
	s22 =	simm.s32 $0x15000  }
0x7: {  	s23 =	simm.s32 $0x16000;
	s24 =	simm.s32 $0xAF400;
	s25 =	simm.s32 $0x0  }
0x8: {  	s3 =	sand.u32 $0x1, s1;
	s4 =	sshll.u32 s0, $0x1;
	s1 =	rddreg [dreg:$0x3]  }
0x9: {  	[smem:$0x7FF] =	sst s2;
	s9 =	sadd.s32 $0x1080, s11;
	s12 =	sor.u32 s3, s4  }
0xa: {  	s10 =	sadd.s32 $0x1100, s11;
	s31 =	ssub.s32 $0x2, s3;
	s5 =	smul.u32 $0xB00, s12  }
.Ltmp0:
0xb: {  	v0 =	vlaneseq.u32;
	v1 =	vimm.s32 $0x0;
	_ =	strace $0x8000004A;
	s3 =	sadd.s32 $0x1000, s11;
	(pc) =	sbr.rel .LBB2_1-.Ltmp0, $4  }
0xc: {  	v2 =	vimm.s32 $0x2;
	v3 =	vimm.s32 $0x4;
	v4 =	vimm.s32 $0x6;
	s11 =	sadd.s32 $0x1180, s11;
	s8 =	sshrl.u32 s31, $0x1;
	p0 =	seq.s32 s12, $0x1F  }
0xd: {  	v5 =	vimm.s32 $0x8;
	v6 =	vimm.s32 $0xA;
	v7 =	vimm.s32 $0xC;
	s8 =	ssub.s32 s31, s8;
	s4 =	sadd.s32 s6, s5;
	s5 =	sadd.s32 s7, s5  }
0xe: {  	v8 =	vimm.s32 $0xE;
	v9 =	vimm.s32 $0x10;
	v10 =	vimm.s32 $0x12;
	s6 =	sadd.s32 $0x15500, s6;
	s7 =	sadd.s32 $0x15500, s7;
	s8 =	smax.u32 s8, $0x1  }
0xf: {  	v11 =	vimm.s32 $0x14;
	v12 =	vimm.s32 $0x16;
	v13 =	vimm.s32 $0x18;
	s12 =	sadd.s32 $0x15E80, s6;
	s14 =	sadd.s32 $0x2BD00, s6;
	s16 =	sadd.s32 $0x41B80, s6  }
.LBB2_4:
0x10: {  	[hbm4b:s5+s2] =	stream.linear.scatter [tilespmem:s23], [sflag:$0x1], $0x5800, $0x38;
	[tilespmem:$0x1B800] =	vst v63  }
0x11: {  	_ =	swait.ge [sflag:s18], $0x5800  }
0x12: {  	[sflag:s18] =	ssyncset.done $0x0  }
0x13: {  	[sflag:s18] =	ssyncadd.s32 $0xFFFFA800  }
.LBB2_10:
0x14: {  	s25 =	sadd.s32 $0x1, s25  }
0x15: {  	p1 =	sne.s32 s25, s8  }
.Ltmp1:
0x16: {  	_ = 	snop;
	(pc) =	sbr.rel @!p1 .LBB2_11-.Ltmp1, $1  }
0x17: {  	_ =	sdelay $0x3  }
.LBB2_1:
.Ltmp2:
0x18: {  	(pc) =	sbr.rel @!p0 .LBB2_2-.Ltmp2, $2  }
0x19: {  	_ =	sdelay $0x2  }
0x1a: {  	s26 =	simm.s32 $0x0  }
0x1b: {  	[tilespmem:s26], [sflag:$0x1] =	stream.linear.gather [hbm4b:s6+s26], $0x4800, $0x38;
	[tilespmem:$0x1B800] =	vst v63  }
0x1c: {  	_ = 	snop  }
0x1d: {  	[tilespmem:s13], [sflag:$0x1] =	stream.linear.gather [hbm4b:s12+s26], $0x4800, $0x38;
	[tilespmem:$0x1B800] =	vst v63  }
0x1e: {  	_ = 	snop  }
0x1f: {  	[tilespmem:s15], [sflag:$0x1] =	stream.linear.gather [hbm4b:s14+s26], $0x4800, $0x38;
	[tilespmem:$0x1B800] =	vst v63  }
0x20: {  	_ = 	snop  }
0x21: {  	[tilespmem:s17], [sflag:$0x1] =	stream.linear.gather [hbm4b:s16+s26], $0x4800, $0x38;
	[tilespmem:$0x1B800] =	vst v63  }
0x22: {  	_ =	swait.ge [sflag:s18], $0x12000  }
0x23: {  	[sflag:s18] =	ssyncset.done $0x0  }
0x24: {  	s28 =	simm.s32 $0x0;
	[sflag:s18] =	ssyncadd.s32 $0xFFFEE000  }
.LBB2_6:
0x25: {  	v14 =	vmov s28  }
0x26: {  	v15 =	vor.u32 s28, v0;
	v14 =	vshll.u32 v14, $0x3  }
0x27: {  	v16 =	vand.u32 $0x7F, v15;
	v15 =	vand.u32 $0x7C00, v14  }
0x28: {  	v14 =	vor.u32 v16, v14;
	v17 =	vor.u32 v16, v15  }
0x29: {  	v14 =	vor.u32 $0x380, v14  }
0x2a: {  	v15 =	vor.u32 $0x80, v17  }
0x2b: {  	v18 =	vor.u32 $0x100, v17  }
0x2c: {  	v19 =	vor.u32 $0x180, v17  }
0x2d: {  	v20 =	vor.u32 $0x200, v17;
	v21 =	vld.idx.msk [tilespmem:v17+s2+$0x0], $0xffff  }
0x2e: {  	v22 =	vor.u32 $0x280, v17;
	v27 =	vld.idx.msk [tilespmem:v14+s2+$0x0], $0xffff  }
0x2f: {  	v23 =	vor.u32 $0x300, v17;
	v15 =	vld.idx.msk [tilespmem:v15+s2+$0x0], $0xffff  }
0x30: {  	v57 =	vadd.s32 $0x5800, v17;
	v18 =	vld.idx.msk [tilespmem:v18+s2+$0x0], $0xffff  }
0x31: {  	v24 =	vadd.s32 $0x5880, v17;
	v19 =	vld.idx.msk [tilespmem:v19+s2+$0x0], $0xffff  }
0x32: {  	v25 =	vadd.s32 $0x5900, v17;
	v20 =	vld.idx.msk [tilespmem:v20+s2+$0x0], $0xffff  }
0x33: {  	v26 =	vadd.s32 $0x5980, v17;
	v22 =	vld.idx.msk [tilespmem:v22+s2+$0x0], $0xffff  }
0x34: {  	v59 =	vadd.s32 $0x5B00, v17;
	v23 =	vld.idx.msk [tilespmem:v23+s2+$0x0], $0xffff  }
0x35: {  	v60 =	vadd.s32 $0x5B80, v17;
	v28 =	vld.idx.msk [tilespmem:v57+s2+$0x0], $0xffff  }
0x36: {  	v61 =	vadd.s32 $0xB000, v17;
	v29 =	vld.idx.msk [tilespmem:v24+s2+$0x0], $0xffff  }
0x37: {  	v32 =	vadd.s32 $0xB080, v17;
	v30 =	vld.idx.msk [tilespmem:v25+s2+$0x0], $0xffff  }
0x38: {  	v35 =	vadd.s32 $0xB200, v17;
	v31 =	vld.idx.msk [tilespmem:v26+s2+$0x0], $0xffff  }
0x39: {  	v36 =	vadd.s32 $0xB280, v17;
	v40 =	vld.idx.msk [tilespmem:v59+s2+$0x0], $0xffff  }
0x3a: {  	v62 =	vadd.s32 $0xB300, v17;
	v41 =	vld.idx.msk [tilespmem:v60+s2+$0x0], $0xffff  }
0x3b: {  	v38 =	vadd.s32 $0xB380, v17;
	v43 =	vld.idx.msk [tilespmem:v61+s2+$0x0], $0xffff  }
0x3c: {  	v45 =	vld.idx.msk [tilespmem:v32+s2+$0x0], $0xffff  }
0x3d: {  	v14 =	vadd.s32 $0x5A00, v17;
	v51 =	vld.idx.msk [tilespmem:v35+s2+$0x0], $0xffff  }
0x3e: {  	v53 =	vld.idx.msk [tilespmem:v36+s2+$0x0], $0xffff  }
0x3f: {  	v55 =	vld.idx.msk [tilespmem:v62+s2+$0x0], $0xffff  }
0x40: {  	v58 =	vadd.s32 $0x5A80, v17;
	v56 =	vld.idx.msk [tilespmem:v38+s2+$0x0], $0xffff  }
0x41: {  	v33 =	vadd.s32 $0xB100, v17;
	v39 =	vadd.s32 $0x10800, v17;
	v24 =	vadd.s32 $0x10880, v17  }
0x42: {  	v34 =	vld.idx.msk [tilespmem:v14+s2+$0x0], $0xffff;
	v14 =	vadd.s32 $0xB180, v17;
	v17 =	vadd.s32 $0x10900, v17;
	vm0 =	vgt.f32 v15, v21  }
0x43: {  	vm10 =	vgt.f32 v19, v18;
	vm11 =	vgt.f32 v22, v20;
	vm12 =	vgt.f32 v27, v23  }
0x44: {  	vm13 =	vgt.f32 v29, v28;
	vm14 =	vgt.f32 v31, v30;
	vm4 =	vgt.f32 v41, v40  }
0x45: {  	vm1 =	vgt.f32 v45, v43;
	vm7 =	vgt.f32 v53, v51;
	vm9 =	vgt.f32 v56, v55  }
0x46: {  	v25 =	vsel vm0, v15, v21;
	v42 =	vsel vm0, $0x1, v1;
	v63 =	vsel vm10, v19, v18  }
0x47: {  	v37 =	vld.idx.msk [tilespmem:v58+s2+$0x0], $0xffff;
	v44 =	vsel vm10, $0x3, v2;
	v32 =	vsel vm11, v22, v20;
	v46 =	vsel vm11, $0x5, v3  }
0x48: {  	v47 =	vld.idx.msk [tilespmem:v33+s2+$0x0], $0xffff;
	v33 =	vsel vm12, v27, v23;
	v48 =	vsel vm12, $0x7, v4;
	v50 =	vsel vm13, $0x9, v5  }
0x49: {  	v58 =	vld.idx.msk [tilespmem:v39+s2+$0x0], $0xffff;
	v60 =	vsel vm14, v31, v30;
	v52 =	vsel vm14, $0xB, v6;
	v61 =	vsel vm4, v41, v40  }
0x4a: {  	v59 =	vld.idx.msk [tilespmem:v24+s2+$0x0], $0xffff;
	v62 =	vsel vm4, $0xF, v8;
	v57 =	vsel vm1, v45, v43;
	vm2 =	vgt.f32 v63, v25  }
0x4b: {  	v26 =	vsel vm1, $0x11, v9;
	vm6 =	vgt.f32 v33, v32;
	v25 =	vsel vm2, v63, v25  }
0x4c: {  	v24 =	vsel vm2, v44, v42;
	v32 =	vsel vm6, v33, v32;
	v42 =	vsel vm6, v48, v46  }
0x4d: {  	v44 =	vsel vm7, v53, v51;
	v49 =	vld.idx.msk [tilespmem:v14+s2+$0x0], $0xffff;
	v14 =	vsel vm13, v29, v28;
	vm15 =	vgt.f32 v37, v34  }
0x4e: {  	v46 =	vld.idx.msk [tilespmem:v17+s2+$0x0], $0xffff;
	v17 =	vsel vm7, $0x15, v11;
	v36 =	vsel vm15, v37, v34;
	v54 =	vsel vm15, $0xD, v7  }
0x4f: {  	vm8 =	vgt.f32 v60, v14;
	vm11 =	vgt.f32 v59, v58;
	vm15 =	vgt.f32 v32, v25  }
0x50: {  	v14 =	vsel vm8, v60, v14;
	vm10 =	vgt.f32 v61, v36;
	v35 =	vsel vm8, v52, v50  }
0x51: {  	v60 =	vsel vm9, v56, v55;
	v25 =	vsel vm15, v32, v25;
	v24 =	vsel vm15, v42, v24  }
0x52: {  	v16 =	vsel vm10, v61, v36;
	v61 =	vsel vm9, $0x17, v12;
	v38 =	vsel vm10, v62, v54  }
0x53: {  	v62 =	vsel vm11, v59, v58;
	vm13 =	vgt.f32 v60, v44;
	vm5 =	vgt.f32 v49, v47  }
0x54: {  	v48 =	vsel vm13, v60, v44;
	v17 =	vsel vm13, v61, v17;
	v63 =	vsel vm5, v49, v47  }
0x55: {  	vm4 =	vgt.f32 v16, v14;
	vm14 =	vgt.f32 v46, v62;
	vm12 =	vgt.f32 v63, v57  }
0x56: {  	v14 =	vsel vm4, v16, v14;
	v61 =	vsel vm4, v38, v35;
	v39 =	vsel vm12, v63, v57  }
0x57: {  	v33 =	vsel vm5, $0x13, v10;
	vm6 =	vgt.f32 v14, v25;
	vm5 =	vgt.f32 v48, v39  }
0x58: {  	v54 =	vsel vm14, v46, v62;
	v14 =	vsel vm6, v14, v25;
	v60 =	vsel vm5, v48, v39  }
0x59: {  	v63 =	vsel vm11, $0x19, v13;
	v26 =	vsel vm12, v33, v26;
	vm7 =	vgt.f32 v54, v60  }
0x5a: {  	v57 =	vsel vm14, $0x1A, v63;
	v17 =	vsel vm5, v17, v26;
	v16 =	vsel vm7, v54, v60  }
0x5b: {  	v24 =	vsel vm6, v61, v24;
	v17 =	vsel vm7, v57, v17;
	vm8 =	vgt.f32 v16, v14  }
0x5c: {  	v14 =	vsel vm8, v17, v24  }
0x5d: {  	vm0 =	veq.s32 v14, $0x0  }
0x5e: {  	vm9 =	veq.s32 v14, $0x1;
	vm10 =	veq.s32 v14, $0x2;
	vm11 =	veq.s32 v14, $0x3  }
0x5f: {  	vm12 =	veq.s32 v14, $0x4;
	vm13 =	veq.s32 v14, $0x5;
	vm14 =	veq.s32 v14, $0x6  }
0x60: {  	vm15 =	veq.s32 v14, $0x7;
	vm4 =	veq.s32 v14, $0x8;
	vm5 =	veq.s32 v14, $0x9  }
0x61: {  	vm6 =	veq.s32 v14, $0xA;
	vm7 =	veq.s32 v14, $0xB;
	vm8 =	veq.s32 v14, $0xC  }
0x62: {  	v16 =	vsel vm0, $0xFF800000, v21;
	v17 =	vsel vm9, $0xFF800000, v15;
	v18 =	vsel vm10, $0xFF800000, v18  }
0x63: {  	v19 =	vsel vm11, $0xFF800000, v19;
	v20 =	vsel vm12, $0xFF800000, v20;
	v21 =	vsel vm13, $0xFF800000, v22  }
0x64: {  	v22 =	vsel vm14, $0xFF800000, v23;
	v23 =	vsel vm15, $0xFF800000, v27;
	v24 =	vsel vm4, $0xFF800000, v28  }
0x65: {  	v25 =	vsel vm5, $0xFF800000, v29;
	v26 =	vsel vm6, $0xFF800000, v30;
	v27 =	vsel vm7, $0xFF800000, v31  }
0x66: {  	v28 =	vsel vm8, $0xFF800000, v34;
	vm9 =	veq.s32 v14, $0xD;
	vm10 =	veq.s32 v14, $0xE  }
0x67: {  	vm11 =	veq.s32 v14, $0xF;
	vm12 =	veq.s32 v14, $0x10;
	vm13 =	veq.s32 v14, $0x11  }
0x68: {  	vm14 =	veq.s32 v14, $0x12;
	vm15 =	veq.s32 v14, $0x13;
	vm4 =	veq.s32 v14, $0x14  }
0x69: {  	vm5 =	veq.s32 v14, $0x15;
	vm6 =	veq.s32 v14, $0x16;
	vm7 =	veq.s32 v14, $0x17  }
0x6a: {  	vm8 =	veq.s32 v14, $0x18;
	v29 =	vsel vm9, $0xFF800000, v37;
	v30 =	vsel vm10, $0xFF800000, v40  }
0x6b: {  	v31 =	vsel vm11, $0xFF800000, v41;
	v32 =	vsel vm12, $0xFF800000, v43;
	v33 =	vsel vm13, $0xFF800000, v45  }
0x6c: {  	v34 =	vsel vm14, $0xFF800000, v47;
	v35 =	vsel vm15, $0xFF800000, v49;
	v36 =	vsel vm4, $0xFF800000, v51  }
0x6d: {  	v37 =	vsel vm5, $0xFF800000, v53;
	v38 =	vsel vm6, $0xFF800000, v55;
	v39 =	vsel vm7, $0xFF800000, v56  }
0x6e: {  	v40 =	vsel vm8, $0xFF800000, v58;
	vm9 =	veq.s32 v14, $0x19;
	vm10 =	veq.s32 v14, $0x1A  }
0x6f: {  	vm11 =	vgt.f32 v17, v16;
	vm12 =	vgt.f32 v19, v18;
	vm13 =	vgt.f32 v21, v20  }
0x70: {  	vm14 =	vgt.f32 v23, v22;
	vm15 =	vgt.f32 v25, v24;
	vm4 =	vgt.f32 v27, v26  }
0x71: {  	v41 =	vsel vm9, $0xFF800000, v59;
	v42 =	vsel vm10, $0xFF800000, v46;
	v15 =	vsel vm11, v17, v16  }
0x72: {  	v43 =	vsel vm11, $0x1, v1;
	v44 =	vsel vm12, v19, v18;
	v45 =	vsel vm12, $0x3, v2  }
0x73: {  	v46 =	vsel vm13, v21, v20;
	v47 =	vsel vm13, $0x5, v3;
	v62 =	vsel vm14, v23, v22  }
0x74: {  	v63 =	vsel vm14, $0x7, v4;
	v50 =	vsel vm15, v25, v24;
	v51 =	vsel vm15, $0x9, v5  }
0x75: {  	v52 =	vsel vm4, v27, v26;
	v53 =	vsel vm4, $0xB, v6;
	vm5 =	vgt.f32 v29, v28  }
0x76: {  	vm6 =	vgt.f32 v31, v30;
	vm7 =	vgt.f32 v33, v32;
	vm9 =	vgt.f32 v35, v34  }
0x77: {  	vm11 =	vgt.f32 v37, v36;
	vm13 =	vgt.f32 v39, v38;
	v54 =	vsel vm5, v29, v28  }
0x78: {  	v55 =	vsel vm5, $0xD, v7;
	v60 =	vsel vm6, v31, v30;
	vm8 =	vgt.f32 v44, v15  }
0x79: {  	v61 =	vsel vm6, $0xF, v8;
	vm10 =	vgt.f32 v62, v46;
	vm12 =	vgt.f32 v52, v50  }
0x7a: {  	vm15 =	vgt.f32 v41, v40;
	v15 =	vsel vm8, v44, v15;
	v44 =	vsel vm7, v33, v32  }
0x7b: {  	v43 =	vsel vm8, v45, v43;
	v45 =	vsel vm7, $0x11, v9;
	v46 =	vsel vm10, v62, v46  }
0x7c: {  	v62 =	vsel vm9, v35, v34;
	v47 =	vsel vm10, v63, v47;
	v63 =	vsel vm9, $0x13, v10  }
0x7d: {  	v50 =	vsel vm12, v52, v50;
	v52 =	vsel vm11, v37, v36;
	vm14 =	vgt.f32 v60, v54  }
0x7e: {  	v51 =	vsel vm12, v53, v51;
	v53 =	vsel vm11, $0x15, v11;
	v54 =	vsel vm14, v60, v54  }
0x7f: {  	v60 =	vsel vm13, v39, v38;
	v55 =	vsel vm14, v61, v55;
	vm4 =	vgt.f32 v62, v44  }
0x80: {  	v61 =	vsel vm13, $0x17, v12;
	vm7 =	vgt.f32 v46, v15;
	v44 =	vsel vm4, v62, v44  }
0x81: {  	v62 =	vsel vm15, v41, v40;
	v45 =	vsel vm4, v63, v45;
	v63 =	vsel vm15, $0x19, v13  }
0x82: {  	vm5 =	vgt.f32 v60, v52;
	v15 =	vsel vm7, v46, v15;
	vm8 =	vgt.f32 v54, v50  }
0x83: {  	v43 =	vsel vm7, v47, v43;
	v52 =	vsel vm5, v60, v52;
	v53 =	vsel vm5, v61, v53  }
0x84: {  	vm6 =	vgt.f32 v42, v62;
	v58 =	vsel vm8, v54, v50;
	vm9 =	vgt.f32 v52, v44  }
0x85: {  	v59 =	vsel vm8, v55, v51;
	v48 =	vsel vm6, v42, v62;
	v44 =	vsel vm9, v52, v44  }
0x86: {  	v49 =	vsel vm6, $0x1A, v63;
	vm10 =	vgt.f32 v58, v15;
	vm11 =	vgt.f32 v48, v44  }
0x87: {  	v45 =	vsel vm9, v53, v45;
	v15 =	vsel vm10, v58, v15;
	v44 =	vsel vm11, v48, v44  }
0x88: {  	v43 =	vsel vm10, v59, v43;
	v45 =	vsel vm11, v49, v45;
	vm12 =	vgt.f32 v44, v15  }
0x89: {  	v15 =	vsel vm12, v45, v43  }
0x8a: {  	vm0 =	veq.s32 v15, $0x0  }
0x8b: {  	vm13 =	veq.s32 v15, $0x1;
	vm14 =	veq.s32 v15, $0x2;
	vm15 =	veq.s32 v15, $0x3  }
0x8c: {  	vm4 =	veq.s32 v15, $0x4;
	vm5 =	veq.s32 v15, $0x5;
	vm6 =	veq.s32 v15, $0x6  }
0x8d: {  	vm7 =	veq.s32 v15, $0x7;
	vm8 =	veq.s32 v15, $0x8;
	vm9 =	veq.s32 v15, $0x9  }
0x8e: {  	vm10 =	veq.s32 v15, $0xA;
	vm11 =	veq.s32 v15, $0xB;
	vm12 =	veq.s32 v15, $0xC  }
0x8f: {  	v43 =	vsel vm0, $0xFF800000, v16;
	v44 =	vsel vm13, $0xFF800000, v17;
	v45 =	vsel vm14, $0xFF800000, v18  }
0x90: {  	v46 =	vsel vm15, $0xFF800000, v19;
	v20 =	vsel vm4, $0xFF800000, v20;
	v21 =	vsel vm5, $0xFF800000, v21  }
0x91: {  	v22 =	vsel vm6, $0xFF800000, v22;
	v23 =	vsel vm7, $0xFF800000, v23;
	v24 =	vsel vm8, $0xFF800000, v24  }
0x92: {  	v25 =	vsel vm9, $0xFF800000, v25;
	v26 =	vsel vm10, $0xFF800000, v26;
	v27 =	vsel vm11, $0xFF800000, v27  }
0x93: {  	v47 =	vsel vm12, $0xFF800000, v28;
	vm13 =	veq.s32 v15, $0xD;
	vm14 =	veq.s32 v15, $0xE  }
0x94: {  	vm15 =	veq.s32 v15, $0xF;
	vm4 =	veq.s32 v15, $0x10;
	vm5 =	veq.s32 v15, $0x11  }
0x95: {  	vm6 =	veq.s32 v15, $0x12;
	vm7 =	veq.s32 v15, $0x13;
	vm8 =	veq.s32 v15, $0x14  }
0x96: {  	vm9 =	veq.s32 v15, $0x15;
	vm10 =	veq.s32 v15, $0x16;
	vm11 =	veq.s32 v15, $0x17  }
0x97: {  	vm12 =	veq.s32 v15, $0x18;
	v29 =	vsel vm13, $0xFF800000, v29;
	v48 =	vsel vm14, $0xFF800000, v30  }
0x98: {  	v31 =	vsel vm15, $0xFF800000, v31;
	v49 =	vsel vm4, $0xFF800000, v32;
	v50 =	vsel vm5, $0xFF800000, v33  }
0x99: {  	v51 =	vsel vm6, $0xFF800000, v34;
	v52 =	vsel vm7, $0xFF800000, v35;
	v53 =	vsel vm8, $0xFF800000, v36  }
0x9a: {  	v54 =	vsel vm9, $0xFF800000, v37;
	v55 =	vsel vm10, $0xFF800000, v38;
	v56 =	vsel vm11, $0xFF800000, v39  }
0x9b: {  	v18 =	vsel vm12, $0xFF800000, v40;
	vm13 =	veq.s32 v15, $0x19;
	vm14 =	veq.s32 v15, $0x1A  }
0x9c: {  	vm15 =	vgt.f32 v44, v43;
	vm4 =	vgt.f32 v46, v45;
	vm5 =	vgt.f32 v21, v20  }
0x9d: {  	vm6 =	vgt.f32 v23, v22;
	vm7 =	vgt.f32 v25, v24;
	vm8 =	vgt.f32 v27, v26  }
0x9e: {  	v19 =	vsel vm13, $0xFF800000, v41;
	v17 =	vsel vm14, $0xFF800000, v42;
	v16 =	vsel vm15, v44, v43  }
0x9f: {  	v28 =	vsel vm15, $0x1, v1;
	v60 =	vsel vm4, v46, v45;
	v32 =	vsel vm4, $0x3, v2  }
0xa0: {  	v33 =	vsel vm5, v21, v20;
	v34 =	vsel vm5, $0x5, v3;
	v35 =	vsel vm6, v23, v22  }
0xa1: {  	v61 =	vsel vm6, $0x7, v4;
	v37 =	vsel vm7, v25, v24;
	v38 =	vsel vm7, $0x9, v5  }
0xa2: {  	v62 =	vsel vm8, v27, v26;
	v63 =	vsel vm8, $0xB, v6;
	vm9 =	vgt.f32 v29, v47  }
0xa3: {  	vm10 =	vgt.f32 v31, v48;
	vm12 =	vgt.f32 v50, v49;
	vm14 =	vgt.f32 v52, v51  }
0xa4: {  	vm4 =	vgt.f32 v54, v53;
	vm6 =	vgt.f32 v56, v55;
	v41 =	vsel vm9, v29, v47  }
0xa5: {  	vm11 =	vgt.f32 v60, v16;
	v42 =	vsel vm9, $0xD, v7;
	v57 =	vsel vm10, v31, v48  }
0xa6: {  	vm13 =	vgt.f32 v35, v33;
	vm15 =	vgt.f32 v62, v37;
	vm8 =	vgt.f32 v19, v18  }
0xa7: {  	v16 =	vsel vm11, v60, v16;
	v60 =	vsel vm10, $0xF, v8;
	v28 =	vsel vm11, v32, v28  }
0xa8: {  	v32 =	vsel vm12, v50, v49;
	v33 =	vsel vm13, v35, v33;
	v35 =	vsel vm12, $0x11, v9  }
0xa9: {  	v34 =	vsel vm13, v61, v34;
	v61 =	vsel vm14, v52, v51;
	v37 =	vsel vm15, v62, v37  }
0xaa: {  	v62 =	vsel vm14, $0x13, v10;
	vm5 =	vgt.f32 v57, v41;
	v38 =	vsel vm15, v63, v38  }
0xab: {  	v63 =	vsel vm4, v54, v53;
	v41 =	vsel vm5, v57, v41;
	v57 =	vsel vm4, $0x15, v11  }
0xac: {  	vm7 =	vgt.f32 v61, v32;
	v30 =	vsel vm5, v60, v42;
	v60 =	vsel vm6, v56, v55  }
0xad: {  	vm11 =	vgt.f32 v33, v16;
	v32 =	vsel vm7, v61, v32;
	v61 =	vsel vm6, $0x17, v12  }
0xae: {  	vm9 =	vgt.f32 v60, v63;
	v35 =	vsel vm7, v62, v35;
	v62 =	vsel vm8, v19, v18  }
0xaf: {  	v16 =	vsel vm11, v33, v16;
	vm12 =	vgt.f32 v41, v37;
	v28 =	vsel vm11, v34, v28  }
0xb0: {  	v40 =	vsel vm9, v60, v63;
	v63 =	vsel vm8, $0x19, v13;
	v36 =	vsel vm9, v61, v57  }
0xb1: {  	vm10 =	vgt.f32 v17, v62;
	v58 =	vsel vm12, v41, v37;
	vm13 =	vgt.f32 v40, v32  }
0xb2: {  	v30 =	vsel vm12, v30, v38;
	v39 =	vsel vm10, v17, v62;
	v32 =	vsel vm13, v40, v32  }
0xb3: {  	v42 =	vsel vm10, $0x1A, v63;
	vm14 =	vgt.f32 v58, v16;
	vm15 =	vgt.f32 v39, v32  }
0xb4: {  	v59 =	vsel vm13, v36, v35;
	v16 =	vsel vm14, v58, v16;
	v32 =	vsel vm15, v39, v32  }
0xb5: {  	v28 =	vsel vm14, v30, v28;
	v60 =	vsel vm15, v42, v59;
	vm4 =	vgt.f32 v32, v16  }
0xb6: {  	v16 =	vsel vm4, v60, v28  }
0xb7: {  	vm0 =	veq.s32 v16, $0x0  }
0xb8: {  	vm5 =	veq.s32 v16, $0x1;
	vm6 =	veq.s32 v16, $0x2;
	vm7 =	veq.s32 v16, $0x3  }
0xb9: {  	vm8 =	veq.s32 v16, $0x4;
	vm9 =	veq.s32 v16, $0x5;
	vm10 =	veq.s32 v16, $0x6  }
0xba: {  	vm11 =	veq.s32 v16, $0x7;
	vm12 =	veq.s32 v16, $0x8;
	vm13 =	veq.s32 v16, $0x9  }
0xbb: {  	vm14 =	veq.s32 v16, $0xA;
	vm15 =	veq.s32 v16, $0xB;
	vm4 =	veq.s32 v16, $0xC  }
0xbc: {  	v42 =	vsel vm0, $0xFF800000, v43;
	v40 =	vsel vm5, $0xFF800000, v44;
	v41 =	vsel vm6, $0xFF800000, v45  }
0xbd: {  	v43 =	vsel vm7, $0xFF800000, v46;
	v38 =	vsel vm8, $0xFF800000, v20;
	v34 =	vsel vm9, $0xFF800000, v21  }
0xbe: {  	v36 =	vsel vm10, $0xFF800000, v22;
	v39 =	vsel vm11, $0xFF800000, v23;
	v35 =	vsel vm12, $0xFF800000, v24  }
0xbf: {  	v37 =	vsel vm13, $0xFF800000, v25;
	v32 =	vsel vm14, $0xFF800000, v26;
	v28 =	vsel vm15, $0xFF800000, v27  }
0xc0: {  	v30 =	vsel vm4, $0xFF800000, v47;
	vm5 =	veq.s32 v16, $0xD;
	vm6 =	veq.s32 v16, $0xE  }
0xc1: {  	vm7 =	veq.s32 v16, $0xF;
	vm8 =	veq.s32 v16, $0x10;
	vm9 =	veq.s32 v16, $0x11  }
0xc2: {  	vm10 =	veq.s32 v16, $0x12;
	vm11 =	veq.s32 v16, $0x13;
	vm12 =	veq.s32 v16, $0x14  }
0xc3: {  	vm13 =	veq.s32 v16, $0x15;
	vm14 =	veq.s32 v16, $0x16;
	vm15 =	veq.s32 v16, $0x17  }
0xc4: {  	v33 =	vsel vm5, $0xFF800000, v29;
	v29 =	vsel vm6, $0xFF800000, v48;
	v31 =	vsel vm7, $0xFF800000, v31  }
0xc5: {  	v26 =	vsel vm8, $0xFF800000, v49;
	v24 =	vsel vm9, $0xFF800000, v50;
	v25 =	vsel vm10, $0xFF800000, v51  }
0xc6: {  	v27 =	vsel vm11, $0xFF800000, v52;
	v23 =	vsel vm12, $0xFF800000, v53;
	v22 =	vsel vm13, $0xFF800000, v54  }
0xc7: {  	v20 =	vsel vm14, $0xFF800000, v55;
	v21 =	vsel vm15, $0xFF800000, v56;
	vm4 =	vgt.f32 v40, v42  }
0xc8: {  	vm5 =	vgt.f32 v43, v41;
	vm6 =	vgt.f32 v34, v38;
	vm7 =	vgt.f32 v39, v36  }
0xc9: {  	vm8 =	vgt.f32 v37, v35;
	vm9 =	vgt.f32 v28, v32;
	v44 =	vsel vm4, v40, v42  }
0xca: {  	v45 =	vsel vm4, $0x1, v1;
	v46 =	vsel vm5, v43, v41;
	v61 =	vsel vm5, $0x3, v2  }
0xcb: {  	v48 =	vsel vm6, v34, v38;
	v49 =	vsel vm6, $0x5, v3;
	v50 =	vsel vm7, v39, v36  }
0xcc: {  	v51 =	vsel vm7, $0x7, v4;
	v52 =	vsel vm8, v37, v35;
	v53 =	vsel vm8, $0x9, v5  }
0xcd: {  	v62 =	vsel vm9, v28, v32;
	v63 =	vsel vm9, $0xB, v6;
	vm10 =	vgt.f32 v33, v30  }
0xce: {  	vm11 =	vgt.f32 v31, v29;
	vm13 =	vgt.f32 v24, v26;
	vm15 =	vgt.f32 v27, v25  }
0xcf: {  	vm5 =	vgt.f32 v22, v23;
	vm7 =	vgt.f32 v21, v20;
	v56 =	vsel vm10, v33, v30  }
0xd0: {  	vm12 =	vgt.f32 v46, v44;
	v57 =	vsel vm10, $0xD, v7;
	v60 =	vsel vm11, v31, v29  }
0xd1: {  	vm14 =	vgt.f32 v50, v48;
	vm4 =	vgt.f32 v62, v52;
	v44 =	vsel vm12, v46, v44  }
0xd2: {  	v45 =	vsel vm12, v61, v45;
	v61 =	vsel vm11, $0xF, v8;
	v48 =	vsel vm14, v50, v48  }
0xd3: {  	v50 =	vsel vm13, v24, v26;
	v49 =	vsel vm14, v51, v49;
	v51 =	vsel vm13, $0x11, v9  }
0xd4: {  	v52 =	vsel vm4, v62, v52;
	v62 =	vsel vm15, v27, v25;
	v53 =	vsel vm4, v63, v53  }
0xd5: {  	vm6 =	vgt.f32 v60, v56;
	v63 =	vsel vm15, $0x13, v10;
	vm11 =	veq.s32 v16, $0x18  }
0xd6: {  	vm12 =	veq.s32 v16, $0x19;
	vm13 =	veq.s32 v16, $0x1A;
	v46 =	vsel vm6, v60, v56  }
0xd7: {  	v60 =	vsel vm5, v22, v23;
	v47 =	vsel vm6, v61, v57;
	vm8 =	vgt.f32 v62, v50  }
0xd8: {  	v61 =	vsel vm5, $0x15, v11;
	vm10 =	vgt.f32 v48, v44;
	v19 =	vsel vm12, $0xFF800000, v19  }
0xd9: {  	v50 =	vsel vm8, v62, v50;
	v62 =	vsel vm7, v21, v20;
	v51 =	vsel vm8, v63, v51  }
0xda: {  	v63 =	vsel vm7, $0x17, v12;
	v48 =	vsel vm10, v48, v44;
	v45 =	vsel vm10, v49, v45  }
0xdb: {  	v44 =	vsel vm11, $0xFF800000, v18;
	vm14 =	vgt.f32 v46, v52;
	v18 =	vsel vm13, $0xFF800000, v17  }
0xdc: {  	vm9 =	vgt.f32 v62, v60;
	vm1 =	vgt.f32 v19, v44;
	v56 =	vsel vm14, v46, v52  }
0xdd: {  	v47 =	vsel vm14, v47, v53;
	v54 =	vsel vm9, v62, v60;
	v57 =	vsel vm1, v19, v44  }
0xde: {  	v55 =	vsel vm9, v63, v61;
	vm0 =	vgt.f32 v18, v57;
	vm15 =	vgt.f32 v54, v50  }
0xdf: {  	vm4 =	vgt.f32 v56, v48;
	v58 =	vsel vm15, v54, v50;
	v46 =	vsel vm0, v18, v57  }
0xe0: {  	v60 =	vsel vm1, $0x19, v13;
	v17 =	vsel vm4, v56, v48;
	vm5 =	vgt.f32 v46, v58  }
0xe1: {  	v59 =	vsel vm15, v55, v51;
	v61 =	vsel vm0, $0x1A, v60;
	v46 =	vsel vm5, v46, v58  }
0xe2: {  	v62 =	vsel vm4, v47, v45;
	v63 =	vsel vm5, v61, v59;
	vm6 =	vgt.f32 v46, v17  }
0xe3: {  	v17 =	vsel vm6, v63, v62  }
0xe4: {  	vm0 =	veq.s32 v17, $0x0  }
0xe5: {  	vm7 =	veq.s32 v17, $0x1;
	vm8 =	veq.s32 v17, $0x2;
	vm9 =	veq.s32 v17, $0x3  }
0xe6: {  	vm10 =	veq.s32 v17, $0x4;
	vm11 =	veq.s32 v17, $0x5;
	vm3 =	veq.s32 v17, $0x6  }
0xe7: {  	vm12 =	veq.s32 v17, $0x7;
	vm13 =	veq.s32 v17, $0x8;
	vm14 =	veq.s32 v17, $0x9  }
0xe8: {  	vm5 =	veq.s32 v17, $0xA;
	vm15 =	veq.s32 v17, $0xB;
	vm6 =	veq.s32 v17, $0xC  }
0xe9: {  	v42 =	vsel vm0, $0xFF800000, v42;
	v40 =	vsel vm7, $0xFF800000, v40;
	v41 =	vsel vm8, $0xFF800000, v41  }
0xea: {  	v43 =	vsel vm9, $0xFF800000, v43;
	v38 =	vsel vm10, $0xFF800000, v38;
	v34 =	vsel vm11, $0xFF800000, v34  }
0xeb: {  	v36 =	vsel vm3, $0xFF800000, v36;
	v39 =	vsel vm12, $0xFF800000, v39;
	v35 =	vsel vm13, $0xFF800000, v35  }
0xec: {  	v37 =	vsel vm14, $0xFF800000, v37;
	v32 =	vsel vm5, $0xFF800000, v32;
	v28 =	vsel vm15, $0xFF800000, v28  }
0xed: {  	v30 =	vsel vm6, $0xFF800000, v30;
	vm9 =	veq.s32 v17, $0xD;
	vm10 =	veq.s32 v17, $0xE  }
0xee: {  	vm11 =	veq.s32 v17, $0xF;
	vm8 =	veq.s32 v17, $0x10;
	vm12 =	veq.s32 v17, $0x11  }
0xef: {  	vm13 =	veq.s32 v17, $0x13;
	vm14 =	veq.s32 v17, $0x14;
	vm1 =	vgt.f32 v40, v42  }
0xf0: {  	vm0 =	vgt.f32 v43, v41;
	vm3 =	vgt.f32 v34, v38;
	vm4 =	vgt.f32 v39, v36  }
0xf1: {  	vm2 =	vgt.f32 v37, v35;
	v33 =	vsel vm9, $0xFF800000, v33;
	v29 =	vsel vm10, $0xFF800000, v29  }
0xf2: {  	v31 =	vsel vm11, $0xFF800000, v31;
	vm7 =	vgt.f32 v28, v32;
	v26 =	vsel vm8, $0xFF800000, v26  }
0xf3: {  	vm9 =	veq.s32 v17, $0x12;
	v24 =	vsel vm12, $0xFF800000, v24;
	v27 =	vsel vm13, $0xFF800000, v27  }
0xf4: {  	v23 =	vsel vm14, $0xFF800000, v23;
	vm10 =	veq.s32 v17, $0x15;
	vm12 =	veq.s32 v17, $0x16  }
0xf5: {  	v40 =	vsel vm1, v40, v42;
	v41 =	vsel vm0, v43, v41;
	v34 =	vsel vm3, v34, v38  }
0xf6: {  	v36 =	vsel vm4, v39, v36;
	v35 =	vsel vm2, v37, v35;
	v28 =	vsel vm7, v28, v32  }
0xf7: {  	vm6 =	vgt.f32 v33, v30;
	vm5 =	vgt.f32 v31, v29;
	v25 =	vsel vm9, $0xFF800000, v25  }
0xf8: {  	vm8 =	vgt.f32 v24, v26;
	v43 =	vsel vm1, $0x1, v1;
	v46 =	vsel vm0, $0x3, v2  }
0xf9: {  	v22 =	vsel vm10, $0xFF800000, v22;
	v47 =	vsel vm3, $0x5, v3;
	v49 =	vsel vm4, $0x7, v4  }
0xfa: {  	v50 =	vsel vm2, $0x9, v5;
	v51 =	vsel vm7, $0xB, v6;
	v20 =	vsel vm12, $0xFF800000, v20  }
0xfb: {  	vm10 =	veq.s32 v17, $0x1A;
	v30 =	vsel vm6, v33, v30;
	v29 =	vsel vm5, v31, v29  }
0xfc: {  	v24 =	vsel vm8, v24, v26;
	vm9 =	vgt.f32 v27, v25;
	vm15 =	vgt.f32 v41, v40  }
0xfd: {  	vm11 =	vgt.f32 v36, v34;
	vm13 =	vgt.f32 v22, v23;
	vm14 =	vgt.f32 v28, v35  }
0xfe: {  	v52 =	vsel vm6, $0xD, v7;
	v53 =	vsel vm5, $0xF, v8;
	v54 =	vsel vm8, $0x11, v9  }
0xff: {  	vm8 =	veq.s32 v17, $0x18;
	v18 =	vsel vm10, $0xFF800000, v18;
	v25 =	vsel vm9, v27, v25  }
0x100: {  	v45 =	vsel vm15, v41, v40;
	v26 =	vsel vm15, v46, v43;
	v48 =	vsel vm11, v36, v34  }
0x101: {  	v31 =	vsel vm11, v49, v47;
	v22 =	vsel vm13, v22, v23;
	v28 =	vsel vm14, v28, v35  }
0x102: {  	vm15 =	veq.s32 v17, $0x17;
	v23 =	vsel vm14, v51, v50;
	vm4 =	vgt.f32 v29, v30  }
0x103: {  	v55 =	vsel vm9, $0x13, v10;
	v56 =	vsel vm13, $0x15, v11;
	vm9 =	veq.s32 v17, $0x19  }
0x104: {  	v60 =	vsel vm8, $0xFF800000, v44;
	v21 =	vsel vm15, $0xFF800000, v21;
	v29 =	vsel vm4, v29, v30  }
0x105: {  	vm5 =	vgt.f32 v25, v24;
	vm7 =	vgt.f32 v48, v45;
	v19 =	vsel vm9, $0xFF800000, v19  }
0x106: {  	vm0 =	vgt.f32 v21, v20;
	v24 =	vsel vm5, v25, v24;
	v30 =	vsel vm5, v55, v54  }
0x107: {  	v59 =	vsel vm7, v48, v45;
	v26 =	vsel vm7, v31, v26;
	vm1 =	vgt.f32 v19, v60  }
0x108: {  	s29 =	sand.u32 $0x70, s28;
	s30 =	sand.u32 $0x7C00, s26;
	vm11 =	vgt.f32 v29, v28;
	v20 =	vsel vm0, v21, v20;
	v21 =	vsel vm4, v53, v52  }
0x109: {  	s29 =	sor.u32 s29, s30;
	v57 =	vsel vm0, $0x17, v12;
	v19 =	vsel vm1, v19, v60;
	vm6 =	vgt.f32 v20, v22  }
0x10a: {  	[tilespmem:s29+$0x16000] =	vst v14;
	v61 =	vsel vm11, v29, v28;
	v14 =	vsel vm1, $0x19, v13;
	v20 =	vsel vm6, v20, v22  }
0x10b: {  	v21 =	vsel vm11, v21, v23;
	vm0 =	vgt.f32 v18, v19;
	vm12 =	vgt.f32 v20, v24  }
0x10c: {  	p1 =	sne.s32 s28, $0x8F0;
	s30 =	sadd.s32 $0x16000, s29;
	vm13 =	vgt.f32 v61, v59;
	v18 =	vsel vm0, v18, v19;
	v62 =	vsel vm12, v20, v24  }
.Ltmp3:
0x10d: {  	[tilespmem:s30+$0x80] =	vst v15;
	v58 =	vsel vm6, v57, v56;
	v15 =	vsel vm13, v61, v59;
	vm14 =	vgt.f32 v18, v62;
	(pc) =	sbr.rel @p1 .LBB2_6-.Ltmp3, $4  }
0x10e: {  	v14 =	vsel vm0, $0x1A, v14;
	v63 =	vsel vm12, v58, v30;
	v18 =	vsel vm14, v18, v62  }
0x10f: {  	[tilespmem:s30+$0x100] =	vst v16;
	v14 =	vsel vm14, v14, v63;
	vm15 =	vgt.f32 v18, v15;
	v15 =	vsel vm13, v21, v26  }
0x110: {  	[tilespmem:s30+$0x180] =	vst v17;
	v14 =	vsel vm15, v14, v15  }
0x111: {  	s26 =	sadd.s32 $0x80, s26;
	s28 =	sadd.s32 $0x10, s28;
	[tilespmem:s30+$0x200] =	vst v14  }
0x112: {  	s26 =	simm.s32 $0x0  }
0x113: {  	[tilespmem:s19], [sflag:$0x1] =	stream.linear.gather [hbm4b:s3+s26], $0x400, $0x38;
	[tilespmem:$0x1B800] =	vst v63  }
0x114: {  	_ = 	snop  }
0x115: {  	[tilespmem:s20], [sflag:$0x1] =	stream.linear.gather [hbm4b:s9+s26], $0x400, $0x38;
	[tilespmem:$0x1B800] =	vst v63  }
0x116: {  	_ = 	snop  }
0x117: {  	[tilespmem:s21], [sflag:$0x1] =	stream.linear.gather [hbm4b:s10+s26], $0x400, $0x38;
	[tilespmem:$0x1B800] =	vst v63  }
0x118: {  	_ = 	snop  }
0x119: {  	[tilespmem:s22], [sflag:$0x1] =	stream.linear.gather [hbm4b:s11+s26], $0x400, $0x38;
	[tilespmem:$0x1B800] =	vst v63  }
0x11a: {  	_ =	swait.ge [sflag:s18], $0x1000  }
0x11b: {  	[sflag:s18] =	ssyncset.done $0x0  }
0x11c: {  	s28 =	simm.s32 $0x91C;
	[sflag:s18] =	ssyncadd.s32 $0xFFFFF000  }
.LBB2_8:
0x11d: {  	v14 =	vadd.s32 s28, v0  }
0x11e: {  	v15 =	vshll.u32 v14, $0x3  }
0x11f: {  	v14 =	vand.u32 $0x7F, v14;
	v15 =	vand.u32 $0x7FFFFC00, v15  }
0x120: {  	v14 =	vor.u32 v14, v15  }
0x121: {  	v15 =	vor.u32 $0x80, v14  }
0x122: {  	v16 =	vor.u32 $0x100, v14  }
0x123: {  	v17 =	vor.u32 $0x180, v14  }
0x124: {  	v18 =	vor.u32 $0x200, v14  }
0x125: {  	v20 =	vor.u32 $0x280, v14;
	v19 =	vld.idx.msk [tilespmem:v14+s2+$0x0], $0xffff  }
0x126: {  	v21 =	vor.u32 $0x300, v14;
	v15 =	vld.idx.msk [tilespmem:v15+s2+$0x0], $0xffff  }
0x127: {  	v51 =	vor.u32 $0x380, v14;
	v22 =	vld.idx.msk [tilespmem:v16+s2+$0x0], $0xffff  }
0x128: {  	v52 =	vadd.s32 $0x5800, v14;
	v23 =	vld.idx.msk [tilespmem:v17+s2+$0x0], $0xffff  }
0x129: {  	v53 =	vadd.s32 $0x5880, v14;
	v24 =	vld.idx.msk [tilespmem:v18+s2+$0x0], $0xffff  }
0x12a: {  	v54 =	vadd.s32 $0x5900, v14;
	v25 =	vld.idx.msk [tilespmem:v20+s2+$0x0], $0xffff  }
0x12b: {  	v55 =	vadd.s32 $0x5980, v14;
	v26 =	vld.idx.msk [tilespmem:v21+s2+$0x0], $0xffff  }
0x12c: {  	v56 =	vadd.s32 $0x5A00, v14;
	v27 =	vld.idx.msk [tilespmem:v51+s2+$0x0], $0xffff  }
0x12d: {  	v57 =	vadd.s32 $0x5A80, v14;
	v28 =	vld.idx.msk [tilespmem:v52+s2+$0x0], $0xffff  }
0x12e: {  	v58 =	vadd.s32 $0x5B00, v14;
	v29 =	vld.idx.msk [tilespmem:v53+s2+$0x0], $0xffff  }
0x12f: {  	v59 =	vadd.s32 $0x5B80, v14;
	v30 =	vld.idx.msk [tilespmem:v54+s2+$0x0], $0xffff  }
0x130: {  	v60 =	vadd.s32 $0xB000, v14;
	v31 =	vld.idx.msk [tilespmem:v55+s2+$0x0], $0xffff  }
0x131: {  	v32 =	vadd.s32 $0xB080, v14;
	v34 =	vld.idx.msk [tilespmem:v56+s2+$0x0], $0xffff  }
0x132: {  	v33 =	vadd.s32 $0xB100, v14;
	v37 =	vld.idx.msk [tilespmem:v57+s2+$0x0], $0xffff  }
0x133: {  	v61 =	vadd.s32 $0xB180, v14;
	v40 =	vld.idx.msk [tilespmem:v58+s2+$0x0], $0xffff  }
0x134: {  	v35 =	vadd.s32 $0xB200, v14;
	v41 =	vld.idx.msk [tilespmem:v59+s2+$0x0], $0xffff  }
0x135: {  	v36 =	vadd.s32 $0xB280, v14;
	v43 =	vld.idx.msk [tilespmem:v60+s2+$0x0], $0xffff  }
0x136: {  	v62 =	vadd.s32 $0xB300, v14;
	v45 =	vld.idx.msk [tilespmem:v32+s2+$0x0], $0xffff  }
0x137: {  	v38 =	vadd.s32 $0xB380, v14;
	v47 =	vld.idx.msk [tilespmem:v33+s2+$0x0], $0xffff  }
0x138: {  	v49 =	vld.idx.msk [tilespmem:v61+s2+$0x0], $0xffff  }
0x139: {  	v51 =	vld.idx.msk [tilespmem:v35+s2+$0x0], $0xffff  }
0x13a: {  	v53 =	vld.idx.msk [tilespmem:v36+s2+$0x0], $0xffff  }
0x13b: {  	v55 =	vld.idx.msk [tilespmem:v62+s2+$0x0], $0xffff  }
0x13c: {  	v39 =	vadd.s32 $0x10800, v14;
	v56 =	vld.idx.msk [tilespmem:v38+s2+$0x0], $0xffff  }
0x13d: {  	v18 =	vadd.s32 $0x10880, v14;
	v14 =	vadd.s32 $0x10900, v14;
	vm0 =	vgt.f32 v15, v19  }
0x13e: {  	vm10 =	vgt.f32 v23, v22;
	vm11 =	vgt.f32 v25, v24;
	vm12 =	vgt.f32 v27, v26  }
0x13f: {  	vm13 =	vgt.f32 v29, v28;
	vm14 =	vgt.f32 v31, v30;
	vm15 =	vgt.f32 v37, v34  }
0x140: {  	vm4 =	vgt.f32 v41, v40;
	vm1 =	vgt.f32 v45, v43;
	vm5 =	vgt.f32 v49, v47  }
0x141: {  	vm7 =	vgt.f32 v53, v51;
	vm9 =	vgt.f32 v56, v55;
	v20 =	vsel vm0, v15, v19  }
0x142: {  	v42 =	vsel vm0, $0x1, v1;
	v63 =	vsel vm10, v23, v22;
	v44 =	vsel vm10, $0x3, v2  }
0x143: {  	v32 =	vsel vm11, v25, v24;
	v46 =	vsel vm11, $0x5, v3;
	v33 =	vsel vm12, v27, v26  }
0x144: {  	v48 =	vsel vm12, $0x7, v4;
	v16 =	vsel vm13, v29, v28;
	v50 =	vsel vm13, $0x9, v5  }
0x145: {  	v60 =	vsel vm14, v31, v30;
	v52 =	vsel vm14, $0xB, v6;
	v36 =	vsel vm15, v37, v34  }
0x146: {  	v54 =	vsel vm15, $0xD, v7;
	v61 =	vsel vm4, v41, v40;
	v62 =	vsel vm4, $0xF, v8  }
0x147: {  	v57 =	vsel vm1, v45, v43;
	v21 =	vsel vm1, $0x11, v9;
	vm2 =	vgt.f32 v63, v20  }
0x148: {  	vm6 =	vgt.f32 v33, v32;
	vm8 =	vgt.f32 v60, v16;
	vm10 =	vgt.f32 v61, v36  }
0x149: {  	v59 =	vld.idx.msk [tilespmem:v18+s2+$0x0], $0xffff;
	v20 =	vsel vm2, v63, v20;
	v18 =	vsel vm2, v44, v42;
	v63 =	vsel vm5, v49, v47  }
0x14a: {  	v58 =	vld.idx.msk [tilespmem:v39+s2+$0x0], $0xffff;
	v32 =	vsel vm6, v33, v32;
	v33 =	vsel vm5, $0x13, v10;
	v42 =	vsel vm6, v48, v46  }
0x14b: {  	v44 =	vsel vm7, v53, v51;
	v16 =	vsel vm8, v60, v16;
	v46 =	vld.idx.msk [tilespmem:v14+s2+$0x0], $0xffff;
	v14 =	vsel vm7, $0x15, v11  }
0x14c: {  	v35 =	vsel vm8, v52, v50;
	v60 =	vsel vm9, v56, v55;
	v17 =	vsel vm10, v61, v36  }
0x14d: {  	v61 =	vsel vm9, $0x17, v12;
	v38 =	vsel vm10, v62, v54;
	vm12 =	vgt.f32 v63, v57  }
0x14e: {  	vm13 =	vgt.f32 v60, v44;
	vm15 =	vgt.f32 v32, v20;
	vm4 =	vgt.f32 v17, v16  }
0x14f: {  	vm11 =	vgt.f32 v59, v58;
	v39 =	vsel vm12, v63, v57;
	v21 =	vsel vm12, v33, v21  }
0x150: {  	v48 =	vsel vm13, v60, v44;
	v14 =	vsel vm13, v61, v14;
	v20 =	vsel vm15, v32, v20  }
0x151: {  	v18 =	vsel vm15, v42, v18;
	v16 =	vsel vm4, v17, v16;
	v62 =	vsel vm11, v59, v58  }
0x152: {  	v61 =	vsel vm4, v38, v35;
	vm5 =	vgt.f32 v48, v39;
	vm14 =	vgt.f32 v46, v62  }
0x153: {  	v63 =	vsel vm11, $0x19, v13;
	v60 =	vsel vm5, v48, v39;
	v54 =	vsel vm14, v46, v62  }
0x154: {  	vm6 =	vgt.f32 v16, v20;
	v14 =	vsel vm5, v14, v21;
	vm7 =	vgt.f32 v54, v60  }
0x155: {  	v16 =	vsel vm6, v16, v20;
	v57 =	vsel vm14, $0x1A, v63;
	v17 =	vsel vm7, v54, v60  }
0x156: {  	v18 =	vsel vm6, v61, v18;
	v14 =	vsel vm7, v57, v14;
	vm8 =	vgt.f32 v17, v16  }
0x157: {  	v14 =	vsel vm8, v14, v18  }
0x158: {  	vm0 =	veq.s32 v14, $0x0  }
0x159: {  	vm9 =	veq.s32 v14, $0x1;
	vm10 =	veq.s32 v14, $0x2;
	vm11 =	veq.s32 v14, $0x3  }
0x15a: {  	vm12 =	veq.s32 v14, $0x4;
	vm13 =	veq.s32 v14, $0x5;
	vm14 =	veq.s32 v14, $0x6  }
0x15b: {  	vm15 =	veq.s32 v14, $0x7;
	vm4 =	veq.s32 v14, $0x8;
	vm5 =	veq.s32 v14, $0x9  }
0x15c: {  	vm6 =	veq.s32 v14, $0xA;
	vm7 =	veq.s32 v14, $0xB;
	vm8 =	veq.s32 v14, $0xC  }
0x15d: {  	v16 =	vsel vm0, $0xFF800000, v19;
	v17 =	vsel vm9, $0xFF800000, v15;
	v18 =	vsel vm10, $0xFF800000, v22  }
0x15e: {  	v19 =	vsel vm11, $0xFF800000, v23;
	v20 =	vsel vm12, $0xFF800000, v24;
	v21 =	vsel vm13, $0xFF800000, v25  }
0x15f: {  	v22 =	vsel vm14, $0xFF800000, v26;
	v23 =	vsel vm15, $0xFF800000, v27;
	v24 =	vsel vm4, $0xFF800000, v28  }
0x160: {  	v25 =	vsel vm5, $0xFF800000, v29;
	v26 =	vsel vm6, $0xFF800000, v30;
	v27 =	vsel vm7, $0xFF800000, v31  }
0x161: {  	v28 =	vsel vm8, $0xFF800000, v34;
	vm9 =	veq.s32 v14, $0xD;
	vm10 =	veq.s32 v14, $0xE  }
0x162: {  	vm11 =	veq.s32 v14, $0xF;
	vm12 =	veq.s32 v14, $0x10;
	vm13 =	veq.s32 v14, $0x11  }
0x163: {  	vm14 =	veq.s32 v14, $0x12;
	vm15 =	veq.s32 v14, $0x13;
	vm4 =	veq.s32 v14, $0x14  }
0x164: {  	vm5 =	veq.s32 v14, $0x15;
	vm6 =	veq.s32 v14, $0x16;
	vm7 =	veq.s32 v14, $0x17  }
0x165: {  	vm8 =	veq.s32 v14, $0x18;
	v29 =	vsel vm9, $0xFF800000, v37;
	v30 =	vsel vm10, $0xFF800000, v40  }
0x166: {  	v31 =	vsel vm11, $0xFF800000, v41;
	v32 =	vsel vm12, $0xFF800000, v43;
	v33 =	vsel vm13, $0xFF800000, v45  }
0x167: {  	v34 =	vsel vm14, $0xFF800000, v47;
	v35 =	vsel vm15, $0xFF800000, v49;
	v36 =	vsel vm4, $0xFF800000, v51  }
0x168: {  	v37 =	vsel vm5, $0xFF800000, v53;
	v38 =	vsel vm6, $0xFF800000, v55;
	v39 =	vsel vm7, $0xFF800000, v56  }
0x169: {  	v40 =	vsel vm8, $0xFF800000, v58;
	vm9 =	veq.s32 v14, $0x19;
	vm10 =	veq.s32 v14, $0x1A  }
0x16a: {  	vm11 =	vgt.f32 v17, v16;
	vm12 =	vgt.f32 v19, v18;
	vm13 =	vgt.f32 v21, v20  }
0x16b: {  	vm14 =	vgt.f32 v23, v22;
	vm15 =	vgt.f32 v25, v24;
	vm4 =	vgt.f32 v27, v26  }
0x16c: {  	v41 =	vsel vm9, $0xFF800000, v59;
	v42 =	vsel vm10, $0xFF800000, v46;
	v15 =	vsel vm11, v17, v16  }
0x16d: {  	v43 =	vsel vm11, $0x1, v1;
	v44 =	vsel vm12, v19, v18;
	v45 =	vsel vm12, $0x3, v2  }
0x16e: {  	v46 =	vsel vm13, v21, v20;
	v47 =	vsel vm13, $0x5, v3;
	v62 =	vsel vm14, v23, v22  }
0x16f: {  	v63 =	vsel vm14, $0x7, v4;
	v50 =	vsel vm15, v25, v24;
	v51 =	vsel vm15, $0x9, v5  }
0x170: {  	v52 =	vsel vm4, v27, v26;
	v53 =	vsel vm4, $0xB, v6;
	vm5 =	vgt.f32 v29, v28  }
0x171: {  	vm6 =	vgt.f32 v31, v30;
	vm7 =	vgt.f32 v33, v32;
	vm9 =	vgt.f32 v35, v34  }
0x172: {  	vm11 =	vgt.f32 v37, v36;
	vm13 =	vgt.f32 v39, v38;
	v54 =	vsel vm5, v29, v28  }
0x173: {  	v55 =	vsel vm5, $0xD, v7;
	v60 =	vsel vm6, v31, v30;
	vm8 =	vgt.f32 v44, v15  }
0x174: {  	v61 =	vsel vm6, $0xF, v8;
	vm10 =	vgt.f32 v62, v46;
	vm12 =	vgt.f32 v52, v50  }
0x175: {  	vm15 =	vgt.f32 v41, v40;
	v15 =	vsel vm8, v44, v15;
	v44 =	vsel vm7, v33, v32  }
0x176: {  	v43 =	vsel vm8, v45, v43;
	v45 =	vsel vm7, $0x11, v9;
	v46 =	vsel vm10, v62, v46  }
0x177: {  	v62 =	vsel vm9, v35, v34;
	v47 =	vsel vm10, v63, v47;
	v63 =	vsel vm9, $0x13, v10  }
0x178: {  	v50 =	vsel vm12, v52, v50;
	v52 =	vsel vm11, v37, v36;
	vm14 =	vgt.f32 v60, v54  }
0x179: {  	v51 =	vsel vm12, v53, v51;
	v53 =	vsel vm11, $0x15, v11;
	v54 =	vsel vm14, v60, v54  }
0x17a: {  	v60 =	vsel vm13, v39, v38;
	v55 =	vsel vm14, v61, v55;
	vm4 =	vgt.f32 v62, v44  }
0x17b: {  	v61 =	vsel vm13, $0x17, v12;
	vm7 =	vgt.f32 v46, v15;
	v44 =	vsel vm4, v62, v44  }
0x17c: {  	v62 =	vsel vm15, v41, v40;
	v45 =	vsel vm4, v63, v45;
	v63 =	vsel vm15, $0x19, v13  }
0x17d: {  	vm5 =	vgt.f32 v60, v52;
	v15 =	vsel vm7, v46, v15;
	vm8 =	vgt.f32 v54, v50  }
0x17e: {  	v43 =	vsel vm7, v47, v43;
	v52 =	vsel vm5, v60, v52;
	v53 =	vsel vm5, v61, v53  }
0x17f: {  	vm6 =	vgt.f32 v42, v62;
	v58 =	vsel vm8, v54, v50;
	vm9 =	vgt.f32 v52, v44  }
0x180: {  	v59 =	vsel vm8, v55, v51;
	v48 =	vsel vm6, v42, v62;
	v44 =	vsel vm9, v52, v44  }
0x181: {  	v49 =	vsel vm6, $0x1A, v63;
	vm10 =	vgt.f32 v58, v15;
	vm11 =	vgt.f32 v48, v44  }
0x182: {  	v45 =	vsel vm9, v53, v45;
	v15 =	vsel vm10, v58, v15;
	v44 =	vsel vm11, v48, v44  }
0x183: {  	v43 =	vsel vm10, v59, v43;
	v45 =	vsel vm11, v49, v45;
	vm12 =	vgt.f32 v44, v15  }
0x184: {  	v15 =	vsel vm12, v45, v43  }
0x185: {  	vm0 =	veq.s32 v15, $0x0  }
0x186: {  	vm13 =	veq.s32 v15, $0x1;
	vm14 =	veq.s32 v15, $0x2;
	vm15 =	veq.s32 v15, $0x3  }
0x187: {  	vm4 =	veq.s32 v15, $0x4;
	vm5 =	veq.s32 v15, $0x5;
	vm6 =	veq.s32 v15, $0x6  }
0x188: {  	vm7 =	veq.s32 v15, $0x7;
	vm8 =	veq.s32 v15, $0x8;
	vm9 =	veq.s32 v15, $0x9  }
0x189: {  	vm10 =	veq.s32 v15, $0xA;
	vm11 =	veq.s32 v15, $0xB;
	vm12 =	veq.s32 v15, $0xC  }
0x18a: {  	v43 =	vsel vm0, $0xFF800000, v16;
	v44 =	vsel vm13, $0xFF800000, v17;
	v45 =	vsel vm14, $0xFF800000, v18  }
0x18b: {  	v46 =	vsel vm15, $0xFF800000, v19;
	v20 =	vsel vm4, $0xFF800000, v20;
	v21 =	vsel vm5, $0xFF800000, v21  }
0x18c: {  	v22 =	vsel vm6, $0xFF800000, v22;
	v23 =	vsel vm7, $0xFF800000, v23;
	v24 =	vsel vm8, $0xFF800000, v24  }
0x18d: {  	v25 =	vsel vm9, $0xFF800000, v25;
	v26 =	vsel vm10, $0xFF800000, v26;
	v27 =	vsel vm11, $0xFF800000, v27  }
0x18e: {  	v47 =	vsel vm12, $0xFF800000, v28;
	vm13 =	veq.s32 v15, $0xD;
	vm14 =	veq.s32 v15, $0xE  }
0x18f: {  	vm15 =	veq.s32 v15, $0xF;
	vm4 =	veq.s32 v15, $0x10;
	vm5 =	veq.s32 v15, $0x11  }
0x190: {  	vm6 =	veq.s32 v15, $0x12;
	vm7 =	veq.s32 v15, $0x13;
	vm8 =	veq.s32 v15, $0x14  }
0x191: {  	vm9 =	veq.s32 v15, $0x15;
	vm10 =	veq.s32 v15, $0x16;
	vm11 =	veq.s32 v15, $0x17  }
0x192: {  	vm12 =	veq.s32 v15, $0x18;
	v29 =	vsel vm13, $0xFF800000, v29;
	v48 =	vsel vm14, $0xFF800000, v30  }
0x193: {  	v31 =	vsel vm15, $0xFF800000, v31;
	v49 =	vsel vm4, $0xFF800000, v32;
	v50 =	vsel vm5, $0xFF800000, v33  }
0x194: {  	v51 =	vsel vm6, $0xFF800000, v34;
	v52 =	vsel vm7, $0xFF800000, v35;
	v53 =	vsel vm8, $0xFF800000, v36  }
0x195: {  	v54 =	vsel vm9, $0xFF800000, v37;
	v55 =	vsel vm10, $0xFF800000, v38;
	v56 =	vsel vm11, $0xFF800000, v39  }
0x196: {  	v18 =	vsel vm12, $0xFF800000, v40;
	vm13 =	veq.s32 v15, $0x19;
	vm14 =	veq.s32 v15, $0x1A  }
0x197: {  	vm15 =	vgt.f32 v44, v43;
	vm4 =	vgt.f32 v46, v45;
	vm5 =	vgt.f32 v21, v20  }
0x198: {  	vm6 =	vgt.f32 v23, v22;
	vm7 =	vgt.f32 v25, v24;
	vm8 =	vgt.f32 v27, v26  }
0x199: {  	v19 =	vsel vm13, $0xFF800000, v41;
	v17 =	vsel vm14, $0xFF800000, v42;
	v16 =	vsel vm15, v44, v43  }
0x19a: {  	v28 =	vsel vm15, $0x1, v1;
	v60 =	vsel vm4, v46, v45;
	v32 =	vsel vm4, $0x3, v2  }
0x19b: {  	v33 =	vsel vm5, v21, v20;
	v34 =	vsel vm5, $0x5, v3;
	v35 =	vsel vm6, v23, v22  }
0x19c: {  	v61 =	vsel vm6, $0x7, v4;
	v37 =	vsel vm7, v25, v24;
	v38 =	vsel vm7, $0x9, v5  }
0x19d: {  	v62 =	vsel vm8, v27, v26;
	v63 =	vsel vm8, $0xB, v6;
	vm9 =	vgt.f32 v29, v47  }
0x19e: {  	vm10 =	vgt.f32 v31, v48;
	vm12 =	vgt.f32 v50, v49;
	vm14 =	vgt.f32 v52, v51  }
0x19f: {  	vm4 =	vgt.f32 v54, v53;
	vm6 =	vgt.f32 v56, v55;
	v41 =	vsel vm9, v29, v47  }
0x1a0: {  	vm11 =	vgt.f32 v60, v16;
	v42 =	vsel vm9, $0xD, v7;
	v57 =	vsel vm10, v31, v48  }
0x1a1: {  	vm13 =	vgt.f32 v35, v33;
	vm15 =	vgt.f32 v62, v37;
	vm8 =	vgt.f32 v19, v18  }
0x1a2: {  	v16 =	vsel vm11, v60, v16;
	v60 =	vsel vm10, $0xF, v8;
	v28 =	vsel vm11, v32, v28  }
0x1a3: {  	v32 =	vsel vm12, v50, v49;
	v33 =	vsel vm13, v35, v33;
	v35 =	vsel vm12, $0x11, v9  }
0x1a4: {  	v34 =	vsel vm13, v61, v34;
	v61 =	vsel vm14, v52, v51;
	v37 =	vsel vm15, v62, v37  }
0x1a5: {  	v62 =	vsel vm14, $0x13, v10;
	vm5 =	vgt.f32 v57, v41;
	v38 =	vsel vm15, v63, v38  }
0x1a6: {  	v63 =	vsel vm4, v54, v53;
	v41 =	vsel vm5, v57, v41;
	v57 =	vsel vm4, $0x15, v11  }
0x1a7: {  	vm7 =	vgt.f32 v61, v32;
	v30 =	vsel vm5, v60, v42;
	v60 =	vsel vm6, v56, v55  }
0x1a8: {  	vm11 =	vgt.f32 v33, v16;
	v32 =	vsel vm7, v61, v32;
	v61 =	vsel vm6, $0x17, v12  }
0x1a9: {  	vm9 =	vgt.f32 v60, v63;
	v35 =	vsel vm7, v62, v35;
	v62 =	vsel vm8, v19, v18  }
0x1aa: {  	v16 =	vsel vm11, v33, v16;
	vm12 =	vgt.f32 v41, v37;
	v28 =	vsel vm11, v34, v28  }
0x1ab: {  	v40 =	vsel vm9, v60, v63;
	v63 =	vsel vm8, $0x19, v13;
	v36 =	vsel vm9, v61, v57  }
0x1ac: {  	vm10 =	vgt.f32 v17, v62;
	v58 =	vsel vm12, v41, v37;
	vm13 =	vgt.f32 v40, v32  }
0x1ad: {  	v30 =	vsel vm12, v30, v38;
	v39 =	vsel vm10, v17, v62;
	v32 =	vsel vm13, v40, v32  }
0x1ae: {  	v42 =	vsel vm10, $0x1A, v63;
	vm14 =	vgt.f32 v58, v16;
	vm15 =	vgt.f32 v39, v32  }
0x1af: {  	v59 =	vsel vm13, v36, v35;
	v16 =	vsel vm14, v58, v16;
	v32 =	vsel vm15, v39, v32  }
0x1b0: {  	v28 =	vsel vm14, v30, v28;
	v60 =	vsel vm15, v42, v59;
	vm4 =	vgt.f32 v32, v16  }
0x1b1: {  	v16 =	vsel vm4, v60, v28  }
0x1b2: {  	vm0 =	veq.s32 v16, $0x0  }
0x1b3: {  	vm5 =	veq.s32 v16, $0x1;
	vm6 =	veq.s32 v16, $0x2;
	vm7 =	veq.s32 v16, $0x3  }
0x1b4: {  	vm8 =	veq.s32 v16, $0x4;
	vm9 =	veq.s32 v16, $0x5;
	vm10 =	veq.s32 v16, $0x6  }
0x1b5: {  	vm11 =	veq.s32 v16, $0x7;
	vm12 =	veq.s32 v16, $0x8;
	vm13 =	veq.s32 v16, $0x9  }
0x1b6: {  	vm14 =	veq.s32 v16, $0xA;
	vm15 =	veq.s32 v16, $0xB;
	vm4 =	veq.s32 v16, $0xC  }
0x1b7: {  	v42 =	vsel vm0, $0xFF800000, v43;
	v40 =	vsel vm5, $0xFF800000, v44;
	v41 =	vsel vm6, $0xFF800000, v45  }
0x1b8: {  	v43 =	vsel vm7, $0xFF800000, v46;
	v38 =	vsel vm8, $0xFF800000, v20;
	v34 =	vsel vm9, $0xFF800000, v21  }
0x1b9: {  	v36 =	vsel vm10, $0xFF800000, v22;
	v39 =	vsel vm11, $0xFF800000, v23;
	v35 =	vsel vm12, $0xFF800000, v24  }
0x1ba: {  	v37 =	vsel vm13, $0xFF800000, v25;
	v32 =	vsel vm14, $0xFF800000, v26;
	v28 =	vsel vm15, $0xFF800000, v27  }
0x1bb: {  	v30 =	vsel vm4, $0xFF800000, v47;
	vm5 =	veq.s32 v16, $0xD;
	vm6 =	veq.s32 v16, $0xE  }
0x1bc: {  	vm7 =	veq.s32 v16, $0xF;
	vm8 =	veq.s32 v16, $0x10;
	vm9 =	veq.s32 v16, $0x11  }
0x1bd: {  	vm10 =	veq.s32 v16, $0x12;
	vm11 =	veq.s32 v16, $0x13;
	vm12 =	veq.s32 v16, $0x14  }
0x1be: {  	vm13 =	veq.s32 v16, $0x15;
	vm14 =	veq.s32 v16, $0x16;
	vm15 =	veq.s32 v16, $0x17  }
0x1bf: {  	v33 =	vsel vm5, $0xFF800000, v29;
	v29 =	vsel vm6, $0xFF800000, v48;
	v31 =	vsel vm7, $0xFF800000, v31  }
0x1c0: {  	v26 =	vsel vm8, $0xFF800000, v49;
	v24 =	vsel vm9, $0xFF800000, v50;
	v25 =	vsel vm10, $0xFF800000, v51  }
0x1c1: {  	v27 =	vsel vm11, $0xFF800000, v52;
	v23 =	vsel vm12, $0xFF800000, v53;
	v22 =	vsel vm13, $0xFF800000, v54  }
0x1c2: {  	v20 =	vsel vm14, $0xFF800000, v55;
	v21 =	vsel vm15, $0xFF800000, v56;
	vm4 =	vgt.f32 v40, v42  }
0x1c3: {  	vm5 =	vgt.f32 v43, v41;
	vm6 =	vgt.f32 v34, v38;
	vm7 =	vgt.f32 v39, v36  }
0x1c4: {  	vm8 =	vgt.f32 v37, v35;
	vm9 =	vgt.f32 v28, v32;
	v44 =	vsel vm4, v40, v42  }
0x1c5: {  	v45 =	vsel vm4, $0x1, v1;
	v46 =	vsel vm5, v43, v41;
	v61 =	vsel vm5, $0x3, v2  }
0x1c6: {  	v48 =	vsel vm6, v34, v38;
	v49 =	vsel vm6, $0x5, v3;
	v50 =	vsel vm7, v39, v36  }
0x1c7: {  	v51 =	vsel vm7, $0x7, v4;
	v52 =	vsel vm8, v37, v35;
	v53 =	vsel vm8, $0x9, v5  }
0x1c8: {  	v62 =	vsel vm9, v28, v32;
	v63 =	vsel vm9, $0xB, v6;
	vm10 =	vgt.f32 v33, v30  }
0x1c9: {  	vm11 =	vgt.f32 v31, v29;
	vm13 =	vgt.f32 v24, v26;
	vm15 =	vgt.f32 v27, v25  }
0x1ca: {  	vm5 =	vgt.f32 v22, v23;
	vm7 =	vgt.f32 v21, v20;
	v56 =	vsel vm10, v33, v30  }
0x1cb: {  	vm12 =	vgt.f32 v46, v44;
	v57 =	vsel vm10, $0xD, v7;
	v60 =	vsel vm11, v31, v29  }
0x1cc: {  	vm14 =	vgt.f32 v50, v48;
	vm4 =	vgt.f32 v62, v52;
	v44 =	vsel vm12, v46, v44  }
0x1cd: {  	v45 =	vsel vm12, v61, v45;
	v61 =	vsel vm11, $0xF, v8;
	v48 =	vsel vm14, v50, v48  }
0x1ce: {  	v50 =	vsel vm13, v24, v26;
	v49 =	vsel vm14, v51, v49;
	v51 =	vsel vm13, $0x11, v9  }
0x1cf: {  	v52 =	vsel vm4, v62, v52;
	v62 =	vsel vm15, v27, v25;
	v53 =	vsel vm4, v63, v53  }
0x1d0: {  	vm6 =	vgt.f32 v60, v56;
	v63 =	vsel vm15, $0x13, v10;
	vm11 =	veq.s32 v16, $0x18  }
0x1d1: {  	vm12 =	veq.s32 v16, $0x19;
	vm13 =	veq.s32 v16, $0x1A;
	v46 =	vsel vm6, v60, v56  }
0x1d2: {  	v60 =	vsel vm5, v22, v23;
	v47 =	vsel vm6, v61, v57;
	vm8 =	vgt.f32 v62, v50  }
0x1d3: {  	v61 =	vsel vm5, $0x15, v11;
	vm10 =	vgt.f32 v48, v44;
	v19 =	vsel vm12, $0xFF800000, v19  }
0x1d4: {  	v50 =	vsel vm8, v62, v50;
	v62 =	vsel vm7, v21, v20;
	v51 =	vsel vm8, v63, v51  }
0x1d5: {  	v63 =	vsel vm7, $0x17, v12;
	v48 =	vsel vm10, v48, v44;
	v45 =	vsel vm10, v49, v45  }
0x1d6: {  	v44 =	vsel vm11, $0xFF800000, v18;
	vm14 =	vgt.f32 v46, v52;
	v18 =	vsel vm13, $0xFF800000, v17  }
0x1d7: {  	vm9 =	vgt.f32 v62, v60;
	vm1 =	vgt.f32 v19, v44;
	v56 =	vsel vm14, v46, v52  }
0x1d8: {  	v47 =	vsel vm14, v47, v53;
	v54 =	vsel vm9, v62, v60;
	v57 =	vsel vm1, v19, v44  }
0x1d9: {  	v55 =	vsel vm9, v63, v61;
	vm0 =	vgt.f32 v18, v57;
	vm15 =	vgt.f32 v54, v50  }
0x1da: {  	vm4 =	vgt.f32 v56, v48;
	v58 =	vsel vm15, v54, v50;
	v46 =	vsel vm0, v18, v57  }
0x1db: {  	v60 =	vsel vm1, $0x19, v13;
	v17 =	vsel vm4, v56, v48;
	vm5 =	vgt.f32 v46, v58  }
0x1dc: {  	v59 =	vsel vm15, v55, v51;
	v61 =	vsel vm0, $0x1A, v60;
	v46 =	vsel vm5, v46, v58  }
0x1dd: {  	v62 =	vsel vm4, v47, v45;
	v63 =	vsel vm5, v61, v59;
	vm6 =	vgt.f32 v46, v17  }
0x1de: {  	v17 =	vsel vm6, v63, v62  }
0x1df: {  	vm0 =	veq.s32 v17, $0x0  }
0x1e0: {  	vm7 =	veq.s32 v17, $0x1;
	vm8 =	veq.s32 v17, $0x2;
	vm9 =	veq.s32 v17, $0x3  }
0x1e1: {  	vm10 =	veq.s32 v17, $0x4;
	vm11 =	veq.s32 v17, $0x5;
	vm3 =	veq.s32 v17, $0x6  }
0x1e2: {  	vm12 =	veq.s32 v17, $0x7;
	vm13 =	veq.s32 v17, $0x8;
	vm14 =	veq.s32 v17, $0x9  }
0x1e3: {  	vm5 =	veq.s32 v17, $0xA;
	vm15 =	veq.s32 v17, $0xB;
	vm6 =	veq.s32 v17, $0xC  }
0x1e4: {  	v42 =	vsel vm0, $0xFF800000, v42;
	v40 =	vsel vm7, $0xFF800000, v40;
	v41 =	vsel vm8, $0xFF800000, v41  }
0x1e5: {  	v43 =	vsel vm9, $0xFF800000, v43;
	v38 =	vsel vm10, $0xFF800000, v38;
	v34 =	vsel vm11, $0xFF800000, v34  }
0x1e6: {  	v36 =	vsel vm3, $0xFF800000, v36;
	v39 =	vsel vm12, $0xFF800000, v39;
	v35 =	vsel vm13, $0xFF800000, v35  }
0x1e7: {  	v37 =	vsel vm14, $0xFF800000, v37;
	v32 =	vsel vm5, $0xFF800000, v32;
	v28 =	vsel vm15, $0xFF800000, v28  }
0x1e8: {  	v30 =	vsel vm6, $0xFF800000, v30;
	vm9 =	veq.s32 v17, $0xD;
	vm10 =	veq.s32 v17, $0xE  }
0x1e9: {  	vm11 =	veq.s32 v17, $0xF;
	vm8 =	veq.s32 v17, $0x10;
	vm12 =	veq.s32 v17, $0x11  }
0x1ea: {  	vm13 =	veq.s32 v17, $0x13;
	vm14 =	veq.s32 v17, $0x14;
	vm1 =	vgt.f32 v40, v42  }
0x1eb: {  	vm0 =	vgt.f32 v43, v41;
	vm3 =	vgt.f32 v34, v38;
	vm4 =	vgt.f32 v39, v36  }
0x1ec: {  	vm2 =	vgt.f32 v37, v35;
	v33 =	vsel vm9, $0xFF800000, v33;
	v29 =	vsel vm10, $0xFF800000, v29  }
0x1ed: {  	v31 =	vsel vm11, $0xFF800000, v31;
	vm7 =	vgt.f32 v28, v32;
	v26 =	vsel vm8, $0xFF800000, v26  }
0x1ee: {  	vm9 =	veq.s32 v17, $0x12;
	v24 =	vsel vm12, $0xFF800000, v24;
	v27 =	vsel vm13, $0xFF800000, v27  }
0x1ef: {  	v23 =	vsel vm14, $0xFF800000, v23;
	vm10 =	veq.s32 v17, $0x15;
	vm12 =	veq.s32 v17, $0x16  }
0x1f0: {  	v40 =	vsel vm1, v40, v42;
	v41 =	vsel vm0, v43, v41;
	v34 =	vsel vm3, v34, v38  }
0x1f1: {  	v36 =	vsel vm4, v39, v36;
	v35 =	vsel vm2, v37, v35;
	v28 =	vsel vm7, v28, v32  }
0x1f2: {  	vm6 =	vgt.f32 v33, v30;
	vm5 =	vgt.f32 v31, v29;
	v25 =	vsel vm9, $0xFF800000, v25  }
0x1f3: {  	vm8 =	vgt.f32 v24, v26;
	v43 =	vsel vm1, $0x1, v1;
	v46 =	vsel vm0, $0x3, v2  }
0x1f4: {  	v22 =	vsel vm10, $0xFF800000, v22;
	v47 =	vsel vm3, $0x5, v3;
	v49 =	vsel vm4, $0x7, v4  }
0x1f5: {  	v50 =	vsel vm2, $0x9, v5;
	v51 =	vsel vm7, $0xB, v6;
	v20 =	vsel vm12, $0xFF800000, v20  }
0x1f6: {  	vm10 =	veq.s32 v17, $0x1A;
	v30 =	vsel vm6, v33, v30;
	v29 =	vsel vm5, v31, v29  }
0x1f7: {  	v24 =	vsel vm8, v24, v26;
	vm9 =	vgt.f32 v27, v25;
	vm15 =	vgt.f32 v41, v40  }
0x1f8: {  	vm11 =	vgt.f32 v36, v34;
	vm13 =	vgt.f32 v22, v23;
	vm14 =	vgt.f32 v28, v35  }
0x1f9: {  	v52 =	vsel vm6, $0xD, v7;
	v53 =	vsel vm5, $0xF, v8;
	v54 =	vsel vm8, $0x11, v9  }
0x1fa: {  	vm8 =	veq.s32 v17, $0x18;
	v18 =	vsel vm10, $0xFF800000, v18;
	v25 =	vsel vm9, v27, v25  }
0x1fb: {  	v45 =	vsel vm15, v41, v40;
	v26 =	vsel vm15, v46, v43;
	v48 =	vsel vm11, v36, v34  }
0x1fc: {  	v31 =	vsel vm11, v49, v47;
	v22 =	vsel vm13, v22, v23;
	v28 =	vsel vm14, v28, v35  }
0x1fd: {  	vm15 =	veq.s32 v17, $0x17;
	v23 =	vsel vm14, v51, v50;
	vm4 =	vgt.f32 v29, v30  }
0x1fe: {  	v55 =	vsel vm9, $0x13, v10;
	v56 =	vsel vm13, $0x15, v11;
	vm9 =	veq.s32 v17, $0x19  }
0x1ff: {  	v60 =	vsel vm8, $0xFF800000, v44;
	v21 =	vsel vm15, $0xFF800000, v21;
	v29 =	vsel vm4, v29, v30  }
0x200: {  	vm5 =	vgt.f32 v25, v24;
	vm7 =	vgt.f32 v48, v45;
	v19 =	vsel vm9, $0xFF800000, v19  }
0x201: {  	vm0 =	vgt.f32 v21, v20;
	v24 =	vsel vm5, v25, v24;
	v30 =	vsel vm5, v55, v54  }
0x202: {  	v59 =	vsel vm7, v48, v45;
	v26 =	vsel vm7, v31, v26;
	vm1 =	vgt.f32 v19, v60  }
0x203: {  	vm11 =	vgt.f32 v29, v28;
	v20 =	vsel vm0, v21, v20;
	v21 =	vsel vm4, v53, v52  }
0x204: {  	s29 =	sshra.s32 s26, $0x2;
	v57 =	vsel vm0, $0x17, v12;
	v19 =	vsel vm1, v19, v60;
	vm6 =	vgt.f32 v20, v22  }
0x205: {  	[tilespmem:s29+$0x1A800] =	vst v14;
	v61 =	vsel vm11, v29, v28;
	v14 =	vsel vm1, $0x19, v13;
	v20 =	vsel vm6, v20, v22  }
0x206: {  	v21 =	vsel vm11, v21, v23;
	vm0 =	vgt.f32 v18, v19;
	vm12 =	vgt.f32 v20, v24  }
0x207: {  	p1 =	sne.s32 s26, $0x180;
	vm13 =	vgt.f32 v61, v59;
	v18 =	vsel vm0, v18, v19;
	v62 =	vsel vm12, v20, v24  }
.Ltmp4:
0x208: {  	[tilespmem:s29+$0x1A880] =	vst v15;
	v58 =	vsel vm6, v57, v56;
	v15 =	vsel vm13, v61, v59;
	vm14 =	vgt.f32 v18, v62;
	(pc) =	sbr.rel @p1 .LBB2_8-.Ltmp4, $4  }
0x209: {  	v14 =	vsel vm0, $0x1A, v14;
	v63 =	vsel vm12, v58, v30;
	v18 =	vsel vm14, v18, v62  }
0x20a: {  	[tilespmem:s29+$0x1A900] =	vst v16;
	v14 =	vsel vm14, v14, v63;
	vm15 =	vgt.f32 v18, v15;
	v15 =	vsel vm13, v21, v26  }
0x20b: {  	[tilespmem:s29+$0x1A980] =	vst v17;
	v14 =	vsel vm15, v14, v15  }
0x20c: {  	s28 =	sadd.s32 $0x10, s28;
	s26 =	sadd.s32 $0x40, s26;
	[tilespmem:s29+$0x1AA00] =	vst v14  }
.Ltmp5:
0x20d: {  	(pc) =	sbr.rel .LBB2_10-.Ltmp5, $4  }
0x20e: {  	[hbm4b:s7+s2] =	stream.linear.scatter [tilespmem:s23], [sflag:$0x1], $0x4C00, $0x38;
	[tilespmem:$0x1B800] =	vst v63  }
0x20f: {  	_ =	swait.ge [sflag:s18], $0x4C00  }
0x210: {  	[sflag:s18] =	ssyncset.done $0x0  }
0x211: {  	[sflag:s18] =	ssyncadd.s32 $0xFFFFB400  }
.LBB2_2:
0x212: {  	[tilespmem:s26], [sflag:$0x1] =	stream.strided.gather [hbm4b:s4+s13], $0x16000, s24, s13, $0x38;
	[tilespmem:$0x1B800] =	vst v63  }
0x213: {  	_ =	swait.ge [sflag:s18], $0x16000  }
0x214: {  	[sflag:s18] =	ssyncset.done $0x0  }
0x215: {  	s28 =	simm.s32 $0x0;
	[sflag:s18] =	ssyncadd.s32 $0xFFFEA000  }
.LBB2_3:
0x216: {  	v14 =	vmov s28  }
0x217: {  	v15 =	vor.u32 s28, v0;
	v14 =	vshll.u32 v14, $0x3  }
0x218: {  	v16 =	vand.u32 $0x7F, v15;
	v15 =	vand.u32 $0x7C00, v14  }
0x219: {  	v14 =	vor.u32 v16, v14;
	v17 =	vor.u32 v16, v15  }
0x21a: {  	v14 =	vor.u32 $0x380, v14  }
0x21b: {  	v15 =	vor.u32 $0x80, v17  }
0x21c: {  	v18 =	vor.u32 $0x100, v17  }
0x21d: {  	v19 =	vor.u32 $0x180, v17  }
0x21e: {  	v20 =	vor.u32 $0x200, v17;
	v21 =	vld.idx.msk [tilespmem:v17+s2+$0x0], $0xffff  }
0x21f: {  	v22 =	vor.u32 $0x280, v17;
	v27 =	vld.idx.msk [tilespmem:v14+s2+$0x0], $0xffff  }
0x220: {  	v23 =	vor.u32 $0x300, v17;
	v15 =	vld.idx.msk [tilespmem:v15+s2+$0x0], $0xffff  }
0x221: {  	v57 =	vadd.s32 $0x5800, v17;
	v18 =	vld.idx.msk [tilespmem:v18+s2+$0x0], $0xffff  }
0x222: {  	v24 =	vadd.s32 $0x5880, v17;
	v19 =	vld.idx.msk [tilespmem:v19+s2+$0x0], $0xffff  }
0x223: {  	v25 =	vadd.s32 $0x5900, v17;
	v20 =	vld.idx.msk [tilespmem:v20+s2+$0x0], $0xffff  }
0x224: {  	v26 =	vadd.s32 $0x5980, v17;
	v22 =	vld.idx.msk [tilespmem:v22+s2+$0x0], $0xffff  }
0x225: {  	v59 =	vadd.s32 $0x5B00, v17;
	v23 =	vld.idx.msk [tilespmem:v23+s2+$0x0], $0xffff  }
0x226: {  	v60 =	vadd.s32 $0x5B80, v17;
	v28 =	vld.idx.msk [tilespmem:v57+s2+$0x0], $0xffff  }
0x227: {  	v61 =	vadd.s32 $0xB000, v17;
	v29 =	vld.idx.msk [tilespmem:v24+s2+$0x0], $0xffff  }
0x228: {  	v32 =	vadd.s32 $0xB080, v17;
	v30 =	vld.idx.msk [tilespmem:v25+s2+$0x0], $0xffff  }
0x229: {  	v35 =	vadd.s32 $0xB200, v17;
	v31 =	vld.idx.msk [tilespmem:v26+s2+$0x0], $0xffff  }
0x22a: {  	v36 =	vadd.s32 $0xB280, v17;
	v40 =	vld.idx.msk [tilespmem:v59+s2+$0x0], $0xffff  }
0x22b: {  	v62 =	vadd.s32 $0xB300, v17;
	v41 =	vld.idx.msk [tilespmem:v60+s2+$0x0], $0xffff  }
0x22c: {  	v38 =	vadd.s32 $0xB380, v17;
	v43 =	vld.idx.msk [tilespmem:v61+s2+$0x0], $0xffff  }
0x22d: {  	v45 =	vld.idx.msk [tilespmem:v32+s2+$0x0], $0xffff  }
0x22e: {  	v14 =	vadd.s32 $0x5A00, v17;
	v51 =	vld.idx.msk [tilespmem:v35+s2+$0x0], $0xffff  }
0x22f: {  	v53 =	vld.idx.msk [tilespmem:v36+s2+$0x0], $0xffff  }
0x230: {  	v55 =	vld.idx.msk [tilespmem:v62+s2+$0x0], $0xffff  }
0x231: {  	v58 =	vadd.s32 $0x5A80, v17;
	v56 =	vld.idx.msk [tilespmem:v38+s2+$0x0], $0xffff  }
0x232: {  	v33 =	vadd.s32 $0xB100, v17;
	v39 =	vadd.s32 $0x10800, v17;
	v24 =	vadd.s32 $0x10880, v17  }
0x233: {  	v34 =	vld.idx.msk [tilespmem:v14+s2+$0x0], $0xffff;
	v14 =	vadd.s32 $0xB180, v17;
	v17 =	vadd.s32 $0x10900, v17;
	vm0 =	vgt.f32 v15, v21  }
0x234: {  	vm10 =	vgt.f32 v19, v18;
	vm11 =	vgt.f32 v22, v20;
	vm12 =	vgt.f32 v27, v23  }
0x235: {  	vm13 =	vgt.f32 v29, v28;
	vm14 =	vgt.f32 v31, v30;
	vm4 =	vgt.f32 v41, v40  }
0x236: {  	vm1 =	vgt.f32 v45, v43;
	vm7 =	vgt.f32 v53, v51;
	vm9 =	vgt.f32 v56, v55  }
0x237: {  	v25 =	vsel vm0, v15, v21;
	v42 =	vsel vm0, $0x1, v1;
	v63 =	vsel vm10, v19, v18  }
0x238: {  	v37 =	vld.idx.msk [tilespmem:v58+s2+$0x0], $0xffff;
	v44 =	vsel vm10, $0x3, v2;
	v32 =	vsel vm11, v22, v20;
	v46 =	vsel vm11, $0x5, v3  }
0x239: {  	v47 =	vld.idx.msk [tilespmem:v33+s2+$0x0], $0xffff;
	v33 =	vsel vm12, v27, v23;
	v48 =	vsel vm12, $0x7, v4;
	v50 =	vsel vm13, $0x9, v5  }
0x23a: {  	v58 =	vld.idx.msk [tilespmem:v39+s2+$0x0], $0xffff;
	v60 =	vsel vm14, v31, v30;
	v52 =	vsel vm14, $0xB, v6;
	v61 =	vsel vm4, v41, v40  }
0x23b: {  	v59 =	vld.idx.msk [tilespmem:v24+s2+$0x0], $0xffff;
	v62 =	vsel vm4, $0xF, v8;
	v57 =	vsel vm1, v45, v43;
	vm2 =	vgt.f32 v63, v25  }
0x23c: {  	v26 =	vsel vm1, $0x11, v9;
	vm6 =	vgt.f32 v33, v32;
	v25 =	vsel vm2, v63, v25  }
0x23d: {  	v24 =	vsel vm2, v44, v42;
	v32 =	vsel vm6, v33, v32;
	v42 =	vsel vm6, v48, v46  }
0x23e: {  	v44 =	vsel vm7, v53, v51;
	v49 =	vld.idx.msk [tilespmem:v14+s2+$0x0], $0xffff;
	v14 =	vsel vm13, v29, v28;
	vm15 =	vgt.f32 v37, v34  }
0x23f: {  	v46 =	vld.idx.msk [tilespmem:v17+s2+$0x0], $0xffff;
	v17 =	vsel vm7, $0x15, v11;
	v36 =	vsel vm15, v37, v34;
	v54 =	vsel vm15, $0xD, v7  }
0x240: {  	vm8 =	vgt.f32 v60, v14;
	vm11 =	vgt.f32 v59, v58;
	vm15 =	vgt.f32 v32, v25  }
0x241: {  	v14 =	vsel vm8, v60, v14;
	vm10 =	vgt.f32 v61, v36;
	v35 =	vsel vm8, v52, v50  }
0x242: {  	v60 =	vsel vm9, v56, v55;
	v25 =	vsel vm15, v32, v25;
	v24 =	vsel vm15, v42, v24  }
0x243: {  	v16 =	vsel vm10, v61, v36;
	v61 =	vsel vm9, $0x17, v12;
	v38 =	vsel vm10, v62, v54  }
0x244: {  	v62 =	vsel vm11, v59, v58;
	vm13 =	vgt.f32 v60, v44;
	vm5 =	vgt.f32 v49, v47  }
0x245: {  	v48 =	vsel vm13, v60, v44;
	v17 =	vsel vm13, v61, v17;
	v63 =	vsel vm5, v49, v47  }
0x246: {  	vm4 =	vgt.f32 v16, v14;
	vm14 =	vgt.f32 v46, v62;
	vm12 =	vgt.f32 v63, v57  }
0x247: {  	v14 =	vsel vm4, v16, v14;
	v61 =	vsel vm4, v38, v35;
	v39 =	vsel vm12, v63, v57  }
0x248: {  	v33 =	vsel vm5, $0x13, v10;
	vm6 =	vgt.f32 v14, v25;
	vm5 =	vgt.f32 v48, v39  }
0x249: {  	v54 =	vsel vm14, v46, v62;
	v14 =	vsel vm6, v14, v25;
	v60 =	vsel vm5, v48, v39  }
0x24a: {  	v63 =	vsel vm11, $0x19, v13;
	v26 =	vsel vm12, v33, v26;
	vm7 =	vgt.f32 v54, v60  }
0x24b: {  	v57 =	vsel vm14, $0x1A, v63;
	v17 =	vsel vm5, v17, v26;
	v16 =	vsel vm7, v54, v60  }
0x24c: {  	v24 =	vsel vm6, v61, v24;
	v17 =	vsel vm7, v57, v17;
	vm8 =	vgt.f32 v16, v14  }
0x24d: {  	v14 =	vsel vm8, v17, v24  }
0x24e: {  	vm0 =	veq.s32 v14, $0x0  }
0x24f: {  	vm9 =	veq.s32 v14, $0x1;
	vm10 =	veq.s32 v14, $0x2;
	vm11 =	veq.s32 v14, $0x3  }
0x250: {  	vm12 =	veq.s32 v14, $0x4;
	vm13 =	veq.s32 v14, $0x5;
	vm14 =	veq.s32 v14, $0x6  }
0x251: {  	vm15 =	veq.s32 v14, $0x7;
	vm4 =	veq.s32 v14, $0x8;
	vm5 =	veq.s32 v14, $0x9  }
0x252: {  	vm6 =	veq.s32 v14, $0xA;
	vm7 =	veq.s32 v14, $0xB;
	vm8 =	veq.s32 v14, $0xC  }
0x253: {  	v16 =	vsel vm0, $0xFF800000, v21;
	v17 =	vsel vm9, $0xFF800000, v15;
	v18 =	vsel vm10, $0xFF800000, v18  }
0x254: {  	v19 =	vsel vm11, $0xFF800000, v19;
	v20 =	vsel vm12, $0xFF800000, v20;
	v21 =	vsel vm13, $0xFF800000, v22  }
0x255: {  	v22 =	vsel vm14, $0xFF800000, v23;
	v23 =	vsel vm15, $0xFF800000, v27;
	v24 =	vsel vm4, $0xFF800000, v28  }
0x256: {  	v25 =	vsel vm5, $0xFF800000, v29;
	v26 =	vsel vm6, $0xFF800000, v30;
	v27 =	vsel vm7, $0xFF800000, v31  }
0x257: {  	v28 =	vsel vm8, $0xFF800000, v34;
	vm9 =	veq.s32 v14, $0xD;
	vm10 =	veq.s32 v14, $0xE  }
0x258: {  	vm11 =	veq.s32 v14, $0xF;
	vm12 =	veq.s32 v14, $0x10;
	vm13 =	veq.s32 v14, $0x11  }
0x259: {  	vm14 =	veq.s32 v14, $0x12;
	vm15 =	veq.s32 v14, $0x13;
	vm4 =	veq.s32 v14, $0x14  }
0x25a: {  	vm5 =	veq.s32 v14, $0x15;
	vm6 =	veq.s32 v14, $0x16;
	vm7 =	veq.s32 v14, $0x17  }
0x25b: {  	vm8 =	veq.s32 v14, $0x18;
	v29 =	vsel vm9, $0xFF800000, v37;
	v30 =	vsel vm10, $0xFF800000, v40  }
0x25c: {  	v31 =	vsel vm11, $0xFF800000, v41;
	v32 =	vsel vm12, $0xFF800000, v43;
	v33 =	vsel vm13, $0xFF800000, v45  }
0x25d: {  	v34 =	vsel vm14, $0xFF800000, v47;
	v35 =	vsel vm15, $0xFF800000, v49;
	v36 =	vsel vm4, $0xFF800000, v51  }
0x25e: {  	v37 =	vsel vm5, $0xFF800000, v53;
	v38 =	vsel vm6, $0xFF800000, v55;
	v39 =	vsel vm7, $0xFF800000, v56  }
0x25f: {  	v40 =	vsel vm8, $0xFF800000, v58;
	vm9 =	veq.s32 v14, $0x19;
	vm10 =	veq.s32 v14, $0x1A  }
0x260: {  	vm11 =	vgt.f32 v17, v16;
	vm12 =	vgt.f32 v19, v18;
	vm13 =	vgt.f32 v21, v20  }
0x261: {  	vm14 =	vgt.f32 v23, v22;
	vm15 =	vgt.f32 v25, v24;
	vm4 =	vgt.f32 v27, v26  }
0x262: {  	v41 =	vsel vm9, $0xFF800000, v59;
	v42 =	vsel vm10, $0xFF800000, v46;
	v15 =	vsel vm11, v17, v16  }
0x263: {  	v43 =	vsel vm11, $0x1, v1;
	v44 =	vsel vm12, v19, v18;
	v45 =	vsel vm12, $0x3, v2  }
0x264: {  	v46 =	vsel vm13, v21, v20;
	v47 =	vsel vm13, $0x5, v3;
	v62 =	vsel vm14, v23, v22  }
0x265: {  	v63 =	vsel vm14, $0x7, v4;
	v50 =	vsel vm15, v25, v24;
	v51 =	vsel vm15, $0x9, v5  }
0x266: {  	v52 =	vsel vm4, v27, v26;
	v53 =	vsel vm4, $0xB, v6;
	vm5 =	vgt.f32 v29, v28  }
0x267: {  	vm6 =	vgt.f32 v31, v30;
	vm7 =	vgt.f32 v33, v32;
	vm9 =	vgt.f32 v35, v34  }
0x268: {  	vm11 =	vgt.f32 v37, v36;
	vm13 =	vgt.f32 v39, v38;
	v54 =	vsel vm5, v29, v28  }
0x269: {  	v55 =	vsel vm5, $0xD, v7;
	v60 =	vsel vm6, v31, v30;
	vm8 =	vgt.f32 v44, v15  }
0x26a: {  	v61 =	vsel vm6, $0xF, v8;
	vm10 =	vgt.f32 v62, v46;
	vm12 =	vgt.f32 v52, v50  }
0x26b: {  	vm15 =	vgt.f32 v41, v40;
	v15 =	vsel vm8, v44, v15;
	v44 =	vsel vm7, v33, v32  }
0x26c: {  	v43 =	vsel vm8, v45, v43;
	v45 =	vsel vm7, $0x11, v9;
	v46 =	vsel vm10, v62, v46  }
0x26d: {  	v62 =	vsel vm9, v35, v34;
	v47 =	vsel vm10, v63, v47;
	v63 =	vsel vm9, $0x13, v10  }
0x26e: {  	v50 =	vsel vm12, v52, v50;
	v52 =	vsel vm11, v37, v36;
	vm14 =	vgt.f32 v60, v54  }
0x26f: {  	v51 =	vsel vm12, v53, v51;
	v53 =	vsel vm11, $0x15, v11;
	v54 =	vsel vm14, v60, v54  }
0x270: {  	v60 =	vsel vm13, v39, v38;
	v55 =	vsel vm14, v61, v55;
	vm4 =	vgt.f32 v62, v44  }
0x271: {  	v61 =	vsel vm13, $0x17, v12;
	vm7 =	vgt.f32 v46, v15;
	v44 =	vsel vm4, v62, v44  }
0x272: {  	v62 =	vsel vm15, v41, v40;
	v45 =	vsel vm4, v63, v45;
	v63 =	vsel vm15, $0x19, v13  }
0x273: {  	vm5 =	vgt.f32 v60, v52;
	v15 =	vsel vm7, v46, v15;
	vm8 =	vgt.f32 v54, v50  }
0x274: {  	v43 =	vsel vm7, v47, v43;
	v52 =	vsel vm5, v60, v52;
	v53 =	vsel vm5, v61, v53  }
0x275: {  	vm6 =	vgt.f32 v42, v62;
	v58 =	vsel vm8, v54, v50;
	vm9 =	vgt.f32 v52, v44  }
0x276: {  	v59 =	vsel vm8, v55, v51;
	v48 =	vsel vm6, v42, v62;
	v44 =	vsel vm9, v52, v44  }
0x277: {  	v49 =	vsel vm6, $0x1A, v63;
	vm10 =	vgt.f32 v58, v15;
	vm11 =	vgt.f32 v48, v44  }
0x278: {  	v45 =	vsel vm9, v53, v45;
	v15 =	vsel vm10, v58, v15;
	v44 =	vsel vm11, v48, v44  }
0x279: {  	v43 =	vsel vm10, v59, v43;
	v45 =	vsel vm11, v49, v45;
	vm12 =	vgt.f32 v44, v15  }
0x27a: {  	v15 =	vsel vm12, v45, v43  }
0x27b: {  	vm0 =	veq.s32 v15, $0x0  }
0x27c: {  	vm13 =	veq.s32 v15, $0x1;
	vm14 =	veq.s32 v15, $0x2;
	vm15 =	veq.s32 v15, $0x3  }
0x27d: {  	vm4 =	veq.s32 v15, $0x4;
	vm5 =	veq.s32 v15, $0x5;
	vm6 =	veq.s32 v15, $0x6  }
0x27e: {  	vm7 =	veq.s32 v15, $0x7;
	vm8 =	veq.s32 v15, $0x8;
	vm9 =	veq.s32 v15, $0x9  }
0x27f: {  	vm10 =	veq.s32 v15, $0xA;
	vm11 =	veq.s32 v15, $0xB;
	vm12 =	veq.s32 v15, $0xC  }
0x280: {  	v43 =	vsel vm0, $0xFF800000, v16;
	v44 =	vsel vm13, $0xFF800000, v17;
	v45 =	vsel vm14, $0xFF800000, v18  }
0x281: {  	v46 =	vsel vm15, $0xFF800000, v19;
	v20 =	vsel vm4, $0xFF800000, v20;
	v21 =	vsel vm5, $0xFF800000, v21  }
0x282: {  	v22 =	vsel vm6, $0xFF800000, v22;
	v23 =	vsel vm7, $0xFF800000, v23;
	v24 =	vsel vm8, $0xFF800000, v24  }
0x283: {  	v25 =	vsel vm9, $0xFF800000, v25;
	v26 =	vsel vm10, $0xFF800000, v26;
	v27 =	vsel vm11, $0xFF800000, v27  }
0x284: {  	v47 =	vsel vm12, $0xFF800000, v28;
	vm13 =	veq.s32 v15, $0xD;
	vm14 =	veq.s32 v15, $0xE  }
0x285: {  	vm15 =	veq.s32 v15, $0xF;
	vm4 =	veq.s32 v15, $0x10;
	vm5 =	veq.s32 v15, $0x11  }
0x286: {  	vm6 =	veq.s32 v15, $0x12;
	vm7 =	veq.s32 v15, $0x13;
	vm8 =	veq.s32 v15, $0x14  }
0x287: {  	vm9 =	veq.s32 v15, $0x15;
	vm10 =	veq.s32 v15, $0x16;
	vm11 =	veq.s32 v15, $0x17  }
0x288: {  	vm12 =	veq.s32 v15, $0x18;
	v29 =	vsel vm13, $0xFF800000, v29;
	v48 =	vsel vm14, $0xFF800000, v30  }
0x289: {  	v31 =	vsel vm15, $0xFF800000, v31;
	v49 =	vsel vm4, $0xFF800000, v32;
	v50 =	vsel vm5, $0xFF800000, v33  }
0x28a: {  	v51 =	vsel vm6, $0xFF800000, v34;
	v52 =	vsel vm7, $0xFF800000, v35;
	v53 =	vsel vm8, $0xFF800000, v36  }
0x28b: {  	v54 =	vsel vm9, $0xFF800000, v37;
	v55 =	vsel vm10, $0xFF800000, v38;
	v56 =	vsel vm11, $0xFF800000, v39  }
0x28c: {  	v18 =	vsel vm12, $0xFF800000, v40;
	vm13 =	veq.s32 v15, $0x19;
	vm14 =	veq.s32 v15, $0x1A  }
0x28d: {  	vm15 =	vgt.f32 v44, v43;
	vm4 =	vgt.f32 v46, v45;
	vm5 =	vgt.f32 v21, v20  }
0x28e: {  	vm6 =	vgt.f32 v23, v22;
	vm7 =	vgt.f32 v25, v24;
	vm8 =	vgt.f32 v27, v26  }
0x28f: {  	v19 =	vsel vm13, $0xFF800000, v41;
	v17 =	vsel vm14, $0xFF800000, v42;
	v16 =	vsel vm15, v44, v43  }
0x290: {  	v28 =	vsel vm15, $0x1, v1;
	v60 =	vsel vm4, v46, v45;
	v32 =	vsel vm4, $0x3, v2  }
0x291: {  	v33 =	vsel vm5, v21, v20;
	v34 =	vsel vm5, $0x5, v3;
	v35 =	vsel vm6, v23, v22  }
0x292: {  	v61 =	vsel vm6, $0x7, v4;
	v37 =	vsel vm7, v25, v24;
	v38 =	vsel vm7, $0x9, v5  }
0x293: {  	v62 =	vsel vm8, v27, v26;
	v63 =	vsel vm8, $0xB, v6;
	vm9 =	vgt.f32 v29, v47  }
0x294: {  	vm10 =	vgt.f32 v31, v48;
	vm12 =	vgt.f32 v50, v49;
	vm14 =	vgt.f32 v52, v51  }
0x295: {  	vm4 =	vgt.f32 v54, v53;
	vm6 =	vgt.f32 v56, v55;
	v41 =	vsel vm9, v29, v47  }
0x296: {  	vm11 =	vgt.f32 v60, v16;
	v42 =	vsel vm9, $0xD, v7;
	v57 =	vsel vm10, v31, v48  }
0x297: {  	vm13 =	vgt.f32 v35, v33;
	vm15 =	vgt.f32 v62, v37;
	vm8 =	vgt.f32 v19, v18  }
0x298: {  	v16 =	vsel vm11, v60, v16;
	v60 =	vsel vm10, $0xF, v8;
	v28 =	vsel vm11, v32, v28  }
0x299: {  	v32 =	vsel vm12, v50, v49;
	v33 =	vsel vm13, v35, v33;
	v35 =	vsel vm12, $0x11, v9  }
0x29a: {  	v34 =	vsel vm13, v61, v34;
	v61 =	vsel vm14, v52, v51;
	v37 =	vsel vm15, v62, v37  }
0x29b: {  	v62 =	vsel vm14, $0x13, v10;
	vm5 =	vgt.f32 v57, v41;
	v38 =	vsel vm15, v63, v38  }
0x29c: {  	v63 =	vsel vm4, v54, v53;
	v41 =	vsel vm5, v57, v41;
	v57 =	vsel vm4, $0x15, v11  }
0x29d: {  	vm7 =	vgt.f32 v61, v32;
	v30 =	vsel vm5, v60, v42;
	v60 =	vsel vm6, v56, v55  }
0x29e: {  	vm11 =	vgt.f32 v33, v16;
	v32 =	vsel vm7, v61, v32;
	v61 =	vsel vm6, $0x17, v12  }
0x29f: {  	vm9 =	vgt.f32 v60, v63;
	v35 =	vsel vm7, v62, v35;
	v62 =	vsel vm8, v19, v18  }
0x2a0: {  	v16 =	vsel vm11, v33, v16;
	vm12 =	vgt.f32 v41, v37;
	v28 =	vsel vm11, v34, v28  }
0x2a1: {  	v40 =	vsel vm9, v60, v63;
	v63 =	vsel vm8, $0x19, v13;
	v36 =	vsel vm9, v61, v57  }
0x2a2: {  	vm10 =	vgt.f32 v17, v62;
	v58 =	vsel vm12, v41, v37;
	vm13 =	vgt.f32 v40, v32  }
0x2a3: {  	v30 =	vsel vm12, v30, v38;
	v39 =	vsel vm10, v17, v62;
	v32 =	vsel vm13, v40, v32  }
0x2a4: {  	v42 =	vsel vm10, $0x1A, v63;
	vm14 =	vgt.f32 v58, v16;
	vm15 =	vgt.f32 v39, v32  }
0x2a5: {  	v59 =	vsel vm13, v36, v35;
	v16 =	vsel vm14, v58, v16;
	v32 =	vsel vm15, v39, v32  }
0x2a6: {  	v28 =	vsel vm14, v30, v28;
	v60 =	vsel vm15, v42, v59;
	vm4 =	vgt.f32 v32, v16  }
0x2a7: {  	v16 =	vsel vm4, v60, v28  }
0x2a8: {  	vm0 =	veq.s32 v16, $0x0  }
0x2a9: {  	vm5 =	veq.s32 v16, $0x1;
	vm6 =	veq.s32 v16, $0x2;
	vm7 =	veq.s32 v16, $0x3  }
0x2aa: {  	vm8 =	veq.s32 v16, $0x4;
	vm9 =	veq.s32 v16, $0x5;
	vm10 =	veq.s32 v16, $0x6  }
0x2ab: {  	vm11 =	veq.s32 v16, $0x7;
	vm12 =	veq.s32 v16, $0x8;
	vm13 =	veq.s32 v16, $0x9  }
0x2ac: {  	vm14 =	veq.s32 v16, $0xA;
	vm15 =	veq.s32 v16, $0xB;
	vm4 =	veq.s32 v16, $0xC  }
0x2ad: {  	v42 =	vsel vm0, $0xFF800000, v43;
	v40 =	vsel vm5, $0xFF800000, v44;
	v41 =	vsel vm6, $0xFF800000, v45  }
0x2ae: {  	v43 =	vsel vm7, $0xFF800000, v46;
	v38 =	vsel vm8, $0xFF800000, v20;
	v34 =	vsel vm9, $0xFF800000, v21  }
0x2af: {  	v36 =	vsel vm10, $0xFF800000, v22;
	v39 =	vsel vm11, $0xFF800000, v23;
	v35 =	vsel vm12, $0xFF800000, v24  }
0x2b0: {  	v37 =	vsel vm13, $0xFF800000, v25;
	v32 =	vsel vm14, $0xFF800000, v26;
	v28 =	vsel vm15, $0xFF800000, v27  }
0x2b1: {  	v30 =	vsel vm4, $0xFF800000, v47;
	vm5 =	veq.s32 v16, $0xD;
	vm6 =	veq.s32 v16, $0xE  }
0x2b2: {  	vm7 =	veq.s32 v16, $0xF;
	vm8 =	veq.s32 v16, $0x10;
	vm9 =	veq.s32 v16, $0x11  }
0x2b3: {  	vm10 =	veq.s32 v16, $0x12;
	vm11 =	veq.s32 v16, $0x13;
	vm12 =	veq.s32 v16, $0x14  }
0x2b4: {  	vm13 =	veq.s32 v16, $0x15;
	vm14 =	veq.s32 v16, $0x16;
	vm15 =	veq.s32 v16, $0x17  }
0x2b5: {  	v33 =	vsel vm5, $0xFF800000, v29;
	v29 =	vsel vm6, $0xFF800000, v48;
	v31 =	vsel vm7, $0xFF800000, v31  }
0x2b6: {  	v26 =	vsel vm8, $0xFF800000, v49;
	v24 =	vsel vm9, $0xFF800000, v50;
	v25 =	vsel vm10, $0xFF800000, v51  }
0x2b7: {  	v27 =	vsel vm11, $0xFF800000, v52;
	v23 =	vsel vm12, $0xFF800000, v53;
	v22 =	vsel vm13, $0xFF800000, v54  }
0x2b8: {  	v20 =	vsel vm14, $0xFF800000, v55;
	v21 =	vsel vm15, $0xFF800000, v56;
	vm4 =	vgt.f32 v40, v42  }
0x2b9: {  	vm5 =	vgt.f32 v43, v41;
	vm6 =	vgt.f32 v34, v38;
	vm7 =	vgt.f32 v39, v36  }
0x2ba: {  	vm8 =	vgt.f32 v37, v35;
	vm9 =	vgt.f32 v28, v32;
	v44 =	vsel vm4, v40, v42  }
0x2bb: {  	v45 =	vsel vm4, $0x1, v1;
	v46 =	vsel vm5, v43, v41;
	v61 =	vsel vm5, $0x3, v2  }
0x2bc: {  	v48 =	vsel vm6, v34, v38;
	v49 =	vsel vm6, $0x5, v3;
	v50 =	vsel vm7, v39, v36  }
0x2bd: {  	v51 =	vsel vm7, $0x7, v4;
	v52 =	vsel vm8, v37, v35;
	v53 =	vsel vm8, $0x9, v5  }
0x2be: {  	v62 =	vsel vm9, v28, v32;
	v63 =	vsel vm9, $0xB, v6;
	vm10 =	vgt.f32 v33, v30  }
0x2bf: {  	vm11 =	vgt.f32 v31, v29;
	vm13 =	vgt.f32 v24, v26;
	vm15 =	vgt.f32 v27, v25  }
0x2c0: {  	vm5 =	vgt.f32 v22, v23;
	vm7 =	vgt.f32 v21, v20;
	v56 =	vsel vm10, v33, v30  }
0x2c1: {  	vm12 =	vgt.f32 v46, v44;
	v57 =	vsel vm10, $0xD, v7;
	v60 =	vsel vm11, v31, v29  }
0x2c2: {  	vm14 =	vgt.f32 v50, v48;
	vm4 =	vgt.f32 v62, v52;
	v44 =	vsel vm12, v46, v44  }
0x2c3: {  	v45 =	vsel vm12, v61, v45;
	v61 =	vsel vm11, $0xF, v8;
	v48 =	vsel vm14, v50, v48  }
0x2c4: {  	v50 =	vsel vm13, v24, v26;
	v49 =	vsel vm14, v51, v49;
	v51 =	vsel vm13, $0x11, v9  }
0x2c5: {  	v52 =	vsel vm4, v62, v52;
	v62 =	vsel vm15, v27, v25;
	v53 =	vsel vm4, v63, v53  }
0x2c6: {  	vm6 =	vgt.f32 v60, v56;
	v63 =	vsel vm15, $0x13, v10;
	vm11 =	veq.s32 v16, $0x18  }
0x2c7: {  	vm12 =	veq.s32 v16, $0x19;
	vm13 =	veq.s32 v16, $0x1A;
	v46 =	vsel vm6, v60, v56  }
0x2c8: {  	v60 =	vsel vm5, v22, v23;
	v47 =	vsel vm6, v61, v57;
	vm8 =	vgt.f32 v62, v50  }
0x2c9: {  	v61 =	vsel vm5, $0x15, v11;
	vm10 =	vgt.f32 v48, v44;
	v19 =	vsel vm12, $0xFF800000, v19  }
0x2ca: {  	v50 =	vsel vm8, v62, v50;
	v62 =	vsel vm7, v21, v20;
	v51 =	vsel vm8, v63, v51  }
0x2cb: {  	v63 =	vsel vm7, $0x17, v12;
	v48 =	vsel vm10, v48, v44;
	v45 =	vsel vm10, v49, v45  }
0x2cc: {  	v44 =	vsel vm11, $0xFF800000, v18;
	vm14 =	vgt.f32 v46, v52;
	v18 =	vsel vm13, $0xFF800000, v17  }
0x2cd: {  	vm9 =	vgt.f32 v62, v60;
	vm1 =	vgt.f32 v19, v44;
	v56 =	vsel vm14, v46, v52  }
0x2ce: {  	v47 =	vsel vm14, v47, v53;
	v54 =	vsel vm9, v62, v60;
	v57 =	vsel vm1, v19, v44  }
0x2cf: {  	v55 =	vsel vm9, v63, v61;
	vm0 =	vgt.f32 v18, v57;
	vm15 =	vgt.f32 v54, v50  }
0x2d0: {  	vm4 =	vgt.f32 v56, v48;
	v58 =	vsel vm15, v54, v50;
	v46 =	vsel vm0, v18, v57  }
0x2d1: {  	v60 =	vsel vm1, $0x19, v13;
	v17 =	vsel vm4, v56, v48;
	vm5 =	vgt.f32 v46, v58  }
0x2d2: {  	v59 =	vsel vm15, v55, v51;
	v61 =	vsel vm0, $0x1A, v60;
	v46 =	vsel vm5, v46, v58  }
0x2d3: {  	v62 =	vsel vm4, v47, v45;
	v63 =	vsel vm5, v61, v59;
	vm6 =	vgt.f32 v46, v17  }
0x2d4: {  	v17 =	vsel vm6, v63, v62  }
0x2d5: {  	vm0 =	veq.s32 v17, $0x0  }
0x2d6: {  	vm7 =	veq.s32 v17, $0x1;
	vm8 =	veq.s32 v17, $0x2;
	vm9 =	veq.s32 v17, $0x3  }
0x2d7: {  	vm10 =	veq.s32 v17, $0x4;
	vm11 =	veq.s32 v17, $0x5;
	vm3 =	veq.s32 v17, $0x6  }
0x2d8: {  	vm12 =	veq.s32 v17, $0x7;
	vm13 =	veq.s32 v17, $0x8;
	vm14 =	veq.s32 v17, $0x9  }
0x2d9: {  	vm5 =	veq.s32 v17, $0xA;
	vm15 =	veq.s32 v17, $0xB;
	vm6 =	veq.s32 v17, $0xC  }
0x2da: {  	v42 =	vsel vm0, $0xFF800000, v42;
	v40 =	vsel vm7, $0xFF800000, v40;
	v41 =	vsel vm8, $0xFF800000, v41  }
0x2db: {  	v43 =	vsel vm9, $0xFF800000, v43;
	v38 =	vsel vm10, $0xFF800000, v38;
	v34 =	vsel vm11, $0xFF800000, v34  }
0x2dc: {  	v36 =	vsel vm3, $0xFF800000, v36;
	v39 =	vsel vm12, $0xFF800000, v39;
	v35 =	vsel vm13, $0xFF800000, v35  }
0x2dd: {  	v37 =	vsel vm14, $0xFF800000, v37;
	v32 =	vsel vm5, $0xFF800000, v32;
	v28 =	vsel vm15, $0xFF800000, v28  }
0x2de: {  	v30 =	vsel vm6, $0xFF800000, v30;
	vm9 =	veq.s32 v17, $0xD;
	vm10 =	veq.s32 v17, $0xE  }
0x2df: {  	vm11 =	veq.s32 v17, $0xF;
	vm8 =	veq.s32 v17, $0x10;
	vm12 =	veq.s32 v17, $0x11  }
0x2e0: {  	vm13 =	veq.s32 v17, $0x13;
	vm14 =	veq.s32 v17, $0x14;
	vm1 =	vgt.f32 v40, v42  }
0x2e1: {  	vm0 =	vgt.f32 v43, v41;
	vm3 =	vgt.f32 v34, v38;
	vm4 =	vgt.f32 v39, v36  }
0x2e2: {  	vm2 =	vgt.f32 v37, v35;
	v33 =	vsel vm9, $0xFF800000, v33;
	v29 =	vsel vm10, $0xFF800000, v29  }
0x2e3: {  	v31 =	vsel vm11, $0xFF800000, v31;
	vm7 =	vgt.f32 v28, v32;
	v26 =	vsel vm8, $0xFF800000, v26  }
0x2e4: {  	vm9 =	veq.s32 v17, $0x12;
	v24 =	vsel vm12, $0xFF800000, v24;
	v27 =	vsel vm13, $0xFF800000, v27  }
0x2e5: {  	v23 =	vsel vm14, $0xFF800000, v23;
	vm10 =	veq.s32 v17, $0x15;
	vm12 =	veq.s32 v17, $0x16  }
0x2e6: {  	v40 =	vsel vm1, v40, v42;
	v41 =	vsel vm0, v43, v41;
	v34 =	vsel vm3, v34, v38  }
0x2e7: {  	v36 =	vsel vm4, v39, v36;
	v35 =	vsel vm2, v37, v35;
	v28 =	vsel vm7, v28, v32  }
0x2e8: {  	vm6 =	vgt.f32 v33, v30;
	vm5 =	vgt.f32 v31, v29;
	v25 =	vsel vm9, $0xFF800000, v25  }
0x2e9: {  	vm8 =	vgt.f32 v24, v26;
	v43 =	vsel vm1, $0x1, v1;
	v46 =	vsel vm0, $0x3, v2  }
0x2ea: {  	v22 =	vsel vm10, $0xFF800000, v22;
	v47 =	vsel vm3, $0x5, v3;
	v49 =	vsel vm4, $0x7, v4  }
0x2eb: {  	v50 =	vsel vm2, $0x9, v5;
	v51 =	vsel vm7, $0xB, v6;
	v20 =	vsel vm12, $0xFF800000, v20  }
0x2ec: {  	vm10 =	veq.s32 v17, $0x1A;
	v30 =	vsel vm6, v33, v30;
	v29 =	vsel vm5, v31, v29  }
0x2ed: {  	v24 =	vsel vm8, v24, v26;
	vm9 =	vgt.f32 v27, v25;
	vm15 =	vgt.f32 v41, v40  }
0x2ee: {  	vm11 =	vgt.f32 v36, v34;
	vm13 =	vgt.f32 v22, v23;
	vm14 =	vgt.f32 v28, v35  }
0x2ef: {  	v52 =	vsel vm6, $0xD, v7;
	v53 =	vsel vm5, $0xF, v8;
	v54 =	vsel vm8, $0x11, v9  }
0x2f0: {  	vm8 =	veq.s32 v17, $0x18;
	v18 =	vsel vm10, $0xFF800000, v18;
	v25 =	vsel vm9, v27, v25  }
0x2f1: {  	v45 =	vsel vm15, v41, v40;
	v26 =	vsel vm15, v46, v43;
	v48 =	vsel vm11, v36, v34  }
0x2f2: {  	v31 =	vsel vm11, v49, v47;
	v22 =	vsel vm13, v22, v23;
	v28 =	vsel vm14, v28, v35  }
0x2f3: {  	vm15 =	veq.s32 v17, $0x17;
	v23 =	vsel vm14, v51, v50;
	vm4 =	vgt.f32 v29, v30  }
0x2f4: {  	v55 =	vsel vm9, $0x13, v10;
	v56 =	vsel vm13, $0x15, v11;
	vm9 =	veq.s32 v17, $0x19  }
0x2f5: {  	v60 =	vsel vm8, $0xFF800000, v44;
	v21 =	vsel vm15, $0xFF800000, v21;
	v29 =	vsel vm4, v29, v30  }
0x2f6: {  	vm5 =	vgt.f32 v25, v24;
	vm7 =	vgt.f32 v48, v45;
	v19 =	vsel vm9, $0xFF800000, v19  }
0x2f7: {  	vm0 =	vgt.f32 v21, v20;
	v24 =	vsel vm5, v25, v24;
	v30 =	vsel vm5, v55, v54  }
0x2f8: {  	v59 =	vsel vm7, v48, v45;
	v26 =	vsel vm7, v31, v26;
	vm1 =	vgt.f32 v19, v60  }
0x2f9: {  	s29 =	sand.u32 $0x70, s28;
	s30 =	sand.u32 $0x7C00, s26;
	vm11 =	vgt.f32 v29, v28;
	v20 =	vsel vm0, v21, v20;
	v21 =	vsel vm4, v53, v52  }
0x2fa: {  	s29 =	sor.u32 s29, s30;
	v57 =	vsel vm0, $0x17, v12;
	v19 =	vsel vm1, v19, v60;
	vm6 =	vgt.f32 v20, v22  }
0x2fb: {  	[tilespmem:s29+$0x16000] =	vst v14;
	v61 =	vsel vm11, v29, v28;
	v14 =	vsel vm1, $0x19, v13;
	v20 =	vsel vm6, v20, v22  }
0x2fc: {  	v21 =	vsel vm11, v21, v23;
	vm0 =	vgt.f32 v18, v19;
	vm12 =	vgt.f32 v20, v24  }
0x2fd: {  	p1 =	sne.s32 s28, $0xAF0;
	s30 =	sadd.s32 $0x16000, s29;
	vm13 =	vgt.f32 v61, v59;
	v18 =	vsel vm0, v18, v19;
	v62 =	vsel vm12, v20, v24  }
.Ltmp6:
0x2fe: {  	[tilespmem:s30+$0x80] =	vst v15;
	v58 =	vsel vm6, v57, v56;
	v15 =	vsel vm13, v61, v59;
	vm14 =	vgt.f32 v18, v62;
	(pc) =	sbr.rel @p1 .LBB2_3-.Ltmp6, $4  }
0x2ff: {  	v14 =	vsel vm0, $0x1A, v14;
	v63 =	vsel vm12, v58, v30;
	v18 =	vsel vm14, v18, v62  }
0x300: {  	[tilespmem:s30+$0x100] =	vst v16;
	v14 =	vsel vm14, v14, v63;
	vm15 =	vgt.f32 v18, v15;
	v15 =	vsel vm13, v21, v26  }
0x301: {  	[tilespmem:s30+$0x180] =	vst v17;
	v14 =	vsel vm15, v14, v15  }
0x302: {  	s26 =	sadd.s32 $0x80, s26;
	s28 =	sadd.s32 $0x10, s28;
	[tilespmem:s30+$0x200] =	vst v14  }
.Ltmp7:
0x303: {  	_ = 	snop;
	(pc) =	sbr.rel .LBB2_4-.Ltmp7, $1  }
0x304: {  	_ =	sdelay $0x3  }
.LBB2_11:
0x305: {  	_ =	sfence.sel $0x180000  }
0x306: {  	[bflag:$0x0] =	sbarrier.arrive $0xFFFF  }
0x307: {  	p0 =	sne.s32 s0, $0x0;
	_ =	strace $0x9000004A  }
0x308: {  	s0 =	sadd.s32 @!p0 $0x100000, s1;
	[bflag:$0x2] =	sbarrier.arrive $0xFFFF  }
0x309: {  	[sflag:s0] =	ssyncadd.tile.s32 @!p0 $0x1;
	_ =	shalt  }
.Lfunc_end2:
_tile_overlayer_lowered:
.L_overlay_start_2:
0x30a: {  	(tag) =	ssettag $0x2  }
0x30b: {  	s0 =	rddreg [dreg:$0x0];
	s2 =	stileid.u32  }
0x30c: {  	s1 =	rddreg [dreg:$0x1];
	p0 =	sne.s32 s2, $0x0  }
0x30d: {  	s3 =	rddreg [dreg:$0x2];
	[bflag:$0x3] =	sbarrier.arrive $0xFFFF;
	s2 =	simm.s32 @!p0 $0x1C01  }
0x30e: {  	[timem:s3], [sflag:s2] =	dma.local @!p0 [hbm:s0], s1  }
0x30f: {  	s0 =	simm.s32 @!p0 $0x1  }
0x310: {  	_ =	swait.ge @!p0 [sflag:s0], s1  }
0x311: {  	s1 =	ssub.s32 @!p0 $0x0, s1;
	[sflag:s0] =	ssyncset.done @!p0 $0x0  }
0x312: {  	[sflag:s0] =	ssyncadd.s32 @!p0 s1  }
0x313: {  	[bflag:$0x3] =	sbarrier.arrive $0xFFFF  }
0x314: {  	_ =	shalt  }

</sc_bundles>
